<compile_context>
chip_gen: v7x
topology: tpu7x:2x2x1
jax: 0.10.2.dev20260603
libtpu: 0.0.44.dev20260713+nightly
codegen_flags: <defaults>
</compile_context>

<pallas_src>
import functools
import jax
import jax.numpy as jnp
from jax import lax
from jax.experimental import pallas as pl
from jax.experimental.pallas import tpu as pltpu
from jax.experimental.pallas import tpu_sc as plsc

N = 10000
E = 320000
D = 128
DE = 16
H = 128
HD = D // 2

NPAD = 10112
NW = 32
CH = 128
CPT = 80
EPT = CPT * CH
EPAD = NW * EPT
RPT = NPAD // 16
NBUF = 4
EBUF = 2

_mesh = plsc.VectorSubcoreMesh(core_axis_name="c", subcore_axis_name="s")
_sc_params = pltpu.CompilerParams(use_tc_tiling_on_sc=False)



@functools.partial(
    pl.kernel,
    out_type=jax.ShapeDtypeStruct((2, NPAD, 16), jnp.float32),
    mesh=_mesh,
    scratch_types=[
        pltpu.VMEM((CPT, CH), jnp.int32),
        pltpu.VMEM((CH, 16), jnp.float32),
        pltpu.VMEM_SHARED((NPAD, 16), jnp.float32),
    ],
    compiler_params=_sc_params,
)
def _deg_kernel(dst_hbm, ones_hbm, zeros_hbm, out_hbm,
                di_v, ones_v, acc_sh):
    c = lax.axis_index("c")
    s = lax.axis_index("s")
    base_r = s * RPT
    wid = s * 2 + c
    pltpu.sync_copy(zeros_hbm.at[pl.ds(base_r, RPT)],
                    acc_sh.at[pl.ds(base_r, RPT)])
    pltpu.sync_copy(ones_hbm, ones_v)
    pltpu.sync_copy(dst_hbm.at[wid], di_v)
    plsc.subcore_barrier()

    def body(i, carry):
        pltpu.sync_copy(ones_v, acc_sh.at[di_v.at[i]], add=True)
        return carry

    lax.fori_loop(0, CPT, body, 0)
    plsc.subcore_barrier()
    pltpu.sync_copy(acc_sh.at[pl.ds(base_r, RPT)],
                    out_hbm.at[c, pl.ds(base_r, RPT)])


@functools.partial(
    pl.kernel,
    out_type=jax.ShapeDtypeStruct((2, 2, NPAD, HD), jnp.float32),
    mesh=_mesh,
    scratch_types=[
        pltpu.VMEM((CPT, CH), jnp.int32),
        pltpu.VMEM((CPT, CH), jnp.int32),
    ] + [pltpu.VMEM((CH, HD), jnp.float32)] * NBUF + [
        pltpu.VMEM_SHARED((NPAD, HD), jnp.float32),
    ] + [pltpu.SemaphoreType.DMA] * NBUF,
    compiler_params=_sc_params,
)
def _conv_scatter_kernel(ylo_hbm, yhi_hbm, src_hbm, dst_hbm, zeros_hbm, out_hbm,
                         si_v, di_v, r0, r1, r2, r3, acc_sh,
                         g0, g1, g2, g3):
    rows = (r0, r1, r2, r3)
    sems = (g0, g1, g2, g3)
    c = lax.axis_index("c")
    s = lax.axis_index("s")
    base_r = s * RPT
    wid = s * 2 + c
    pltpu.sync_copy(src_hbm.at[wid], si_v)
    pltpu.sync_copy(dst_hbm.at[wid], di_v)

    for half, y_hbm in ((0, ylo_hbm), (1, yhi_hbm)):
        pltpu.sync_copy(zeros_hbm.at[pl.ds(base_r, RPT)],
                        acc_sh.at[pl.ds(base_r, RPT)])
        plsc.subcore_barrier()
        for b in range(NBUF):
            pltpu.make_async_copy(y_hbm.at[si_v.at[b]], rows[b], sems[b]).start()

        def group(g, carry):
            for b in range(NBUF):
                i = g * NBUF + b
                pltpu.make_async_copy(y_hbm.at[si_v.at[i]], rows[b],
                                      sems[b]).wait()
                pltpu.sync_copy(rows[b], acc_sh.at[di_v.at[i]], add=True)

                @pl.when(i + NBUF < CPT)
                def _():
                    pltpu.make_async_copy(y_hbm.at[si_v.at[i + NBUF]], rows[b],
                                          sems[b]).start()
            return carry

        lax.fori_loop(0, CPT // NBUF, group, 0)
        plsc.subcore_barrier()
        pltpu.sync_copy(acc_sh.at[pl.ds(base_r, RPT)],
                        out_hbm.at[c, half, pl.ds(base_r, RPT)])


@functools.partial(
    pl.kernel,
    out_type=jax.ShapeDtypeStruct((EPAD, D), jnp.float32),
    mesh=_mesh,
    scratch_types=[
        pltpu.VMEM((CPT, CH), jnp.int32),
        pltpu.VMEM((CPT, CH), jnp.int32),
    ] + [pltpu.VMEM((CH, D), jnp.float32)] * (3 * EBUF)
      + [pltpu.SemaphoreType.DMA] * (3 * EBUF),
    compiler_params=_sc_params,
)
def _edge_gather_kernel(ha_hbm, hb_hbm, src_hbm, dst_hbm, out_hbm,
                        si_v, di_v, a0, a1, b0, b1, o0, o1,
                        sa0, sa1, sb0, sb1, sw0, sw1):
    bufa = (a0, a1)
    bufb = (b0, b1)
    bufo = (o0, o1)
    sema = (sa0, sa1)
    semb = (sb0, sb1)
    semw = (sw0, sw1)
    c = lax.axis_index("c")
    s = lax.axis_index("s")
    wid = s * 2 + c
    ebase = wid * EPT
    pltpu.sync_copy(src_hbm.at[wid], si_v)
    pltpu.sync_copy(dst_hbm.at[wid], di_v)
    for b in range(EBUF):
        pltpu.make_async_copy(ha_hbm.at[si_v.at[b]], bufa[b], sema[b]).start()
        pltpu.make_async_copy(hb_hbm.at[di_v.at[b]], bufb[b], semb[b]).start()

    def group(g, carry):
        for b in range(EBUF):
            i = g * EBUF + b
            pltpu.make_async_copy(ha_hbm.at[si_v.at[i]], bufa[b], sema[b]).wait()
            pltpu.make_async_copy(hb_hbm.at[di_v.at[i]], bufb[b], semb[b]).wait()

            @pl.when(i >= EBUF)
            def _():
                pltpu.make_async_copy(
                    bufo[b], out_hbm.at[pl.ds((ebase + (i - EBUF) * CH), CH)],
                    semw[b]).wait()

            def vadd(r, carry2):
                for j in range(D // 16):
                    sl = pl.ds(j * 16, 16)
                    bufo[b][r, sl] = bufa[b][r, sl] + bufb[b][r, sl]
                return carry2

            lax.fori_loop(0, CH, vadd, 0)
            pltpu.make_async_copy(
                bufo[b], out_hbm.at[pl.ds(ebase + i * CH, CH)], semw[b]).start()

            @pl.when(i + EBUF < CPT)
            def _():
                pltpu.make_async_copy(ha_hbm.at[si_v.at[i + EBUF]], bufa[b],
                                      sema[b]).start()
                pltpu.make_async_copy(hb_hbm.at[di_v.at[i + EBUF]], bufb[b],
                                      semb[b]).start()
        return carry

    lax.fori_loop(0, CPT // EBUF, group, 0)
    for b in range(EBUF):
        pltpu.make_async_copy(
            bufo[b], out_hbm.at[pl.ds(ebase + (CPT - EBUF + b) * CH, CH)],
            semw[b]).wait()



_BN = 1264
_BE = 2048


def _deg_dis(degp):
    deg = degp[0, :, 0:1] + degp[1, :, 0:1] + 1.0
    return lax.rsqrt(deg)


def _split_spec(i_fn):
    return (pl.BlockSpec((_BN, HD), i_fn), pl.BlockSpec((_BN, HD), i_fn))


def _split_shape():
    return (jax.ShapeDtypeStruct((NPAD, HD), jnp.float32),
            jax.ShapeDtypeStruct((NPAD, HD), jnp.float32))


def _y1_body(x_ref, w_ref, degp_ref, ylo_ref, yhi_ref):
    dis = _deg_dis(degp_ref[...])
    y = jnp.dot(x_ref[...], w_ref[...], preferred_element_type=jnp.float32) * dis
    ylo_ref[...] = y[:, :HD]
    yhi_ref[...] = y[:, HD:]


def _y1_call(xp, W1, degp):
    grid = NPAD // _BN
    return pl.pallas_call(
        _y1_body,
        grid=(grid,),
        in_specs=[
            pl.BlockSpec((_BN, D), lambda i: (i, 0)),
            pl.BlockSpec((D, H), lambda i: (0, 0)),
            pl.BlockSpec((2, _BN, 16), lambda i: (0, i, 0)),
        ],
        out_specs=_split_spec(lambda i: (i, 0)),
        out_shape=_split_shape(),
    )(xp, W1, degp)


def _agg(ylo_ref, yhi_ref, sp_ref, degp_ref, b_ref):
    dis = _deg_dis(degp_ref[...])
    slo = sp_ref[0, 0] + sp_ref[1, 0] + ylo_ref[...]
    shi = sp_ref[0, 1] + sp_ref[1, 1] + yhi_ref[...]
    return dis * jnp.concatenate([slo, shi], axis=1) + b_ref[...]


def _conv_next_body(ylo_ref, yhi_ref, sp_ref, degp_ref, b_ref, w_ref,
                    y2lo_ref, y2hi_ref):
    dis = _deg_dis(degp_ref[...])
    h = _agg(ylo_ref, yhi_ref, sp_ref, degp_ref, b_ref)
    y2 = jnp.dot(h, w_ref[...], preferred_element_type=jnp.float32) * dis
    y2lo_ref[...] = y2[:, :HD]
    y2hi_ref[...] = y2[:, HD:]


def _conv_next_call(y1lo, y1hi, sp, degp, b1, W2):
    grid = NPAD // _BN
    return pl.pallas_call(
        _conv_next_body,
        grid=(grid,),
        in_specs=[
            pl.BlockSpec((_BN, HD), lambda i: (i, 0)),
            pl.BlockSpec((_BN, HD), lambda i: (i, 0)),
            pl.BlockSpec((2, 2, _BN, HD), lambda i: (0, 0, i, 0)),
            pl.BlockSpec((2, _BN, 16), lambda i: (0, i, 0)),
            pl.BlockSpec((1, H), lambda i: (0, 0)),
            pl.BlockSpec((H, H), lambda i: (0, 0)),
        ],
        out_specs=_split_spec(lambda i: (i, 0)),
        out_shape=_split_shape(),
    )(y1lo, y1hi, sp, degp, b1.reshape(1, H), W2)


def _proj_body(ylo_ref, yhi_ref, sp_ref, degp_ref, b_ref, wc0_ref,
               ha_ref, hb_ref):
    h = _agg(ylo_ref, yhi_ref, sp_ref, degp_ref, b_ref)
    ha_ref[...] = jnp.dot(h, wc0_ref[:H, :], preferred_element_type=jnp.float32)
    hb_ref[...] = jnp.dot(h, wc0_ref[H:2 * H, :],
                          preferred_element_type=jnp.float32)


def _proj_call(y2lo, y2hi, sp, degp, b2, Wc0):
    grid = NPAD // _BN
    return pl.pallas_call(
        _proj_body,
        grid=(grid,),
        in_specs=[
            pl.BlockSpec((_BN, HD), lambda i: (i, 0)),
            pl.BlockSpec((_BN, HD), lambda i: (i, 0)),
            pl.BlockSpec((2, 2, _BN, HD), lambda i: (0, 0, i, 0)),
            pl.BlockSpec((2, _BN, 16), lambda i: (0, i, 0)),
            pl.BlockSpec((1, H), lambda i: (0, 0)),
            pl.BlockSpec((3 * H, H), lambda i: (0, 0)),
        ],
        out_specs=(pl.BlockSpec((_BN, H), lambda i: (i, 0)),
                   pl.BlockSpec((_BN, H), lambda i: (i, 0))),
        out_shape=(jax.ShapeDtypeStruct((NPAD, H), jnp.float32),
                   jax.ShapeDtypeStruct((NPAD, H), jnp.float32)),
    )(y2lo, y2hi, sp, degp, b2.reshape(1, H), Wc0)


def _cls_body(gs_ref, ea_ref, we0_ref, be0_ref, we2_ref, wc0_ref, bc0_ref,
              be2_ref, wc3_ref, bc3_ref, wc5_ref, bc5_ref, out_ref):
    wcc = wc0_ref[2 * H:3 * H, :]
    wec = jnp.dot(we2_ref[...], wcc, preferred_element_type=jnp.float32)
    c0 = bc0_ref[...] + jnp.dot(be2_ref[...], wcc,
                                preferred_element_type=jnp.float32)
    g = jnp.maximum(jnp.dot(ea_ref[...], we0_ref[...],
                            preferred_element_type=jnp.float32) + be0_ref[...], 0.0)
    z1 = jnp.tanh(gs_ref[...] +
                  jnp.dot(g, wec, preferred_element_type=jnp.float32) + c0)
    z2 = jnp.tanh(jnp.dot(z1, wc3_ref[...], preferred_element_type=jnp.float32) +
                  bc3_ref[...])
    out_ref[...] = jnp.sum(z2 * wc5_ref[...], axis=1, keepdims=True) + bc5_ref[...]


def _cls_call(gs, eap, We0, be0, We2, Wc0, bc0, be2, Wc3, bc3, Wc5, bc5):
    grid = EPAD // _BE
    hh = H // 2
    return pl.pallas_call(
        _cls_body,
        grid=(grid,),
        in_specs=[
            pl.BlockSpec((_BE, H), lambda i: (i, 0)),
            pl.BlockSpec((_BE, DE), lambda i: (i, 0)),
            pl.BlockSpec((DE, H), lambda i: (0, 0)),
            pl.BlockSpec((1, H), lambda i: (0, 0)),
            pl.BlockSpec((H, H), lambda i: (0, 0)),
            pl.BlockSpec((3 * H, H), lambda i: (0, 0)),
            pl.BlockSpec((1, H), lambda i: (0, 0)),
            pl.BlockSpec((1, H), lambda i: (0, 0)),
            pl.BlockSpec((H, hh), lambda i: (0, 0)),
            pl.BlockSpec((1, hh), lambda i: (0, 0)),
            pl.BlockSpec((1, hh), lambda i: (0, 0)),
            pl.BlockSpec((1, 1), lambda i: (0, 0)),
        ],
        out_specs=pl.BlockSpec((_BE, 1), lambda i: (i, 0)),
        out_shape=jax.ShapeDtypeStruct((EPAD, 1), jnp.float32),
    )(gs, eap, We0, be0.reshape(1, H), We2, Wc0, bc0.reshape(1, H),
      be2.reshape(1, H), Wc3, bc3.reshape(1, hh), Wc5.reshape(1, hh),
      bc5.reshape(1, 1))



def kernel(x, edge_index, edge_attr, W1, b1, W2, b2, We0, be0, We2, be2,
           Wc0, bc0, Wc3, bc3, Wc5, bc5):
    src = edge_index[0]
    dst = edge_index[1]
    ept_real = E // NW
    padn = EPT - ept_real
    pad_src = jnp.arange(padn, dtype=src.dtype) % N
    pad_dst = N + (jnp.arange(padn, dtype=dst.dtype) % (NPAD - N))
    srcp = jnp.concatenate(
        [src.reshape(NW, ept_real),
         jnp.broadcast_to(pad_src, (NW, padn))], axis=1).reshape(NW, CPT, CH)
    dstp = jnp.concatenate(
        [dst.reshape(NW, ept_real),
         jnp.broadcast_to(pad_dst, (NW, padn))], axis=1).reshape(NW, CPT, CH)
    xp = jnp.pad(x, ((0, NPAD - N), (0, 0)))
    eap = jnp.concatenate(
        [edge_attr.reshape(NW, ept_real, DE),
         jnp.zeros((NW, padn, DE), edge_attr.dtype)], axis=1).reshape(EPAD, DE)

    ones16 = jnp.ones((CH, 16), jnp.float32)
    zeros16 = jnp.zeros((NPAD, 16), jnp.float32)
    zerosH = jnp.zeros((NPAD, HD), jnp.float32)

    degp = _deg_kernel(dstp, ones16, zeros16)
    y1lo, y1hi = _y1_call(xp, W1, degp)
    s1 = _conv_scatter_kernel(y1lo, y1hi, srcp, dstp, zerosH)
    y2lo, y2hi = _conv_next_call(y1lo, y1hi, s1, degp, b1, W2)
    s2 = _conv_scatter_kernel(y2lo, y2hi, srcp, dstp, zerosH)
    ha, hb = _proj_call(y2lo, y2hi, s2, degp, b2, Wc0)
    gs = _edge_gather_kernel(ha, hb, srcp, dstp)
    out = _cls_call(gs, eap, We0, be0, We2, Wc0, bc0, be2, Wc3, bc3, Wc5, bc5)
    return out.reshape(NW, EPT, 1)[:, :ept_real].reshape(E, 1)

# --- scband reference (transcript-rebuilt; emitter-appended) ---
"""Pipeline reference for scband-edge-classification-gnn2-41875931136397 (READ-ONLY COPY).

The authoritative reference and input builder live on the scoring server;
editing this copy changes nothing except your own understanding.
"""

import jax, jax.numpy as jnp
import numpy as np

N = 10000
E = 320000
D = 128
DE = 16
H = 128

def setup_inputs(seed: int = 0):
    key = jax.random.key(seed)
    ks = jax.random.split(key, 20)
    s = 0.05
    inp = {}
    inp['x'] = jax.random.normal(ks[0], (N, D), dtype=jnp.float32)
    inp['edge_index'] = jax.random.randint(ks[1], (2, E), 0, N, dtype=jnp.int32)
    inp['edge_attr'] = jax.random.normal(ks[2], (E, DE), dtype=jnp.float32)
    inp['W1'] = jax.random.normal(ks[3], (D, H), dtype=jnp.float32) * s
    inp['b1'] = jnp.zeros((H,), dtype=jnp.float32)
    inp['W2'] = jax.random.normal(ks[4], (H, H), dtype=jnp.float32) * s
    inp['b2'] = jnp.zeros((H,), dtype=jnp.float32)
    inp['We0'] = jax.random.normal(ks[5], (DE, H), dtype=jnp.float32) * s
    inp['be0'] = jnp.zeros((H,), dtype=jnp.float32)
    inp['We2'] = jax.random.normal(ks[6], (H, H), dtype=jnp.float32) * s
    inp['be2'] = jnp.zeros((H,), dtype=jnp.float32)
    inp['Wc0'] = jax.random.normal(ks[7], (3 * H, H), dtype=jnp.float32) * s
    inp['bc0'] = jnp.zeros((H,), dtype=jnp.float32)
    inp['Wc3'] = jax.random.normal(ks[8], (H, H // 2), dtype=jnp.float32) * s
    inp['bc3'] = jnp.zeros((H // 2,), dtype=jnp.float32)
    inp['Wc5'] = jax.random.normal(ks[9], (H // 2, 1), dtype=jnp.float32) * s
    inp['bc5'] = jnp.zeros((1,), dtype=jnp.float32)
    return inp

def gcn_conv(x, edge_index, W, b, n):
    # PyG-style GCNConv: add self loops, symmetric normalization, scatter-add aggregation
    src = edge_index[0]
    dst = edge_index[1]
    loop = jnp.arange(n, dtype=src.dtype)
    src = jnp.concatenate([src, loop])
    dst = jnp.concatenate([dst, loop])
    deg = jnp.zeros((n,), dtype=x.dtype).at[dst].add(1.0)
    dis = jnp.where(deg > 0, deg ** -0.5, 0.0)
    norm = dis[src] * dis[dst]
    xw = x @ W
    msg = xw[src] * norm[:, None]
    out = jnp.zeros_like(xw).at[dst].add(msg)
    return out + b

def reference(x, edge_index, edge_attr, W1, b1, W2, b2, We0, be0, We2, be2, Wc0, bc0, Wc3, bc3, Wc5, bc5):
    n = x.shape[0]
    h = gcn_conv(x, edge_index, W1, b1, n)
    # dropout in eval mode -> identity
    h = gcn_conv(h, edge_index, W2, b2, n)
    ef = jax.nn.relu(edge_attr @ We0 + be0) @ We2 + be2
    src = edge_index[0]
    dst = edge_index[1]
    er = jnp.concatenate([h[src], h[dst], ef], axis=1)
    z = jnp.tanh(er @ Wc0 + bc0)
    z = jnp.tanh(z @ Wc3 + bc3)
    return z @ Wc5 + bc5

if __name__ == "__main__":
    import jax
    _d = setup_inputs()
    print(jax.jit(kernel)(*tuple(_d.values())))

</pallas_src>

<mosaic_0001>
#map = affine_map<(d0, d1) -> (0, 0)>
#map1 = affine_map<(d0, d1) -> (0, 0, 0)>
#map2 = affine_map<(d0, d1) -> (0, 0, 0, 0)>
module attributes {stable_mosaic.version = 14 : i64} {
  func.func @_conv_scatter_kernel(%arg0: i32, %arg1: i32, %arg2: memref<10112x64xf32, #tpu.memory_space<hbm>>, %arg3: memref<10112x64xf32, #tpu.memory_space<hbm>>, %arg4: memref<32x80x128xi32, #tpu.memory_space<hbm>>, %arg5: memref<32x80x128xi32, #tpu.memory_space<hbm>>, %arg6: memref<10112x64xf32, #tpu.memory_space<hbm>>, %arg7: memref<2x2x10112x64xf32, #tpu.memory_space<hbm>>, %arg8: memref<80x128xi32, #tpu.memory_space<vmem>>, %arg9: memref<80x128xi32, #tpu.memory_space<vmem>>, %arg10: memref<128x64xf32, #tpu.memory_space<vmem>>, %arg11: memref<128x64xf32, #tpu.memory_space<vmem>>, %arg12: memref<128x64xf32, #tpu.memory_space<vmem>>, %arg13: memref<128x64xf32, #tpu.memory_space<vmem>>, %arg14: memref<10112x64xf32, #tpu.memory_space<vmem_shared>>, %arg15: memref<!tpu.dma_semaphore, #tpu.memory_space<semaphore_mem>>, %arg16: memref<!tpu.dma_semaphore, #tpu.memory_space<semaphore_mem>>, %arg17: memref<!tpu.dma_semaphore, #tpu.memory_space<semaphore_mem>>, %arg18: memref<!tpu.dma_semaphore, #tpu.memory_space<semaphore_mem>>) attributes {dimension_semantics = [#tpu.dimension_semantics<core_parallel>, #tpu.dimension_semantics<subcore_parallel>], iteration_bounds = array<i64: 2, 16>, scalar_prefetch = 0 : i64, scratch_operands = 11 : i64, tpu.core_type = #tpu.core_type<sc_vector_subcore>, window_params = [{transform_indices = #map}, {transform_indices = #map}, {transform_indices = #map1}, {transform_indices = #map1}, {transform_indices = #map}, {transform_indices = #map2}]} {
    %mul3A = arith.constant 632 : i32
    %mul3A_0 = arith.muli %arg1, %mul3A : i32
    %mul3A_1 = arith.constant 2 : i32
    %mul3A_2 = arith.muli %arg1, %mul3A_1 : i32
    %add3A = arith.addi %mul3A_2, %arg0 : i32
    "tpu.region"() ({
      %run_scoped3A_73 = tpu.sem_alloc : memref<!tpu.dma_semaphore, #tpu.memory_space<semaphore_mem>>
      %dma_start3A_74 = arith.constant 0 : i32
      %dma_start3A_75 = arith.constant 0 : i32
      %dma_start3A_76 = tpu.memref_slice %arg4[%add3A, %dma_start3A_74, %dma_start3A_75] : memref<32x80x128xi32, #tpu.memory_space<hbm>> -> memref<1x80x128xi32, #tpu.memory_space<hbm>>
      %dma_start3A_77 = tpu.memref_squeeze %dma_start3A_76 : memref<1x80x128xi32, #tpu.memory_space<hbm>> -> memref<80x128xi32, #tpu.memory_space<hbm>>
      %dma_start3A_78 = arith.constant 0 : i32
      %dma_start3A_79 = arith.constant 0 : i32
      %dma_start3A_80 = tpu.memref_slice %arg4[%add3A, %dma_start3A_78, %dma_start3A_79] : memref<32x80x128xi32, #tpu.memory_space<hbm>> -> memref<1x80x128xi32, #tpu.memory_space<hbm>>
      %dma_start3A_81 = tpu.memref_squeeze %dma_start3A_80 : memref<1x80x128xi32, #tpu.memory_space<hbm>> -> memref<80x128xi32, #tpu.memory_space<hbm>>
      tpu.enqueue_dma source(%dma_start3A_81 : memref<80x128xi32, #tpu.memory_space<hbm>>) target(%arg8 : memref<80x128xi32, #tpu.memory_space<vmem>>) target_semaphore(%run_scoped3A_73 : memref<!tpu.dma_semaphore, #tpu.memory_space<semaphore_mem>>)
      %dma_wait3A = arith.constant 0 : i32
      %dma_wait3A_82 = arith.constant 0 : i32
      %dma_wait3A_83 = tpu.memref_slice %arg4[%add3A, %dma_wait3A, %dma_wait3A_82] : memref<32x80x128xi32, #tpu.memory_space<hbm>> -> memref<1x80x128xi32, #tpu.memory_space<hbm>>
      %dma_wait3A_84 = tpu.memref_squeeze %dma_wait3A_83 : memref<1x80x128xi32, #tpu.memory_space<hbm>> -> memref<80x128xi32, #tpu.memory_space<hbm>>
      %dma_wait3A_85 = arith.constant 0 : i32
      %dma_wait3A_86 = arith.constant 0 : i32
      %dma_wait3A_87 = tpu.memref_slice %arg4[%add3A, %dma_wait3A_85, %dma_wait3A_86] : memref<32x80x128xi32, #tpu.memory_space<hbm>> -> memref<1x80x128xi32, #tpu.memory_space<hbm>>
      %dma_wait3A_88 = tpu.memref_squeeze %dma_wait3A_87 : memref<1x80x128xi32, #tpu.memory_space<hbm>> -> memref<80x128xi32, #tpu.memory_space<hbm>>
      tpu.wait_dma2 semaphore(%run_scoped3A_73 : memref<!tpu.dma_semaphore, #tpu.memory_space<semaphore_mem>>) src(%dma_wait3A_88 : memref<80x128xi32, #tpu.memory_space<hbm>>) dst(%arg8 : memref<80x128xi32, #tpu.memory_space<vmem>>)
      tpu.yield
    }) : () -> ()
    "tpu.region"() ({
      %run_scoped3A_73 = tpu.sem_alloc : memref<!tpu.dma_semaphore, #tpu.memory_space<semaphore_mem>>
      %dma_start3A_74 = arith.constant 0 : i32
      %dma_start3A_75 = arith.constant 0 : i32
      %dma_start3A_76 = tpu.memref_slice %arg5[%add3A, %dma_start3A_74, %dma_start3A_75] : memref<32x80x128xi32, #tpu.memory_space<hbm>> -> memref<1x80x128xi32, #tpu.memory_space<hbm>>
      %dma_start3A_77 = tpu.memref_squeeze %dma_start3A_76 : memref<1x80x128xi32, #tpu.memory_space<hbm>> -> memref<80x128xi32, #tpu.memory_space<hbm>>
      %dma_start3A_78 = arith.constant 0 : i32
      %dma_start3A_79 = arith.constant 0 : i32
      %dma_start3A_80 = tpu.memref_slice %arg5[%add3A, %dma_start3A_78, %dma_start3A_79] : memref<32x80x128xi32, #tpu.memory_space<hbm>> -> memref<1x80x128xi32, #tpu.memory_space<hbm>>
      %dma_start3A_81 = tpu.memref_squeeze %dma_start3A_80 : memref<1x80x128xi32, #tpu.memory_space<hbm>> -> memref<80x128xi32, #tpu.memory_space<hbm>>
      tpu.enqueue_dma source(%dma_start3A_81 : memref<80x128xi32, #tpu.memory_space<hbm>>) target(%arg9 : memref<80x128xi32, #tpu.memory_space<vmem>>) target_semaphore(%run_scoped3A_73 : memref<!tpu.dma_semaphore, #tpu.memory_space<semaphore_mem>>)
      %dma_wait3A = arith.constant 0 : i32
      %dma_wait3A_82 = arith.constant 0 : i32
      %dma_wait3A_83 = tpu.memref_slice %arg5[%add3A, %dma_wait3A, %dma_wait3A_82] : memref<32x80x128xi32, #tpu.memory_space<hbm>> -> memref<1x80x128xi32, #tpu.memory_space<hbm>>
      %dma_wait3A_84 = tpu.memref_squeeze %dma_wait3A_83 : memref<1x80x128xi32, #tpu.memory_space<hbm>> -> memref<80x128xi32, #tpu.memory_space<hbm>>
      %dma_wait3A_85 = arith.constant 0 : i32
      %dma_wait3A_86 = arith.constant 0 : i32
      %dma_wait3A_87 = tpu.memref_slice %arg5[%add3A, %dma_wait3A_85, %dma_wait3A_86] : memref<32x80x128xi32, #tpu.memory_space<hbm>> -> memref<1x80x128xi32, #tpu.memory_space<hbm>>
      %dma_wait3A_88 = tpu.memref_squeeze %dma_wait3A_87 : memref<1x80x128xi32, #tpu.memory_space<hbm>> -> memref<80x128xi32, #tpu.memory_space<hbm>>
      tpu.wait_dma2 semaphore(%run_scoped3A_73 : memref<!tpu.dma_semaphore, #tpu.memory_space<semaphore_mem>>) src(%dma_wait3A_88 : memref<80x128xi32, #tpu.memory_space<hbm>>) dst(%arg9 : memref<80x128xi32, #tpu.memory_space<vmem>>)
      tpu.yield
    }) : () -> ()
    "tpu.region"() ({
      %run_scoped3A_73 = tpu.sem_alloc : memref<!tpu.dma_semaphore, #tpu.memory_space<semaphore_mem>>
      %dma_start3A_74 = arith.constant 0 : i32
      %dma_start3A_75 = tpu.memref_slice %arg14[%mul3A_0, %dma_start3A_74] : memref<10112x64xf32, #tpu.memory_space<vmem_shared>> -> memref<632x64xf32, #tpu.memory_space<vmem_shared>>
      %dma_start3A_76 = arith.constant 0 : i32
      %dma_start3A_77 = tpu.memref_slice %arg6[%mul3A_0, %dma_start3A_76] : memref<10112x64xf32, #tpu.memory_space<hbm>> -> memref<632x64xf32, #tpu.memory_space<hbm>>
      tpu.enqueue_dma source(%dma_start3A_77 : memref<632x64xf32, #tpu.memory_space<hbm>>) target(%dma_start3A_75 : memref<632x64xf32, #tpu.memory_space<vmem_shared>>) target_semaphore(%run_scoped3A_73 : memref<!tpu.dma_semaphore, #tpu.memory_space<semaphore_mem>>)
      %dma_wait3A = arith.constant 0 : i32
      %dma_wait3A_78 = tpu.memref_slice %arg14[%mul3A_0, %dma_wait3A] : memref<10112x64xf32, #tpu.memory_space<vmem_shared>> -> memref<632x64xf32, #tpu.memory_space<vmem_shared>>
      %dma_wait3A_79 = arith.constant 0 : i32
      %dma_wait3A_80 = tpu.memref_slice %arg6[%mul3A_0, %dma_wait3A_79] : memref<10112x64xf32, #tpu.memory_space<hbm>> -> memref<632x64xf32, #tpu.memory_space<hbm>>
      tpu.wait_dma2 semaphore(%run_scoped3A_73 : memref<!tpu.dma_semaphore, #tpu.memory_space<semaphore_mem>>) src(%dma_wait3A_80 : memref<632x64xf32, #tpu.memory_space<hbm>>) dst(%dma_wait3A_78 : memref<632x64xf32, #tpu.memory_space<vmem_shared>>)
      tpu.yield
    }) : () -> ()
    %barrier3A = arith.constant 0 : index
    tpu.barrier barrier_id(%barrier3A)
    %dma_start3A = arith.constant 0 : i32
    %dma_start3A_3 = arith.constant 0 : i32
    %dma_start3A_4 = tpu.memref_slice %arg8[%dma_start3A, %dma_start3A_3] : memref<80x128xi32, #tpu.memory_space<vmem>> -> memref<1x128xi32, #tpu.memory_space<vmem>>
    %dma_start3A_5 = tpu.memref_squeeze %dma_start3A_4 : memref<1x128xi32, #tpu.memory_space<vmem>> -> memref<128xi32, #tpu.memory_space<vmem>>
    %dma_start3A_6 = arith.constant 0 : i32
    %dma_start3A_7 = arith.constant 0 : i32
    %dma_start3A_8 = tpu.memref_slice %arg2[%dma_start3A_6, %dma_start3A_7] : memref<10112x64xf32, #tpu.memory_space<hbm>> -> memref<10112x64xf32, #tpu.memory_space<hbm>>
    tpu.enqueue_indirect_dma source(%dma_start3A_8 : memref<10112x64xf32, #tpu.memory_space<hbm>>) target(%arg10 : memref<128x64xf32, #tpu.memory_space<vmem>>) offsets(%dma_start3A_5 : memref<128xi32, #tpu.memory_space<vmem>>) semaphore(%arg15 : memref<!tpu.dma_semaphore, #tpu.memory_space<semaphore_mem>>)
    %dma_start3A_9 = arith.constant 1 : i32
    %dma_start3A_10 = arith.constant 0 : i32
    %dma_start3A_11 = tpu.memref_slice %arg8[%dma_start3A_9, %dma_start3A_10] : memref<80x128xi32, #tpu.memory_space<vmem>> -> memref<1x128xi32, #tpu.memory_space<vmem>>
    %dma_start3A_12 = tpu.memref_squeeze %dma_start3A_11 : memref<1x128xi32, #tpu.memory_space<vmem>> -> memref<128xi32, #tpu.memory_space<vmem>>
    %dma_start3A_13 = arith.constant 0 : i32
    %dma_start3A_14 = arith.constant 0 : i32
    %dma_start3A_15 = tpu.memref_slice %arg2[%dma_start3A_13, %dma_start3A_14] : memref<10112x64xf32, #tpu.memory_space<hbm>> -> memref<10112x64xf32, #tpu.memory_space<hbm>>
    tpu.enqueue_indirect_dma source(%dma_start3A_15 : memref<10112x64xf32, #tpu.memory_space<hbm>>) target(%arg11 : memref<128x64xf32, #tpu.memory_space<vmem>>) offsets(%dma_start3A_12 : memref<128xi32, #tpu.memory_space<vmem>>) semaphore(%arg16 : memref<!tpu.dma_semaphore, #tpu.memory_space<semaphore_mem>>)
    %dma_start3A_16 = arith.constant 2 : i32
    %dma_start3A_17 = arith.constant 0 : i32
    %dma_start3A_18 = tpu.memref_slice %arg8[%dma_start3A_16, %dma_start3A_17] : memref<80x128xi32, #tpu.memory_space<vmem>> -> memref<1x128xi32, #tpu.memory_space<vmem>>
    %dma_start3A_19 = tpu.memref_squeeze %dma_start3A_18 : memref<1x128xi32, #tpu.memory_space<vmem>> -> memref<128xi32, #tpu.memory_space<vmem>>
    %dma_start3A_20 = arith.constant 0 : i32
    %dma_start3A_21 = arith.constant 0 : i32
    %dma_start3A_22 = tpu.memref_slice %arg2[%dma_start3A_20, %dma_start3A_21] : memref<10112x64xf32, #tpu.memory_space<hbm>> -> memref<10112x64xf32, #tpu.memory_space<hbm>>
    tpu.enqueue_indirect_dma source(%dma_start3A_22 : memref<10112x64xf32, #tpu.memory_space<hbm>>) target(%arg12 : memref<128x64xf32, #tpu.memory_space<vmem>>) offsets(%dma_start3A_19 : memref<128xi32, #tpu.memory_space<vmem>>) semaphore(%arg17 : memref<!tpu.dma_semaphore, #tpu.memory_space<semaphore_mem>>)
    %dma_start3A_23 = arith.constant 3 : i32
    %dma_start3A_24 = arith.constant 0 : i32
    %dma_start3A_25 = tpu.memref_slice %arg8[%dma_start3A_23, %dma_start3A_24] : memref<80x128xi32, #tpu.memory_space<vmem>> -> memref<1x128xi32, #tpu.memory_space<vmem>>
    %dma_start3A_26 = tpu.memref_squeeze %dma_start3A_25 : memref<1x128xi32, #tpu.memory_space<vmem>> -> memref<128xi32, #tpu.memory_space<vmem>>
    %dma_start3A_27 = arith.constant 0 : i32
    %dma_start3A_28 = arith.constant 0 : i32
    %dma_start3A_29 = tpu.memref_slice %arg2[%dma_start3A_27, %dma_start3A_28] : memref<10112x64xf32, #tpu.memory_space<hbm>> -> memref<10112x64xf32, #tpu.memory_space<hbm>>
    tpu.enqueue_indirect_dma source(%dma_start3A_29 : memref<10112x64xf32, #tpu.memory_space<hbm>>) target(%arg13 : memref<128x64xf32, #tpu.memory_space<vmem>>) offsets(%dma_start3A_26 : memref<128xi32, #tpu.memory_space<vmem>>) semaphore(%arg18 : memref<!tpu.dma_semaphore, #tpu.memory_space<semaphore_mem>>)
    %scan3A = arith.constant 0 : i32
    %scan3A_30 = arith.constant 0 : i32
    %scan3A_31 = arith.constant 20 : i32
    %scan3A_32 = arith.addi %scan3A_30, %scan3A_31 : i32
    %scan3A_33 = arith.constant 1 : i32
    scf.for %scan3A_73 = %scan3A_30 to %scan3A_32 step %scan3A_33  : i32 {
      %mul3A_74 = arith.constant 4 : i32
      %mul3A_75 = arith.muli %scan3A_73, %mul3A_74 : i32
      %add3A_76 = arith.constant 0 : i32
      %add3A_77 = arith.addi %mul3A_75, %add3A_76 : i32
      %dma_wait3A = arith.constant 0 : i32
      %dma_wait3A_78 = tpu.memref_slice %arg8[%add3A_77, %dma_wait3A] : memref<80x128xi32, #tpu.memory_space<vmem>> -> memref<1x128xi32, #tpu.memory_space<vmem>>
      %dma_wait3A_79 = tpu.memref_squeeze %dma_wait3A_78 : memref<1x128xi32, #tpu.memory_space<vmem>> -> memref<128xi32, #tpu.memory_space<vmem>>
      %dma_wait3A_80 = arith.constant 0 : i32
      %dma_wait3A_81 = arith.constant 0 : i32
      %dma_wait3A_82 = tpu.memref_slice %arg2[%dma_wait3A_80, %dma_wait3A_81] : memref<10112x64xf32, #tpu.memory_space<hbm>> -> memref<10112x64xf32, #tpu.memory_space<hbm>>
      tpu.wait_indirect_dma semaphore(%arg15 : memref<!tpu.dma_semaphore, #tpu.memory_space<semaphore_mem>>) src(%dma_wait3A_82 : memref<10112x64xf32, #tpu.memory_space<hbm>>) dst(%arg10 : memref<128x64xf32, #tpu.memory_space<vmem>>)
      "tpu.region"() ({
        %run_scoped3A_138 = tpu.sem_alloc : memref<!tpu.dma_semaphore, #tpu.memory_space<semaphore_mem>>
        %dma_start3A_139 = arith.constant 0 : i32
        %dma_start3A_140 = tpu.memref_slice %arg9[%add3A_77, %dma_start3A_139] : memref<80x128xi32, #tpu.memory_space<vmem>> -> memref<1x128xi32, #tpu.memory_space<vmem>>
        %dma_start3A_141 = tpu.memref_squeeze %dma_start3A_140 : memref<1x128xi32, #tpu.memory_space<vmem>> -> memref<128xi32, #tpu.memory_space<vmem>>
        %dma_start3A_142 = arith.constant 0 : i32
        %dma_start3A_143 = arith.constant 0 : i32
        %dma_start3A_144 = tpu.memref_slice %arg14[%dma_start3A_142, %dma_start3A_143] : memref<10112x64xf32, #tpu.memory_space<vmem_shared>> -> memref<10112x64xf32, #tpu.memory_space<vmem_shared>>
        tpu.enqueue_indirect_dma source(%arg10 : memref<128x64xf32, #tpu.memory_space<vmem>>) target(%dma_start3A_144 : memref<10112x64xf32, #tpu.memory_space<vmem_shared>>) offsets(%dma_start3A_141 : memref<128xi32, #tpu.memory_space<vmem>>) semaphore(%run_scoped3A_138 : memref<!tpu.dma_semaphore, #tpu.memory_space<semaphore_mem>>) {add = true}
        %dma_wait3A_145 = arith.constant 0 : i32
        %dma_wait3A_146 = tpu.memref_slice %arg9[%add3A_77, %dma_wait3A_145] : memref<80x128xi32, #tpu.memory_space<vmem>> -> memref<1x128xi32, #tpu.memory_space<vmem>>
        %dma_wait3A_147 = tpu.memref_squeeze %dma_wait3A_146 : memref<1x128xi32, #tpu.memory_space<vmem>> -> memref<128xi32, #tpu.memory_space<vmem>>
        %dma_wait3A_148 = arith.constant 0 : i32
        %dma_wait3A_149 = arith.constant 0 : i32
        %dma_wait3A_150 = tpu.memref_slice %arg14[%dma_wait3A_148, %dma_wait3A_149] : memref<10112x64xf32, #tpu.memory_space<vmem_shared>> -> memref<10112x64xf32, #tpu.memory_space<vmem_shared>>
        tpu.wait_indirect_dma semaphore(%run_scoped3A_138 : memref<!tpu.dma_semaphore, #tpu.memory_space<semaphore_mem>>) src(%arg10 : memref<128x64xf32, #tpu.memory_space<vmem>>) dst(%dma_wait3A_150 : memref<10112x64xf32, #tpu.memory_space<vmem_shared>>)
        tpu.yield
      }) : () -> ()
      %add3A_83 = arith.constant 4 : i32
      %add3A_84 = arith.addi %add3A_77, %add3A_83 : i32
      %lt3A = arith.constant 80 : i32
      %lt3A_85 = arith.cmpi slt, %add3A_84, %lt3A : i32
      %convert_element_type3A = arith.extui %lt3A_85 : i1 to i32
      %cond3A = arith.constant 0 : i32
      %cond3A_86 = arith.cmpi ne, %convert_element_type3A, %cond3A : i32
      scf.if %cond3A_86 {
        %add3A_138 = arith.constant 4 : i32
        %add3A_139 = arith.addi %add3A_77, %add3A_138 : i32
        %dma_start3A_140 = arith.constant 0 : i32
        %dma_start3A_141 = tpu.memref_slice %arg8[%add3A_139, %dma_start3A_140] : memref<80x128xi32, #tpu.memory_space<vmem>> -> memref<1x128xi32, #tpu.memory_space<vmem>>
        %dma_start3A_142 = tpu.memref_squeeze %dma_start3A_141 : memref<1x128xi32, #tpu.memory_space<vmem>> -> memref<128xi32, #tpu.memory_space<vmem>>
        %dma_start3A_143 = arith.constant 0 : i32
        %dma_start3A_144 = arith.constant 0 : i32
        %dma_start3A_145 = tpu.memref_slice %arg2[%dma_start3A_143, %dma_start3A_144] : memref<10112x64xf32, #tpu.memory_space<hbm>> -> memref<10112x64xf32, #tpu.memory_space<hbm>>
        tpu.enqueue_indirect_dma source(%dma_start3A_145 : memref<10112x64xf32, #tpu.memory_space<hbm>>) target(%arg10 : memref<128x64xf32, #tpu.memory_space<vmem>>) offsets(%dma_start3A_142 : memref<128xi32, #tpu.memory_space<vmem>>) semaphore(%arg15 : memref<!tpu.dma_semaphore, #tpu.memory_space<semaphore_mem>>)
      } else {
      }
      %mul3A_87 = arith.constant 4 : i32
      %mul3A_88 = arith.muli %scan3A_73, %mul3A_87 : i32
      %add3A_89 = arith.constant 1 : i32
      %add3A_90 = arith.addi %mul3A_88, %add3A_89 : i32
      %dma_wait3A_91 = arith.constant 0 : i32
      %dma_wait3A_92 = tpu.memref_slice %arg8[%add3A_90, %dma_wait3A_91] : memref<80x128xi32, #tpu.memory_space<vmem>> -> memref<1x128xi32, #tpu.memory_space<vmem>>
      %dma_wait3A_93 = tpu.memref_squeeze %dma_wait3A_92 : memref<1x128xi32, #tpu.memory_space<vmem>> -> memref<128xi32, #tpu.memory_space<vmem>>
      %dma_wait3A_94 = arith.constant 0 : i32
      %dma_wait3A_95 = arith.constant 0 : i32
      %dma_wait3A_96 = tpu.memref_slice %arg2[%dma_wait3A_94, %dma_wait3A_95] : memref<10112x64xf32, #tpu.memory_space<hbm>> -> memref<10112x64xf32, #tpu.memory_space<hbm>>
      tpu.wait_indirect_dma semaphore(%arg16 : memref<!tpu.dma_semaphore, #tpu.memory_space<semaphore_mem>>) src(%dma_wait3A_96 : memref<10112x64xf32, #tpu.memory_space<hbm>>) dst(%arg11 : memref<128x64xf32, #tpu.memory_space<vmem>>)
      "tpu.region"() ({
        %run_scoped3A_138 = tpu.sem_alloc : memref<!tpu.dma_semaphore, #tpu.memory_space<semaphore_mem>>
        %dma_start3A_139 = arith.constant 0 : i32
        %dma_start3A_140 = tpu.memref_slice %arg9[%add3A_90, %dma_start3A_139] : memref<80x128xi32, #tpu.memory_space<vmem>> -> memref<1x128xi32, #tpu.memory_space<vmem>>
        %dma_start3A_141 = tpu.memref_squeeze %dma_start3A_140 : memref<1x128xi32, #tpu.memory_space<vmem>> -> memref<128xi32, #tpu.memory_space<vmem>>
        %dma_start3A_142 = arith.constant 0 : i32
        %dma_start3A_143 = arith.constant 0 : i32
        %dma_start3A_144 = tpu.memref_slice %arg14[%dma_start3A_142, %dma_start3A_143] : memref<10112x64xf32, #tpu.memory_space<vmem_shared>> -> memref<10112x64xf32, #tpu.memory_space<vmem_shared>>
        tpu.enqueue_indirect_dma source(%arg11 : memref<128x64xf32, #tpu.memory_space<vmem>>) target(%dma_start3A_144 : memref<10112x64xf32, #tpu.memory_space<vmem_shared>>) offsets(%dma_start3A_141 : memref<128xi32, #tpu.memory_space<vmem>>) semaphore(%run_scoped3A_138 : memref<!tpu.dma_semaphore, #tpu.memory_space<semaphore_mem>>) {add = true}
        %dma_wait3A_145 = arith.constant 0 : i32
        %dma_wait3A_146 = tpu.memref_slice %arg9[%add3A_90, %dma_wait3A_145] : memref<80x128xi32, #tpu.memory_space<vmem>> -> memref<1x128xi32, #tpu.memory_space<vmem>>
        %dma_wait3A_147 = tpu.memref_squeeze %dma_wait3A_146 : memref<1x128xi32, #tpu.memory_space<vmem>> -> memref<128xi32, #tpu.memory_space<vmem>>
        %dma_wait3A_148 = arith.constant 0 : i32
        %dma_wait3A_149 = arith.constant 0 : i32
        %dma_wait3A_150 = tpu.memref_slice %arg14[%dma_wait3A_148, %dma_wait3A_149] : memref<10112x64xf32, #tpu.memory_space<vmem_shared>> -> memref<10112x64xf32, #tpu.memory_space<vmem_shared>>
        tpu.wait_indirect_dma semaphore(%run_scoped3A_138 : memref<!tpu.dma_semaphore, #tpu.memory_space<semaphore_mem>>) src(%arg11 : memref<128x64xf32, #tpu.memory_space<vmem>>) dst(%dma_wait3A_150 : memref<10112x64xf32, #tpu.memory_space<vmem_shared>>)
        tpu.yield
      }) : () -> ()
      %add3A_97 = arith.constant 4 : i32
      %add3A_98 = arith.addi %add3A_90, %add3A_97 : i32
      %lt3A_99 = arith.constant 80 : i32
      %lt3A_100 = arith.cmpi slt, %add3A_98, %lt3A_99 : i32
      %convert_element_type3A_101 = arith.extui %lt3A_100 : i1 to i32
      %cond3A_102 = arith.constant 0 : i32
      %cond3A_103 = arith.cmpi ne, %convert_element_type3A_101, %cond3A_102 : i32
      scf.if %cond3A_103 {
        %add3A_138 = arith.constant 4 : i32
        %add3A_139 = arith.addi %add3A_90, %add3A_138 : i32
        %dma_start3A_140 = arith.constant 0 : i32
        %dma_start3A_141 = tpu.memref_slice %arg8[%add3A_139, %dma_start3A_140] : memref<80x128xi32, #tpu.memory_space<vmem>> -> memref<1x128xi32, #tpu.memory_space<vmem>>
        %dma_start3A_142 = tpu.memref_squeeze %dma_start3A_141 : memref<1x128xi32, #tpu.memory_space<vmem>> -> memref<128xi32, #tpu.memory_space<vmem>>
        %dma_start3A_143 = arith.constant 0 : i32
        %dma_start3A_144 = arith.constant 0 : i32
        %dma_start3A_145 = tpu.memref_slice %arg2[%dma_start3A_143, %dma_start3A_144] : memref<10112x64xf32, #tpu.memory_space<hbm>> -> memref<10112x64xf32, #tpu.memory_space<hbm>>
        tpu.enqueue_indirect_dma source(%dma_start3A_145 : memref<10112x64xf32, #tpu.memory_space<hbm>>) target(%arg11 : memref<128x64xf32, #tpu.memory_space<vmem>>) offsets(%dma_start3A_142 : memref<128xi32, #tpu.memory_space<vmem>>) semaphore(%arg16 : memref<!tpu.dma_semaphore, #tpu.memory_space<semaphore_mem>>)
      } else {
      }
      %mul3A_104 = arith.constant 4 : i32
      %mul3A_105 = arith.muli %scan3A_73, %mul3A_104 : i32
      %add3A_106 = arith.constant 2 : i32
      %add3A_107 = arith.addi %mul3A_105, %add3A_106 : i32
      %dma_wait3A_108 = arith.constant 0 : i32
      %dma_wait3A_109 = tpu.memref_slice %arg8[%add3A_107, %dma_wait3A_108] : memref<80x128xi32, #tpu.memory_space<vmem>> -> memref<1x128xi32, #tpu.memory_space<vmem>>
      %dma_wait3A_110 = tpu.memref_squeeze %dma_wait3A_109 : memref<1x128xi32, #tpu.memory_space<vmem>> -> memref<128xi32, #tpu.memory_space<vmem>>
      %dma_wait3A_111 = arith.constant 0 : i32
      %dma_wait3A_112 = arith.constant 0 : i32
      %dma_wait3A_113 = tpu.memref_slice %arg2[%dma_wait3A_111, %dma_wait3A_112] : memref<10112x64xf32, #tpu.memory_space<hbm>> -> memref<10112x64xf32, #tpu.memory_space<hbm>>
      tpu.wait_indirect_dma semaphore(%arg17 : memref<!tpu.dma_semaphore, #tpu.memory_space<semaphore_mem>>) src(%dma_wait3A_113 : memref<10112x64xf32, #tpu.memory_space<hbm>>) dst(%arg12 : memref<128x64xf32, #tpu.memory_space<vmem>>)
      "tpu.region"() ({
        %run_scoped3A_138 = tpu.sem_alloc : memref<!tpu.dma_semaphore, #tpu.memory_space<semaphore_mem>>
        %dma_start3A_139 = arith.constant 0 : i32
        %dma_start3A_140 = tpu.memref_slice %arg9[%add3A_107, %dma_start3A_139] : memref<80x128xi32, #tpu.memory_space<vmem>> -> memref<1x128xi32, #tpu.memory_space<vmem>>
        %dma_start3A_141 = tpu.memref_squeeze %dma_start3A_140 : memref<1x128xi32, #tpu.memory_space<vmem>> -> memref<128xi32, #tpu.memory_space<vmem>>
        %dma_start3A_142 = arith.constant 0 : i32
        %dma_start3A_143 = arith.constant 0 : i32
        %dma_start3A_144 = tpu.memref_slice %arg14[%dma_start3A_142, %dma_start3A_143] : memref<10112x64xf32, #tpu.memory_space<vmem_shared>> -> memref<10112x64xf32, #tpu.memory_space<vmem_shared>>
        tpu.enqueue_indirect_dma source(%arg12 : memref<128x64xf32, #tpu.memory_space<vmem>>) target(%dma_start3A_144 : memref<10112x64xf32, #tpu.memory_space<vmem_shared>>) offsets(%dma_start3A_141 : memref<128xi32, #tpu.memory_space<vmem>>) semaphore(%run_scoped3A_138 : memref<!tpu.dma_semaphore, #tpu.memory_space<semaphore_mem>>) {add = true}
        %dma_wait3A_145 = arith.constant 0 : i32
        %dma_wait3A_146 = tpu.memref_slice %arg9[%add3A_107, %dma_wait3A_145] : memref<80x128xi32, #tpu.memory_space<vmem>> -> memref<1x128xi32, #tpu.memory_space<vmem>>
        %dma_wait3A_147 = tpu.memref_squeeze %dma_wait3A_146 : memref<1x128xi32, #tpu.memory_space<vmem>> -> memref<128xi32, #tpu.memory_space<vmem>>
        %dma_wait3A_148 = arith.constant 0 : i32
        %dma_wait3A_149 = arith.constant 0 : i32
        %dma_wait3A_150 = tpu.memref_slice %arg14[%dma_wait3A_148, %dma_wait3A_149] : memref<10112x64xf32, #tpu.memory_space<vmem_shared>> -> memref<10112x64xf32, #tpu.memory_space<vmem_shared>>
        tpu.wait_indirect_dma semaphore(%run_scoped3A_138 : memref<!tpu.dma_semaphore, #tpu.memory_space<semaphore_mem>>) src(%arg12 : memref<128x64xf32, #tpu.memory_space<vmem>>) dst(%dma_wait3A_150 : memref<10112x64xf32, #tpu.memory_space<vmem_shared>>)
        tpu.yield
      }) : () -> ()
      %add3A_114 = arith.constant 4 : i32
      %add3A_115 = arith.addi %add3A_107, %add3A_114 : i32
      %lt3A_116 = arith.constant 80 : i32
      %lt3A_117 = arith.cmpi slt, %add3A_115, %lt3A_116 : i32
      %convert_element_type3A_118 = arith.extui %lt3A_117 : i1 to i32
      %cond3A_119 = arith.constant 0 : i32
      %cond3A_120 = arith.cmpi ne, %convert_element_type3A_118, %cond3A_119 : i32
      scf.if %cond3A_120 {
        %add3A_138 = arith.constant 4 : i32
        %add3A_139 = arith.addi %add3A_107, %add3A_138 : i32
        %dma_start3A_140 = arith.constant 0 : i32
        %dma_start3A_141 = tpu.memref_slice %arg8[%add3A_139, %dma_start3A_140] : memref<80x128xi32, #tpu.memory_space<vmem>> -> memref<1x128xi32, #tpu.memory_space<vmem>>
        %dma_start3A_142 = tpu.memref_squeeze %dma_start3A_141 : memref<1x128xi32, #tpu.memory_space<vmem>> -> memref<128xi32, #tpu.memory_space<vmem>>
        %dma_start3A_143 = arith.constant 0 : i32
        %dma_start3A_144 = arith.constant 0 : i32
        %dma_start3A_145 = tpu.memref_slice %arg2[%dma_start3A_143, %dma_start3A_144] : memref<10112x64xf32, #tpu.memory_space<hbm>> -> memref<10112x64xf32, #tpu.memory_space<hbm>>
        tpu.enqueue_indirect_dma source(%dma_start3A_145 : memref<10112x64xf32, #tpu.memory_space<hbm>>) target(%arg12 : memref<128x64xf32, #tpu.memory_space<vmem>>) offsets(%dma_start3A_142 : memref<128xi32, #tpu.memory_space<vmem>>) semaphore(%arg17 : memref<!tpu.dma_semaphore, #tpu.memory_space<semaphore_mem>>)
      } else {
      }
      %mul3A_121 = arith.constant 4 : i32
      %mul3A_122 = arith.muli %scan3A_73, %mul3A_121 : i32
      %add3A_123 = arith.constant 3 : i32
      %add3A_124 = arith.addi %mul3A_122, %add3A_123 : i32
      %dma_wait3A_125 = arith.constant 0 : i32
      %dma_wait3A_126 = tpu.memref_slice %arg8[%add3A_124, %dma_wait3A_125] : memref<80x128xi32, #tpu.memory_space<vmem>> -> memref<1x128xi32, #tpu.memory_space<vmem>>
      %dma_wait3A_127 = tpu.memref_squeeze %dma_wait3A_126 : memref<1x128xi32, #tpu.memory_space<vmem>> -> memref<128xi32, #tpu.memory_space<vmem>>
      %dma_wait3A_128 = arith.constant 0 : i32
      %dma_wait3A_129 = arith.constant 0 : i32
      %dma_wait3A_130 = tpu.memref_slice %arg2[%dma_wait3A_128, %dma_wait3A_129] : memref<10112x64xf32, #tpu.memory_space<hbm>> -> memref<10112x64xf32, #tpu.memory_space<hbm>>
      tpu.wait_indirect_dma semaphore(%arg18 : memref<!tpu.dma_semaphore, #tpu.memory_space<semaphore_mem>>) src(%dma_wait3A_130 : memref<10112x64xf32, #tpu.memory_space<hbm>>) dst(%arg13 : memref<128x64xf32, #tpu.memory_space<vmem>>)
      "tpu.region"() ({
        %run_scoped3A_138 = tpu.sem_alloc : memref<!tpu.dma_semaphore, #tpu.memory_space<semaphore_mem>>
        %dma_start3A_139 = arith.constant 0 : i32
        %dma_start3A_140 = tpu.memref_slice %arg9[%add3A_124, %dma_start3A_139] : memref<80x128xi32, #tpu.memory_space<vmem>> -> memref<1x128xi32, #tpu.memory_space<vmem>>
        %dma_start3A_141 = tpu.memref_squeeze %dma_start3A_140 : memref<1x128xi32, #tpu.memory_space<vmem>> -> memref<128xi32, #tpu.memory_space<vmem>>
        %dma_start3A_142 = arith.constant 0 : i32
        %dma_start3A_143 = arith.constant 0 : i32
        %dma_start3A_144 = tpu.memref_slice %arg14[%dma_start3A_142, %dma_start3A_143] : memref<10112x64xf32, #tpu.memory_space<vmem_shared>> -> memref<10112x64xf32, #tpu.memory_space<vmem_shared>>
        tpu.enqueue_indirect_dma source(%arg13 : memref<128x64xf32, #tpu.memory_space<vmem>>) target(%dma_start3A_144 : memref<10112x64xf32, #tpu.memory_space<vmem_shared>>) offsets(%dma_start3A_141 : memref<128xi32, #tpu.memory_space<vmem>>) semaphore(%run_scoped3A_138 : memref<!tpu.dma_semaphore, #tpu.memory_space<semaphore_mem>>) {add = true}
        %dma_wait3A_145 = arith.constant 0 : i32
        %dma_wait3A_146 = tpu.memref_slice %arg9[%add3A_124, %dma_wait3A_145] : memref<80x128xi32, #tpu.memory_space<vmem>> -> memref<1x128xi32, #tpu.memory_space<vmem>>
        %dma_wait3A_147 = tpu.memref_squeeze %dma_wait3A_146 : memref<1x128xi32, #tpu.memory_space<vmem>> -> memref<128xi32, #tpu.memory_space<vmem>>
        %dma_wait3A_148 = arith.constant 0 : i32
        %dma_wait3A_149 = arith.constant 0 : i32
        %dma_wait3A_150 = tpu.memref_slice %arg14[%dma_wait3A_148, %dma_wait3A_149] : memref<10112x64xf32, #tpu.memory_space<vmem_shared>> -> memref<10112x64xf32, #tpu.memory_space<vmem_shared>>
        tpu.wait_indirect_dma semaphore(%run_scoped3A_138 : memref<!tpu.dma_semaphore, #tpu.memory_space<semaphore_mem>>) src(%arg13 : memref<128x64xf32, #tpu.memory_space<vmem>>) dst(%dma_wait3A_150 : memref<10112x64xf32, #tpu.memory_space<vmem_shared>>)
        tpu.yield
      }) : () -> ()
      %add3A_131 = arith.constant 4 : i32
      %add3A_132 = arith.addi %add3A_124, %add3A_131 : i32
      %lt3A_133 = arith.constant 80 : i32
      %lt3A_134 = arith.cmpi slt, %add3A_132, %lt3A_133 : i32
      %convert_element_type3A_135 = arith.extui %lt3A_134 : i1 to i32
      %cond3A_136 = arith.constant 0 : i32
      %cond3A_137 = arith.cmpi ne, %convert_element_type3A_135, %cond3A_136 : i32
      scf.if %cond3A_137 {
        %add3A_138 = arith.constant 4 : i32
        %add3A_139 = arith.addi %add3A_124, %add3A_138 : i32
        %dma_start3A_140 = arith.constant 0 : i32
        %dma_start3A_141 = tpu.memref_slice %arg8[%add3A_139, %dma_start3A_140] : memref<80x128xi32, #tpu.memory_space<vmem>> -> memref<1x128xi32, #tpu.memory_space<vmem>>
        %dma_start3A_142 = tpu.memref_squeeze %dma_start3A_141 : memref<1x128xi32, #tpu.memory_space<vmem>> -> memref<128xi32, #tpu.memory_space<vmem>>
        %dma_start3A_143 = arith.constant 0 : i32
        %dma_start3A_144 = arith.constant 0 : i32
        %dma_start3A_145 = tpu.memref_slice %arg2[%dma_start3A_143, %dma_start3A_144] : memref<10112x64xf32, #tpu.memory_space<hbm>> -> memref<10112x64xf32, #tpu.memory_space<hbm>>
        tpu.enqueue_indirect_dma source(%dma_start3A_145 : memref<10112x64xf32, #tpu.memory_space<hbm>>) target(%arg13 : memref<128x64xf32, #tpu.memory_space<vmem>>) offsets(%dma_start3A_142 : memref<128xi32, #tpu.memory_space<vmem>>) semaphore(%arg18 : memref<!tpu.dma_semaphore, #tpu.memory_space<semaphore_mem>>)
      } else {
      }
    }
    %scan3A_34 = arith.constant 20 : i32
    %barrier3A_35 = arith.constant 0 : index
    tpu.barrier barrier_id(%barrier3A_35)
    %run_scoped3A = arith.constant 0 : i32
    "tpu.region"() ({
      %run_scoped3A_73 = tpu.sem_alloc : memref<!tpu.dma_semaphore, #tpu.memory_space<semaphore_mem>>
      %dma_start3A_74 = arith.constant 0 : i32
      %dma_start3A_75 = tpu.memref_slice %arg7[%arg0, %run_scoped3A, %mul3A_0, %dma_start3A_74] : memref<2x2x10112x64xf32, #tpu.memory_space<hbm>> -> memref<1x1x632x64xf32, #tpu.memory_space<hbm>>
      %dma_start3A_76 = tpu.memref_squeeze %dma_start3A_75 : memref<1x1x632x64xf32, #tpu.memory_space<hbm>> -> memref<632x64xf32, #tpu.memory_space<hbm>>
      %dma_start3A_77 = arith.constant 0 : i32
      %dma_start3A_78 = tpu.memref_slice %arg14[%mul3A_0, %dma_start3A_77] : memref<10112x64xf32, #tpu.memory_space<vmem_shared>> -> memref<632x64xf32, #tpu.memory_space<vmem_shared>>
      tpu.enqueue_dma source(%dma_start3A_78 : memref<632x64xf32, #tpu.memory_space<vmem_shared>>) target(%dma_start3A_76 : memref<632x64xf32, #tpu.memory_space<hbm>>) target_semaphore(%run_scoped3A_73 : memref<!tpu.dma_semaphore, #tpu.memory_space<semaphore_mem>>)
      %dma_wait3A = arith.constant 0 : i32
      %dma_wait3A_79 = tpu.memref_slice %arg7[%arg0, %run_scoped3A, %mul3A_0, %dma_wait3A] : memref<2x2x10112x64xf32, #tpu.memory_space<hbm>> -> memref<1x1x632x64xf32, #tpu.memory_space<hbm>>
      %dma_wait3A_80 = tpu.memref_squeeze %dma_wait3A_79 : memref<1x1x632x64xf32, #tpu.memory_space<hbm>> -> memref<632x64xf32, #tpu.memory_space<hbm>>
      %dma_wait3A_81 = arith.constant 0 : i32
      %dma_wait3A_82 = tpu.memref_slice %arg14[%mul3A_0, %dma_wait3A_81] : memref<10112x64xf32, #tpu.memory_space<vmem_shared>> -> memref<632x64xf32, #tpu.memory_space<vmem_shared>>
      tpu.wait_dma2 semaphore(%run_scoped3A_73 : memref<!tpu.dma_semaphore, #tpu.memory_space<semaphore_mem>>) src(%dma_wait3A_82 : memref<632x64xf32, #tpu.memory_space<vmem_shared>>) dst(%dma_wait3A_80 : memref<632x64xf32, #tpu.memory_space<hbm>>)
      tpu.yield
    }) : () -> ()
    "tpu.region"() ({
      %run_scoped3A_73 = tpu.sem_alloc : memref<!tpu.dma_semaphore, #tpu.memory_space<semaphore_mem>>
      %dma_start3A_74 = arith.constant 0 : i32
      %dma_start3A_75 = tpu.memref_slice %arg14[%mul3A_0, %dma_start3A_74] : memref<10112x64xf32, #tpu.memory_space<vmem_shared>> -> memref<632x64xf32, #tpu.memory_space<vmem_shared>>
      %dma_start3A_76 = arith.constant 0 : i32
      %dma_start3A_77 = tpu.memref_slice %arg6[%mul3A_0, %dma_start3A_76] : memref<10112x64xf32, #tpu.memory_space<hbm>> -> memref<632x64xf32, #tpu.memory_space<hbm>>
      tpu.enqueue_dma source(%dma_start3A_77 : memref<632x64xf32, #tpu.memory_space<hbm>>) target(%dma_start3A_75 : memref<632x64xf32, #tpu.memory_space<vmem_shared>>) target_semaphore(%run_scoped3A_73 : memref<!tpu.dma_semaphore, #tpu.memory_space<semaphore_mem>>)
      %dma_wait3A = arith.constant 0 : i32
      %dma_wait3A_78 = tpu.memref_slice %arg14[%mul3A_0, %dma_wait3A] : memref<10112x64xf32, #tpu.memory_space<vmem_shared>> -> memref<632x64xf32, #tpu.memory_space<vmem_shared>>
      %dma_wait3A_79 = arith.constant 0 : i32
      %dma_wait3A_80 = tpu.memref_slice %arg6[%mul3A_0, %dma_wait3A_79] : memref<10112x64xf32, #tpu.memory_space<hbm>> -> memref<632x64xf32, #tpu.memory_space<hbm>>
      tpu.wait_dma2 semaphore(%run_scoped3A_73 : memref<!tpu.dma_semaphore, #tpu.memory_space<semaphore_mem>>) src(%dma_wait3A_80 : memref<632x64xf32, #tpu.memory_space<hbm>>) dst(%dma_wait3A_78 : memref<632x64xf32, #tpu.memory_space<vmem_shared>>)
      tpu.yield
    }) : () -> ()
    %barrier3A_36 = arith.constant 0 : index
    tpu.barrier barrier_id(%barrier3A_36)
    %dma_start3A_37 = arith.constant 0 : i32
    %dma_start3A_38 = arith.constant 0 : i32
    %dma_start3A_39 = tpu.memref_slice %arg8[%dma_start3A_37, %dma_start3A_38] : memref<80x128xi32, #tpu.memory_space<vmem>> -> memref<1x128xi32, #tpu.memory_space<vmem>>
    %dma_start3A_40 = tpu.memref_squeeze %dma_start3A_39 : memref<1x128xi32, #tpu.memory_space<vmem>> -> memref<128xi32, #tpu.memory_space<vmem>>
    %dma_start3A_41 = arith.constant 0 : i32
    %dma_start3A_42 = arith.constant 0 : i32
    %dma_start3A_43 = tpu.memref_slice %arg3[%dma_start3A_41, %dma_start3A_42] : memref<10112x64xf32, #tpu.memory_space<hbm>> -> memref<10112x64xf32, #tpu.memory_space<hbm>>
    tpu.enqueue_indirect_dma source(%dma_start3A_43 : memref<10112x64xf32, #tpu.memory_space<hbm>>) target(%arg10 : memref<128x64xf32, #tpu.memory_space<vmem>>) offsets(%dma_start3A_40 : memref<128xi32, #tpu.memory_space<vmem>>) semaphore(%arg15 : memref<!tpu.dma_semaphore, #tpu.memory_space<semaphore_mem>>)
    %dma_start3A_44 = arith.constant 1 : i32
    %dma_start3A_45 = arith.constant 0 : i32
    %dma_start3A_46 = tpu.memref_slice %arg8[%dma_start3A_44, %dma_start3A_45] : memref<80x128xi32, #tpu.memory_space<vmem>> -> memref<1x128xi32, #tpu.memory_space<vmem>>
    %dma_start3A_47 = tpu.memref_squeeze %dma_start3A_46 : memref<1x128xi32, #tpu.memory_space<vmem>> -> memref<128xi32, #tpu.memory_space<vmem>>
    %dma_start3A_48 = arith.constant 0 : i32
    %dma_start3A_49 = arith.constant 0 : i32
    %dma_start3A_50 = tpu.memref_slice %arg3[%dma_start3A_48, %dma_start3A_49] : memref<10112x64xf32, #tpu.memory_space<hbm>> -> memref<10112x64xf32, #tpu.memory_space<hbm>>
    tpu.enqueue_indirect_dma source(%dma_start3A_50 : memref<10112x64xf32, #tpu.memory_space<hbm>>) target(%arg11 : memref<128x64xf32, #tpu.memory_space<vmem>>) offsets(%dma_start3A_47 : memref<128xi32, #tpu.memory_space<vmem>>) semaphore(%arg16 : memref<!tpu.dma_semaphore, #tpu.memory_space<semaphore_mem>>)
    %dma_start3A_51 = arith.constant 2 : i32
    %dma_start3A_52 = arith.constant 0 : i32
    %dma_start3A_53 = tpu.memref_slice %arg8[%dma_start3A_51, %dma_start3A_52] : memref<80x128xi32, #tpu.memory_space<vmem>> -> memref<1x128xi32, #tpu.memory_space<vmem>>
    %dma_start3A_54 = tpu.memref_squeeze %dma_start3A_53 : memref<1x128xi32, #tpu.memory_space<vmem>> -> memref<128xi32, #tpu.memory_space<vmem>>
    %dma_start3A_55 = arith.constant 0 : i32
    %dma_start3A_56 = arith.constant 0 : i32
    %dma_start3A_57 = tpu.memref_slice %arg3[%dma_start3A_55, %dma_start3A_56] : memref<10112x64xf32, #tpu.memory_space<hbm>> -> memref<10112x64xf32, #tpu.memory_space<hbm>>
    tpu.enqueue_indirect_dma source(%dma_start3A_57 : memref<10112x64xf32, #tpu.memory_space<hbm>>) target(%arg12 : memref<128x64xf32, #tpu.memory_space<vmem>>) offsets(%dma_start3A_54 : memref<128xi32, #tpu.memory_space<vmem>>) semaphore(%arg17 : memref<!tpu.dma_semaphore, #tpu.memory_space<semaphore_mem>>)
    %dma_start3A_58 = arith.constant 3 : i32
    %dma_start3A_59 = arith.constant 0 : i32
    %dma_start3A_60 = tpu.memref_slice %arg8[%dma_start3A_58, %dma_start3A_59] : memref<80x128xi32, #tpu.memory_space<vmem>> -> memref<1x128xi32, #tpu.memory_space<vmem>>
    %dma_start3A_61 = tpu.memref_squeeze %dma_start3A_60 : memref<1x128xi32, #tpu.memory_space<vmem>> -> memref<128xi32, #tpu.memory_space<vmem>>
    %dma_start3A_62 = arith.constant 0 : i32
    %dma_start3A_63 = arith.constant 0 : i32
    %dma_start3A_64 = tpu.memref_slice %arg3[%dma_start3A_62, %dma_start3A_63] : memref<10112x64xf32, #tpu.memory_space<hbm>> -> memref<10112x64xf32, #tpu.memory_space<hbm>>
    tpu.enqueue_indirect_dma source(%dma_start3A_64 : memref<10112x64xf32, #tpu.memory_space<hbm>>) target(%arg13 : memref<128x64xf32, #tpu.memory_space<vmem>>) offsets(%dma_start3A_61 : memref<128xi32, #tpu.memory_space<vmem>>) semaphore(%arg18 : memref<!tpu.dma_semaphore, #tpu.memory_space<semaphore_mem>>)
    %scan3A_65 = arith.constant 0 : i32
    %scan3A_66 = arith.constant 0 : i32
    %scan3A_67 = arith.constant 20 : i32
    %scan3A_68 = arith.addi %scan3A_66, %scan3A_67 : i32
    %scan3A_69 = arith.constant 1 : i32
    scf.for %scan3A_73 = %scan3A_66 to %scan3A_68 step %scan3A_69  : i32 {
      %mul3A_74 = arith.constant 4 : i32
      %mul3A_75 = arith.muli %scan3A_73, %mul3A_74 : i32
      %add3A_76 = arith.constant 0 : i32
      %add3A_77 = arith.addi %mul3A_75, %add3A_76 : i32
      %dma_wait3A = arith.constant 0 : i32
      %dma_wait3A_78 = tpu.memref_slice %arg8[%add3A_77, %dma_wait3A] : memref<80x128xi32, #tpu.memory_space<vmem>> -> memref<1x128xi32, #tpu.memory_space<vmem>>
      %dma_wait3A_79 = tpu.memref_squeeze %dma_wait3A_78 : memref<1x128xi32, #tpu.memory_space<vmem>> -> memref<128xi32, #tpu.memory_space<vmem>>
      %dma_wait3A_80 = arith.constant 0 : i32
      %dma_wait3A_81 = arith.constant 0 : i32
      %dma_wait3A_82 = tpu.memref_slice %arg3[%dma_wait3A_80, %dma_wait3A_81] : memref<10112x64xf32, #tpu.memory_space<hbm>> -> memref<10112x64xf32, #tpu.memory_space<hbm>>
      tpu.wait_indirect_dma semaphore(%arg15 : memref<!tpu.dma_semaphore, #tpu.memory_space<semaphore_mem>>) src(%dma_wait3A_82 : memref<10112x64xf32, #tpu.memory_space<hbm>>) dst(%arg10 : memref<128x64xf32, #tpu.memory_space<vmem>>)
      "tpu.region"() ({
        %run_scoped3A_138 = tpu.sem_alloc : memref<!tpu.dma_semaphore, #tpu.memory_space<semaphore_mem>>
        %dma_start3A_139 = arith.constant 0 : i32
        %dma_start3A_140 = tpu.memref_slice %arg9[%add3A_77, %dma_start3A_139] : memref<80x128xi32, #tpu.memory_space<vmem>> -> memref<1x128xi32, #tpu.memory_space<vmem>>
        %dma_start3A_141 = tpu.memref_squeeze %dma_start3A_140 : memref<1x128xi32, #tpu.memory_space<vmem>> -> memref<128xi32, #tpu.memory_space<vmem>>
        %dma_start3A_142 = arith.constant 0 : i32
        %dma_start3A_143 = arith.constant 0 : i32
        %dma_start3A_144 = tpu.memref_slice %arg14[%dma_start3A_142, %dma_start3A_143] : memref<10112x64xf32, #tpu.memory_space<vmem_shared>> -> memref<10112x64xf32, #tpu.memory_space<vmem_shared>>
        tpu.enqueue_indirect_dma source(%arg10 : memref<128x64xf32, #tpu.memory_space<vmem>>) target(%dma_start3A_144 : memref<10112x64xf32, #tpu.memory_space<vmem_shared>>) offsets(%dma_start3A_141 : memref<128xi32, #tpu.memory_space<vmem>>) semaphore(%run_scoped3A_138 : memref<!tpu.dma_semaphore, #tpu.memory_space<semaphore_mem>>) {add = true}
        %dma_wait3A_145 = arith.constant 0 : i32
        %dma_wait3A_146 = tpu.memref_slice %arg9[%add3A_77, %dma_wait3A_145] : memref<80x128xi32, #tpu.memory_space<vmem>> -> memref<1x128xi32, #tpu.memory_space<vmem>>
        %dma_wait3A_147 = tpu.memref_squeeze %dma_wait3A_146 : memref<1x128xi32, #tpu.memory_space<vmem>> -> memref<128xi32, #tpu.memory_space<vmem>>
        %dma_wait3A_148 = arith.constant 0 : i32
        %dma_wait3A_149 = arith.constant 0 : i32
        %dma_wait3A_150 = tpu.memref_slice %arg14[%dma_wait3A_148, %dma_wait3A_149] : memref<10112x64xf32, #tpu.memory_space<vmem_shared>> -> memref<10112x64xf32, #tpu.memory_space<vmem_shared>>
        tpu.wait_indirect_dma semaphore(%run_scoped3A_138 : memref<!tpu.dma_semaphore, #tpu.memory_space<semaphore_mem>>) src(%arg10 : memref<128x64xf32, #tpu.memory_space<vmem>>) dst(%dma_wait3A_150 : memref<10112x64xf32, #tpu.memory_space<vmem_shared>>)
        tpu.yield
      }) : () -> ()
      %add3A_83 = arith.constant 4 : i32
      %add3A_84 = arith.addi %add3A_77, %add3A_83 : i32
      %lt3A = arith.constant 80 : i32
      %lt3A_85 = arith.cmpi slt, %add3A_84, %lt3A : i32
      %convert_element_type3A = arith.extui %lt3A_85 : i1 to i32
      %cond3A = arith.constant 0 : i32
      %cond3A_86 = arith.cmpi ne, %convert_element_type3A, %cond3A : i32
      scf.if %cond3A_86 {
        %add3A_138 = arith.constant 4 : i32
        %add3A_139 = arith.addi %add3A_77, %add3A_138 : i32
        %dma_start3A_140 = arith.constant 0 : i32
        %dma_start3A_141 = tpu.memref_slice %arg8[%add3A_139, %dma_start3A_140] : memref<80x128xi32, #tpu.memory_space<vmem>> -> memref<1x128xi32, #tpu.memory_space<vmem>>
        %dma_start3A_142 = tpu.memref_squeeze %dma_start3A_141 : memref<1x128xi32, #tpu.memory_space<vmem>> -> memref<128xi32, #tpu.memory_space<vmem>>
        %dma_start3A_143 = arith.constant 0 : i32
        %dma_start3A_144 = arith.constant 0 : i32
        %dma_start3A_145 = tpu.memref_slice %arg3[%dma_start3A_143, %dma_start3A_144] : memref<10112x64xf32, #tpu.memory_space<hbm>> -> memref<10112x64xf32, #tpu.memory_space<hbm>>
        tpu.enqueue_indirect_dma source(%dma_start3A_145 : memref<10112x64xf32, #tpu.memory_space<hbm>>) target(%arg10 : memref<128x64xf32, #tpu.memory_space<vmem>>) offsets(%dma_start3A_142 : memref<128xi32, #tpu.memory_space<vmem>>) semaphore(%arg15 : memref<!tpu.dma_semaphore, #tpu.memory_space<semaphore_mem>>)
      } else {
      }
      %mul3A_87 = arith.constant 4 : i32
      %mul3A_88 = arith.muli %scan3A_73, %mul3A_87 : i32
      %add3A_89 = arith.constant 1 : i32
      %add3A_90 = arith.addi %mul3A_88, %add3A_89 : i32
      %dma_wait3A_91 = arith.constant 0 : i32
      %dma_wait3A_92 = tpu.memref_slice %arg8[%add3A_90, %dma_wait3A_91] : memref<80x128xi32, #tpu.memory_space<vmem>> -> memref<1x128xi32, #tpu.memory_space<vmem>>
      %dma_wait3A_93 = tpu.memref_squeeze %dma_wait3A_92 : memref<1x128xi32, #tpu.memory_space<vmem>> -> memref<128xi32, #tpu.memory_space<vmem>>
      %dma_wait3A_94 = arith.constant 0 : i32
      %dma_wait3A_95 = arith.constant 0 : i32
      %dma_wait3A_96 = tpu.memref_slice %arg3[%dma_wait3A_94, %dma_wait3A_95] : memref<10112x64xf32, #tpu.memory_space<hbm>> -> memref<10112x64xf32, #tpu.memory_space<hbm>>
      tpu.wait_indirect_dma semaphore(%arg16 : memref<!tpu.dma_semaphore, #tpu.memory_space<semaphore_mem>>) src(%dma_wait3A_96 : memref<10112x64xf32, #tpu.memory_space<hbm>>) dst(%arg11 : memref<128x64xf32, #tpu.memory_space<vmem>>)
      "tpu.region"() ({
        %run_scoped3A_138 = tpu.sem_alloc : memref<!tpu.dma_semaphore, #tpu.memory_space<semaphore_mem>>
        %dma_start3A_139 = arith.constant 0 : i32
        %dma_start3A_140 = tpu.memref_slice %arg9[%add3A_90, %dma_start3A_139] : memref<80x128xi32, #tpu.memory_space<vmem>> -> memref<1x128xi32, #tpu.memory_space<vmem>>
        %dma_start3A_141 = tpu.memref_squeeze %dma_start3A_140 : memref<1x128xi32, #tpu.memory_space<vmem>> -> memref<128xi32, #tpu.memory_space<vmem>>
        %dma_start3A_142 = arith.constant 0 : i32
        %dma_start3A_143 = arith.constant 0 : i32
        %dma_start3A_144 = tpu.memref_slice %arg14[%dma_start3A_142, %dma_start3A_143] : memref<10112x64xf32, #tpu.memory_space<vmem_shared>> -> memref<10112x64xf32, #tpu.memory_space<vmem_shared>>
        tpu.enqueue_indirect_dma source(%arg11 : memref<128x64xf32, #tpu.memory_space<vmem>>) target(%dma_start3A_144 : memref<10112x64xf32, #tpu.memory_space<vmem_shared>>) offsets(%dma_start3A_141 : memref<128xi32, #tpu.memory_space<vmem>>) semaphore(%run_scoped3A_138 : memref<!tpu.dma_semaphore, #tpu.memory_space<semaphore_mem>>) {add = true}
        %dma_wait3A_145 = arith.constant 0 : i32
        %dma_wait3A_146 = tpu.memref_slice %arg9[%add3A_90, %dma_wait3A_145] : memref<80x128xi32, #tpu.memory_space<vmem>> -> memref<1x128xi32, #tpu.memory_space<vmem>>
        %dma_wait3A_147 = tpu.memref_squeeze %dma_wait3A_146 : memref<1x128xi32, #tpu.memory_space<vmem>> -> memref<128xi32, #tpu.memory_space<vmem>>
        %dma_wait3A_148 = arith.constant 0 : i32
        %dma_wait3A_149 = arith.constant 0 : i32
        %dma_wait3A_150 = tpu.memref_slice %arg14[%dma_wait3A_148, %dma_wait3A_149] : memref<10112x64xf32, #tpu.memory_space<vmem_shared>> -> memref<10112x64xf32, #tpu.memory_space<vmem_shared>>
        tpu.wait_indirect_dma semaphore(%run_scoped3A_138 : memref<!tpu.dma_semaphore, #tpu.memory_space<semaphore_mem>>) src(%arg11 : memref<128x64xf32, #tpu.memory_space<vmem>>) dst(%dma_wait3A_150 : memref<10112x64xf32, #tpu.memory_space<vmem_shared>>)
        tpu.yield
      }) : () -> ()
      %add3A_97 = arith.constant 4 : i32
      %add3A_98 = arith.addi %add3A_90, %add3A_97 : i32
      %lt3A_99 = arith.constant 80 : i32
      %lt3A_100 = arith.cmpi slt, %add3A_98, %lt3A_99 : i32
      %convert_element_type3A_101 = arith.extui %lt3A_100 : i1 to i32
      %cond3A_102 = arith.constant 0 : i32
      %cond3A_103 = arith.cmpi ne, %convert_element_type3A_101, %cond3A_102 : i32
      scf.if %cond3A_103 {
        %add3A_138 = arith.constant 4 : i32
        %add3A_139 = arith.addi %add3A_90, %add3A_138 : i32
        %dma_start3A_140 = arith.constant 0 : i32
        %dma_start3A_141 = tpu.memref_slice %arg8[%add3A_139, %dma_start3A_140] : memref<80x128xi32, #tpu.memory_space<vmem>> -> memref<1x128xi32, #tpu.memory_space<vmem>>
        %dma_start3A_142 = tpu.memref_squeeze %dma_start3A_141 : memref<1x128xi32, #tpu.memory_space<vmem>> -> memref<128xi32, #tpu.memory_space<vmem>>
        %dma_start3A_143 = arith.constant 0 : i32
        %dma_start3A_144 = arith.constant 0 : i32
        %dma_start3A_145 = tpu.memref_slice %arg3[%dma_start3A_143, %dma_start3A_144] : memref<10112x64xf32, #tpu.memory_space<hbm>> -> memref<10112x64xf32, #tpu.memory_space<hbm>>
        tpu.enqueue_indirect_dma source(%dma_start3A_145 : memref<10112x64xf32, #tpu.memory_space<hbm>>) target(%arg11 : memref<128x64xf32, #tpu.memory_space<vmem>>) offsets(%dma_start3A_142 : memref<128xi32, #tpu.memory_space<vmem>>) semaphore(%arg16 : memref<!tpu.dma_semaphore, #tpu.memory_space<semaphore_mem>>)
      } else {
      }
      %mul3A_104 = arith.constant 4 : i32
      %mul3A_105 = arith.muli %scan3A_73, %mul3A_104 : i32
      %add3A_106 = arith.constant 2 : i32
      %add3A_107 = arith.addi %mul3A_105, %add3A_106 : i32
      %dma_wait3A_108 = arith.constant 0 : i32
      %dma_wait3A_109 = tpu.memref_slice %arg8[%add3A_107, %dma_wait3A_108] : memref<80x128xi32, #tpu.memory_space<vmem>> -> memref<1x128xi32, #tpu.memory_space<vmem>>
      %dma_wait3A_110 = tpu.memref_squeeze %dma_wait3A_109 : memref<1x128xi32, #tpu.memory_space<vmem>> -> memref<128xi32, #tpu.memory_space<vmem>>
      %dma_wait3A_111 = arith.constant 0 : i32
      %dma_wait3A_112 = arith.constant 0 : i32
      %dma_wait3A_113 = tpu.memref_slice %arg3[%dma_wait3A_111, %dma_wait3A_112] : memref<10112x64xf32, #tpu.memory_space<hbm>> -> memref<10112x64xf32, #tpu.memory_space<hbm>>
      tpu.wait_indirect_dma semaphore(%arg17 : memref<!tpu.dma_semaphore, #tpu.memory_space<semaphore_mem>>) src(%dma_wait3A_113 : memref<10112x64xf32, #tpu.memory_space<hbm>>) dst(%arg12 : memref<128x64xf32, #tpu.memory_space<vmem>>)
      "tpu.region"() ({
        %run_scoped3A_138 = tpu.sem_alloc : memref<!tpu.dma_semaphore, #tpu.memory_space<semaphore_mem>>
        %dma_start3A_139 = arith.constant 0 : i32
        %dma_start3A_140 = tpu.memref_slice %arg9[%add3A_107, %dma_start3A_139] : memref<80x128xi32, #tpu.memory_space<vmem>> -> memref<1x128xi32, #tpu.memory_space<vmem>>
        %dma_start3A_141 = tpu.memref_squeeze %dma_start3A_140 : memref<1x128xi32, #tpu.memory_space<vmem>> -> memref<128xi32, #tpu.memory_space<vmem>>
        %dma_start3A_142 = arith.constant 0 : i32
        %dma_start3A_143 = arith.constant 0 : i32
        %dma_start3A_144 = tpu.memref_slice %arg14[%dma_start3A_142, %dma_start3A_143] : memref<10112x64xf32, #tpu.memory_space<vmem_shared>> -> memref<10112x64xf32, #tpu.memory_space<vmem_shared>>
        tpu.enqueue_indirect_dma source(%arg12 : memref<128x64xf32, #tpu.memory_space<vmem>>) target(%dma_start3A_144 : memref<10112x64xf32, #tpu.memory_space<vmem_shared>>) offsets(%dma_start3A_141 : memref<128xi32, #tpu.memory_space<vmem>>) semaphore(%run_scoped3A_138 : memref<!tpu.dma_semaphore, #tpu.memory_space<semaphore_mem>>) {add = true}
        %dma_wait3A_145 = arith.constant 0 : i32
        %dma_wait3A_146 = tpu.memref_slice %arg9[%add3A_107, %dma_wait3A_145] : memref<80x128xi32, #tpu.memory_space<vmem>> -> memref<1x128xi32, #tpu.memory_space<vmem>>
        %dma_wait3A_147 = tpu.memref_squeeze %dma_wait3A_146 : memref<1x128xi32, #tpu.memory_space<vmem>> -> memref<128xi32, #tpu.memory_space<vmem>>
        %dma_wait3A_148 = arith.constant 0 : i32
        %dma_wait3A_149 = arith.constant 0 : i32
        %dma_wait3A_150 = tpu.memref_slice %arg14[%dma_wait3A_148, %dma_wait3A_149] : memref<10112x64xf32, #tpu.memory_space<vmem_shared>> -> memref<10112x64xf32, #tpu.memory_space<vmem_shared>>
        tpu.wait_indirect_dma semaphore(%run_scoped3A_138 : memref<!tpu.dma_semaphore, #tpu.memory_space<semaphore_mem>>) src(%arg12 : memref<128x64xf32, #tpu.memory_space<vmem>>) dst(%dma_wait3A_150 : memref<10112x64xf32, #tpu.memory_space<vmem_shared>>)
        tpu.yield
      }) : () -> ()
      %add3A_114 = arith.constant 4 : i32
      %add3A_115 = arith.addi %add3A_107, %add3A_114 : i32
      %lt3A_116 = arith.constant 80 : i32
      %lt3A_117 = arith.cmpi slt, %add3A_115, %lt3A_116 : i32
      %convert_element_type3A_118 = arith.extui %lt3A_117 : i1 to i32
      %cond3A_119 = arith.constant 0 : i32
      %cond3A_120 = arith.cmpi ne, %convert_element_type3A_118, %cond3A_119 : i32
      scf.if %cond3A_120 {
        %add3A_138 = arith.constant 4 : i32
        %add3A_139 = arith.addi %add3A_107, %add3A_138 : i32
        %dma_start3A_140 = arith.constant 0 : i32
        %dma_start3A_141 = tpu.memref_slice %arg8[%add3A_139, %dma_start3A_140] : memref<80x128xi32, #tpu.memory_space<vmem>> -> memref<1x128xi32, #tpu.memory_space<vmem>>
        %dma_start3A_142 = tpu.memref_squeeze %dma_start3A_141 : memref<1x128xi32, #tpu.memory_space<vmem>> -> memref<128xi32, #tpu.memory_space<vmem>>
        %dma_start3A_143 = arith.constant 0 : i32
        %dma_start3A_144 = arith.constant 0 : i32
        %dma_start3A_145 = tpu.memref_slice %arg3[%dma_start3A_143, %dma_start3A_144] : memref<10112x64xf32, #tpu.memory_space<hbm>> -> memref<10112x64xf32, #tpu.memory_space<hbm>>
        tpu.enqueue_indirect_dma source(%dma_start3A_145 : memref<10112x64xf32, #tpu.memory_space<hbm>>) target(%arg12 : memref<128x64xf32, #tpu.memory_space<vmem>>) offsets(%dma_start3A_142 : memref<128xi32, #tpu.memory_space<vmem>>) semaphore(%arg17 : memref<!tpu.dma_semaphore, #tpu.memory_space<semaphore_mem>>)
      } else {
      }
      %mul3A_121 = arith.constant 4 : i32
      %mul3A_122 = arith.muli %scan3A_73, %mul3A_121 : i32
      %add3A_123 = arith.constant 3 : i32
      %add3A_124 = arith.addi %mul3A_122, %add3A_123 : i32
      %dma_wait3A_125 = arith.constant 0 : i32
      %dma_wait3A_126 = tpu.memref_slice %arg8[%add3A_124, %dma_wait3A_125] : memref<80x128xi32, #tpu.memory_space<vmem>> -> memref<1x128xi32, #tpu.memory_space<vmem>>
      %dma_wait3A_127 = tpu.memref_squeeze %dma_wait3A_126 : memref<1x128xi32, #tpu.memory_space<vmem>> -> memref<128xi32, #tpu.memory_space<vmem>>
      %dma_wait3A_128 = arith.constant 0 : i32
      %dma_wait3A_129 = arith.constant 0 : i32
      %dma_wait3A_130 = tpu.memref_slice %arg3[%dma_wait3A_128, %dma_wait3A_129] : memref<10112x64xf32, #tpu.memory_space<hbm>> -> memref<10112x64xf32, #tpu.memory_space<hbm>>
      tpu.wait_indirect_dma semaphore(%arg18 : memref<!tpu.dma_semaphore, #tpu.memory_space<semaphore_mem>>) src(%dma_wait3A_130 : memref<10112x64xf32, #tpu.memory_space<hbm>>) dst(%arg13 : memref<128x64xf32, #tpu.memory_space<vmem>>)
      "tpu.region"() ({
        %run_scoped3A_138 = tpu.sem_alloc : memref<!tpu.dma_semaphore, #tpu.memory_space<semaphore_mem>>
        %dma_start3A_139 = arith.constant 0 : i32
        %dma_start3A_140 = tpu.memref_slice %arg9[%add3A_124, %dma_start3A_139] : memref<80x128xi32, #tpu.memory_space<vmem>> -> memref<1x128xi32, #tpu.memory_space<vmem>>
        %dma_start3A_141 = tpu.memref_squeeze %dma_start3A_140 : memref<1x128xi32, #tpu.memory_space<vmem>> -> memref<128xi32, #tpu.memory_space<vmem>>
        %dma_start3A_142 = arith.constant 0 : i32
        %dma_start3A_143 = arith.constant 0 : i32
        %dma_start3A_144 = tpu.memref_slice %arg14[%dma_start3A_142, %dma_start3A_143] : memref<10112x64xf32, #tpu.memory_space<vmem_shared>> -> memref<10112x64xf32, #tpu.memory_space<vmem_shared>>
        tpu.enqueue_indirect_dma source(%arg13 : memref<128x64xf32, #tpu.memory_space<vmem>>) target(%dma_start3A_144 : memref<10112x64xf32, #tpu.memory_space<vmem_shared>>) offsets(%dma_start3A_141 : memref<128xi32, #tpu.memory_space<vmem>>) semaphore(%run_scoped3A_138 : memref<!tpu.dma_semaphore, #tpu.memory_space<semaphore_mem>>) {add = true}
        %dma_wait3A_145 = arith.constant 0 : i32
        %dma_wait3A_146 = tpu.memref_slice %arg9[%add3A_124, %dma_wait3A_145] : memref<80x128xi32, #tpu.memory_space<vmem>> -> memref<1x128xi32, #tpu.memory_space<vmem>>
        %dma_wait3A_147 = tpu.memref_squeeze %dma_wait3A_146 : memref<1x128xi32, #tpu.memory_space<vmem>> -> memref<128xi32, #tpu.memory_space<vmem>>
        %dma_wait3A_148 = arith.constant 0 : i32
        %dma_wait3A_149 = arith.constant 0 : i32
        %dma_wait3A_150 = tpu.memref_slice %arg14[%dma_wait3A_148, %dma_wait3A_149] : memref<10112x64xf32, #tpu.memory_space<vmem_shared>> -> memref<10112x64xf32, #tpu.memory_space<vmem_shared>>
        tpu.wait_indirect_dma semaphore(%run_scoped3A_138 : memref<!tpu.dma_semaphore, #tpu.memory_space<semaphore_mem>>) src(%arg13 : memref<128x64xf32, #tpu.memory_space<vmem>>) dst(%dma_wait3A_150 : memref<10112x64xf32, #tpu.memory_space<vmem_shared>>)
        tpu.yield
      }) : () -> ()
      %add3A_131 = arith.constant 4 : i32
      %add3A_132 = arith.addi %add3A_124, %add3A_131 : i32
      %lt3A_133 = arith.constant 80 : i32
      %lt3A_134 = arith.cmpi slt, %add3A_132, %lt3A_133 : i32
      %convert_element_type3A_135 = arith.extui %lt3A_134 : i1 to i32
      %cond3A_136 = arith.constant 0 : i32
      %cond3A_137 = arith.cmpi ne, %convert_element_type3A_135, %cond3A_136 : i32
      scf.if %cond3A_137 {
        %add3A_138 = arith.constant 4 : i32
        %add3A_139 = arith.addi %add3A_124, %add3A_138 : i32
        %dma_start3A_140 = arith.constant 0 : i32
        %dma_start3A_141 = tpu.memref_slice %arg8[%add3A_139, %dma_start3A_140] : memref<80x128xi32, #tpu.memory_space<vmem>> -> memref<1x128xi32, #tpu.memory_space<vmem>>
        %dma_start3A_142 = tpu.memref_squeeze %dma_start3A_141 : memref<1x128xi32, #tpu.memory_space<vmem>> -> memref<128xi32, #tpu.memory_space<vmem>>
        %dma_start3A_143 = arith.constant 0 : i32
        %dma_start3A_144 = arith.constant 0 : i32
        %dma_start3A_145 = tpu.memref_slice %arg3[%dma_start3A_143, %dma_start3A_144] : memref<10112x64xf32, #tpu.memory_space<hbm>> -> memref<10112x64xf32, #tpu.memory_space<hbm>>
        tpu.enqueue_indirect_dma source(%dma_start3A_145 : memref<10112x64xf32, #tpu.memory_space<hbm>>) target(%arg13 : memref<128x64xf32, #tpu.memory_space<vmem>>) offsets(%dma_start3A_142 : memref<128xi32, #tpu.memory_space<vmem>>) semaphore(%arg18 : memref<!tpu.dma_semaphore, #tpu.memory_space<semaphore_mem>>)
      } else {
      }
    }
    %scan3A_70 = arith.constant 20 : i32
    %barrier3A_71 = arith.constant 0 : index
    tpu.barrier barrier_id(%barrier3A_71)
    %run_scoped3A_72 = arith.constant 1 : i32
    "tpu.region"() ({
      %run_scoped3A_73 = tpu.sem_alloc : memref<!tpu.dma_semaphore, #tpu.memory_space<semaphore_mem>>
      %dma_start3A_74 = arith.constant 0 : i32
      %dma_start3A_75 = tpu.memref_slice %arg7[%arg0, %run_scoped3A_72, %mul3A_0, %dma_start3A_74] : memref<2x2x10112x64xf32, #tpu.memory_space<hbm>> -> memref<1x1x632x64xf32, #tpu.memory_space<hbm>>
      %dma_start3A_76 = tpu.memref_squeeze %dma_start3A_75 : memref<1x1x632x64xf32, #tpu.memory_space<hbm>> -> memref<632x64xf32, #tpu.memory_space<hbm>>
      %dma_start3A_77 = arith.constant 0 : i32
      %dma_start3A_78 = tpu.memref_slice %arg14[%mul3A_0, %dma_start3A_77] : memref<10112x64xf32, #tpu.memory_space<vmem_shared>> -> memref<632x64xf32, #tpu.memory_space<vmem_shared>>
      tpu.enqueue_dma source(%dma_start3A_78 : memref<632x64xf32, #tpu.memory_space<vmem_shared>>) target(%dma_start3A_76 : memref<632x64xf32, #tpu.memory_space<hbm>>) target_semaphore(%run_scoped3A_73 : memref<!tpu.dma_semaphore, #tpu.memory_space<semaphore_mem>>)
      %dma_wait3A = arith.constant 0 : i32
      %dma_wait3A_79 = tpu.memref_slice %arg7[%arg0, %run_scoped3A_72, %mul3A_0, %dma_wait3A] : memref<2x2x10112x64xf32, #tpu.memory_space<hbm>> -> memref<1x1x632x64xf32, #tpu.memory_space<hbm>>
      %dma_wait3A_80 = tpu.memref_squeeze %dma_wait3A_79 : memref<1x1x632x64xf32, #tpu.memory_space<hbm>> -> memref<632x64xf32, #tpu.memory_space<hbm>>
      %dma_wait3A_81 = arith.constant 0 : i32
      %dma_wait3A_82 = tpu.memref_slice %arg14[%mul3A_0, %dma_wait3A_81] : memref<10112x64xf32, #tpu.memory_space<vmem_shared>> -> memref<632x64xf32, #tpu.memory_space<vmem_shared>>
      tpu.wait_dma2 semaphore(%run_scoped3A_73 : memref<!tpu.dma_semaphore, #tpu.memory_space<semaphore_mem>>) src(%dma_wait3A_82 : memref<632x64xf32, #tpu.memory_space<vmem_shared>>) dst(%dma_wait3A_80 : memref<632x64xf32, #tpu.memory_space<hbm>>)
      tpu.yield
    }) : () -> ()
    return
  }
}

#map = affine_map<(d0, d1) -> (0, 0, 0)>
#map1 = affine_map<(d0, d1) -> (0, 0)>
module attributes {stable_mosaic.version = 14 : i64} {
  func.func @_deg_kernel(%arg0: i32, %arg1: i32, %arg2: memref<32x80x128xi32, #tpu.memory_space<hbm>>, %arg3: memref<128x16xf32, #tpu.memory_space<hbm>>, %arg4: memref<10112x16xf32, #tpu.memory_space<hbm>>, %arg5: memref<2x10112x16xf32, #tpu.memory_space<hbm>>, %arg6: memref<80x128xi32, #tpu.memory_space<vmem>>, %arg7: memref<128x16xf32, #tpu.memory_space<vmem>>, %arg8: memref<10112x16xf32, #tpu.memory_space<vmem_shared>>) attributes {dimension_semantics = [#tpu.dimension_semantics<core_parallel>, #tpu.dimension_semantics<subcore_parallel>], iteration_bounds = array<i64: 2, 16>, scalar_prefetch = 0 : i64, scratch_operands = 3 : i64, tpu.core_type = #tpu.core_type<sc_vector_subcore>, window_params = [{transform_indices = #map}, {transform_indices = #map1}, {transform_indices = #map1}, {transform_indices = #map}]} {
    %mul3A = arith.constant 632 : i32
    %mul3A_0 = arith.muli %arg1, %mul3A : i32
    %mul3A_1 = arith.constant 2 : i32
    %mul3A_2 = arith.muli %arg1, %mul3A_1 : i32
    %add3A = arith.addi %mul3A_2, %arg0 : i32
    "tpu.region"() ({
      %run_scoped3A = tpu.sem_alloc : memref<!tpu.dma_semaphore, #tpu.memory_space<semaphore_mem>>
      %dma_start3A = arith.constant 0 : i32
      %dma_start3A_9 = tpu.memref_slice %arg8[%mul3A_0, %dma_start3A] : memref<10112x16xf32, #tpu.memory_space<vmem_shared>> -> memref<632x16xf32, #tpu.memory_space<vmem_shared>>
      %dma_start3A_10 = arith.constant 0 : i32
      %dma_start3A_11 = tpu.memref_slice %arg4[%mul3A_0, %dma_start3A_10] : memref<10112x16xf32, #tpu.memory_space<hbm>> -> memref<632x16xf32, #tpu.memory_space<hbm>>
      tpu.enqueue_dma source(%dma_start3A_11 : memref<632x16xf32, #tpu.memory_space<hbm>>) target(%dma_start3A_9 : memref<632x16xf32, #tpu.memory_space<vmem_shared>>) target_semaphore(%run_scoped3A : memref<!tpu.dma_semaphore, #tpu.memory_space<semaphore_mem>>)
      %dma_wait3A = arith.constant 0 : i32
      %dma_wait3A_12 = tpu.memref_slice %arg8[%mul3A_0, %dma_wait3A] : memref<10112x16xf32, #tpu.memory_space<vmem_shared>> -> memref<632x16xf32, #tpu.memory_space<vmem_shared>>
      %dma_wait3A_13 = arith.constant 0 : i32
      %dma_wait3A_14 = tpu.memref_slice %arg4[%mul3A_0, %dma_wait3A_13] : memref<10112x16xf32, #tpu.memory_space<hbm>> -> memref<632x16xf32, #tpu.memory_space<hbm>>
      tpu.wait_dma2 semaphore(%run_scoped3A : memref<!tpu.dma_semaphore, #tpu.memory_space<semaphore_mem>>) src(%dma_wait3A_14 : memref<632x16xf32, #tpu.memory_space<hbm>>) dst(%dma_wait3A_12 : memref<632x16xf32, #tpu.memory_space<vmem_shared>>)
      tpu.yield
    }) : () -> ()
    "tpu.region"() ({
      %run_scoped3A = tpu.sem_alloc : memref<!tpu.dma_semaphore, #tpu.memory_space<semaphore_mem>>
      tpu.enqueue_dma source(%arg3 : memref<128x16xf32, #tpu.memory_space<hbm>>) target(%arg7 : memref<128x16xf32, #tpu.memory_space<vmem>>) target_semaphore(%run_scoped3A : memref<!tpu.dma_semaphore, #tpu.memory_space<semaphore_mem>>)
      tpu.wait_dma2 semaphore(%run_scoped3A : memref<!tpu.dma_semaphore, #tpu.memory_space<semaphore_mem>>) src(%arg3 : memref<128x16xf32, #tpu.memory_space<hbm>>) dst(%arg7 : memref<128x16xf32, #tpu.memory_space<vmem>>)
      tpu.yield
    }) : () -> ()
    "tpu.region"() ({
      %run_scoped3A = tpu.sem_alloc : memref<!tpu.dma_semaphore, #tpu.memory_space<semaphore_mem>>
      %dma_start3A = arith.constant 0 : i32
      %dma_start3A_9 = arith.constant 0 : i32
      %dma_start3A_10 = tpu.memref_slice %arg2[%add3A, %dma_start3A, %dma_start3A_9] : memref<32x80x128xi32, #tpu.memory_space<hbm>> -> memref<1x80x128xi32, #tpu.memory_space<hbm>>
      %dma_start3A_11 = tpu.memref_squeeze %dma_start3A_10 : memref<1x80x128xi32, #tpu.memory_space<hbm>> -> memref<80x128xi32, #tpu.memory_space<hbm>>
      %dma_start3A_12 = arith.constant 0 : i32
      %dma_start3A_13 = arith.constant 0 : i32
      %dma_start3A_14 = tpu.memref_slice %arg2[%add3A, %dma_start3A_12, %dma_start3A_13] : memref<32x80x128xi32, #tpu.memory_space<hbm>> -> memref<1x80x128xi32, #tpu.memory_space<hbm>>
      %dma_start3A_15 = tpu.memref_squeeze %dma_start3A_14 : memref<1x80x128xi32, #tpu.memory_space<hbm>> -> memref<80x128xi32, #tpu.memory_space<hbm>>
      tpu.enqueue_dma source(%dma_start3A_15 : memref<80x128xi32, #tpu.memory_space<hbm>>) target(%arg6 : memref<80x128xi32, #tpu.memory_space<vmem>>) target_semaphore(%run_scoped3A : memref<!tpu.dma_semaphore, #tpu.memory_space<semaphore_mem>>)
      %dma_wait3A = arith.constant 0 : i32
      %dma_wait3A_16 = arith.constant 0 : i32
      %dma_wait3A_17 = tpu.memref_slice %arg2[%add3A, %dma_wait3A, %dma_wait3A_16] : memref<32x80x128xi32, #tpu.memory_space<hbm>> -> memref<1x80x128xi32, #tpu.memory_space<hbm>>
      %dma_wait3A_18 = tpu.memref_squeeze %dma_wait3A_17 : memref<1x80x128xi32, #tpu.memory_space<hbm>> -> memref<80x128xi32, #tpu.memory_space<hbm>>
      %dma_wait3A_19 = arith.constant 0 : i32
      %dma_wait3A_20 = arith.constant 0 : i32
      %dma_wait3A_21 = tpu.memref_slice %arg2[%add3A, %dma_wait3A_19, %dma_wait3A_20] : memref<32x80x128xi32, #tpu.memory_space<hbm>> -> memref<1x80x128xi32, #tpu.memory_space<hbm>>
      %dma_wait3A_22 = tpu.memref_squeeze %dma_wait3A_21 : memref<1x80x128xi32, #tpu.memory_space<hbm>> -> memref<80x128xi32, #tpu.memory_space<hbm>>
      tpu.wait_dma2 semaphore(%run_scoped3A : memref<!tpu.dma_semaphore, #tpu.memory_space<semaphore_mem>>) src(%dma_wait3A_22 : memref<80x128xi32, #tpu.memory_space<hbm>>) dst(%arg6 : memref<80x128xi32, #tpu.memory_space<vmem>>)
      tpu.yield
    }) : () -> ()
    %barrier3A = arith.constant 0 : index
    tpu.barrier barrier_id(%barrier3A)
    %scan3A = arith.constant 0 : i32
    %scan3A_3 = arith.constant 0 : i32
    %scan3A_4 = arith.constant 80 : i32
    %scan3A_5 = arith.addi %scan3A_3, %scan3A_4 : i32
    %scan3A_6 = arith.constant 1 : i32
    scf.for %scan3A_9 = %scan3A_3 to %scan3A_5 step %scan3A_6  : i32 {
      "tpu.region"() ({
        %run_scoped3A = tpu.sem_alloc : memref<!tpu.dma_semaphore, #tpu.memory_space<semaphore_mem>>
        %dma_start3A = arith.constant 0 : i32
        %dma_start3A_10 = tpu.memref_slice %arg6[%scan3A_9, %dma_start3A] : memref<80x128xi32, #tpu.memory_space<vmem>> -> memref<1x128xi32, #tpu.memory_space<vmem>>
        %dma_start3A_11 = tpu.memref_squeeze %dma_start3A_10 : memref<1x128xi32, #tpu.memory_space<vmem>> -> memref<128xi32, #tpu.memory_space<vmem>>
        %dma_start3A_12 = arith.constant 0 : i32
        %dma_start3A_13 = arith.constant 0 : i32
        %dma_start3A_14 = tpu.memref_slice %arg8[%dma_start3A_12, %dma_start3A_13] : memref<10112x16xf32, #tpu.memory_space<vmem_shared>> -> memref<10112x16xf32, #tpu.memory_space<vmem_shared>>
        tpu.enqueue_indirect_dma source(%arg7 : memref<128x16xf32, #tpu.memory_space<vmem>>) target(%dma_start3A_14 : memref<10112x16xf32, #tpu.memory_space<vmem_shared>>) offsets(%dma_start3A_11 : memref<128xi32, #tpu.memory_space<vmem>>) semaphore(%run_scoped3A : memref<!tpu.dma_semaphore, #tpu.memory_space<semaphore_mem>>) {add = true}
        %dma_wait3A = arith.constant 0 : i32
        %dma_wait3A_15 = tpu.memref_slice %arg6[%scan3A_9, %dma_wait3A] : memref<80x128xi32, #tpu.memory_space<vmem>> -> memref<1x128xi32, #tpu.memory_space<vmem>>
        %dma_wait3A_16 = tpu.memref_squeeze %dma_wait3A_15 : memref<1x128xi32, #tpu.memory_space<vmem>> -> memref<128xi32, #tpu.memory_space<vmem>>
        %dma_wait3A_17 = arith.constant 0 : i32
        %dma_wait3A_18 = arith.constant 0 : i32
        %dma_wait3A_19 = tpu.memref_slice %arg8[%dma_wait3A_17, %dma_wait3A_18] : memref<10112x16xf32, #tpu.memory_space<vmem_shared>> -> memref<10112x16xf32, #tpu.memory_space<vmem_shared>>
        tpu.wait_indirect_dma semaphore(%run_scoped3A : memref<!tpu.dma_semaphore, #tpu.memory_space<semaphore_mem>>) src(%arg7 : memref<128x16xf32, #tpu.memory_space<vmem>>) dst(%dma_wait3A_19 : memref<10112x16xf32, #tpu.memory_space<vmem_shared>>)
        tpu.yield
      }) : () -> ()
    }
    %scan3A_7 = arith.constant 80 : i32
    %barrier3A_8 = arith.constant 0 : index
    tpu.barrier barrier_id(%barrier3A_8)
    "tpu.region"() ({
      %run_scoped3A = tpu.sem_alloc : memref<!tpu.dma_semaphore, #tpu.memory_space<semaphore_mem>>
      %dma_start3A = arith.constant 0 : i32
      %dma_start3A_9 = tpu.memref_slice %arg5[%arg0, %mul3A_0, %dma_start3A] : memref<2x10112x16xf32, #tpu.memory_space<hbm>> -> memref<1x632x16xf32, #tpu.memory_space<hbm>>
      %dma_start3A_10 = tpu.memref_squeeze %dma_start3A_9 : memref<1x632x16xf32, #tpu.memory_space<hbm>> -> memref<632x16xf32, #tpu.memory_space<hbm>>
      %dma_start3A_11 = arith.constant 0 : i32
      %dma_start3A_12 = tpu.memref_slice %arg8[%mul3A_0, %dma_start3A_11] : memref<10112x16xf32, #tpu.memory_space<vmem_shared>> -> memref<632x16xf32, #tpu.memory_space<vmem_shared>>
      tpu.enqueue_dma source(%dma_start3A_12 : memref<632x16xf32, #tpu.memory_space<vmem_shared>>) target(%dma_start3A_10 : memref<632x16xf32, #tpu.memory_space<hbm>>) target_semaphore(%run_scoped3A : memref<!tpu.dma_semaphore, #tpu.memory_space<semaphore_mem>>)
      %dma_wait3A = arith.constant 0 : i32
      %dma_wait3A_13 = tpu.memref_slice %arg5[%arg0, %mul3A_0, %dma_wait3A] : memref<2x10112x16xf32, #tpu.memory_space<hbm>> -> memref<1x632x16xf32, #tpu.memory_space<hbm>>
      %dma_wait3A_14 = tpu.memref_squeeze %dma_wait3A_13 : memref<1x632x16xf32, #tpu.memory_space<hbm>> -> memref<632x16xf32, #tpu.memory_space<hbm>>
      %dma_wait3A_15 = arith.constant 0 : i32
      %dma_wait3A_16 = tpu.memref_slice %arg8[%mul3A_0, %dma_wait3A_15] : memref<10112x16xf32, #tpu.memory_space<vmem_shared>> -> memref<632x16xf32, #tpu.memory_space<vmem_shared>>
      tpu.wait_dma2 semaphore(%run_scoped3A : memref<!tpu.dma_semaphore, #tpu.memory_space<semaphore_mem>>) src(%dma_wait3A_16 : memref<632x16xf32, #tpu.memory_space<vmem_shared>>) dst(%dma_wait3A_14 : memref<632x16xf32, #tpu.memory_space<hbm>>)
      tpu.yield
    }) : () -> ()
    return
  }
}

#map = affine_map<(d0, d1) -> (0, 0)>
#map1 = affine_map<(d0, d1) -> (0, 0, 0)>
module attributes {stable_mosaic.version = 14 : i64} {
  func.func @_edge_gather_kernel(%arg0: i32, %arg1: i32, %arg2: memref<10112x128xf32, #tpu.memory_space<hbm>>, %arg3: memref<10112x128xf32, #tpu.memory_space<hbm>>, %arg4: memref<32x80x128xi32, #tpu.memory_space<hbm>>, %arg5: memref<32x80x128xi32, #tpu.memory_space<hbm>>, %arg6: memref<327680x128xf32, #tpu.memory_space<hbm>>, %arg7: memref<80x128xi32, #tpu.memory_space<vmem>>, %arg8: memref<80x128xi32, #tpu.memory_space<vmem>>, %arg9: memref<128x128xf32, #tpu.memory_space<vmem>>, %arg10: memref<128x128xf32, #tpu.memory_space<vmem>>, %arg11: memref<128x128xf32, #tpu.memory_space<vmem>>, %arg12: memref<128x128xf32, #tpu.memory_space<vmem>>, %arg13: memref<128x128xf32, #tpu.memory_space<vmem>>, %arg14: memref<128x128xf32, #tpu.memory_space<vmem>>, %arg15: memref<!tpu.dma_semaphore, #tpu.memory_space<semaphore_mem>>, %arg16: memref<!tpu.dma_semaphore, #tpu.memory_space<semaphore_mem>>, %arg17: memref<!tpu.dma_semaphore, #tpu.memory_space<semaphore_mem>>, %arg18: memref<!tpu.dma_semaphore, #tpu.memory_space<semaphore_mem>>, %arg19: memref<!tpu.dma_semaphore, #tpu.memory_space<semaphore_mem>>, %arg20: memref<!tpu.dma_semaphore, #tpu.memory_space<semaphore_mem>>) attributes {dimension_semantics = [#tpu.dimension_semantics<core_parallel>, #tpu.dimension_semantics<subcore_parallel>], iteration_bounds = array<i64: 2, 16>, scalar_prefetch = 0 : i64, scratch_operands = 14 : i64, tpu.core_type = #tpu.core_type<sc_vector_subcore>, window_params = [{transform_indices = #map}, {transform_indices = #map}, {transform_indices = #map1}, {transform_indices = #map1}, {transform_indices = #map}]} {
    %mul3A = arith.constant 2 : i32
    %mul3A_0 = arith.muli %arg1, %mul3A : i32
    %add3A = arith.addi %mul3A_0, %arg0 : i32
    %mul3A_1 = arith.constant 10240 : i32
    %mul3A_2 = arith.muli %add3A, %mul3A_1 : i32
    "tpu.region"() ({
      %run_scoped3A = tpu.sem_alloc : memref<!tpu.dma_semaphore, #tpu.memory_space<semaphore_mem>>
      %dma_start3A_46 = arith.constant 0 : i32
      %dma_start3A_47 = arith.constant 0 : i32
      %dma_start3A_48 = tpu.memref_slice %arg4[%add3A, %dma_start3A_46, %dma_start3A_47] : memref<32x80x128xi32, #tpu.memory_space<hbm>> -> memref<1x80x128xi32, #tpu.memory_space<hbm>>
      %dma_start3A_49 = tpu.memref_squeeze %dma_start3A_48 : memref<1x80x128xi32, #tpu.memory_space<hbm>> -> memref<80x128xi32, #tpu.memory_space<hbm>>
      %dma_start3A_50 = arith.constant 0 : i32
      %dma_start3A_51 = arith.constant 0 : i32
      %dma_start3A_52 = tpu.memref_slice %arg4[%add3A, %dma_start3A_50, %dma_start3A_51] : memref<32x80x128xi32, #tpu.memory_space<hbm>> -> memref<1x80x128xi32, #tpu.memory_space<hbm>>
      %dma_start3A_53 = tpu.memref_squeeze %dma_start3A_52 : memref<1x80x128xi32, #tpu.memory_space<hbm>> -> memref<80x128xi32, #tpu.memory_space<hbm>>
      tpu.enqueue_dma source(%dma_start3A_53 : memref<80x128xi32, #tpu.memory_space<hbm>>) target(%arg7 : memref<80x128xi32, #tpu.memory_space<vmem>>) target_semaphore(%run_scoped3A : memref<!tpu.dma_semaphore, #tpu.memory_space<semaphore_mem>>)
      %dma_wait3A_54 = arith.constant 0 : i32
      %dma_wait3A_55 = arith.constant 0 : i32
      %dma_wait3A_56 = tpu.memref_slice %arg4[%add3A, %dma_wait3A_54, %dma_wait3A_55] : memref<32x80x128xi32, #tpu.memory_space<hbm>> -> memref<1x80x128xi32, #tpu.memory_space<hbm>>
      %dma_wait3A_57 = tpu.memref_squeeze %dma_wait3A_56 : memref<1x80x128xi32, #tpu.memory_space<hbm>> -> memref<80x128xi32, #tpu.memory_space<hbm>>
      %dma_wait3A_58 = arith.constant 0 : i32
      %dma_wait3A_59 = arith.constant 0 : i32
      %dma_wait3A_60 = tpu.memref_slice %arg4[%add3A, %dma_wait3A_58, %dma_wait3A_59] : memref<32x80x128xi32, #tpu.memory_space<hbm>> -> memref<1x80x128xi32, #tpu.memory_space<hbm>>
      %dma_wait3A_61 = tpu.memref_squeeze %dma_wait3A_60 : memref<1x80x128xi32, #tpu.memory_space<hbm>> -> memref<80x128xi32, #tpu.memory_space<hbm>>
      tpu.wait_dma2 semaphore(%run_scoped3A : memref<!tpu.dma_semaphore, #tpu.memory_space<semaphore_mem>>) src(%dma_wait3A_61 : memref<80x128xi32, #tpu.memory_space<hbm>>) dst(%arg7 : memref<80x128xi32, #tpu.memory_space<vmem>>)
      tpu.yield
    }) : () -> ()
    "tpu.region"() ({
      %run_scoped3A = tpu.sem_alloc : memref<!tpu.dma_semaphore, #tpu.memory_space<semaphore_mem>>
      %dma_start3A_46 = arith.constant 0 : i32
      %dma_start3A_47 = arith.constant 0 : i32
      %dma_start3A_48 = tpu.memref_slice %arg5[%add3A, %dma_start3A_46, %dma_start3A_47] : memref<32x80x128xi32, #tpu.memory_space<hbm>> -> memref<1x80x128xi32, #tpu.memory_space<hbm>>
      %dma_start3A_49 = tpu.memref_squeeze %dma_start3A_48 : memref<1x80x128xi32, #tpu.memory_space<hbm>> -> memref<80x128xi32, #tpu.memory_space<hbm>>
      %dma_start3A_50 = arith.constant 0 : i32
      %dma_start3A_51 = arith.constant 0 : i32
      %dma_start3A_52 = tpu.memref_slice %arg5[%add3A, %dma_start3A_50, %dma_start3A_51] : memref<32x80x128xi32, #tpu.memory_space<hbm>> -> memref<1x80x128xi32, #tpu.memory_space<hbm>>
      %dma_start3A_53 = tpu.memref_squeeze %dma_start3A_52 : memref<1x80x128xi32, #tpu.memory_space<hbm>> -> memref<80x128xi32, #tpu.memory_space<hbm>>
      tpu.enqueue_dma source(%dma_start3A_53 : memref<80x128xi32, #tpu.memory_space<hbm>>) target(%arg8 : memref<80x128xi32, #tpu.memory_space<vmem>>) target_semaphore(%run_scoped3A : memref<!tpu.dma_semaphore, #tpu.memory_space<semaphore_mem>>)
      %dma_wait3A_54 = arith.constant 0 : i32
      %dma_wait3A_55 = arith.constant 0 : i32
      %dma_wait3A_56 = tpu.memref_slice %arg5[%add3A, %dma_wait3A_54, %dma_wait3A_55] : memref<32x80x128xi32, #tpu.memory_space<hbm>> -> memref<1x80x128xi32, #tpu.memory_space<hbm>>
      %dma_wait3A_57 = tpu.memref_squeeze %dma_wait3A_56 : memref<1x80x128xi32, #tpu.memory_space<hbm>> -> memref<80x128xi32, #tpu.memory_space<hbm>>
      %dma_wait3A_58 = arith.constant 0 : i32
      %dma_wait3A_59 = arith.constant 0 : i32
      %dma_wait3A_60 = tpu.memref_slice %arg5[%add3A, %dma_wait3A_58, %dma_wait3A_59] : memref<32x80x128xi32, #tpu.memory_space<hbm>> -> memref<1x80x128xi32, #tpu.memory_space<hbm>>
      %dma_wait3A_61 = tpu.memref_squeeze %dma_wait3A_60 : memref<1x80x128xi32, #tpu.memory_space<hbm>> -> memref<80x128xi32, #tpu.memory_space<hbm>>
      tpu.wait_dma2 semaphore(%run_scoped3A : memref<!tpu.dma_semaphore, #tpu.memory_space<semaphore_mem>>) src(%dma_wait3A_61 : memref<80x128xi32, #tpu.memory_space<hbm>>) dst(%arg8 : memref<80x128xi32, #tpu.memory_space<vmem>>)
      tpu.yield
    }) : () -> ()
    %dma_start3A = arith.constant 0 : i32
    %dma_start3A_3 = arith.constant 0 : i32
    %dma_start3A_4 = tpu.memref_slice %arg7[%dma_start3A, %dma_start3A_3] : memref<80x128xi32, #tpu.memory_space<vmem>> -> memref<1x128xi32, #tpu.memory_space<vmem>>
    %dma_start3A_5 = tpu.memref_squeeze %dma_start3A_4 : memref<1x128xi32, #tpu.memory_space<vmem>> -> memref<128xi32, #tpu.memory_space<vmem>>
    %dma_start3A_6 = arith.constant 0 : i32
    %dma_start3A_7 = arith.constant 0 : i32
    %dma_start3A_8 = tpu.memref_slice %arg2[%dma_start3A_6, %dma_start3A_7] : memref<10112x128xf32, #tpu.memory_space<hbm>> -> memref<10112x128xf32, #tpu.memory_space<hbm>>
    tpu.enqueue_indirect_dma source(%dma_start3A_8 : memref<10112x128xf32, #tpu.memory_space<hbm>>) target(%arg9 : memref<128x128xf32, #tpu.memory_space<vmem>>) offsets(%dma_start3A_5 : memref<128xi32, #tpu.memory_space<vmem>>) semaphore(%arg15 : memref<!tpu.dma_semaphore, #tpu.memory_space<semaphore_mem>>)
    %dma_start3A_9 = arith.constant 0 : i32
    %dma_start3A_10 = arith.constant 0 : i32
    %dma_start3A_11 = tpu.memref_slice %arg8[%dma_start3A_9, %dma_start3A_10] : memref<80x128xi32, #tpu.memory_space<vmem>> -> memref<1x128xi32, #tpu.memory_space<vmem>>
    %dma_start3A_12 = tpu.memref_squeeze %dma_start3A_11 : memref<1x128xi32, #tpu.memory_space<vmem>> -> memref<128xi32, #tpu.memory_space<vmem>>
    %dma_start3A_13 = arith.constant 0 : i32
    %dma_start3A_14 = arith.constant 0 : i32
    %dma_start3A_15 = tpu.memref_slice %arg3[%dma_start3A_13, %dma_start3A_14] : memref<10112x128xf32, #tpu.memory_space<hbm>> -> memref<10112x128xf32, #tpu.memory_space<hbm>>
    tpu.enqueue_indirect_dma source(%dma_start3A_15 : memref<10112x128xf32, #tpu.memory_space<hbm>>) target(%arg11 : memref<128x128xf32, #tpu.memory_space<vmem>>) offsets(%dma_start3A_12 : memref<128xi32, #tpu.memory_space<vmem>>) semaphore(%arg17 : memref<!tpu.dma_semaphore, #tpu.memory_space<semaphore_mem>>)
    %dma_start3A_16 = arith.constant 1 : i32
    %dma_start3A_17 = arith.constant 0 : i32
    %dma_start3A_18 = tpu.memref_slice %arg7[%dma_start3A_16, %dma_start3A_17] : memref<80x128xi32, #tpu.memory_space<vmem>> -> memref<1x128xi32, #tpu.memory_space<vmem>>
    %dma_start3A_19 = tpu.memref_squeeze %dma_start3A_18 : memref<1x128xi32, #tpu.memory_space<vmem>> -> memref<128xi32, #tpu.memory_space<vmem>>
    %dma_start3A_20 = arith.constant 0 : i32
    %dma_start3A_21 = arith.constant 0 : i32
    %dma_start3A_22 = tpu.memref_slice %arg2[%dma_start3A_20, %dma_start3A_21] : memref<10112x128xf32, #tpu.memory_space<hbm>> -> memref<10112x128xf32, #tpu.memory_space<hbm>>
    tpu.enqueue_indirect_dma source(%dma_start3A_22 : memref<10112x128xf32, #tpu.memory_space<hbm>>) target(%arg10 : memref<128x128xf32, #tpu.memory_space<vmem>>) offsets(%dma_start3A_19 : memref<128xi32, #tpu.memory_space<vmem>>) semaphore(%arg16 : memref<!tpu.dma_semaphore, #tpu.memory_space<semaphore_mem>>)
    %dma_start3A_23 = arith.constant 1 : i32
    %dma_start3A_24 = arith.constant 0 : i32
    %dma_start3A_25 = tpu.memref_slice %arg8[%dma_start3A_23, %dma_start3A_24] : memref<80x128xi32, #tpu.memory_space<vmem>> -> memref<1x128xi32, #tpu.memory_space<vmem>>
    %dma_start3A_26 = tpu.memref_squeeze %dma_start3A_25 : memref<1x128xi32, #tpu.memory_space<vmem>> -> memref<128xi32, #tpu.memory_space<vmem>>
    %dma_start3A_27 = arith.constant 0 : i32
    %dma_start3A_28 = arith.constant 0 : i32
    %dma_start3A_29 = tpu.memref_slice %arg3[%dma_start3A_27, %dma_start3A_28] : memref<10112x128xf32, #tpu.memory_space<hbm>> -> memref<10112x128xf32, #tpu.memory_space<hbm>>
    tpu.enqueue_indirect_dma source(%dma_start3A_29 : memref<10112x128xf32, #tpu.memory_space<hbm>>) target(%arg12 : memref<128x128xf32, #tpu.memory_space<vmem>>) offsets(%dma_start3A_26 : memref<128xi32, #tpu.memory_space<vmem>>) semaphore(%arg18 : memref<!tpu.dma_semaphore, #tpu.memory_space<semaphore_mem>>)
    %scan3A = arith.constant 0 : i32
    %scan3A_30 = arith.constant 0 : i32
    %scan3A_31 = arith.constant 40 : i32
    %scan3A_32 = arith.addi %scan3A_30, %scan3A_31 : i32
    %scan3A_33 = arith.constant 1 : i32
    scf.for %scan3A_46 = %scan3A_30 to %scan3A_32 step %scan3A_33  : i32 {
      %mul3A_47 = arith.constant 2 : i32
      %mul3A_48 = arith.muli %scan3A_46, %mul3A_47 : i32
      %add3A_49 = arith.constant 0 : i32
      %add3A_50 = arith.addi %mul3A_48, %add3A_49 : i32
      %dma_wait3A_51 = arith.constant 0 : i32
      %dma_wait3A_52 = tpu.memref_slice %arg7[%add3A_50, %dma_wait3A_51] : memref<80x128xi32, #tpu.memory_space<vmem>> -> memref<1x128xi32, #tpu.memory_space<vmem>>
      %dma_wait3A_53 = tpu.memref_squeeze %dma_wait3A_52 : memref<1x128xi32, #tpu.memory_space<vmem>> -> memref<128xi32, #tpu.memory_space<vmem>>
      %dma_wait3A_54 = arith.constant 0 : i32
      %dma_wait3A_55 = arith.constant 0 : i32
      %dma_wait3A_56 = tpu.memref_slice %arg2[%dma_wait3A_54, %dma_wait3A_55] : memref<10112x128xf32, #tpu.memory_space<hbm>> -> memref<10112x128xf32, #tpu.memory_space<hbm>>
      tpu.wait_indirect_dma semaphore(%arg15 : memref<!tpu.dma_semaphore, #tpu.memory_space<semaphore_mem>>) src(%dma_wait3A_56 : memref<10112x128xf32, #tpu.memory_space<hbm>>) dst(%arg9 : memref<128x128xf32, #tpu.memory_space<vmem>>)
      %dma_wait3A_57 = arith.constant 0 : i32
      %dma_wait3A_58 = tpu.memref_slice %arg8[%add3A_50, %dma_wait3A_57] : memref<80x128xi32, #tpu.memory_space<vmem>> -> memref<1x128xi32, #tpu.memory_space<vmem>>
      %dma_wait3A_59 = tpu.memref_squeeze %dma_wait3A_58 : memref<1x128xi32, #tpu.memory_space<vmem>> -> memref<128xi32, #tpu.memory_space<vmem>>
      %dma_wait3A_60 = arith.constant 0 : i32
      %dma_wait3A_61 = arith.constant 0 : i32
      %dma_wait3A_62 = tpu.memref_slice %arg3[%dma_wait3A_60, %dma_wait3A_61] : memref<10112x128xf32, #tpu.memory_space<hbm>> -> memref<10112x128xf32, #tpu.memory_space<hbm>>
      tpu.wait_indirect_dma semaphore(%arg17 : memref<!tpu.dma_semaphore, #tpu.memory_space<semaphore_mem>>) src(%dma_wait3A_62 : memref<10112x128xf32, #tpu.memory_space<hbm>>) dst(%arg11 : memref<128x128xf32, #tpu.memory_space<vmem>>)
      %ge3A = arith.constant 2 : i32
      %ge3A_63 = arith.cmpi sge, %add3A_50, %ge3A : i32
      %convert_element_type3A = arith.extui %ge3A_63 : i1 to i32
      %cond3A = arith.constant 0 : i32
      %cond3A_64 = arith.cmpi ne, %convert_element_type3A, %cond3A : i32
      scf.if %cond3A_64 {
        %sub3A = arith.constant 2 : i32
        %sub3A_125 = arith.subi %add3A_50, %sub3A : i32
        %mul3A_126 = arith.constant 128 : i32
        %mul3A_127 = arith.muli %sub3A_125, %mul3A_126 : i32
        %add3A_128 = arith.addi %mul3A_2, %mul3A_127 : i32
        %dma_wait3A_129 = arith.constant 0 : i32
        %dma_wait3A_130 = tpu.memref_slice %arg6[%add3A_128, %dma_wait3A_129] : memref<327680x128xf32, #tpu.memory_space<hbm>> -> memref<128x128xf32, #tpu.memory_space<hbm>>
        %dma_wait3A_131 = arith.constant 0 : i32
        %dma_wait3A_132 = tpu.memref_slice %arg6[%add3A_128, %dma_wait3A_131] : memref<327680x128xf32, #tpu.memory_space<hbm>> -> memref<128x128xf32, #tpu.memory_space<hbm>>
        tpu.wait_dma2 semaphore(%arg19 : memref<!tpu.dma_semaphore, #tpu.memory_space<semaphore_mem>>) src(%arg13 : memref<128x128xf32, #tpu.memory_space<vmem>>) dst(%dma_wait3A_132 : memref<128x128xf32, #tpu.memory_space<hbm>>)
      } else {
      }
      %scan3A_65 = arith.constant 0 : i32
      %scan3A_66 = arith.constant 0 : i32
      %scan3A_67 = arith.constant 128 : i32
      %scan3A_68 = arith.addi %scan3A_66, %scan3A_67 : i32
      %scan3A_69 = arith.constant 1 : i32
      scf.for %scan3A_125 = %scan3A_66 to %scan3A_68 step %scan3A_69  : i32 {
        %get3A = arith.index_cast %scan3A_125 : i32 to index
        %get3A_126 = arith.constant 0 : index
        %get3A_127 = tpu.vector_load %arg9[%get3A, %get3A_126] {strides = array<i32>} : memref<128x128xf32, #tpu.memory_space<vmem>>, vector<1x16xf32>,
        %get3A_128 = vector.shape_cast %get3A_127 : vector<1x16xf32> to vector<16xf32>
        %get3A_129 = arith.index_cast %scan3A_125 : i32 to index
        %get3A_130 = arith.constant 0 : index
        %get3A_131 = tpu.vector_load %arg11[%get3A_129, %get3A_130] {strides = array<i32>} : memref<128x128xf32, #tpu.memory_space<vmem>>, vector<1x16xf32>,
        %get3A_132 = vector.shape_cast %get3A_131 : vector<1x16xf32> to vector<16xf32>
        %add3A_133 = arith.addf %get3A_128, %get3A_132 : vector<16xf32>
        %swap3A = arith.index_cast %scan3A_125 : i32 to index
        %swap3A_134 = arith.constant 0 : index
        %swap3A_135 = tpu.vector_load %arg13[%swap3A, %swap3A_134] {strides = array<i32>} : memref<128x128xf32, #tpu.memory_space<vmem>>, vector<1x16xf32>,
        %swap3A_136 = vector.shape_cast %swap3A_135 : vector<1x16xf32> to vector<16xf32>
        %swap3A_137 = vector.shape_cast %add3A_133 : vector<16xf32> to vector<1x16xf32>
        tpu.vector_store %arg13[%swap3A, %swap3A_134], %swap3A_137 {strides = array<i32>} : memref<128x128xf32, #tpu.memory_space<vmem>>, vector<1x16xf32>,
        %get3A_138 = arith.index_cast %scan3A_125 : i32 to index
        %get3A_139 = arith.constant 16 : index
        %get3A_140 = tpu.vector_load %arg9[%get3A_138, %get3A_139] {strides = array<i32>} : memref<128x128xf32, #tpu.memory_space<vmem>>, vector<1x16xf32>,
        %get3A_141 = vector.shape_cast %get3A_140 : vector<1x16xf32> to vector<16xf32>
        %get3A_142 = arith.index_cast %scan3A_125 : i32 to index
        %get3A_143 = arith.constant 16 : index
        %get3A_144 = tpu.vector_load %arg11[%get3A_142, %get3A_143] {strides = array<i32>} : memref<128x128xf32, #tpu.memory_space<vmem>>, vector<1x16xf32>,
        %get3A_145 = vector.shape_cast %get3A_144 : vector<1x16xf32> to vector<16xf32>
        %add3A_146 = arith.addf %get3A_141, %get3A_145 : vector<16xf32>
        %swap3A_147 = arith.index_cast %scan3A_125 : i32 to index
        %swap3A_148 = arith.constant 16 : index
        %swap3A_149 = tpu.vector_load %arg13[%swap3A_147, %swap3A_148] {strides = array<i32>} : memref<128x128xf32, #tpu.memory_space<vmem>>, vector<1x16xf32>,
        %swap3A_150 = vector.shape_cast %swap3A_149 : vector<1x16xf32> to vector<16xf32>
        %swap3A_151 = vector.shape_cast %add3A_146 : vector<16xf32> to vector<1x16xf32>
        tpu.vector_store %arg13[%swap3A_147, %swap3A_148], %swap3A_151 {strides = array<i32>} : memref<128x128xf32, #tpu.memory_space<vmem>>, vector<1x16xf32>,
        %get3A_152 = arith.index_cast %scan3A_125 : i32 to index
        %get3A_153 = arith.constant 32 : index
        %get3A_154 = tpu.vector_load %arg9[%get3A_152, %get3A_153] {strides = array<i32>} : memref<128x128xf32, #tpu.memory_space<vmem>>, vector<1x16xf32>,
        %get3A_155 = vector.shape_cast %get3A_154 : vector<1x16xf32> to vector<16xf32>
        %get3A_156 = arith.index_cast %scan3A_125 : i32 to index
        %get3A_157 = arith.constant 32 : index
        %get3A_158 = tpu.vector_load %arg11[%get3A_156, %get3A_157] {strides = array<i32>} : memref<128x128xf32, #tpu.memory_space<vmem>>, vector<1x16xf32>,
        %get3A_159 = vector.shape_cast %get3A_158 : vector<1x16xf32> to vector<16xf32>
        %add3A_160 = arith.addf %get3A_155, %get3A_159 : vector<16xf32>
        %swap3A_161 = arith.index_cast %scan3A_125 : i32 to index
        %swap3A_162 = arith.constant 32 : index
        %swap3A_163 = tpu.vector_load %arg13[%swap3A_161, %swap3A_162] {strides = array<i32>} : memref<128x128xf32, #tpu.memory_space<vmem>>, vector<1x16xf32>,
        %swap3A_164 = vector.shape_cast %swap3A_163 : vector<1x16xf32> to vector<16xf32>
        %swap3A_165 = vector.shape_cast %add3A_160 : vector<16xf32> to vector<1x16xf32>
        tpu.vector_store %arg13[%swap3A_161, %swap3A_162], %swap3A_165 {strides = array<i32>} : memref<128x128xf32, #tpu.memory_space<vmem>>, vector<1x16xf32>,
        %get3A_166 = arith.index_cast %scan3A_125 : i32 to index
        %get3A_167 = arith.constant 48 : index
        %get3A_168 = tpu.vector_load %arg9[%get3A_166, %get3A_167] {strides = array<i32>} : memref<128x128xf32, #tpu.memory_space<vmem>>, vector<1x16xf32>,
        %get3A_169 = vector.shape_cast %get3A_168 : vector<1x16xf32> to vector<16xf32>
        %get3A_170 = arith.index_cast %scan3A_125 : i32 to index
        %get3A_171 = arith.constant 48 : index
        %get3A_172 = tpu.vector_load %arg11[%get3A_170, %get3A_171] {strides = array<i32>} : memref<128x128xf32, #tpu.memory_space<vmem>>, vector<1x16xf32>,
        %get3A_173 = vector.shape_cast %get3A_172 : vector<1x16xf32> to vector<16xf32>
        %add3A_174 = arith.addf %get3A_169, %get3A_173 : vector<16xf32>
        %swap3A_175 = arith.index_cast %scan3A_125 : i32 to index
        %swap3A_176 = arith.constant 48 : index
        %swap3A_177 = tpu.vector_load %arg13[%swap3A_175, %swap3A_176] {strides = array<i32>} : memref<128x128xf32, #tpu.memory_space<vmem>>, vector<1x16xf32>,
        %swap3A_178 = vector.shape_cast %swap3A_177 : vector<1x16xf32> to vector<16xf32>
        %swap3A_179 = vector.shape_cast %add3A_174 : vector<16xf32> to vector<1x16xf32>
        tpu.vector_store %arg13[%swap3A_175, %swap3A_176], %swap3A_179 {strides = array<i32>} : memref<128x128xf32, #tpu.memory_space<vmem>>, vector<1x16xf32>,
        %get3A_180 = arith.index_cast %scan3A_125 : i32 to index
        %get3A_181 = arith.constant 64 : index
        %get3A_182 = tpu.vector_load %arg9[%get3A_180, %get3A_181] {strides = array<i32>} : memref<128x128xf32, #tpu.memory_space<vmem>>, vector<1x16xf32>,
        %get3A_183 = vector.shape_cast %get3A_182 : vector<1x16xf32> to vector<16xf32>
        %get3A_184 = arith.index_cast %scan3A_125 : i32 to index
        %get3A_185 = arith.constant 64 : index
        %get3A_186 = tpu.vector_load %arg11[%get3A_184, %get3A_185] {strides = array<i32>} : memref<128x128xf32, #tpu.memory_space<vmem>>, vector<1x16xf32>,
        %get3A_187 = vector.shape_cast %get3A_186 : vector<1x16xf32> to vector<16xf32>
        %add3A_188 = arith.addf %get3A_183, %get3A_187 : vector<16xf32>
        %swap3A_189 = arith.index_cast %scan3A_125 : i32 to index
        %swap3A_190 = arith.constant 64 : index
        %swap3A_191 = tpu.vector_load %arg13[%swap3A_189, %swap3A_190] {strides = array<i32>} : memref<128x128xf32, #tpu.memory_space<vmem>>, vector<1x16xf32>,
        %swap3A_192 = vector.shape_cast %swap3A_191 : vector<1x16xf32> to vector<16xf32>
        %swap3A_193 = vector.shape_cast %add3A_188 : vector<16xf32> to vector<1x16xf32>
        tpu.vector_store %arg13[%swap3A_189, %swap3A_190], %swap3A_193 {strides = array<i32>} : memref<128x128xf32, #tpu.memory_space<vmem>>, vector<1x16xf32>,
        %get3A_194 = arith.index_cast %scan3A_125 : i32 to index
        %get3A_195 = arith.constant 80 : index
        %get3A_196 = tpu.vector_load %arg9[%get3A_194, %get3A_195] {strides = array<i32>} : memref<128x128xf32, #tpu.memory_space<vmem>>, vector<1x16xf32>,
        %get3A_197 = vector.shape_cast %get3A_196 : vector<1x16xf32> to vector<16xf32>
        %get3A_198 = arith.index_cast %scan3A_125 : i32 to index
        %get3A_199 = arith.constant 80 : index
        %get3A_200 = tpu.vector_load %arg11[%get3A_198, %get3A_199] {strides = array<i32>} : memref<128x128xf32, #tpu.memory_space<vmem>>, vector<1x16xf32>,
        %get3A_201 = vector.shape_cast %get3A_200 : vector<1x16xf32> to vector<16xf32>
        %add3A_202 = arith.addf %get3A_197, %get3A_201 : vector<16xf32>
        %swap3A_203 = arith.index_cast %scan3A_125 : i32 to index
        %swap3A_204 = arith.constant 80 : index
        %swap3A_205 = tpu.vector_load %arg13[%swap3A_203, %swap3A_204] {strides = array<i32>} : memref<128x128xf32, #tpu.memory_space<vmem>>, vector<1x16xf32>,
        %swap3A_206 = vector.shape_cast %swap3A_205 : vector<1x16xf32> to vector<16xf32>
        %swap3A_207 = vector.shape_cast %add3A_202 : vector<16xf32> to vector<1x16xf32>
        tpu.vector_store %arg13[%swap3A_203, %swap3A_204], %swap3A_207 {strides = array<i32>} : memref<128x128xf32, #tpu.memory_space<vmem>>, vector<1x16xf32>,
        %get3A_208 = arith.index_cast %scan3A_125 : i32 to index
        %get3A_209 = arith.constant 96 : index
        %get3A_210 = tpu.vector_load %arg9[%get3A_208, %get3A_209] {strides = array<i32>} : memref<128x128xf32, #tpu.memory_space<vmem>>, vector<1x16xf32>,
        %get3A_211 = vector.shape_cast %get3A_210 : vector<1x16xf32> to vector<16xf32>
        %get3A_212 = arith.index_cast %scan3A_125 : i32 to index
        %get3A_213 = arith.constant 96 : index
        %get3A_214 = tpu.vector_load %arg11[%get3A_212, %get3A_213] {strides = array<i32>} : memref<128x128xf32, #tpu.memory_space<vmem>>, vector<1x16xf32>,
        %get3A_215 = vector.shape_cast %get3A_214 : vector<1x16xf32> to vector<16xf32>
        %add3A_216 = arith.addf %get3A_211, %get3A_215 : vector<16xf32>
        %swap3A_217 = arith.index_cast %scan3A_125 : i32 to index
        %swap3A_218 = arith.constant 96 : index
        %swap3A_219 = tpu.vector_load %arg13[%swap3A_217, %swap3A_218] {strides = array<i32>} : memref<128x128xf32, #tpu.memory_space<vmem>>, vector<1x16xf32>,
        %swap3A_220 = vector.shape_cast %swap3A_219 : vector<1x16xf32> to vector<16xf32>
        %swap3A_221 = vector.shape_cast %add3A_216 : vector<16xf32> to vector<1x16xf32>
        tpu.vector_store %arg13[%swap3A_217, %swap3A_218], %swap3A_221 {strides = array<i32>} : memref<128x128xf32, #tpu.memory_space<vmem>>, vector<1x16xf32>,
        %get3A_222 = arith.index_cast %scan3A_125 : i32 to index
        %get3A_223 = arith.constant 112 : index
        %get3A_224 = tpu.vector_load %arg9[%get3A_222, %get3A_223] {strides = array<i32>} : memref<128x128xf32, #tpu.memory_space<vmem>>, vector<1x16xf32>,
        %get3A_225 = vector.shape_cast %get3A_224 : vector<1x16xf32> to vector<16xf32>
        %get3A_226 = arith.index_cast %scan3A_125 : i32 to index
        %get3A_227 = arith.constant 112 : index
        %get3A_228 = tpu.vector_load %arg11[%get3A_226, %get3A_227] {strides = array<i32>} : memref<128x128xf32, #tpu.memory_space<vmem>>, vector<1x16xf32>,
        %get3A_229 = vector.shape_cast %get3A_228 : vector<1x16xf32> to vector<16xf32>
        %add3A_230 = arith.addf %get3A_225, %get3A_229 : vector<16xf32>
        %swap3A_231 = arith.index_cast %scan3A_125 : i32 to index
        %swap3A_232 = arith.constant 112 : index
        %swap3A_233 = tpu.vector_load %arg13[%swap3A_231, %swap3A_232] {strides = array<i32>} : memref<128x128xf32, #tpu.memory_space<vmem>>, vector<1x16xf32>,
        %swap3A_234 = vector.shape_cast %swap3A_233 : vector<1x16xf32> to vector<16xf32>
        %swap3A_235 = vector.shape_cast %add3A_230 : vector<16xf32> to vector<1x16xf32>
        tpu.vector_store %arg13[%swap3A_231, %swap3A_232], %swap3A_235 {strides = array<i32>} : memref<128x128xf32, #tpu.memory_space<vmem>>, vector<1x16xf32>,
      }
      %scan3A_70 = arith.constant 128 : i32
      %mul3A_71 = arith.constant 128 : i32
      %mul3A_72 = arith.muli %add3A_50, %mul3A_71 : i32
      %add3A_73 = arith.addi %mul3A_2, %mul3A_72 : i32
      %dma_start3A_74 = arith.constant 0 : i32
      %dma_start3A_75 = tpu.memref_slice %arg6[%add3A_73, %dma_start3A_74] : memref<327680x128xf32, #tpu.memory_space<hbm>> -> memref<128x128xf32, #tpu.memory_space<hbm>>
      %dma_start3A_76 = arith.constant 0 : i32
      %dma_start3A_77 = tpu.memref_slice %arg6[%add3A_73, %dma_start3A_76] : memref<327680x128xf32, #tpu.memory_space<hbm>> -> memref<128x128xf32, #tpu.memory_space<hbm>>
      tpu.enqueue_dma source(%arg13 : memref<128x128xf32, #tpu.memory_space<vmem>>) target(%dma_start3A_77 : memref<128x128xf32, #tpu.memory_space<hbm>>) target_semaphore(%arg19 : memref<!tpu.dma_semaphore, #tpu.memory_space<semaphore_mem>>)
      %add3A_78 = arith.constant 2 : i32
      %add3A_79 = arith.addi %add3A_50, %add3A_78 : i32
      %lt3A = arith.constant 80 : i32
      %lt3A_80 = arith.cmpi slt, %add3A_79, %lt3A : i32
      %convert_element_type3A_81 = arith.extui %lt3A_80 : i1 to i32
      %cond3A_82 = arith.constant 0 : i32
      %cond3A_83 = arith.cmpi ne, %convert_element_type3A_81, %cond3A_82 : i32
      scf.if %cond3A_83 {
        %add3A_125 = arith.constant 2 : i32
        %add3A_126 = arith.addi %add3A_50, %add3A_125 : i32
        %dma_start3A_127 = arith.constant 0 : i32
        %dma_start3A_128 = tpu.memref_slice %arg7[%add3A_126, %dma_start3A_127] : memref<80x128xi32, #tpu.memory_space<vmem>> -> memref<1x128xi32, #tpu.memory_space<vmem>>
        %dma_start3A_129 = tpu.memref_squeeze %dma_start3A_128 : memref<1x128xi32, #tpu.memory_space<vmem>> -> memref<128xi32, #tpu.memory_space<vmem>>
        %dma_start3A_130 = arith.constant 0 : i32
        %dma_start3A_131 = arith.constant 0 : i32
        %dma_start3A_132 = tpu.memref_slice %arg2[%dma_start3A_130, %dma_start3A_131] : memref<10112x128xf32, #tpu.memory_space<hbm>> -> memref<10112x128xf32, #tpu.memory_space<hbm>>
        tpu.enqueue_indirect_dma source(%dma_start3A_132 : memref<10112x128xf32, #tpu.memory_space<hbm>>) target(%arg9 : memref<128x128xf32, #tpu.memory_space<vmem>>) offsets(%dma_start3A_129 : memref<128xi32, #tpu.memory_space<vmem>>) semaphore(%arg15 : memref<!tpu.dma_semaphore, #tpu.memory_space<semaphore_mem>>)
        %add3A_133 = arith.constant 2 : i32
        %add3A_134 = arith.addi %add3A_50, %add3A_133 : i32
        %dma_start3A_135 = arith.constant 0 : i32
        %dma_start3A_136 = tpu.memref_slice %arg8[%add3A_134, %dma_start3A_135] : memref<80x128xi32, #tpu.memory_space<vmem>> -> memref<1x128xi32, #tpu.memory_space<vmem>>
        %dma_start3A_137 = tpu.memref_squeeze %dma_start3A_136 : memref<1x128xi32, #tpu.memory_space<vmem>> -> memref<128xi32, #tpu.memory_space<vmem>>
        %dma_start3A_138 = arith.constant 0 : i32
        %dma_start3A_139 = arith.constant 0 : i32
        %dma_start3A_140 = tpu.memref_slice %arg3[%dma_start3A_138, %dma_start3A_139] : memref<10112x128xf32, #tpu.memory_space<hbm>> -> memref<10112x128xf32, #tpu.memory_space<hbm>>
        tpu.enqueue_indirect_dma source(%dma_start3A_140 : memref<10112x128xf32, #tpu.memory_space<hbm>>) target(%arg11 : memref<128x128xf32, #tpu.memory_space<vmem>>) offsets(%dma_start3A_137 : memref<128xi32, #tpu.memory_space<vmem>>) semaphore(%arg17 : memref<!tpu.dma_semaphore, #tpu.memory_space<semaphore_mem>>)
      } else {
      }
      %mul3A_84 = arith.constant 2 : i32
      %mul3A_85 = arith.muli %scan3A_46, %mul3A_84 : i32
      %add3A_86 = arith.constant 1 : i32
      %add3A_87 = arith.addi %mul3A_85, %add3A_86 : i32
      %dma_wait3A_88 = arith.constant 0 : i32
      %dma_wait3A_89 = tpu.memref_slice %arg7[%add3A_87, %dma_wait3A_88] : memref<80x128xi32, #tpu.memory_space<vmem>> -> memref<1x128xi32, #tpu.memory_space<vmem>>
      %dma_wait3A_90 = tpu.memref_squeeze %dma_wait3A_89 : memref<1x128xi32, #tpu.memory_space<vmem>> -> memref<128xi32, #tpu.memory_space<vmem>>
      %dma_wait3A_91 = arith.constant 0 : i32
      %dma_wait3A_92 = arith.constant 0 : i32
      %dma_wait3A_93 = tpu.memref_slice %arg2[%dma_wait3A_91, %dma_wait3A_92] : memref<10112x128xf32, #tpu.memory_space<hbm>> -> memref<10112x128xf32, #tpu.memory_space<hbm>>
      tpu.wait_indirect_dma semaphore(%arg16 : memref<!tpu.dma_semaphore, #tpu.memory_space<semaphore_mem>>) src(%dma_wait3A_93 : memref<10112x128xf32, #tpu.memory_space<hbm>>) dst(%arg10 : memref<128x128xf32, #tpu.memory_space<vmem>>)
      %dma_wait3A_94 = arith.constant 0 : i32
      %dma_wait3A_95 = tpu.memref_slice %arg8[%add3A_87, %dma_wait3A_94] : memref<80x128xi32, #tpu.memory_space<vmem>> -> memref<1x128xi32, #tpu.memory_space<vmem>>
      %dma_wait3A_96 = tpu.memref_squeeze %dma_wait3A_95 : memref<1x128xi32, #tpu.memory_space<vmem>> -> memref<128xi32, #tpu.memory_space<vmem>>
      %dma_wait3A_97 = arith.constant 0 : i32
      %dma_wait3A_98 = arith.constant 0 : i32
      %dma_wait3A_99 = tpu.memref_slice %arg3[%dma_wait3A_97, %dma_wait3A_98] : memref<10112x128xf32, #tpu.memory_space<hbm>> -> memref<10112x128xf32, #tpu.memory_space<hbm>>
      tpu.wait_indirect_dma semaphore(%arg18 : memref<!tpu.dma_semaphore, #tpu.memory_space<semaphore_mem>>) src(%dma_wait3A_99 : memref<10112x128xf32, #tpu.memory_space<hbm>>) dst(%arg12 : memref<128x128xf32, #tpu.memory_space<vmem>>)
      %ge3A_100 = arith.constant 2 : i32
      %ge3A_101 = arith.cmpi sge, %add3A_87, %ge3A_100 : i32
      %convert_element_type3A_102 = arith.extui %ge3A_101 : i1 to i32
      %cond3A_103 = arith.constant 0 : i32
      %cond3A_104 = arith.cmpi ne, %convert_element_type3A_102, %cond3A_103 : i32
      scf.if %cond3A_104 {
        %sub3A = arith.constant 2 : i32
        %sub3A_125 = arith.subi %add3A_87, %sub3A : i32
        %mul3A_126 = arith.constant 128 : i32
        %mul3A_127 = arith.muli %sub3A_125, %mul3A_126 : i32
        %add3A_128 = arith.addi %mul3A_2, %mul3A_127 : i32
        %dma_wait3A_129 = arith.constant 0 : i32
        %dma_wait3A_130 = tpu.memref_slice %arg6[%add3A_128, %dma_wait3A_129] : memref<327680x128xf32, #tpu.memory_space<hbm>> -> memref<128x128xf32, #tpu.memory_space<hbm>>
        %dma_wait3A_131 = arith.constant 0 : i32
        %dma_wait3A_132 = tpu.memref_slice %arg6[%add3A_128, %dma_wait3A_131] : memref<327680x128xf32, #tpu.memory_space<hbm>> -> memref<128x128xf32, #tpu.memory_space<hbm>>
        tpu.wait_dma2 semaphore(%arg20 : memref<!tpu.dma_semaphore, #tpu.memory_space<semaphore_mem>>) src(%arg14 : memref<128x128xf32, #tpu.memory_space<vmem>>) dst(%dma_wait3A_132 : memref<128x128xf32, #tpu.memory_space<hbm>>)
      } else {
      }
      %scan3A_105 = arith.constant 0 : i32
      %scan3A_106 = arith.constant 0 : i32
      %scan3A_107 = arith.constant 128 : i32
      %scan3A_108 = arith.addi %scan3A_106, %scan3A_107 : i32
      %scan3A_109 = arith.constant 1 : i32
      scf.for %scan3A_125 = %scan3A_106 to %scan3A_108 step %scan3A_109  : i32 {
        %get3A = arith.index_cast %scan3A_125 : i32 to index
        %get3A_126 = arith.constant 0 : index
        %get3A_127 = tpu.vector_load %arg10[%get3A, %get3A_126] {strides = array<i32>} : memref<128x128xf32, #tpu.memory_space<vmem>>, vector<1x16xf32>,
        %get3A_128 = vector.shape_cast %get3A_127 : vector<1x16xf32> to vector<16xf32>
        %get3A_129 = arith.index_cast %scan3A_125 : i32 to index
        %get3A_130 = arith.constant 0 : index
        %get3A_131 = tpu.vector_load %arg12[%get3A_129, %get3A_130] {strides = array<i32>} : memref<128x128xf32, #tpu.memory_space<vmem>>, vector<1x16xf32>,
        %get3A_132 = vector.shape_cast %get3A_131 : vector<1x16xf32> to vector<16xf32>
        %add3A_133 = arith.addf %get3A_128, %get3A_132 : vector<16xf32>
        %swap3A = arith.index_cast %scan3A_125 : i32 to index
        %swap3A_134 = arith.constant 0 : index
        %swap3A_135 = tpu.vector_load %arg14[%swap3A, %swap3A_134] {strides = array<i32>} : memref<128x128xf32, #tpu.memory_space<vmem>>, vector<1x16xf32>,
        %swap3A_136 = vector.shape_cast %swap3A_135 : vector<1x16xf32> to vector<16xf32>
        %swap3A_137 = vector.shape_cast %add3A_133 : vector<16xf32> to vector<1x16xf32>
        tpu.vector_store %arg14[%swap3A, %swap3A_134], %swap3A_137 {strides = array<i32>} : memref<128x128xf32, #tpu.memory_space<vmem>>, vector<1x16xf32>,
        %get3A_138 = arith.index_cast %scan3A_125 : i32 to index
        %get3A_139 = arith.constant 16 : index
        %get3A_140 = tpu.vector_load %arg10[%get3A_138, %get3A_139] {strides = array<i32>} : memref<128x128xf32, #tpu.memory_space<vmem>>, vector<1x16xf32>,
        %get3A_141 = vector.shape_cast %get3A_140 : vector<1x16xf32> to vector<16xf32>
        %get3A_142 = arith.index_cast %scan3A_125 : i32 to index
        %get3A_143 = arith.constant 16 : index
        %get3A_144 = tpu.vector_load %arg12[%get3A_142, %get3A_143] {strides = array<i32>} : memref<128x128xf32, #tpu.memory_space<vmem>>, vector<1x16xf32>,
        %get3A_145 = vector.shape_cast %get3A_144 : vector<1x16xf32> to vector<16xf32>
        %add3A_146 = arith.addf %get3A_141, %get3A_145 : vector<16xf32>
        %swap3A_147 = arith.index_cast %scan3A_125 : i32 to index
        %swap3A_148 = arith.constant 16 : index
        %swap3A_149 = tpu.vector_load %arg14[%swap3A_147, %swap3A_148] {strides = array<i32>} : memref<128x128xf32, #tpu.memory_space<vmem>>, vector<1x16xf32>,
        %swap3A_150 = vector.shape_cast %swap3A_149 : vector<1x16xf32> to vector<16xf32>
        %swap3A_151 = vector.shape_cast %add3A_146 : vector<16xf32> to vector<1x16xf32>
        tpu.vector_store %arg14[%swap3A_147, %swap3A_148], %swap3A_151 {strides = array<i32>} : memref<128x128xf32, #tpu.memory_space<vmem>>, vector<1x16xf32>,
        %get3A_152 = arith.index_cast %scan3A_125 : i32 to index
        %get3A_153 = arith.constant 32 : index
        %get3A_154 = tpu.vector_load %arg10[%get3A_152, %get3A_153] {strides = array<i32>} : memref<128x128xf32, #tpu.memory_space<vmem>>, vector<1x16xf32>,
        %get3A_155 = vector.shape_cast %get3A_154 : vector<1x16xf32> to vector<16xf32>
        %get3A_156 = arith.index_cast %scan3A_125 : i32 to index
        %get3A_157 = arith.constant 32 : index
        %get3A_158 = tpu.vector_load %arg12[%get3A_156, %get3A_157] {strides = array<i32>} : memref<128x128xf32, #tpu.memory_space<vmem>>, vector<1x16xf32>,
        %get3A_159 = vector.shape_cast %get3A_158 : vector<1x16xf32> to vector<16xf32>
        %add3A_160 = arith.addf %get3A_155, %get3A_159 : vector<16xf32>
        %swap3A_161 = arith.index_cast %scan3A_125 : i32 to index
        %swap3A_162 = arith.constant 32 : index
        %swap3A_163 = tpu.vector_load %arg14[%swap3A_161, %swap3A_162] {strides = array<i32>} : memref<128x128xf32, #tpu.memory_space<vmem>>, vector<1x16xf32>,
        %swap3A_164 = vector.shape_cast %swap3A_163 : vector<1x16xf32> to vector<16xf32>
        %swap3A_165 = vector.shape_cast %add3A_160 : vector<16xf32> to vector<1x16xf32>
        tpu.vector_store %arg14[%swap3A_161, %swap3A_162], %swap3A_165 {strides = array<i32>} : memref<128x128xf32, #tpu.memory_space<vmem>>, vector<1x16xf32>,
        %get3A_166 = arith.index_cast %scan3A_125 : i32 to index
        %get3A_167 = arith.constant 48 : index
        %get3A_168 = tpu.vector_load %arg10[%get3A_166, %get3A_167] {strides = array<i32>} : memref<128x128xf32, #tpu.memory_space<vmem>>, vector<1x16xf32>,
        %get3A_169 = vector.shape_cast %get3A_168 : vector<1x16xf32> to vector<16xf32>
        %get3A_170 = arith.index_cast %scan3A_125 : i32 to index
        %get3A_171 = arith.constant 48 : index
        %get3A_172 = tpu.vector_load %arg12[%get3A_170, %get3A_171] {strides = array<i32>} : memref<128x128xf32, #tpu.memory_space<vmem>>, vector<1x16xf32>,
        %get3A_173 = vector.shape_cast %get3A_172 : vector<1x16xf32> to vector<16xf32>
        %add3A_174 = arith.addf %get3A_169, %get3A_173 : vector<16xf32>
        %swap3A_175 = arith.index_cast %scan3A_125 : i32 to index
        %swap3A_176 = arith.constant 48 : index
        %swap3A_177 = tpu.vector_load %arg14[%swap3A_175, %swap3A_176] {strides = array<i32>} : memref<128x128xf32, #tpu.memory_space<vmem>>, vector<1x16xf32>,
        %swap3A_178 = vector.shape_cast %swap3A_177 : vector<1x16xf32> to vector<16xf32>
        %swap3A_179 = vector.shape_cast %add3A_174 : vector<16xf32> to vector<1x16xf32>
        tpu.vector_store %arg14[%swap3A_175, %swap3A_176], %swap3A_179 {strides = array<i32>} : memref<128x128xf32, #tpu.memory_space<vmem>>, vector<1x16xf32>,
        %get3A_180 = arith.index_cast %scan3A_125 : i32 to index
        %get3A_181 = arith.constant 64 : index
        %get3A_182 = tpu.vector_load %arg10[%get3A_180, %get3A_181] {strides = array<i32>} : memref<128x128xf32, #tpu.memory_space<vmem>>, vector<1x16xf32>,
        %get3A_183 = vector.shape_cast %get3A_182 : vector<1x16xf32> to vector<16xf32>
        %get3A_184 = arith.index_cast %scan3A_125 : i32 to index
        %get3A_185 = arith.constant 64 : index
        %get3A_186 = tpu.vector_load %arg12[%get3A_184, %get3A_185] {strides = array<i32>} : memref<128x128xf32, #tpu.memory_space<vmem>>, vector<1x16xf32>,
        %get3A_187 = vector.shape_cast %get3A_186 : vector<1x16xf32> to vector<16xf32>
        %add3A_188 = arith.addf %get3A_183, %get3A_187 : vector<16xf32>
        %swap3A_189 = arith.index_cast %scan3A_125 : i32 to index
        %swap3A_190 = arith.constant 64 : index
        %swap3A_191 = tpu.vector_load %arg14[%swap3A_189, %swap3A_190] {strides = array<i32>} : memref<128x128xf32, #tpu.memory_space<vmem>>, vector<1x16xf32>,
        %swap3A_192 = vector.shape_cast %swap3A_191 : vector<1x16xf32> to vector<16xf32>
        %swap3A_193 = vector.shape_cast %add3A_188 : vector<16xf32> to vector<1x16xf32>
        tpu.vector_store %arg14[%swap3A_189, %swap3A_190], %swap3A_193 {strides = array<i32>} : memref<128x128xf32, #tpu.memory_space<vmem>>, vector<1x16xf32>,
        %get3A_194 = arith.index_cast %scan3A_125 : i32 to index
        %get3A_195 = arith.constant 80 : index
        %get3A_196 = tpu.vector_load %arg10[%get3A_194, %get3A_195] {strides = array<i32>} : memref<128x128xf32, #tpu.memory_space<vmem>>, vector<1x16xf32>,
        %get3A_197 = vector.shape_cast %get3A_196 : vector<1x16xf32> to vector<16xf32>
        %get3A_198 = arith.index_cast %scan3A_125 : i32 to index
        %get3A_199 = arith.constant 80 : index
        %get3A_200 = tpu.vector_load %arg12[%get3A_198, %get3A_199] {strides = array<i32>} : memref<128x128xf32, #tpu.memory_space<vmem>>, vector<1x16xf32>,
        %get3A_201 = vector.shape_cast %get3A_200 : vector<1x16xf32> to vector<16xf32>
        %add3A_202 = arith.addf %get3A_197, %get3A_201 : vector<16xf32>
        %swap3A_203 = arith.index_cast %scan3A_125 : i32 to index
        %swap3A_204 = arith.constant 80 : index
        %swap3A_205 = tpu.vector_load %arg14[%swap3A_203, %swap3A_204] {strides = array<i32>} : memref<128x128xf32, #tpu.memory_space<vmem>>, vector<1x16xf32>,
        %swap3A_206 = vector.shape_cast %swap3A_205 : vector<1x16xf32> to vector<16xf32>
        %swap3A_207 = vector.shape_cast %add3A_202 : vector<16xf32> to vector<1x16xf32>
        tpu.vector_store %arg14[%swap3A_203, %swap3A_204], %swap3A_207 {strides = array<i32>} : memref<128x128xf32, #tpu.memory_space<vmem>>, vector<1x16xf32>,
        %get3A_208 = arith.index_cast %scan3A_125 : i32 to index
        %get3A_209 = arith.constant 96 : index
        %get3A_210 = tpu.vector_load %arg10[%get3A_208, %get3A_209] {strides = array<i32>} : memref<128x128xf32, #tpu.memory_space<vmem>>, vector<1x16xf32>,
        %get3A_211 = vector.shape_cast %get3A_210 : vector<1x16xf32> to vector<16xf32>
        %get3A_212 = arith.index_cast %scan3A_125 : i32 to index
        %get3A_213 = arith.constant 96 : index
        %get3A_214 = tpu.vector_load %arg12[%get3A_212, %get3A_213] {strides = array<i32>} : memref<128x128xf32, #tpu.memory_space<vmem>>, vector<1x16xf32>,
        %get3A_215 = vector.shape_cast %get3A_214 : vector<1x16xf32> to vector<16xf32>
        %add3A_216 = arith.addf %get3A_211, %get3A_215 : vector<16xf32>
        %swap3A_217 = arith.index_cast %scan3A_125 : i32 to index
        %swap3A_218 = arith.constant 96 : index
        %swap3A_219 = tpu.vector_load %arg14[%swap3A_217, %swap3A_218] {strides = array<i32>} : memref<128x128xf32, #tpu.memory_space<vmem>>, vector<1x16xf32>,
        %swap3A_220 = vector.shape_cast %swap3A_219 : vector<1x16xf32> to vector<16xf32>
        %swap3A_221 = vector.shape_cast %add3A_216 : vector<16xf32> to vector<1x16xf32>
        tpu.vector_store %arg14[%swap3A_217, %swap3A_218], %swap3A_221 {strides = array<i32>} : memref<128x128xf32, #tpu.memory_space<vmem>>, vector<1x16xf32>,
        %get3A_222 = arith.index_cast %scan3A_125 : i32 to index
        %get3A_223 = arith.constant 112 : index
        %get3A_224 = tpu.vector_load %arg10[%get3A_222, %get3A_223] {strides = array<i32>} : memref<128x128xf32, #tpu.memory_space<vmem>>, vector<1x16xf32>,
        %get3A_225 = vector.shape_cast %get3A_224 : vector<1x16xf32> to vector<16xf32>
        %get3A_226 = arith.index_cast %scan3A_125 : i32 to index
        %get3A_227 = arith.constant 112 : index
        %get3A_228 = tpu.vector_load %arg12[%get3A_226, %get3A_227] {strides = array<i32>} : memref<128x128xf32, #tpu.memory_space<vmem>>, vector<1x16xf32>,
        %get3A_229 = vector.shape_cast %get3A_228 : vector<1x16xf32> to vector<16xf32>
        %add3A_230 = arith.addf %get3A_225, %get3A_229 : vector<16xf32>
        %swap3A_231 = arith.index_cast %scan3A_125 : i32 to index
        %swap3A_232 = arith.constant 112 : index
        %swap3A_233 = tpu.vector_load %arg14[%swap3A_231, %swap3A_232] {strides = array<i32>} : memref<128x128xf32, #tpu.memory_space<vmem>>, vector<1x16xf32>,
        %swap3A_234 = vector.shape_cast %swap3A_233 : vector<1x16xf32> to vector<16xf32>
        %swap3A_235 = vector.shape_cast %add3A_230 : vector<16xf32> to vector<1x16xf32>
        tpu.vector_store %arg14[%swap3A_231, %swap3A_232], %swap3A_235 {strides = array<i32>} : memref<128x128xf32, #tpu.memory_space<vmem>>, vector<1x16xf32>,
      }
      %scan3A_110 = arith.constant 128 : i32
      %mul3A_111 = arith.constant 128 : i32
      %mul3A_112 = arith.muli %add3A_87, %mul3A_111 : i32
      %add3A_113 = arith.addi %mul3A_2, %mul3A_112 : i32
      %dma_start3A_114 = arith.constant 0 : i32
      %dma_start3A_115 = tpu.memref_slice %arg6[%add3A_113, %dma_start3A_114] : memref<327680x128xf32, #tpu.memory_space<hbm>> -> memref<128x128xf32, #tpu.memory_space<hbm>>
      %dma_start3A_116 = arith.constant 0 : i32
      %dma_start3A_117 = tpu.memref_slice %arg6[%add3A_113, %dma_start3A_116] : memref<327680x128xf32, #tpu.memory_space<hbm>> -> memref<128x128xf32, #tpu.memory_space<hbm>>
      tpu.enqueue_dma source(%arg14 : memref<128x128xf32, #tpu.memory_space<vmem>>) target(%dma_start3A_117 : memref<128x128xf32, #tpu.memory_space<hbm>>) target_semaphore(%arg20 : memref<!tpu.dma_semaphore, #tpu.memory_space<semaphore_mem>>)
      %add3A_118 = arith.constant 2 : i32
      %add3A_119 = arith.addi %add3A_87, %add3A_118 : i32
      %lt3A_120 = arith.constant 80 : i32
      %lt3A_121 = arith.cmpi slt, %add3A_119, %lt3A_120 : i32
      %convert_element_type3A_122 = arith.extui %lt3A_121 : i1 to i32
      %cond3A_123 = arith.constant 0 : i32
      %cond3A_124 = arith.cmpi ne, %convert_element_type3A_122, %cond3A_123 : i32
      scf.if %cond3A_124 {
        %add3A_125 = arith.constant 2 : i32
        %add3A_126 = arith.addi %add3A_87, %add3A_125 : i32
        %dma_start3A_127 = arith.constant 0 : i32
        %dma_start3A_128 = tpu.memref_slice %arg7[%add3A_126, %dma_start3A_127] : memref<80x128xi32, #tpu.memory_space<vmem>> -> memref<1x128xi32, #tpu.memory_space<vmem>>
        %dma_start3A_129 = tpu.memref_squeeze %dma_start3A_128 : memref<1x128xi32, #tpu.memory_space<vmem>> -> memref<128xi32, #tpu.memory_space<vmem>>
        %dma_start3A_130 = arith.constant 0 : i32
        %dma_start3A_131 = arith.constant 0 : i32
        %dma_start3A_132 = tpu.memref_slice %arg2[%dma_start3A_130, %dma_start3A_131] : memref<10112x128xf32, #tpu.memory_space<hbm>> -> memref<10112x128xf32, #tpu.memory_space<hbm>>
        tpu.enqueue_indirect_dma source(%dma_start3A_132 : memref<10112x128xf32, #tpu.memory_space<hbm>>) target(%arg10 : memref<128x128xf32, #tpu.memory_space<vmem>>) offsets(%dma_start3A_129 : memref<128xi32, #tpu.memory_space<vmem>>) semaphore(%arg16 : memref<!tpu.dma_semaphore, #tpu.memory_space<semaphore_mem>>)
        %add3A_133 = arith.constant 2 : i32
        %add3A_134 = arith.addi %add3A_87, %add3A_133 : i32
        %dma_start3A_135 = arith.constant 0 : i32
        %dma_start3A_136 = tpu.memref_slice %arg8[%add3A_134, %dma_start3A_135] : memref<80x128xi32, #tpu.memory_space<vmem>> -> memref<1x128xi32, #tpu.memory_space<vmem>>
        %dma_start3A_137 = tpu.memref_squeeze %dma_start3A_136 : memref<1x128xi32, #tpu.memory_space<vmem>> -> memref<128xi32, #tpu.memory_space<vmem>>
        %dma_start3A_138 = arith.constant 0 : i32
        %dma_start3A_139 = arith.constant 0 : i32
        %dma_start3A_140 = tpu.memref_slice %arg3[%dma_start3A_138, %dma_start3A_139] : memref<10112x128xf32, #tpu.memory_space<hbm>> -> memref<10112x128xf32, #tpu.memory_space<hbm>>
        tpu.enqueue_indirect_dma source(%dma_start3A_140 : memref<10112x128xf32, #tpu.memory_space<hbm>>) target(%arg12 : memref<128x128xf32, #tpu.memory_space<vmem>>) offsets(%dma_start3A_137 : memref<128xi32, #tpu.memory_space<vmem>>) semaphore(%arg18 : memref<!tpu.dma_semaphore, #tpu.memory_space<semaphore_mem>>)
      } else {
      }
    }
    %scan3A_34 = arith.constant 40 : i32
    %add3A_35 = arith.constant 9984 : i32
    %add3A_36 = arith.addi %mul3A_2, %add3A_35 : i32
    %dma_wait3A = arith.constant 0 : i32
    %dma_wait3A_37 = tpu.memref_slice %arg6[%add3A_36, %dma_wait3A] : memref<327680x128xf32, #tpu.memory_space<hbm>> -> memref<128x128xf32, #tpu.memory_space<hbm>>
    %dma_wait3A_38 = arith.constant 0 : i32
    %dma_wait3A_39 = tpu.memref_slice %arg6[%add3A_36, %dma_wait3A_38] : memref<327680x128xf32, #tpu.memory_space<hbm>> -> memref<128x128xf32, #tpu.memory_space<hbm>>
    tpu.wait_dma2 semaphore(%arg19 : memref<!tpu.dma_semaphore, #tpu.memory_space<semaphore_mem>>) src(%arg13 : memref<128x128xf32, #tpu.memory_space<vmem>>) dst(%dma_wait3A_39 : memref<128x128xf32, #tpu.memory_space<hbm>>)
    %add3A_40 = arith.constant 10112 : i32
    %add3A_41 = arith.addi %mul3A_2, %add3A_40 : i32
    %dma_wait3A_42 = arith.constant 0 : i32
    %dma_wait3A_43 = tpu.memref_slice %arg6[%add3A_41, %dma_wait3A_42] : memref<327680x128xf32, #tpu.memory_space<hbm>> -> memref<128x128xf32, #tpu.memory_space<hbm>>
    %dma_wait3A_44 = arith.constant 0 : i32
    %dma_wait3A_45 = tpu.memref_slice %arg6[%add3A_41, %dma_wait3A_44] : memref<327680x128xf32, #tpu.memory_space<hbm>> -> memref<128x128xf32, #tpu.memory_space<hbm>>
    tpu.wait_dma2 semaphore(%arg20 : memref<!tpu.dma_semaphore, #tpu.memory_space<semaphore_mem>>) src(%arg14 : memref<128x128xf32, #tpu.memory_space<vmem>>) dst(%dma_wait3A_45 : memref<128x128xf32, #tpu.memory_space<hbm>>)
    return
  }
}

#map = affine_map<(d0, d1) -> (0, 0)>
#map1 = affine_map<(d0, d1) -> (0, 0, 0)>
#map2 = affine_map<(d0, d1) -> (0, 0, 0, 0)>
module attributes {stable_mosaic.version = 14 : i64} {
  func.func @_conv_scatter_kernel(%arg0: i32, %arg1: i32, %arg2: memref<10112x64xf32, #tpu.memory_space<hbm>>, %arg3: memref<10112x64xf32, #tpu.memory_space<hbm>>, %arg4: memref<32x80x128xi32, #tpu.memory_space<hbm>>, %arg5: memref<32x80x128xi32, #tpu.memory_space<hbm>>, %arg6: memref<10112x64xf32, #tpu.memory_space<hbm>>, %arg7: memref<2x2x10112x64xf32, #tpu.memory_space<hbm>>, %arg8: memref<80x128xi32, #tpu.memory_space<vmem>>, %arg9: memref<80x128xi32, #tpu.memory_space<vmem>>, %arg10: memref<128x64xf32, #tpu.memory_space<vmem>>, %arg11: memref<128x64xf32, #tpu.memory_space<vmem>>, %arg12: memref<128x64xf32, #tpu.memory_space<vmem>>, %arg13: memref<128x64xf32, #tpu.memory_space<vmem>>, %arg14: memref<10112x64xf32, #tpu.memory_space<vmem_shared>>, %arg15: memref<!tpu.dma_semaphore, #tpu.memory_space<semaphore_mem>>, %arg16: memref<!tpu.dma_semaphore, #tpu.memory_space<semaphore_mem>>, %arg17: memref<!tpu.dma_semaphore, #tpu.memory_space<semaphore_mem>>, %arg18: memref<!tpu.dma_semaphore, #tpu.memory_space<semaphore_mem>>) attributes {dimension_semantics = [#tpu.dimension_semantics<core_parallel>, #tpu.dimension_semantics<subcore_parallel>], iteration_bounds = array<i64: 2, 16>, scalar_prefetch = 0 : i64, scratch_operands = 11 : i64, tpu.core_type = #tpu.core_type<sc_vector_subcore>, window_params = [{transform_indices = #map}, {transform_indices = #map}, {transform_indices = #map1}, {transform_indices = #map1}, {transform_indices = #map}, {transform_indices = #map2}]} {
    %mul3A = arith.constant 632 : i32
    %mul3A_0 = arith.muli %arg1, %mul3A : i32
    %mul3A_1 = arith.constant 2 : i32
    %mul3A_2 = arith.muli %arg1, %mul3A_1 : i32
    %add3A = arith.addi %mul3A_2, %arg0 : i32
    "tpu.region"() ({
      %run_scoped3A_73 = tpu.sem_alloc : memref<!tpu.dma_semaphore, #tpu.memory_space<semaphore_mem>>
      %dma_start3A_74 = arith.constant 0 : i32
      %dma_start3A_75 = arith.constant 0 : i32
      %dma_start3A_76 = tpu.memref_slice %arg4[%add3A, %dma_start3A_74, %dma_start3A_75] : memref<32x80x128xi32, #tpu.memory_space<hbm>> -> memref<1x80x128xi32, #tpu.memory_space<hbm>>
      %dma_start3A_77 = tpu.memref_squeeze %dma_start3A_76 : memref<1x80x128xi32, #tpu.memory_space<hbm>> -> memref<80x128xi32, #tpu.memory_space<hbm>>
      %dma_start3A_78 = arith.constant 0 : i32
      %dma_start3A_79 = arith.constant 0 : i32
      %dma_start3A_80 = tpu.memref_slice %arg4[%add3A, %dma_start3A_78, %dma_start3A_79] : memref<32x80x128xi32, #tpu.memory_space<hbm>> -> memref<1x80x128xi32, #tpu.memory_space<hbm>>
      %dma_start3A_81 = tpu.memref_squeeze %dma_start3A_80 : memref<1x80x128xi32, #tpu.memory_space<hbm>> -> memref<80x128xi32, #tpu.memory_space<hbm>>
      tpu.enqueue_dma source(%dma_start3A_81 : memref<80x128xi32, #tpu.memory_space<hbm>>) target(%arg8 : memref<80x128xi32, #tpu.memory_space<vmem>>) target_semaphore(%run_scoped3A_73 : memref<!tpu.dma_semaphore, #tpu.memory_space<semaphore_mem>>)
      %dma_wait3A = arith.constant 0 : i32
      %dma_wait3A_82 = arith.constant 0 : i32
      %dma_wait3A_83 = tpu.memref_slice %arg4[%add3A, %dma_wait3A, %dma_wait3A_82] : memref<32x80x128xi32, #tpu.memory_space<hbm>> -> memref<1x80x128xi32, #tpu.memory_space<hbm>>
      %dma_wait3A_84 = tpu.memref_squeeze %dma_wait3A_83 : memref<1x80x128xi32, #tpu.memory_space<hbm>> -> memref<80x128xi32, #tpu.memory_space<hbm>>
      %dma_wait3A_85 = arith.constant 0 : i32
      %dma_wait3A_86 = arith.constant 0 : i32
      %dma_wait3A_87 = tpu.memref_slice %arg4[%add3A, %dma_wait3A_85, %dma_wait3A_86] : memref<32x80x128xi32, #tpu.memory_space<hbm>> -> memref<1x80x128xi32, #tpu.memory_space<hbm>>
      %dma_wait3A_88 = tpu.memref_squeeze %dma_wait3A_87 : memref<1x80x128xi32, #tpu.memory_space<hbm>> -> memref<80x128xi32, #tpu.memory_space<hbm>>
      tpu.wait_dma2 semaphore(%run_scoped3A_73 : memref<!tpu.dma_semaphore, #tpu.memory_space<semaphore_mem>>) src(%dma_wait3A_88 : memref<80x128xi32, #tpu.memory_space<hbm>>) dst(%arg8 : memref<80x128xi32, #tpu.memory_space<vmem>>)
      tpu.yield
    }) : () -> ()
    "tpu.region"() ({
      %run_scoped3A_73 = tpu.sem_alloc : memref<!tpu.dma_semaphore, #tpu.memory_space<semaphore_mem>>
      %dma_start3A_74 = arith.constant 0 : i32
      %dma_start3A_75 = arith.constant 0 : i32
      %dma_start3A_76 = tpu.memref_slice %arg5[%add3A, %dma_start3A_74, %dma_start3A_75] : memref<32x80x128xi32, #tpu.memory_space<hbm>> -> memref<1x80x128xi32, #tpu.memory_space<hbm>>
      %dma_start3A_77 = tpu.memref_squeeze %dma_start3A_76 : memref<1x80x128xi32, #tpu.memory_space<hbm>> -> memref<80x128xi32, #tpu.memory_space<hbm>>
      %dma_start3A_78 = arith.constant 0 : i32
      %dma_start3A_79 = arith.constant 0 : i32
      %dma_start3A_80 = tpu.memref_slice %arg5[%add3A, %dma_start3A_78, %dma_start3A_79] : memref<32x80x128xi32, #tpu.memory_space<hbm>> -> memref<1x80x128xi32, #tpu.memory_space<hbm>>
      %dma_start3A_81 = tpu.memref_squeeze %dma_start3A_80 : memref<1x80x128xi32, #tpu.memory_space<hbm>> -> memref<80x128xi32, #tpu.memory_space<hbm>>
      tpu.enqueue_dma source(%dma_start3A_81 : memref<80x128xi32, #tpu.memory_space<hbm>>) target(%arg9 : memref<80x128xi32, #tpu.memory_space<vmem>>) target_semaphore(%run_scoped3A_73 : memref<!tpu.dma_semaphore, #tpu.memory_space<semaphore_mem>>)
      %dma_wait3A = arith.constant 0 : i32
      %dma_wait3A_82 = arith.constant 0 : i32
      %dma_wait3A_83 = tpu.memref_slice %arg5[%add3A, %dma_wait3A, %dma_wait3A_82] : memref<32x80x128xi32, #tpu.memory_space<hbm>> -> memref<1x80x128xi32, #tpu.memory_space<hbm>>
      %dma_wait3A_84 = tpu.memref_squeeze %dma_wait3A_83 : memref<1x80x128xi32, #tpu.memory_space<hbm>> -> memref<80x128xi32, #tpu.memory_space<hbm>>
      %dma_wait3A_85 = arith.constant 0 : i32
      %dma_wait3A_86 = arith.constant 0 : i32
      %dma_wait3A_87 = tpu.memref_slice %arg5[%add3A, %dma_wait3A_85, %dma_wait3A_86] : memref<32x80x128xi32, #tpu.memory_space<hbm>> -> memref<1x80x128xi32, #tpu.memory_space<hbm>>
      %dma_wait3A_88 = tpu.memref_squeeze %dma_wait3A_87 : memref<1x80x128xi32, #tpu.memory_space<hbm>> -> memref<80x128xi32, #tpu.memory_space<hbm>>
      tpu.wait_dma2 semaphore(%run_scoped3A_73 : memref<!tpu.dma_semaphore, #tpu.memory_space<semaphore_mem>>) src(%dma_wait3A_88 : memref<80x128xi32, #tpu.memory_space<hbm>>) dst(%arg9 : memref<80x128xi32, #tpu.memory_space<vmem>>)
      tpu.yield
    }) : () -> ()
    "tpu.region"() ({
      %run_scoped3A_73 = tpu.sem_alloc : memref<!tpu.dma_semaphore, #tpu.memory_space<semaphore_mem>>
      %dma_start3A_74 = arith.constant 0 : i32
      %dma_start3A_75 = tpu.memref_slice %arg14[%mul3A_0, %dma_start3A_74] : memref<10112x64xf32, #tpu.memory_space<vmem_shared>> -> memref<632x64xf32, #tpu.memory_space<vmem_shared>>
      %dma_start3A_76 = arith.constant 0 : i32
      %dma_start3A_77 = tpu.memref_slice %arg6[%mul3A_0, %dma_start3A_76] : memref<10112x64xf32, #tpu.memory_space<hbm>> -> memref<632x64xf32, #tpu.memory_space<hbm>>
      tpu.enqueue_dma source(%dma_start3A_77 : memref<632x64xf32, #tpu.memory_space<hbm>>) target(%dma_start3A_75 : memref<632x64xf32, #tpu.memory_space<vmem_shared>>) target_semaphore(%run_scoped3A_73 : memref<!tpu.dma_semaphore, #tpu.memory_space<semaphore_mem>>)
      %dma_wait3A = arith.constant 0 : i32
      %dma_wait3A_78 = tpu.memref_slice %arg14[%mul3A_0, %dma_wait3A] : memref<10112x64xf32, #tpu.memory_space<vmem_shared>> -> memref<632x64xf32, #tpu.memory_space<vmem_shared>>
      %dma_wait3A_79 = arith.constant 0 : i32
      %dma_wait3A_80 = tpu.memref_slice %arg6[%mul3A_0, %dma_wait3A_79] : memref<10112x64xf32, #tpu.memory_space<hbm>> -> memref<632x64xf32, #tpu.memory_space<hbm>>
      tpu.wait_dma2 semaphore(%run_scoped3A_73 : memref<!tpu.dma_semaphore, #tpu.memory_space<semaphore_mem>>) src(%dma_wait3A_80 : memref<632x64xf32, #tpu.memory_space<hbm>>) dst(%dma_wait3A_78 : memref<632x64xf32, #tpu.memory_space<vmem_shared>>)
      tpu.yield
    }) : () -> ()
    %barrier3A = arith.constant 0 : index
    tpu.barrier barrier_id(%barrier3A)
    %dma_start3A = arith.constant 0 : i32
    %dma_start3A_3 = arith.constant 0 : i32
    %dma_start3A_4 = tpu.memref_slice %arg8[%dma_start3A, %dma_start3A_3] : memref<80x128xi32, #tpu.memory_space<vmem>> -> memref<1x128xi32, #tpu.memory_space<vmem>>
    %dma_start3A_5 = tpu.memref_squeeze %dma_start3A_4 : memref<1x128xi32, #tpu.memory_space<vmem>> -> memref<128xi32, #tpu.memory_space<vmem>>
    %dma_start3A_6 = arith.constant 0 : i32
    %dma_start3A_7 = arith.constant 0 : i32
    %dma_start3A_8 = tpu.memref_slice %arg2[%dma_start3A_6, %dma_start3A_7] : memref<10112x64xf32, #tpu.memory_space<hbm>> -> memref<10112x64xf32, #tpu.memory_space<hbm>>
    tpu.enqueue_indirect_dma source(%dma_start3A_8 : memref<10112x64xf32, #tpu.memory_space<hbm>>) target(%arg10 : memref<128x64xf32, #tpu.memory_space<vmem>>) offsets(%dma_start3A_5 : memref<128xi32, #tpu.memory_space<vmem>>) semaphore(%arg15 : memref<!tpu.dma_semaphore, #tpu.memory_space<semaphore_mem>>)
    %dma_start3A_9 = arith.constant 1 : i32
    %dma_start3A_10 = arith.constant 0 : i32
    %dma_start3A_11 = tpu.memref_slice %arg8[%dma_start3A_9, %dma_start3A_10] : memref<80x128xi32, #tpu.memory_space<vmem>> -> memref<1x128xi32, #tpu.memory_space<vmem>>
    %dma_start3A_12 = tpu.memref_squeeze %dma_start3A_11 : memref<1x128xi32, #tpu.memory_space<vmem>> -> memref<128xi32, #tpu.memory_space<vmem>>
    %dma_start3A_13 = arith.constant 0 : i32
    %dma_start3A_14 = arith.constant 0 : i32
    %dma_start3A_15 = tpu.memref_slice %arg2[%dma_start3A_13, %dma_start3A_14] : memref<10112x64xf32, #tpu.memory_space<hbm>> -> memref<10112x64xf32, #tpu.memory_space<hbm>>
    tpu.enqueue_indirect_dma source(%dma_start3A_15 : memref<10112x64xf32, #tpu.memory_space<hbm>>) target(%arg11 : memref<128x64xf32, #tpu.memory_space<vmem>>) offsets(%dma_start3A_12 : memref<128xi32, #tpu.memory_space<vmem>>) semaphore(%arg16 : memref<!tpu.dma_semaphore, #tpu.memory_space<semaphore_mem>>)
    %dma_start3A_16 = arith.constant 2 : i32
    %dma_start3A_17 = arith.constant 0 : i32
    %dma_start3A_18 = tpu.memref_slice %arg8[%dma_start3A_16, %dma_start3A_17] : memref<80x128xi32, #tpu.memory_space<vmem>> -> memref<1x128xi32, #tpu.memory_space<vmem>>
    %dma_start3A_19 = tpu.memref_squeeze %dma_start3A_18 : memref<1x128xi32, #tpu.memory_space<vmem>> -> memref<128xi32, #tpu.memory_space<vmem>>
    %dma_start3A_20 = arith.constant 0 : i32
    %dma_start3A_21 = arith.constant 0 : i32
    %dma_start3A_22 = tpu.memref_slice %arg2[%dma_start3A_20, %dma_start3A_21] : memref<10112x64xf32, #tpu.memory_space<hbm>> -> memref<10112x64xf32, #tpu.memory_space<hbm>>
    tpu.enqueue_indirect_dma source(%dma_start3A_22 : memref<10112x64xf32, #tpu.memory_space<hbm>>) target(%arg12 : memref<128x64xf32, #tpu.memory_space<vmem>>) offsets(%dma_start3A_19 : memref<128xi32, #tpu.memory_space<vmem>>) semaphore(%arg17 : memref<!tpu.dma_semaphore, #tpu.memory_space<semaphore_mem>>)
    %dma_start3A_23 = arith.constant 3 : i32
    %dma_start3A_24 = arith.constant 0 : i32
    %dma_start3A_25 = tpu.memref_slice %arg8[%dma_start3A_23, %dma_start3A_24] : memref<80x128xi32, #tpu.memory_space<vmem>> -> memref<1x128xi32, #tpu.memory_space<vmem>>
    %dma_start3A_26 = tpu.memref_squeeze %dma_start3A_25 : memref<1x128xi32, #tpu.memory_space<vmem>> -> memref<128xi32, #tpu.memory_space<vmem>>
    %dma_start3A_27 = arith.constant 0 : i32
    %dma_start3A_28 = arith.constant 0 : i32
    %dma_start3A_29 = tpu.memref_slice %arg2[%dma_start3A_27, %dma_start3A_28] : memref<10112x64xf32, #tpu.memory_space<hbm>> -> memref<10112x64xf32, #tpu.memory_space<hbm>>
    tpu.enqueue_indirect_dma source(%dma_start3A_29 : memref<10112x64xf32, #tpu.memory_space<hbm>>) target(%arg13 : memref<128x64xf32, #tpu.memory_space<vmem>>) offsets(%dma_start3A_26 : memref<128xi32, #tpu.memory_space<vmem>>) semaphore(%arg18 : memref<!tpu.dma_semaphore, #tpu.memory_space<semaphore_mem>>)
    %scan3A = arith.constant 0 : i32
    %scan3A_30 = arith.constant 0 : i32
    %scan3A_31 = arith.constant 20 : i32
    %scan3A_32 = arith.addi %scan3A_30, %scan3A_31 : i32
    %scan3A_33 = arith.constant 1 : i32
    scf.for %scan3A_73 = %scan3A_30 to %scan3A_32 step %scan3A_33  : i32 {
      %mul3A_74 = arith.constant 4 : i32
      %mul3A_75 = arith.muli %scan3A_73, %mul3A_74 : i32
      %add3A_76 = arith.constant 0 : i32
      %add3A_77 = arith.addi %mul3A_75, %add3A_76 : i32
      %dma_wait3A = arith.constant 0 : i32
      %dma_wait3A_78 = tpu.memref_slice %arg8[%add3A_77, %dma_wait3A] : memref<80x128xi32, #tpu.memory_space<vmem>> -> memref<1x128xi32, #tpu.memory_space<vmem>>
      %dma_wait3A_79 = tpu.memref_squeeze %dma_wait3A_78 : memref<1x128xi32, #tpu.memory_space<vmem>> -> memref<128xi32, #tpu.memory_space<vmem>>
      %dma_wait3A_80 = arith.constant 0 : i32
      %dma_wait3A_81 = arith.constant 0 : i32
      %dma_wait3A_82 = tpu.memref_slice %arg2[%dma_wait3A_80, %dma_wait3A_81] : memref<10112x64xf32, #tpu.memory_space<hbm>> -> memref<10112x64xf32, #tpu.memory_space<hbm>>
      tpu.wait_indirect_dma semaphore(%arg15 : memref<!tpu.dma_semaphore, #tpu.memory_space<semaphore_mem>>) src(%dma_wait3A_82 : memref<10112x64xf32, #tpu.memory_space<hbm>>) dst(%arg10 : memref<128x64xf32, #tpu.memory_space<vmem>>)
      "tpu.region"() ({
        %run_scoped3A_138 = tpu.sem_alloc : memref<!tpu.dma_semaphore, #tpu.memory_space<semaphore_mem>>
        %dma_start3A_139 = arith.constant 0 : i32
        %dma_start3A_140 = tpu.memref_slice %arg9[%add3A_77, %dma_start3A_139] : memref<80x128xi32, #tpu.memory_space<vmem>> -> memref<1x128xi32, #tpu.memory_space<vmem>>
        %dma_start3A_141 = tpu.memref_squeeze %dma_start3A_140 : memref<1x128xi32, #tpu.memory_space<vmem>> -> memref<128xi32, #tpu.memory_space<vmem>>
        %dma_start3A_142 = arith.constant 0 : i32
        %dma_start3A_143 = arith.constant 0 : i32
        %dma_start3A_144 = tpu.memref_slice %arg14[%dma_start3A_142, %dma_start3A_143] : memref<10112x64xf32, #tpu.memory_space<vmem_shared>> -> memref<10112x64xf32, #tpu.memory_space<vmem_shared>>
        tpu.enqueue_indirect_dma source(%arg10 : memref<128x64xf32, #tpu.memory_space<vmem>>) target(%dma_start3A_144 : memref<10112x64xf32, #tpu.memory_space<vmem_shared>>) offsets(%dma_start3A_141 : memref<128xi32, #tpu.memory_space<vmem>>) semaphore(%run_scoped3A_138 : memref<!tpu.dma_semaphore, #tpu.memory_space<semaphore_mem>>) {add = true}
        %dma_wait3A_145 = arith.constant 0 : i32
        %dma_wait3A_146 = tpu.memref_slice %arg9[%add3A_77, %dma_wait3A_145] : memref<80x128xi32, #tpu.memory_space<vmem>> -> memref<1x128xi32, #tpu.memory_space<vmem>>
        %dma_wait3A_147 = tpu.memref_squeeze %dma_wait3A_146 : memref<1x128xi32, #tpu.memory_space<vmem>> -> memref<128xi32, #tpu.memory_space<vmem>>
        %dma_wait3A_148 = arith.constant 0 : i32
        %dma_wait3A_149 = arith.constant 0 : i32
        %dma_wait3A_150 = tpu.memref_slice %arg14[%dma_wait3A_148, %dma_wait3A_149] : memref<10112x64xf32, #tpu.memory_space<vmem_shared>> -> memref<10112x64xf32, #tpu.memory_space<vmem_shared>>
        tpu.wait_indirect_dma semaphore(%run_scoped3A_138 : memref<!tpu.dma_semaphore, #tpu.memory_space<semaphore_mem>>) src(%arg10 : memref<128x64xf32, #tpu.memory_space<vmem>>) dst(%dma_wait3A_150 : memref<10112x64xf32, #tpu.memory_space<vmem_shared>>)
        tpu.yield
      }) : () -> ()
      %add3A_83 = arith.constant 4 : i32
      %add3A_84 = arith.addi %add3A_77, %add3A_83 : i32
      %lt3A = arith.constant 80 : i32
      %lt3A_85 = arith.cmpi slt, %add3A_84, %lt3A : i32
      %convert_element_type3A = arith.extui %lt3A_85 : i1 to i32
      %cond3A = arith.constant 0 : i32
      %cond3A_86 = arith.cmpi ne, %convert_element_type3A, %cond3A : i32
      scf.if %cond3A_86 {
        %add3A_138 = arith.constant 4 : i32
        %add3A_139 = arith.addi %add3A_77, %add3A_138 : i32
        %dma_start3A_140 = arith.constant 0 : i32
        %dma_start3A_141 = tpu.memref_slice %arg8[%add3A_139, %dma_start3A_140] : memref<80x128xi32, #tpu.memory_space<vmem>> -> memref<1x128xi32, #tpu.memory_space<vmem>>
        %dma_start3A_142 = tpu.memref_squeeze %dma_start3A_141 : memref<1x128xi32, #tpu.memory_space<vmem>> -> memref<128xi32, #tpu.memory_space<vmem>>
        %dma_start3A_143 = arith.constant 0 : i32
        %dma_start3A_144 = arith.constant 0 : i32
        %dma_start3A_145 = tpu.memref_slice %arg2[%dma_start3A_143, %dma_start3A_144] : memref<10112x64xf32, #tpu.memory_space<hbm>> -> memref<10112x64xf32, #tpu.memory_space<hbm>>
        tpu.enqueue_indirect_dma source(%dma_start3A_145 : memref<10112x64xf32, #tpu.memory_space<hbm>>) target(%arg10 : memref<128x64xf32, #tpu.memory_space<vmem>>) offsets(%dma_start3A_142 : memref<128xi32, #tpu.memory_space<vmem>>) semaphore(%arg15 : memref<!tpu.dma_semaphore, #tpu.memory_space<semaphore_mem>>)
      } else {
      }
      %mul3A_87 = arith.constant 4 : i32
      %mul3A_88 = arith.muli %scan3A_73, %mul3A_87 : i32
      %add3A_89 = arith.constant 1 : i32
      %add3A_90 = arith.addi %mul3A_88, %add3A_89 : i32
      %dma_wait3A_91 = arith.constant 0 : i32
      %dma_wait3A_92 = tpu.memref_slice %arg8[%add3A_90, %dma_wait3A_91] : memref<80x128xi32, #tpu.memory_space<vmem>> -> memref<1x128xi32, #tpu.memory_space<vmem>>
      %dma_wait3A_93 = tpu.memref_squeeze %dma_wait3A_92 : memref<1x128xi32, #tpu.memory_space<vmem>> -> memref<128xi32, #tpu.memory_space<vmem>>
      %dma_wait3A_94 = arith.constant 0 : i32
      %dma_wait3A_95 = arith.constant 0 : i32
      %dma_wait3A_96 = tpu.memref_slice %arg2[%dma_wait3A_94, %dma_wait3A_95] : memref<10112x64xf32, #tpu.memory_space<hbm>> -> memref<10112x64xf32, #tpu.memory_space<hbm>>
      tpu.wait_indirect_dma semaphore(%arg16 : memref<!tpu.dma_semaphore, #tpu.memory_space<semaphore_mem>>) src(%dma_wait3A_96 : memref<10112x64xf32, #tpu.memory_space<hbm>>) dst(%arg11 : memref<128x64xf32, #tpu.memory_space<vmem>>)
      "tpu.region"() ({
        %run_scoped3A_138 = tpu.sem_alloc : memref<!tpu.dma_semaphore, #tpu.memory_space<semaphore_mem>>
        %dma_start3A_139 = arith.constant 0 : i32
        %dma_start3A_140 = tpu.memref_slice %arg9[%add3A_90, %dma_start3A_139] : memref<80x128xi32, #tpu.memory_space<vmem>> -> memref<1x128xi32, #tpu.memory_space<vmem>>
        %dma_start3A_141 = tpu.memref_squeeze %dma_start3A_140 : memref<1x128xi32, #tpu.memory_space<vmem>> -> memref<128xi32, #tpu.memory_space<vmem>>
        %dma_start3A_142 = arith.constant 0 : i32
        %dma_start3A_143 = arith.constant 0 : i32
        %dma_start3A_144 = tpu.memref_slice %arg14[%dma_start3A_142, %dma_start3A_143] : memref<10112x64xf32, #tpu.memory_space<vmem_shared>> -> memref<10112x64xf32, #tpu.memory_space<vmem_shared>>
        tpu.enqueue_indirect_dma source(%arg11 : memref<128x64xf32, #tpu.memory_space<vmem>>) target(%dma_start3A_144 : memref<10112x64xf32, #tpu.memory_space<vmem_shared>>) offsets(%dma_start3A_141 : memref<128xi32, #tpu.memory_space<vmem>>) semaphore(%run_scoped3A_138 : memref<!tpu.dma_semaphore, #tpu.memory_space<semaphore_mem>>) {add = true}
        %dma_wait3A_145 = arith.constant 0 : i32
        %dma_wait3A_146 = tpu.memref_slice %arg9[%add3A_90, %dma_wait3A_145] : memref<80x128xi32, #tpu.memory_space<vmem>> -> memref<1x128xi32, #tpu.memory_space<vmem>>
        %dma_wait3A_147 = tpu.memref_squeeze %dma_wait3A_146 : memref<1x128xi32, #tpu.memory_space<vmem>> -> memref<128xi32, #tpu.memory_space<vmem>>
        %dma_wait3A_148 = arith.constant 0 : i32
        %dma_wait3A_149 = arith.constant 0 : i32
        %dma_wait3A_150 = tpu.memref_slice %arg14[%dma_wait3A_148, %dma_wait3A_149] : memref<10112x64xf32, #tpu.memory_space<vmem_shared>> -> memref<10112x64xf32, #tpu.memory_space<vmem_shared>>
        tpu.wait_indirect_dma semaphore(%run_scoped3A_138 : memref<!tpu.dma_semaphore, #tpu.memory_space<semaphore_mem>>) src(%arg11 : memref<128x64xf32, #tpu.memory_space<vmem>>) dst(%dma_wait3A_150 : memref<10112x64xf32, #tpu.memory_space<vmem_shared>>)
        tpu.yield
      }) : () -> ()
      %add3A_97 = arith.constant 4 : i32
      %add3A_98 = arith.addi %add3A_90, %add3A_97 : i32
      %lt3A_99 = arith.constant 80 : i32
      %lt3A_100 = arith.cmpi slt, %add3A_98, %lt3A_99 : i32
      %convert_element_type3A_101 = arith.extui %lt3A_100 : i1 to i32
      %cond3A_102 = arith.constant 0 : i32
      %cond3A_103 = arith.cmpi ne, %convert_element_type3A_101, %cond3A_102 : i32
      scf.if %cond3A_103 {
        %add3A_138 = arith.constant 4 : i32
        %add3A_139 = arith.addi %add3A_90, %add3A_138 : i32
        %dma_start3A_140 = arith.constant 0 : i32
        %dma_start3A_141 = tpu.memref_slice %arg8[%add3A_139, %dma_start3A_140] : memref<80x128xi32, #tpu.memory_space<vmem>> -> memref<1x128xi32, #tpu.memory_space<vmem>>
        %dma_start3A_142 = tpu.memref_squeeze %dma_start3A_141 : memref<1x128xi32, #tpu.memory_space<vmem>> -> memref<128xi32, #tpu.memory_space<vmem>>
        %dma_start3A_143 = arith.constant 0 : i32
        %dma_start3A_144 = arith.constant 0 : i32
        %dma_start3A_145 = tpu.memref_slice %arg2[%dma_start3A_143, %dma_start3A_144] : memref<10112x64xf32, #tpu.memory_space<hbm>> -> memref<10112x64xf32, #tpu.memory_space<hbm>>
        tpu.enqueue_indirect_dma source(%dma_start3A_145 : memref<10112x64xf32, #tpu.memory_space<hbm>>) target(%arg11 : memref<128x64xf32, #tpu.memory_space<vmem>>) offsets(%dma_start3A_142 : memref<128xi32, #tpu.memory_space<vmem>>) semaphore(%arg16 : memref<!tpu.dma_semaphore, #tpu.memory_space<semaphore_mem>>)
      } else {
      }
      %mul3A_104 = arith.constant 4 : i32
      %mul3A_105 = arith.muli %scan3A_73, %mul3A_104 : i32
      %add3A_106 = arith.constant 2 : i32
      %add3A_107 = arith.addi %mul3A_105, %add3A_106 : i32
      %dma_wait3A_108 = arith.constant 0 : i32
      %dma_wait3A_109 = tpu.memref_slice %arg8[%add3A_107, %dma_wait3A_108] : memref<80x128xi32, #tpu.memory_space<vmem>> -> memref<1x128xi32, #tpu.memory_space<vmem>>
      %dma_wait3A_110 = tpu.memref_squeeze %dma_wait3A_109 : memref<1x128xi32, #tpu.memory_space<vmem>> -> memref<128xi32, #tpu.memory_space<vmem>>
      %dma_wait3A_111 = arith.constant 0 : i32
      %dma_wait3A_112 = arith.constant 0 : i32
      %dma_wait3A_113 = tpu.memref_slice %arg2[%dma_wait3A_111, %dma_wait3A_112] : memref<10112x64xf32, #tpu.memory_space<hbm>> -> memref<10112x64xf32, #tpu.memory_space<hbm>>
      tpu.wait_indirect_dma semaphore(%arg17 : memref<!tpu.dma_semaphore, #tpu.memory_space<semaphore_mem>>) src(%dma_wait3A_113 : memref<10112x64xf32, #tpu.memory_space<hbm>>) dst(%arg12 : memref<128x64xf32, #tpu.memory_space<vmem>>)
      "tpu.region"() ({
        %run_scoped3A_138 = tpu.sem_alloc : memref<!tpu.dma_semaphore, #tpu.memory_space<semaphore_mem>>
        %dma_start3A_139 = arith.constant 0 : i32
        %dma_start3A_140 = tpu.memref_slice %arg9[%add3A_107, %dma_start3A_139] : memref<80x128xi32, #tpu.memory_space<vmem>> -> memref<1x128xi32, #tpu.memory_space<vmem>>
        %dma_start3A_141 = tpu.memref_squeeze %dma_start3A_140 : memref<1x128xi32, #tpu.memory_space<vmem>> -> memref<128xi32, #tpu.memory_space<vmem>>
        %dma_start3A_142 = arith.constant 0 : i32
        %dma_start3A_143 = arith.constant 0 : i32
        %dma_start3A_144 = tpu.memref_slice %arg14[%dma_start3A_142, %dma_start3A_143] : memref<10112x64xf32, #tpu.memory_space<vmem_shared>> -> memref<10112x64xf32, #tpu.memory_space<vmem_shared>>
        tpu.enqueue_indirect_dma source(%arg12 : memref<128x64xf32, #tpu.memory_space<vmem>>) target(%dma_start3A_144 : memref<10112x64xf32, #tpu.memory_space<vmem_shared>>) offsets(%dma_start3A_141 : memref<128xi32, #tpu.memory_space<vmem>>) semaphore(%run_scoped3A_138 : memref<!tpu.dma_semaphore, #tpu.memory_space<semaphore_mem>>) {add = true}
        %dma_wait3A_145 = arith.constant 0 : i32
        %dma_wait3A_146 = tpu.memref_slice %arg9[%add3A_107, %dma_wait3A_145] : memref<80x128xi32, #tpu.memory_space<vmem>> -> memref<1x128xi32, #tpu.memory_space<vmem>>
        %dma_wait3A_147 = tpu.memref_squeeze %dma_wait3A_146 : memref<1x128xi32, #tpu.memory_space<vmem>> -> memref<128xi32, #tpu.memory_space<vmem>>
        %dma_wait3A_148 = arith.constant 0 : i32
        %dma_wait3A_149 = arith.constant 0 : i32
        %dma_wait3A_150 = tpu.memref_slice %arg14[%dma_wait3A_148, %dma_wait3A_149] : memref<10112x64xf32, #tpu.memory_space<vmem_shared>> -> memref<10112x64xf32, #tpu.memory_space<vmem_shared>>
        tpu.wait_indirect_dma semaphore(%run_scoped3A_138 : memref<!tpu.dma_semaphore, #tpu.memory_space<semaphore_mem>>) src(%arg12 : memref<128x64xf32, #tpu.memory_space<vmem>>) dst(%dma_wait3A_150 : memref<10112x64xf32, #tpu.memory_space<vmem_shared>>)
        tpu.yield
      }) : () -> ()
      %add3A_114 = arith.constant 4 : i32
      %add3A_115 = arith.addi %add3A_107, %add3A_114 : i32
      %lt3A_116 = arith.constant 80 : i32
      %lt3A_117 = arith.cmpi slt, %add3A_115, %lt3A_116 : i32
      %convert_element_type3A_118 = arith.extui %lt3A_117 : i1 to i32
      %cond3A_119 = arith.constant 0 : i32
      %cond3A_120 = arith.cmpi ne, %convert_element_type3A_118, %cond3A_119 : i32
      scf.if %cond3A_120 {
        %add3A_138 = arith.constant 4 : i32
        %add3A_139 = arith.addi %add3A_107, %add3A_138 : i32
        %dma_start3A_140 = arith.constant 0 : i32
        %dma_start3A_141 = tpu.memref_slice %arg8[%add3A_139, %dma_start3A_140] : memref<80x128xi32, #tpu.memory_space<vmem>> -> memref<1x128xi32, #tpu.memory_space<vmem>>
        %dma_start3A_142 = tpu.memref_squeeze %dma_start3A_141 : memref<1x128xi32, #tpu.memory_space<vmem>> -> memref<128xi32, #tpu.memory_space<vmem>>
        %dma_start3A_143 = arith.constant 0 : i32
        %dma_start3A_144 = arith.constant 0 : i32
        %dma_start3A_145 = tpu.memref_slice %arg2[%dma_start3A_143, %dma_start3A_144] : memref<10112x64xf32, #tpu.memory_space<hbm>> -> memref<10112x64xf32, #tpu.memory_space<hbm>>
        tpu.enqueue_indirect_dma source(%dma_start3A_145 : memref<10112x64xf32, #tpu.memory_space<hbm>>) target(%arg12 : memref<128x64xf32, #tpu.memory_space<vmem>>) offsets(%dma_start3A_142 : memref<128xi32, #tpu.memory_space<vmem>>) semaphore(%arg17 : memref<!tpu.dma_semaphore, #tpu.memory_space<semaphore_mem>>)
      } else {
      }
      %mul3A_121 = arith.constant 4 : i32
      %mul3A_122 = arith.muli %scan3A_73, %mul3A_121 : i32
      %add3A_123 = arith.constant 3 : i32
      %add3A_124 = arith.addi %mul3A_122, %add3A_123 : i32
      %dma_wait3A_125 = arith.constant 0 : i32
      %dma_wait3A_126 = tpu.memref_slice %arg8[%add3A_124, %dma_wait3A_125] : memref<80x128xi32, #tpu.memory_space<vmem>> -> memref<1x128xi32, #tpu.memory_space<vmem>>
      %dma_wait3A_127 = tpu.memref_squeeze %dma_wait3A_126 : memref<1x128xi32, #tpu.memory_space<vmem>> -> memref<128xi32, #tpu.memory_space<vmem>>
      %dma_wait3A_128 = arith.constant 0 : i32
      %dma_wait3A_129 = arith.constant 0 : i32
      %dma_wait3A_130 = tpu.memref_slice %arg2[%dma_wait3A_128, %dma_wait3A_129] : memref<10112x64xf32, #tpu.memory_space<hbm>> -> memref<10112x64xf32, #tpu.memory_space<hbm>>
      tpu.wait_indirect_dma semaphore(%arg18 : memref<!tpu.dma_semaphore, #tpu.memory_space<semaphore_mem>>) src(%dma_wait3A_130 : memref<10112x64xf32, #tpu.memory_space<hbm>>) dst(%arg13 : memref<128x64xf32, #tpu.memory_space<vmem>>)
      "tpu.region"() ({
        %run_scoped3A_138 = tpu.sem_alloc : memref<!tpu.dma_semaphore, #tpu.memory_space<semaphore_mem>>
        %dma_start3A_139 = arith.constant 0 : i32
        %dma_start3A_140 = tpu.memref_slice %arg9[%add3A_124, %dma_start3A_139] : memref<80x128xi32, #tpu.memory_space<vmem>> -> memref<1x128xi32, #tpu.memory_space<vmem>>
        %dma_start3A_141 = tpu.memref_squeeze %dma_start3A_140 : memref<1x128xi32, #tpu.memory_space<vmem>> -> memref<128xi32, #tpu.memory_space<vmem>>
        %dma_start3A_142 = arith.constant 0 : i32
        %dma_start3A_143 = arith.constant 0 : i32
        %dma_start3A_144 = tpu.memref_slice %arg14[%dma_start3A_142, %dma_start3A_143] : memref<10112x64xf32, #tpu.memory_space<vmem_shared>> -> memref<10112x64xf32, #tpu.memory_space<vmem_shared>>
        tpu.enqueue_indirect_dma source(%arg13 : memref<128x64xf32, #tpu.memory_space<vmem>>) target(%dma_start3A_144 : memref<10112x64xf32, #tpu.memory_space<vmem_shared>>) offsets(%dma_start3A_141 : memref<128xi32, #tpu.memory_space<vmem>>) semaphore(%run_scoped3A_138 : memref<!tpu.dma_semaphore, #tpu.memory_space<semaphore_mem>>) {add = true}
        %dma_wait3A_145 = arith.constant 0 : i32
        %dma_wait3A_146 = tpu.memref_slice %arg9[%add3A_124, %dma_wait3A_145] : memref<80x128xi32, #tpu.memory_space<vmem>> -> memref<1x128xi32, #tpu.memory_space<vmem>>
        %dma_wait3A_147 = tpu.memref_squeeze %dma_wait3A_146 : memref<1x128xi32, #tpu.memory_space<vmem>> -> memref<128xi32, #tpu.memory_space<vmem>>
        %dma_wait3A_148 = arith.constant 0 : i32
        %dma_wait3A_149 = arith.constant 0 : i32
        %dma_wait3A_150 = tpu.memref_slice %arg14[%dma_wait3A_148, %dma_wait3A_149] : memref<10112x64xf32, #tpu.memory_space<vmem_shared>> -> memref<10112x64xf32, #tpu.memory_space<vmem_shared>>
        tpu.wait_indirect_dma semaphore(%run_scoped3A_138 : memref<!tpu.dma_semaphore, #tpu.memory_space<semaphore_mem>>) src(%arg13 : memref<128x64xf32, #tpu.memory_space<vmem>>) dst(%dma_wait3A_150 : memref<10112x64xf32, #tpu.memory_space<vmem_shared>>)
        tpu.yield
      }) : () -> ()
      %add3A_131 = arith.constant 4 : i32
      %add3A_132 = arith.addi %add3A_124, %add3A_131 : i32
      %lt3A_133 = arith.constant 80 : i32
      %lt3A_134 = arith.cmpi slt, %add3A_132, %lt3A_133 : i32
      %convert_element_type3A_135 = arith.extui %lt3A_134 : i1 to i32
      %cond3A_136 = arith.constant 0 : i32
      %cond3A_137 = arith.cmpi ne, %convert_element_type3A_135, %cond3A_136 : i32
      scf.if %cond3A_137 {
        %add3A_138 = arith.constant 4 : i32
        %add3A_139 = arith.addi %add3A_124, %add3A_138 : i32
        %dma_start3A_140 = arith.constant 0 : i32
        %dma_start3A_141 = tpu.memref_slice %arg8[%add3A_139, %dma_start3A_140] : memref<80x128xi32, #tpu.memory_space<vmem>> -> memref<1x128xi32, #tpu.memory_space<vmem>>
        %dma_start3A_142 = tpu.memref_squeeze %dma_start3A_141 : memref<1x128xi32, #tpu.memory_space<vmem>> -> memref<128xi32, #tpu.memory_space<vmem>>
        %dma_start3A_143 = arith.constant 0 : i32
        %dma_start3A_144 = arith.constant 0 : i32
        %dma_start3A_145 = tpu.memref_slice %arg2[%dma_start3A_143, %dma_start3A_144] : memref<10112x64xf32, #tpu.memory_space<hbm>> -> memref<10112x64xf32, #tpu.memory_space<hbm>>
        tpu.enqueue_indirect_dma source(%dma_start3A_145 : memref<10112x64xf32, #tpu.memory_space<hbm>>) target(%arg13 : memref<128x64xf32, #tpu.memory_space<vmem>>) offsets(%dma_start3A_142 : memref<128xi32, #tpu.memory_space<vmem>>) semaphore(%arg18 : memref<!tpu.dma_semaphore, #tpu.memory_space<semaphore_mem>>)
      } else {
      }
    }
    %scan3A_34 = arith.constant 20 : i32
    %barrier3A_35 = arith.constant 0 : index
    tpu.barrier barrier_id(%barrier3A_35)
    %run_scoped3A = arith.constant 0 : i32
    "tpu.region"() ({
      %run_scoped3A_73 = tpu.sem_alloc : memref<!tpu.dma_semaphore, #tpu.memory_space<semaphore_mem>>
      %dma_start3A_74 = arith.constant 0 : i32
      %dma_start3A_75 = tpu.memref_slice %arg7[%arg0, %run_scoped3A, %mul3A_0, %dma_start3A_74] : memref<2x2x10112x64xf32, #tpu.memory_space<hbm>> -> memref<1x1x632x64xf32, #tpu.memory_space<hbm>>
      %dma_start3A_76 = tpu.memref_squeeze %dma_start3A_75 : memref<1x1x632x64xf32, #tpu.memory_space<hbm>> -> memref<632x64xf32, #tpu.memory_space<hbm>>
      %dma_start3A_77 = arith.constant 0 : i32
      %dma_start3A_78 = tpu.memref_slice %arg14[%mul3A_0, %dma_start3A_77] : memref<10112x64xf32, #tpu.memory_space<vmem_shared>> -> memref<632x64xf32, #tpu.memory_space<vmem_shared>>
      tpu.enqueue_dma source(%dma_start3A_78 : memref<632x64xf32, #tpu.memory_space<vmem_shared>>) target(%dma_start3A_76 : memref<632x64xf32, #tpu.memory_space<hbm>>) target_semaphore(%run_scoped3A_73 : memref<!tpu.dma_semaphore, #tpu.memory_space<semaphore_mem>>)
      %dma_wait3A = arith.constant 0 : i32
      %dma_wait3A_79 = tpu.memref_slice %arg7[%arg0, %run_scoped3A, %mul3A_0, %dma_wait3A] : memref<2x2x10112x64xf32, #tpu.memory_space<hbm>> -> memref<1x1x632x64xf32, #tpu.memory_space<hbm>>
      %dma_wait3A_80 = tpu.memref_squeeze %dma_wait3A_79 : memref<1x1x632x64xf32, #tpu.memory_space<hbm>> -> memref<632x64xf32, #tpu.memory_space<hbm>>
      %dma_wait3A_81 = arith.constant 0 : i32
      %dma_wait3A_82 = tpu.memref_slice %arg14[%mul3A_0, %dma_wait3A_81] : memref<10112x64xf32, #tpu.memory_space<vmem_shared>> -> memref<632x64xf32, #tpu.memory_space<vmem_shared>>
      tpu.wait_dma2 semaphore(%run_scoped3A_73 : memref<!tpu.dma_semaphore, #tpu.memory_space<semaphore_mem>>) src(%dma_wait3A_82 : memref<632x64xf32, #tpu.memory_space<vmem_shared>>) dst(%dma_wait3A_80 : memref<632x64xf32, #tpu.memory_space<hbm>>)
      tpu.yield
    }) : () -> ()
    "tpu.region"() ({
      %run_scoped3A_73 = tpu.sem_alloc : memref<!tpu.dma_semaphore, #tpu.memory_space<semaphore_mem>>
      %dma_start3A_74 = arith.constant 0 : i32
      %dma_start3A_75 = tpu.memref_slice %arg14[%mul3A_0, %dma_start3A_74] : memref<10112x64xf32, #tpu.memory_space<vmem_shared>> -> memref<632x64xf32, #tpu.memory_space<vmem_shared>>
      %dma_start3A_76 = arith.constant 0 : i32
      %dma_start3A_77 = tpu.memref_slice %arg6[%mul3A_0, %dma_start3A_76] : memref<10112x64xf32, #tpu.memory_space<hbm>> -> memref<632x64xf32, #tpu.memory_space<hbm>>
      tpu.enqueue_dma source(%dma_start3A_77 : memref<632x64xf32, #tpu.memory_space<hbm>>) target(%dma_start3A_75 : memref<632x64xf32, #tpu.memory_space<vmem_shared>>) target_semaphore(%run_scoped3A_73 : memref<!tpu.dma_semaphore, #tpu.memory_space<semaphore_mem>>)
      %dma_wait3A = arith.constant 0 : i32
      %dma_wait3A_78 = tpu.memref_slice %arg14[%mul3A_0, %dma_wait3A] : memref<10112x64xf32, #tpu.memory_space<vmem_shared>> -> memref<632x64xf32, #tpu.memory_space<vmem_shared>>
      %dma_wait3A_79 = arith.constant 0 : i32
      %dma_wait3A_80 = tpu.memref_slice %arg6[%mul3A_0, %dma_wait3A_79] : memref<10112x64xf32, #tpu.memory_space<hbm>> -> memref<632x64xf32, #tpu.memory_space<hbm>>
      tpu.wait_dma2 semaphore(%run_scoped3A_73 : memref<!tpu.dma_semaphore, #tpu.memory_space<semaphore_mem>>) src(%dma_wait3A_80 : memref<632x64xf32, #tpu.memory_space<hbm>>) dst(%dma_wait3A_78 : memref<632x64xf32, #tpu.memory_space<vmem_shared>>)
      tpu.yield
    }) : () -> ()
    %barrier3A_36 = arith.constant 0 : index
    tpu.barrier barrier_id(%barrier3A_36)
    %dma_start3A_37 = arith.constant 0 : i32
    %dma_start3A_38 = arith.constant 0 : i32
    %dma_start3A_39 = tpu.memref_slice %arg8[%dma_start3A_37, %dma_start3A_38] : memref<80x128xi32, #tpu.memory_space<vmem>> -> memref<1x128xi32, #tpu.memory_space<vmem>>
    %dma_start3A_40 = tpu.memref_squeeze %dma_start3A_39 : memref<1x128xi32, #tpu.memory_space<vmem>> -> memref<128xi32, #tpu.memory_space<vmem>>
    %dma_start3A_41 = arith.constant 0 : i32
    %dma_start3A_42 = arith.constant 0 : i32
    %dma_start3A_43 = tpu.memref_slice %arg3[%dma_start3A_41, %dma_start3A_42] : memref<10112x64xf32, #tpu.memory_space<hbm>> -> memref<10112x64xf32, #tpu.memory_space<hbm>>
    tpu.enqueue_indirect_dma source(%dma_start3A_43 : memref<10112x64xf32, #tpu.memory_space<hbm>>) target(%arg10 : memref<128x64xf32, #tpu.memory_space<vmem>>) offsets(%dma_start3A_40 : memref<128xi32, #tpu.memory_space<vmem>>) semaphore(%arg15 : memref<!tpu.dma_semaphore, #tpu.memory_space<semaphore_mem>>)
    %dma_start3A_44 = arith.constant 1 : i32
    %dma_start3A_45 = arith.constant 0 : i32
    %dma_start3A_46 = tpu.memref_slice %arg8[%dma_start3A_44, %dma_start3A_45] : memref<80x128xi32, #tpu.memory_space<vmem>> -> memref<1x128xi32, #tpu.memory_space<vmem>>
    %dma_start3A_47 = tpu.memref_squeeze %dma_start3A_46 : memref<1x128xi32, #tpu.memory_space<vmem>> -> memref<128xi32, #tpu.memory_space<vmem>>
    %dma_start3A_48 = arith.constant 0 : i32
    %dma_start3A_49 = arith.constant 0 : i32
    %dma_start3A_50 = tpu.memref_slice %arg3[%dma_start3A_48, %dma_start3A_49] : memref<10112x64xf32, #tpu.memory_space<hbm>> -> memref<10112x64xf32, #tpu.memory_space<hbm>>
    tpu.enqueue_indirect_dma source(%dma_start3A_50 : memref<10112x64xf32, #tpu.memory_space<hbm>>) target(%arg11 : memref<128x64xf32, #tpu.memory_space<vmem>>) offsets(%dma_start3A_47 : memref<128xi32, #tpu.memory_space<vmem>>) semaphore(%arg16 : memref<!tpu.dma_semaphore, #tpu.memory_space<semaphore_mem>>)
    %dma_start3A_51 = arith.constant 2 : i32
    %dma_start3A_52 = arith.constant 0 : i32
    %dma_start3A_53 = tpu.memref_slice %arg8[%dma_start3A_51, %dma_start3A_52] : memref<80x128xi32, #tpu.memory_space<vmem>> -> memref<1x128xi32, #tpu.memory_space<vmem>>
    %dma_start3A_54 = tpu.memref_squeeze %dma_start3A_53 : memref<1x128xi32, #tpu.memory_space<vmem>> -> memref<128xi32, #tpu.memory_space<vmem>>
    %dma_start3A_55 = arith.constant 0 : i32
    %dma_start3A_56 = arith.constant 0 : i32
    %dma_start3A_57 = tpu.memref_slice %arg3[%dma_start3A_55, %dma_start3A_56] : memref<10112x64xf32, #tpu.memory_space<hbm>> -> memref<10112x64xf32, #tpu.memory_space<hbm>>
    tpu.enqueue_indirect_dma source(%dma_start3A_57 : memref<10112x64xf32, #tpu.memory_space<hbm>>) target(%arg12 : memref<128x64xf32, #tpu.memory_space<vmem>>) offsets(%dma_start3A_54 : memref<128xi32, #tpu.memory_space<vmem>>) semaphore(%arg17 : memref<!tpu.dma_semaphore, #tpu.memory_space<semaphore_mem>>)
    %dma_start3A_58 = arith.constant 3 : i32
    %dma_start3A_59 = arith.constant 0 : i32
    %dma_start3A_60 = tpu.memref_slice %arg8[%dma_start3A_58, %dma_start3A_59] : memref<80x128xi32, #tpu.memory_space<vmem>> -> memref<1x128xi32, #tpu.memory_space<vmem>>
    %dma_start3A_61 = tpu.memref_squeeze %dma_start3A_60 : memref<1x128xi32, #tpu.memory_space<vmem>> -> memref<128xi32, #tpu.memory_space<vmem>>
    %dma_start3A_62 = arith.constant 0 : i32
    %dma_start3A_63 = arith.constant 0 : i32
    %dma_start3A_64 = tpu.memref_slice %arg3[%dma_start3A_62, %dma_start3A_63] : memref<10112x64xf32, #tpu.memory_space<hbm>> -> memref<10112x64xf32, #tpu.memory_space<hbm>>
    tpu.enqueue_indirect_dma source(%dma_start3A_64 : memref<10112x64xf32, #tpu.memory_space<hbm>>) target(%arg13 : memref<128x64xf32, #tpu.memory_space<vmem>>) offsets(%dma_start3A_61 : memref<128xi32, #tpu.memory_space<vmem>>) semaphore(%arg18 : memref<!tpu.dma_semaphore, #tpu.memory_space<semaphore_mem>>)
    %scan3A_65 = arith.constant 0 : i32
    %scan3A_66 = arith.constant 0 : i32
    %scan3A_67 = arith.constant 20 : i32
    %scan3A_68 = arith.addi %scan3A_66, %scan3A_67 : i32
    %scan3A_69 = arith.constant 1 : i32
    scf.for %scan3A_73 = %scan3A_66 to %scan3A_68 step %scan3A_69  : i32 {
      %mul3A_74 = arith.constant 4 : i32
      %mul3A_75 = arith.muli %scan3A_73, %mul3A_74 : i32
      %add3A_76 = arith.constant 0 : i32
      %add3A_77 = arith.addi %mul3A_75, %add3A_76 : i32
      %dma_wait3A = arith.constant 0 : i32
      %dma_wait3A_78 = tpu.memref_slice %arg8[%add3A_77, %dma_wait3A] : memref<80x128xi32, #tpu.memory_space<vmem>> -> memref<1x128xi32, #tpu.memory_space<vmem>>
      %dma_wait3A_79 = tpu.memref_squeeze %dma_wait3A_78 : memref<1x128xi32, #tpu.memory_space<vmem>> -> memref<128xi32, #tpu.memory_space<vmem>>
      %dma_wait3A_80 = arith.constant 0 : i32
      %dma_wait3A_81 = arith.constant 0 : i32
      %dma_wait3A_82 = tpu.memref_slice %arg3[%dma_wait3A_80, %dma_wait3A_81] : memref<10112x64xf32, #tpu.memory_space<hbm>> -> memref<10112x64xf32, #tpu.memory_space<hbm>>
      tpu.wait_indirect_dma semaphore(%arg15 : memref<!tpu.dma_semaphore, #tpu.memory_space<semaphore_mem>>) src(%dma_wait3A_82 : memref<10112x64xf32, #tpu.memory_space<hbm>>) dst(%arg10 : memref<128x64xf32, #tpu.memory_space<vmem>>)
      "tpu.region"() ({
        %run_scoped3A_138 = tpu.sem_alloc : memref<!tpu.dma_semaphore, #tpu.memory_space<semaphore_mem>>
        %dma_start3A_139 = arith.constant 0 : i32
        %dma_start3A_140 = tpu.memref_slice %arg9[%add3A_77, %dma_start3A_139] : memref<80x128xi32, #tpu.memory_space<vmem>> -> memref<1x128xi32, #tpu.memory_space<vmem>>
        %dma_start3A_141 = tpu.memref_squeeze %dma_start3A_140 : memref<1x128xi32, #tpu.memory_space<vmem>> -> memref<128xi32, #tpu.memory_space<vmem>>
        %dma_start3A_142 = arith.constant 0 : i32
        %dma_start3A_143 = arith.constant 0 : i32
        %dma_start3A_144 = tpu.memref_slice %arg14[%dma_start3A_142, %dma_start3A_143] : memref<10112x64xf32, #tpu.memory_space<vmem_shared>> -> memref<10112x64xf32, #tpu.memory_space<vmem_shared>>
        tpu.enqueue_indirect_dma source(%arg10 : memref<128x64xf32, #tpu.memory_space<vmem>>) target(%dma_start3A_144 : memref<10112x64xf32, #tpu.memory_space<vmem_shared>>) offsets(%dma_start3A_141 : memref<128xi32, #tpu.memory_space<vmem>>) semaphore(%run_scoped3A_138 : memref<!tpu.dma_semaphore, #tpu.memory_space<semaphore_mem>>) {add = true}
        %dma_wait3A_145 = arith.constant 0 : i32
        %dma_wait3A_146 = tpu.memref_slice %arg9[%add3A_77, %dma_wait3A_145] : memref<80x128xi32, #tpu.memory_space<vmem>> -> memref<1x128xi32, #tpu.memory_space<vmem>>
        %dma_wait3A_147 = tpu.memref_squeeze %dma_wait3A_146 : memref<1x128xi32, #tpu.memory_space<vmem>> -> memref<128xi32, #tpu.memory_space<vmem>>
        %dma_wait3A_148 = arith.constant 0 : i32
        %dma_wait3A_149 = arith.constant 0 : i32
        %dma_wait3A_150 = tpu.memref_slice %arg14[%dma_wait3A_148, %dma_wait3A_149] : memref<10112x64xf32, #tpu.memory_space<vmem_shared>> -> memref<10112x64xf32, #tpu.memory_space<vmem_shared>>
        tpu.wait_indirect_dma semaphore(%run_scoped3A_138 : memref<!tpu.dma_semaphore, #tpu.memory_space<semaphore_mem>>) src(%arg10 : memref<128x64xf32, #tpu.memory_space<vmem>>) dst(%dma_wait3A_150 : memref<10112x64xf32, #tpu.memory_space<vmem_shared>>)
        tpu.yield
      }) : () -> ()
      %add3A_83 = arith.constant 4 : i32
      %add3A_84 = arith.addi %add3A_77, %add3A_83 : i32
      %lt3A = arith.constant 80 : i32
      %lt3A_85 = arith.cmpi slt, %add3A_84, %lt3A : i32
      %convert_element_type3A = arith.extui %lt3A_85 : i1 to i32
      %cond3A = arith.constant 0 : i32
      %cond3A_86 = arith.cmpi ne, %convert_element_type3A, %cond3A : i32
      scf.if %cond3A_86 {
        %add3A_138 = arith.constant 4 : i32
        %add3A_139 = arith.addi %add3A_77, %add3A_138 : i32
        %dma_start3A_140 = arith.constant 0 : i32
        %dma_start3A_141 = tpu.memref_slice %arg8[%add3A_139, %dma_start3A_140] : memref<80x128xi32, #tpu.memory_space<vmem>> -> memref<1x128xi32, #tpu.memory_space<vmem>>
        %dma_start3A_142 = tpu.memref_squeeze %dma_start3A_141 : memref<1x128xi32, #tpu.memory_space<vmem>> -> memref<128xi32, #tpu.memory_space<vmem>>
        %dma_start3A_143 = arith.constant 0 : i32
        %dma_start3A_144 = arith.constant 0 : i32
        %dma_start3A_145 = tpu.memref_slice %arg3[%dma_start3A_143, %dma_start3A_144] : memref<10112x64xf32, #tpu.memory_space<hbm>> -> memref<10112x64xf32, #tpu.memory_space<hbm>>
        tpu.enqueue_indirect_dma source(%dma_start3A_145 : memref<10112x64xf32, #tpu.memory_space<hbm>>) target(%arg10 : memref<128x64xf32, #tpu.memory_space<vmem>>) offsets(%dma_start3A_142 : memref<128xi32, #tpu.memory_space<vmem>>) semaphore(%arg15 : memref<!tpu.dma_semaphore, #tpu.memory_space<semaphore_mem>>)
      } else {
      }
      %mul3A_87 = arith.constant 4 : i32
      %mul3A_88 = arith.muli %scan3A_73, %mul3A_87 : i32
      %add3A_89 = arith.constant 1 : i32
      %add3A_90 = arith.addi %mul3A_88, %add3A_89 : i32
      %dma_wait3A_91 = arith.constant 0 : i32
      %dma_wait3A_92 = tpu.memref_slice %arg8[%add3A_90, %dma_wait3A_91] : memref<80x128xi32, #tpu.memory_space<vmem>> -> memref<1x128xi32, #tpu.memory_space<vmem>>
      %dma_wait3A_93 = tpu.memref_squeeze %dma_wait3A_92 : memref<1x128xi32, #tpu.memory_space<vmem>> -> memref<128xi32, #tpu.memory_space<vmem>>
      %dma_wait3A_94 = arith.constant 0 : i32
      %dma_wait3A_95 = arith.constant 0 : i32
      %dma_wait3A_96 = tpu.memref_slice %arg3[%dma_wait3A_94, %dma_wait3A_95] : memref<10112x64xf32, #tpu.memory_space<hbm>> -> memref<10112x64xf32, #tpu.memory_space<hbm>>
      tpu.wait_indirect_dma semaphore(%arg16 : memref<!tpu.dma_semaphore, #tpu.memory_space<semaphore_mem>>) src(%dma_wait3A_96 : memref<10112x64xf32, #tpu.memory_space<hbm>>) dst(%arg11 : memref<128x64xf32, #tpu.memory_space<vmem>>)
      "tpu.region"() ({
        %run_scoped3A_138 = tpu.sem_alloc : memref<!tpu.dma_semaphore, #tpu.memory_space<semaphore_mem>>
        %dma_start3A_139 = arith.constant 0 : i32
        %dma_start3A_140 = tpu.memref_slice %arg9[%add3A_90, %dma_start3A_139] : memref<80x128xi32, #tpu.memory_space<vmem>> -> memref<1x128xi32, #tpu.memory_space<vmem>>
        %dma_start3A_141 = tpu.memref_squeeze %dma_start3A_140 : memref<1x128xi32, #tpu.memory_space<vmem>> -> memref<128xi32, #tpu.memory_space<vmem>>
        %dma_start3A_142 = arith.constant 0 : i32
        %dma_start3A_143 = arith.constant 0 : i32
        %dma_start3A_144 = tpu.memref_slice %arg14[%dma_start3A_142, %dma_start3A_143] : memref<10112x64xf32, #tpu.memory_space<vmem_shared>> -> memref<10112x64xf32, #tpu.memory_space<vmem_shared>>
        tpu.enqueue_indirect_dma source(%arg11 : memref<128x64xf32, #tpu.memory_space<vmem>>) target(%dma_start3A_144 : memref<10112x64xf32, #tpu.memory_space<vmem_shared>>) offsets(%dma_start3A_141 : memref<128xi32, #tpu.memory_space<vmem>>) semaphore(%run_scoped3A_138 : memref<!tpu.dma_semaphore, #tpu.memory_space<semaphore_mem>>) {add = true}
        %dma_wait3A_145 = arith.constant 0 : i32
        %dma_wait3A_146 = tpu.memref_slice %arg9[%add3A_90, %dma_wait3A_145] : memref<80x128xi32, #tpu.memory_space<vmem>> -> memref<1x128xi32, #tpu.memory_space<vmem>>
        %dma_wait3A_147 = tpu.memref_squeeze %dma_wait3A_146 : memref<1x128xi32, #tpu.memory_space<vmem>> -> memref<128xi32, #tpu.memory_space<vmem>>
        %dma_wait3A_148 = arith.constant 0 : i32
        %dma_wait3A_149 = arith.constant 0 : i32
        %dma_wait3A_150 = tpu.memref_slice %arg14[%dma_wait3A_148, %dma_wait3A_149] : memref<10112x64xf32, #tpu.memory_space<vmem_shared>> -> memref<10112x64xf32, #tpu.memory_space<vmem_shared>>
        tpu.wait_indirect_dma semaphore(%run_scoped3A_138 : memref<!tpu.dma_semaphore, #tpu.memory_space<semaphore_mem>>) src(%arg11 : memref<128x64xf32, #tpu.memory_space<vmem>>) dst(%dma_wait3A_150 : memref<10112x64xf32, #tpu.memory_space<vmem_shared>>)
        tpu.yield
      }) : () -> ()
      %add3A_97 = arith.constant 4 : i32
      %add3A_98 = arith.addi %add3A_90, %add3A_97 : i32
      %lt3A_99 = arith.constant 80 : i32
      %lt3A_100 = arith.cmpi slt, %add3A_98, %lt3A_99 : i32
      %convert_element_type3A_101 = arith.extui %lt3A_100 : i1 to i32
      %cond3A_102 = arith.constant 0 : i32
      %cond3A_103 = arith.cmpi ne, %convert_element_type3A_101, %cond3A_102 : i32
      scf.if %cond3A_103 {
        %add3A_138 = arith.constant 4 : i32
        %add3A_139 = arith.addi %add3A_90, %add3A_138 : i32
        %dma_start3A_140 = arith.constant 0 : i32
        %dma_start3A_141 = tpu.memref_slice %arg8[%add3A_139, %dma_start3A_140] : memref<80x128xi32, #tpu.memory_space<vmem>> -> memref<1x128xi32, #tpu.memory_space<vmem>>
        %dma_start3A_142 = tpu.memref_squeeze %dma_start3A_141 : memref<1x128xi32, #tpu.memory_space<vmem>> -> memref<128xi32, #tpu.memory_space<vmem>>
        %dma_start3A_143 = arith.constant 0 : i32
        %dma_start3A_144 = arith.constant 0 : i32
        %dma_start3A_145 = tpu.memref_slice %arg3[%dma_start3A_143, %dma_start3A_144] : memref<10112x64xf32, #tpu.memory_space<hbm>> -> memref<10112x64xf32, #tpu.memory_space<hbm>>
        tpu.enqueue_indirect_dma source(%dma_start3A_145 : memref<10112x64xf32, #tpu.memory_space<hbm>>) target(%arg11 : memref<128x64xf32, #tpu.memory_space<vmem>>) offsets(%dma_start3A_142 : memref<128xi32, #tpu.memory_space<vmem>>) semaphore(%arg16 : memref<!tpu.dma_semaphore, #tpu.memory_space<semaphore_mem>>)
      } else {
      }
      %mul3A_104 = arith.constant 4 : i32
      %mul3A_105 = arith.muli %scan3A_73, %mul3A_104 : i32
      %add3A_106 = arith.constant 2 : i32
      %add3A_107 = arith.addi %mul3A_105, %add3A_106 : i32
      %dma_wait3A_108 = arith.constant 0 : i32
      %dma_wait3A_109 = tpu.memref_slice %arg8[%add3A_107, %dma_wait3A_108] : memref<80x128xi32, #tpu.memory_space<vmem>> -> memref<1x128xi32, #tpu.memory_space<vmem>>
      %dma_wait3A_110 = tpu.memref_squeeze %dma_wait3A_109 : memref<1x128xi32, #tpu.memory_space<vmem>> -> memref<128xi32, #tpu.memory_space<vmem>>
      %dma_wait3A_111 = arith.constant 0 : i32
      %dma_wait3A_112 = arith.constant 0 : i32
      %dma_wait3A_113 = tpu.memref_slice %arg3[%dma_wait3A_111, %dma_wait3A_112] : memref<10112x64xf32, #tpu.memory_space<hbm>> -> memref<10112x64xf32, #tpu.memory_space<hbm>>
      tpu.wait_indirect_dma semaphore(%arg17 : memref<!tpu.dma_semaphore, #tpu.memory_space<semaphore_mem>>) src(%dma_wait3A_113 : memref<10112x64xf32, #tpu.memory_space<hbm>>) dst(%arg12 : memref<128x64xf32, #tpu.memory_space<vmem>>)
      "tpu.region"() ({
        %run_scoped3A_138 = tpu.sem_alloc : memref<!tpu.dma_semaphore, #tpu.memory_space<semaphore_mem>>
        %dma_start3A_139 = arith.constant 0 : i32
        %dma_start3A_140 = tpu.memref_slice %arg9[%add3A_107, %dma_start3A_139] : memref<80x128xi32, #tpu.memory_space<vmem>> -> memref<1x128xi32, #tpu.memory_space<vmem>>
        %dma_start3A_141 = tpu.memref_squeeze %dma_start3A_140 : memref<1x128xi32, #tpu.memory_space<vmem>> -> memref<128xi32, #tpu.memory_space<vmem>>
        %dma_start3A_142 = arith.constant 0 : i32
        %dma_start3A_143 = arith.constant 0 : i32
        %dma_start3A_144 = tpu.memref_slice %arg14[%dma_start3A_142, %dma_start3A_143] : memref<10112x64xf32, #tpu.memory_space<vmem_shared>> -> memref<10112x64xf32, #tpu.memory_space<vmem_shared>>
        tpu.enqueue_indirect_dma source(%arg12 : memref<128x64xf32, #tpu.memory_space<vmem>>) target(%dma_start3A_144 : memref<10112x64xf32, #tpu.memory_space<vmem_shared>>) offsets(%dma_start3A_141 : memref<128xi32, #tpu.memory_space<vmem>>) semaphore(%run_scoped3A_138 : memref<!tpu.dma_semaphore, #tpu.memory_space<semaphore_mem>>) {add = true}
        %dma_wait3A_145 = arith.constant 0 : i32
        %dma_wait3A_146 = tpu.memref_slice %arg9[%add3A_107, %dma_wait3A_145] : memref<80x128xi32, #tpu.memory_space<vmem>> -> memref<1x128xi32, #tpu.memory_space<vmem>>
        %dma_wait3A_147 = tpu.memref_squeeze %dma_wait3A_146 : memref<1x128xi32, #tpu.memory_space<vmem>> -> memref<128xi32, #tpu.memory_space<vmem>>
        %dma_wait3A_148 = arith.constant 0 : i32
        %dma_wait3A_149 = arith.constant 0 : i32
        %dma_wait3A_150 = tpu.memref_slice %arg14[%dma_wait3A_148, %dma_wait3A_149] : memref<10112x64xf32, #tpu.memory_space<vmem_shared>> -> memref<10112x64xf32, #tpu.memory_space<vmem_shared>>
        tpu.wait_indirect_dma semaphore(%run_scoped3A_138 : memref<!tpu.dma_semaphore, #tpu.memory_space<semaphore_mem>>) src(%arg12 : memref<128x64xf32, #tpu.memory_space<vmem>>) dst(%dma_wait3A_150 : memref<10112x64xf32, #tpu.memory_space<vmem_shared>>)
        tpu.yield
      }) : () -> ()
      %add3A_114 = arith.constant 4 : i32
      %add3A_115 = arith.addi %add3A_107, %add3A_114 : i32
      %lt3A_116 = arith.constant 80 : i32
      %lt3A_117 = arith.cmpi slt, %add3A_115, %lt3A_116 : i32
      %convert_element_type3A_118 = arith.extui %lt3A_117 : i1 to i32
      %cond3A_119 = arith.constant 0 : i32
      %cond3A_120 = arith.cmpi ne, %convert_element_type3A_118, %cond3A_119 : i32
      scf.if %cond3A_120 {
        %add3A_138 = arith.constant 4 : i32
        %add3A_139 = arith.addi %add3A_107, %add3A_138 : i32
        %dma_start3A_140 = arith.constant 0 : i32
        %dma_start3A_141 = tpu.memref_slice %arg8[%add3A_139, %dma_start3A_140] : memref<80x128xi32, #tpu.memory_space<vmem>> -> memref<1x128xi32, #tpu.memory_space<vmem>>
        %dma_start3A_142 = tpu.memref_squeeze %dma_start3A_141 : memref<1x128xi32, #tpu.memory_space<vmem>> -> memref<128xi32, #tpu.memory_space<vmem>>
        %dma_start3A_143 = arith.constant 0 : i32
        %dma_start3A_144 = arith.constant 0 : i32
        %dma_start3A_145 = tpu.memref_slice %arg3[%dma_start3A_143, %dma_start3A_144] : memref<10112x64xf32, #tpu.memory_space<hbm>> -> memref<10112x64xf32, #tpu.memory_space<hbm>>
        tpu.enqueue_indirect_dma source(%dma_start3A_145 : memref<10112x64xf32, #tpu.memory_space<hbm>>) target(%arg12 : memref<128x64xf32, #tpu.memory_space<vmem>>) offsets(%dma_start3A_142 : memref<128xi32, #tpu.memory_space<vmem>>) semaphore(%arg17 : memref<!tpu.dma_semaphore, #tpu.memory_space<semaphore_mem>>)
      } else {
      }
      %mul3A_121 = arith.constant 4 : i32
      %mul3A_122 = arith.muli %scan3A_73, %mul3A_121 : i32
      %add3A_123 = arith.constant 3 : i32
      %add3A_124 = arith.addi %mul3A_122, %add3A_123 : i32
      %dma_wait3A_125 = arith.constant 0 : i32
      %dma_wait3A_126 = tpu.memref_slice %arg8[%add3A_124, %dma_wait3A_125] : memref<80x128xi32, #tpu.memory_space<vmem>> -> memref<1x128xi32, #tpu.memory_space<vmem>>
      %dma_wait3A_127 = tpu.memref_squeeze %dma_wait3A_126 : memref<1x128xi32, #tpu.memory_space<vmem>> -> memref<128xi32, #tpu.memory_space<vmem>>
      %dma_wait3A_128 = arith.constant 0 : i32
      %dma_wait3A_129 = arith.constant 0 : i32
      %dma_wait3A_130 = tpu.memref_slice %arg3[%dma_wait3A_128, %dma_wait3A_129] : memref<10112x64xf32, #tpu.memory_space<hbm>> -> memref<10112x64xf32, #tpu.memory_space<hbm>>
      tpu.wait_indirect_dma semaphore(%arg18 : memref<!tpu.dma_semaphore, #tpu.memory_space<semaphore_mem>>) src(%dma_wait3A_130 : memref<10112x64xf32, #tpu.memory_space<hbm>>) dst(%arg13 : memref<128x64xf32, #tpu.memory_space<vmem>>)
      "tpu.region"() ({
        %run_scoped3A_138 = tpu.sem_alloc : memref<!tpu.dma_semaphore, #tpu.memory_space<semaphore_mem>>
        %dma_start3A_139 = arith.constant 0 : i32
        %dma_start3A_140 = tpu.memref_slice %arg9[%add3A_124, %dma_start3A_139] : memref<80x128xi32, #tpu.memory_space<vmem>> -> memref<1x128xi32, #tpu.memory_space<vmem>>
        %dma_start3A_141 = tpu.memref_squeeze %dma_start3A_140 : memref<1x128xi32, #tpu.memory_space<vmem>> -> memref<128xi32, #tpu.memory_space<vmem>>
        %dma_start3A_142 = arith.constant 0 : i32
        %dma_start3A_143 = arith.constant 0 : i32
        %dma_start3A_144 = tpu.memref_slice %arg14[%dma_start3A_142, %dma_start3A_143] : memref<10112x64xf32, #tpu.memory_space<vmem_shared>> -> memref<10112x64xf32, #tpu.memory_space<vmem_shared>>
        tpu.enqueue_indirect_dma source(%arg13 : memref<128x64xf32, #tpu.memory_space<vmem>>) target(%dma_start3A_144 : memref<10112x64xf32, #tpu.memory_space<vmem_shared>>) offsets(%dma_start3A_141 : memref<128xi32, #tpu.memory_space<vmem>>) semaphore(%run_scoped3A_138 : memref<!tpu.dma_semaphore, #tpu.memory_space<semaphore_mem>>) {add = true}
        %dma_wait3A_145 = arith.constant 0 : i32
        %dma_wait3A_146 = tpu.memref_slice %arg9[%add3A_124, %dma_wait3A_145] : memref<80x128xi32, #tpu.memory_space<vmem>> -> memref<1x128xi32, #tpu.memory_space<vmem>>
        %dma_wait3A_147 = tpu.memref_squeeze %dma_wait3A_146 : memref<1x128xi32, #tpu.memory_space<vmem>> -> memref<128xi32, #tpu.memory_space<vmem>>
        %dma_wait3A_148 = arith.constant 0 : i32
        %dma_wait3A_149 = arith.constant 0 : i32
        %dma_wait3A_150 = tpu.memref_slice %arg14[%dma_wait3A_148, %dma_wait3A_149] : memref<10112x64xf32, #tpu.memory_space<vmem_shared>> -> memref<10112x64xf32, #tpu.memory_space<vmem_shared>>
        tpu.wait_indirect_dma semaphore(%run_scoped3A_138 : memref<!tpu.dma_semaphore, #tpu.memory_space<semaphore_mem>>) src(%arg13 : memref<128x64xf32, #tpu.memory_space<vmem>>) dst(%dma_wait3A_150 : memref<10112x64xf32, #tpu.memory_space<vmem_shared>>)
        tpu.yield
      }) : () -> ()
      %add3A_131 = arith.constant 4 : i32
      %add3A_132 = arith.addi %add3A_124, %add3A_131 : i32
      %lt3A_133 = arith.constant 80 : i32
      %lt3A_134 = arith.cmpi slt, %add3A_132, %lt3A_133 : i32
      %convert_element_type3A_135 = arith.extui %lt3A_134 : i1 to i32
      %cond3A_136 = arith.constant 0 : i32
      %cond3A_137 = arith.cmpi ne, %convert_element_type3A_135, %cond3A_136 : i32
      scf.if %cond3A_137 {
        %add3A_138 = arith.constant 4 : i32
        %add3A_139 = arith.addi %add3A_124, %add3A_138 : i32
        %dma_start3A_140 = arith.constant 0 : i32
        %dma_start3A_141 = tpu.memref_slice %arg8[%add3A_139, %dma_start3A_140] : memref<80x128xi32, #tpu.memory_space<vmem>> -> memref<1x128xi32, #tpu.memory_space<vmem>>
        %dma_start3A_142 = tpu.memref_squeeze %dma_start3A_141 : memref<1x128xi32, #tpu.memory_space<vmem>> -> memref<128xi32, #tpu.memory_space<vmem>>
        %dma_start3A_143 = arith.constant 0 : i32
        %dma_start3A_144 = arith.constant 0 : i32
        %dma_start3A_145 = tpu.memref_slice %arg3[%dma_start3A_143, %dma_start3A_144] : memref<10112x64xf32, #tpu.memory_space<hbm>> -> memref<10112x64xf32, #tpu.memory_space<hbm>>
        tpu.enqueue_indirect_dma source(%dma_start3A_145 : memref<10112x64xf32, #tpu.memory_space<hbm>>) target(%arg13 : memref<128x64xf32, #tpu.memory_space<vmem>>) offsets(%dma_start3A_142 : memref<128xi32, #tpu.memory_space<vmem>>) semaphore(%arg18 : memref<!tpu.dma_semaphore, #tpu.memory_space<semaphore_mem>>)
      } else {
      }
    }
    %scan3A_70 = arith.constant 20 : i32
    %barrier3A_71 = arith.constant 0 : index
    tpu.barrier barrier_id(%barrier3A_71)
    %run_scoped3A_72 = arith.constant 1 : i32
    "tpu.region"() ({
      %run_scoped3A_73 = tpu.sem_alloc : memref<!tpu.dma_semaphore, #tpu.memory_space<semaphore_mem>>
      %dma_start3A_74 = arith.constant 0 : i32
      %dma_start3A_75 = tpu.memref_slice %arg7[%arg0, %run_scoped3A_72, %mul3A_0, %dma_start3A_74] : memref<2x2x10112x64xf32, #tpu.memory_space<hbm>> -> memref<1x1x632x64xf32, #tpu.memory_space<hbm>>
      %dma_start3A_76 = tpu.memref_squeeze %dma_start3A_75 : memref<1x1x632x64xf32, #tpu.memory_space<hbm>> -> memref<632x64xf32, #tpu.memory_space<hbm>>
      %dma_start3A_77 = arith.constant 0 : i32
      %dma_start3A_78 = tpu.memref_slice %arg14[%mul3A_0, %dma_start3A_77] : memref<10112x64xf32, #tpu.memory_space<vmem_shared>> -> memref<632x64xf32, #tpu.memory_space<vmem_shared>>
      tpu.enqueue_dma source(%dma_start3A_78 : memref<632x64xf32, #tpu.memory_space<vmem_shared>>) target(%dma_start3A_76 : memref<632x64xf32, #tpu.memory_space<hbm>>) target_semaphore(%run_scoped3A_73 : memref<!tpu.dma_semaphore, #tpu.memory_space<semaphore_mem>>)
      %dma_wait3A = arith.constant 0 : i32
      %dma_wait3A_79 = tpu.memref_slice %arg7[%arg0, %run_scoped3A_72, %mul3A_0, %dma_wait3A] : memref<2x2x10112x64xf32, #tpu.memory_space<hbm>> -> memref<1x1x632x64xf32, #tpu.memory_space<hbm>>
      %dma_wait3A_80 = tpu.memref_squeeze %dma_wait3A_79 : memref<1x1x632x64xf32, #tpu.memory_space<hbm>> -> memref<632x64xf32, #tpu.memory_space<hbm>>
      %dma_wait3A_81 = arith.constant 0 : i32
      %dma_wait3A_82 = tpu.memref_slice %arg14[%mul3A_0, %dma_wait3A_81] : memref<10112x64xf32, #tpu.memory_space<vmem_shared>> -> memref<632x64xf32, #tpu.memory_space<vmem_shared>>
      tpu.wait_dma2 semaphore(%run_scoped3A_73 : memref<!tpu.dma_semaphore, #tpu.memory_space<semaphore_mem>>) src(%dma_wait3A_82 : memref<632x64xf32, #tpu.memory_space<vmem_shared>>) dst(%dma_wait3A_80 : memref<632x64xf32, #tpu.memory_space<hbm>>)
      tpu.yield
    }) : () -> ()
    return
  }
}

module attributes {stable_mosaic.version = 14 : i64} {
  func.func @_y1_body(%arg0: i32, %arg1: memref<1264x128xf32, #tpu.memory_space<vmem>>, %arg2: memref<128x128xf32, #tpu.memory_space<vmem>>, %arg3: memref<2x1264x16xf32, #tpu.memory_space<vmem>>, %arg4: memref<1264x64xf32, #tpu.memory_space<vmem>>, %arg5: memref<1264x64xf32, #tpu.memory_space<vmem>>) attributes {dimension_semantics = [#tpu.dimension_semantics<arbitrary>], iteration_bounds = array<i64: 8>, scalar_prefetch = 0 : i64, scratch_operands = 0 : i64, tpu.core_type = #tpu.core_type<tc>, window_params = [{transform_indices = @transform_0, window_bounds = array<i64: 1264, 128>}, {pipeline_mode = #tpu.pipeline_mode<synchronous>, transform_indices = @transform_1, window_bounds = array<i64: 128, 128>}, {transform_indices = @transform_2, window_bounds = array<i64: 2, 1264, 16>}, {transform_indices = @transform_3, window_bounds = array<i64: 1264, 64>}, {transform_indices = @transform_4, window_bounds = array<i64: 1264, 64>}]} {
    %get3A = arith.constant 0 : index
    %get3A_0 = arith.constant 0 : index
    %get3A_1 = arith.constant 0 : index
    %get3A_2 = vector.load %arg3[%get3A, %get3A_0, %get3A_1] : memref<2x1264x16xf32, #tpu.memory_space<vmem>>, vector<2x1264x16xf32>
    %slice3A = vector.extract_strided_slice %get3A_2 {offsets = [0, 0, 0], sizes = [1, 1264, 1], strides = [1, 1, 1]} : vector<2x1264x16xf32> to vector<1x1264x1xf32>
    %squeeze3A = vector.shape_cast %slice3A : vector<1x1264x1xf32> to vector<1264x1xf32>
    %slice3A_3 = vector.extract_strided_slice %get3A_2 {offsets = [1, 0, 0], sizes = [1, 1264, 1], strides = [1, 1, 1]} : vector<2x1264x16xf32> to vector<1x1264x1xf32>
    %squeeze3A_4 = vector.shape_cast %slice3A_3 : vector<1x1264x1xf32> to vector<1264x1xf32>
    %add3A = arith.addf %squeeze3A, %squeeze3A_4 : vector<1264x1xf32>
    %add3A_5 = arith.constant 1.000000e+00 : f32
    %add3A_6 = vector.broadcast %add3A_5 : f32 to vector<1264x1xf32>
    %add3A_7 = arith.addf %add3A, %add3A_6 : vector<1264x1xf32>
    %rsqrt3A = math.rsqrt %add3A_7 : vector<1264x1xf32>
    %get3A_8 = arith.constant 0 : index
    %get3A_9 = arith.constant 0 : index
    %get3A_10 = vector.load %arg1[%get3A_8, %get3A_9] : memref<1264x128xf32, #tpu.memory_space<vmem>>, vector<1264x128xf32>
    %get3A_11 = arith.constant 0 : index
    %get3A_12 = arith.constant 0 : index
    %get3A_13 = vector.load %arg2[%get3A_11, %get3A_12] : memref<128x128xf32, #tpu.memory_space<vmem>>, vector<128x128xf32>
    %dot_general3A = arith.constant dense<0.000000e+00> : vector<1264x128xf32>
    %dot_general3A_14 = tpu.matmul %get3A_10, %get3A_13, %dot_general3A {dimension_numbers = #tpu.dot_dimension_numbers<[1], [0], [0], [1], [0, 0, 1, 1], [], []>, transpose_lhs_hint = false} : vector<1264x128xf32>, vector<128x128xf32>, vector<1264x128xf32> -> vector<1264x128xf32>
    %mul3A = vector.broadcast %rsqrt3A : vector<1264x1xf32> to vector<1264x128xf32>
    %mul3A_15 = arith.mulf %dot_general3A_14, %mul3A : vector<1264x128xf32>
    %slice3A_16 = vector.extract_strided_slice %mul3A_15 {offsets = [0, 0], sizes = [1264, 64], strides = [1, 1]} : vector<1264x128xf32> to vector<1264x64xf32>
    %swap3A = arith.constant 0 : index
    %swap3A_17 = arith.constant 0 : index
    %swap3A_18 = vector.load %arg4[%swap3A, %swap3A_17] : memref<1264x64xf32, #tpu.memory_space<vmem>>, vector<1264x64xf32>
    tpu.vector_store %arg4[%swap3A, %swap3A_17], %slice3A_16 {strides = array<i32>} : memref<1264x64xf32, #tpu.memory_space<vmem>>, vector<1264x64xf32>,
    %slice3A_19 = vector.extract_strided_slice %mul3A_15 {offsets = [0, 64], sizes = [1264, 64], strides = [1, 1]} : vector<1264x128xf32> to vector<1264x64xf32>
    %swap3A_20 = arith.constant 0 : index
    %swap3A_21 = arith.constant 0 : index
    %swap3A_22 = vector.load %arg5[%swap3A_20, %swap3A_21] : memref<1264x64xf32, #tpu.memory_space<vmem>>, vector<1264x64xf32>
    tpu.vector_store %arg5[%swap3A_20, %swap3A_21], %slice3A_19 {strides = array<i32>} : memref<1264x64xf32, #tpu.memory_space<vmem>>, vector<1264x64xf32>,
    return
  }
  func.func @transform_0(%arg0: i32) -> (i32, i32) {
    %c0_i32 = arith.constant 0 : i32
    %c0_i32_0 = arith.constant 0 : i32
    return %arg0, %c0_i32 : i32, i32
  }
  func.func @transform_1(%arg0: i32) -> (i32, i32) {
    %c0_i32 = arith.constant 0 : i32
    %c0_i32_0 = arith.constant 0 : i32
    %c0_i32_1 = arith.constant 0 : i32
    return %c0_i32, %c0_i32_0 : i32, i32
  }
  func.func @transform_2(%arg0: i32) -> (i32, i32, i32) {
    %c0_i32 = arith.constant 0 : i32
    %c0_i32_0 = arith.constant 0 : i32
    %c0_i32_1 = arith.constant 0 : i32
    return %c0_i32, %arg0, %c0_i32_0 : i32, i32, i32
  }
  func.func @transform_3(%arg0: i32) -> (i32, i32) {
    %c0_i32 = arith.constant 0 : i32
    %c0_i32_0 = arith.constant 0 : i32
    return %arg0, %c0_i32 : i32, i32
  }
  func.func @transform_4(%arg0: i32) -> (i32, i32) {
    %c0_i32 = arith.constant 0 : i32
    %c0_i32_0 = arith.constant 0 : i32
    return %arg0, %c0_i32 : i32, i32
  }
}

module attributes {stable_mosaic.version = 14 : i64} {
  func.func @_conv_next_body(%arg0: i32, %arg1: memref<1264x64xf32, #tpu.memory_space<vmem>>, %arg2: memref<1264x64xf32, #tpu.memory_space<vmem>>, %arg3: memref<2x2x1264x64xf32, #tpu.memory_space<vmem>>, %arg4: memref<2x1264x16xf32, #tpu.memory_space<vmem>>, %arg5: memref<1x128xf32, #tpu.memory_space<vmem>>, %arg6: memref<128x128xf32, #tpu.memory_space<vmem>>, %arg7: memref<1264x64xf32, #tpu.memory_space<vmem>>, %arg8: memref<1264x64xf32, #tpu.memory_space<vmem>>) attributes {dimension_semantics = [#tpu.dimension_semantics<arbitrary>], iteration_bounds = array<i64: 8>, scalar_prefetch = 0 : i64, scratch_operands = 0 : i64, tpu.core_type = #tpu.core_type<tc>, window_params = [{transform_indices = @transform_0, window_bounds = array<i64: 1264, 64>}, {transform_indices = @transform_1, window_bounds = array<i64: 1264, 64>}, {transform_indices = @transform_2, window_bounds = array<i64: 2, 2, 1264, 64>}, {transform_indices = @transform_3, window_bounds = array<i64: 2, 1264, 16>}, {pipeline_mode = #tpu.pipeline_mode<synchronous>, transform_indices = @transform_4, window_bounds = array<i64: 1, 128>}, {pipeline_mode = #tpu.pipeline_mode<synchronous>, transform_indices = @transform_5, window_bounds = array<i64: 128, 128>}, {transform_indices = @transform_6, window_bounds = array<i64: 1264, 64>}, {transform_indices = @transform_7, window_bounds = array<i64: 1264, 64>}]} {
    %get3A = arith.constant 0 : index
    %get3A_0 = arith.constant 0 : index
    %get3A_1 = arith.constant 0 : index
    %get3A_2 = vector.load %arg4[%get3A, %get3A_0, %get3A_1] : memref<2x1264x16xf32, #tpu.memory_space<vmem>>, vector<2x1264x16xf32>
    %slice3A = vector.extract_strided_slice %get3A_2 {offsets = [0, 0, 0], sizes = [1, 1264, 1], strides = [1, 1, 1]} : vector<2x1264x16xf32> to vector<1x1264x1xf32>
    %squeeze3A = vector.shape_cast %slice3A : vector<1x1264x1xf32> to vector<1264x1xf32>
    %slice3A_3 = vector.extract_strided_slice %get3A_2 {offsets = [1, 0, 0], sizes = [1, 1264, 1], strides = [1, 1, 1]} : vector<2x1264x16xf32> to vector<1x1264x1xf32>
    %squeeze3A_4 = vector.shape_cast %slice3A_3 : vector<1x1264x1xf32> to vector<1264x1xf32>
    %add3A = arith.addf %squeeze3A, %squeeze3A_4 : vector<1264x1xf32>
    %add3A_5 = arith.constant 1.000000e+00 : f32
    %add3A_6 = vector.broadcast %add3A_5 : f32 to vector<1264x1xf32>
    %add3A_7 = arith.addf %add3A, %add3A_6 : vector<1264x1xf32>
    %rsqrt3A = math.rsqrt %add3A_7 : vector<1264x1xf32>
    %get3A_8 = arith.constant 0 : index
    %get3A_9 = arith.constant 0 : index
    %get3A_10 = arith.constant 0 : index
    %get3A_11 = vector.load %arg4[%get3A_8, %get3A_9, %get3A_10] : memref<2x1264x16xf32, #tpu.memory_space<vmem>>, vector<2x1264x16xf32>
    %slice3A_12 = vector.extract_strided_slice %get3A_11 {offsets = [0, 0, 0], sizes = [1, 1264, 1], strides = [1, 1, 1]} : vector<2x1264x16xf32> to vector<1x1264x1xf32>
    %squeeze3A_13 = vector.shape_cast %slice3A_12 : vector<1x1264x1xf32> to vector<1264x1xf32>
    %slice3A_14 = vector.extract_strided_slice %get3A_11 {offsets = [1, 0, 0], sizes = [1, 1264, 1], strides = [1, 1, 1]} : vector<2x1264x16xf32> to vector<1x1264x1xf32>
    %squeeze3A_15 = vector.shape_cast %slice3A_14 : vector<1x1264x1xf32> to vector<1264x1xf32>
    %add3A_16 = arith.addf %squeeze3A_13, %squeeze3A_15 : vector<1264x1xf32>
    %add3A_17 = arith.constant 1.000000e+00 : f32
    %add3A_18 = vector.broadcast %add3A_17 : f32 to vector<1264x1xf32>
    %add3A_19 = arith.addf %add3A_16, %add3A_18 : vector<1264x1xf32>
    %rsqrt3A_20 = math.rsqrt %add3A_19 : vector<1264x1xf32>
    %get3A_21 = arith.constant 0 : index
    %get3A_22 = arith.constant 0 : index
    %get3A_23 = arith.constant 0 : index
    %get3A_24 = arith.constant 0 : index
    %get3A_25 = vector.load %arg3[%get3A_21, %get3A_22, %get3A_23, %get3A_24] : memref<2x2x1264x64xf32, #tpu.memory_space<vmem>>, vector<1x1x1264x64xf32>
    %get3A_26 = vector.shape_cast %get3A_25 : vector<1x1x1264x64xf32> to vector<1264x64xf32>
    %get3A_27 = arith.constant 1 : index
    %get3A_28 = arith.constant 0 : index
    %get3A_29 = arith.constant 0 : index
    %get3A_30 = arith.constant 0 : index
    %get3A_31 = vector.load %arg3[%get3A_27, %get3A_28, %get3A_29, %get3A_30] : memref<2x2x1264x64xf32, #tpu.memory_space<vmem>>, vector<1x1x1264x64xf32>
    %get3A_32 = vector.shape_cast %get3A_31 : vector<1x1x1264x64xf32> to vector<1264x64xf32>
    %add3A_33 = arith.addf %get3A_26, %get3A_32 : vector<1264x64xf32>
    %get3A_34 = arith.constant 0 : index
    %get3A_35 = arith.constant 0 : index
    %get3A_36 = vector.load %arg1[%get3A_34, %get3A_35] : memref<1264x64xf32, #tpu.memory_space<vmem>>, vector<1264x64xf32>
    %add3A_37 = arith.addf %add3A_33, %get3A_36 : vector<1264x64xf32>
    %get3A_38 = arith.constant 0 : index
    %get3A_39 = arith.constant 1 : index
    %get3A_40 = arith.constant 0 : index
    %get3A_41 = arith.constant 0 : index
    %get3A_42 = vector.load %arg3[%get3A_38, %get3A_39, %get3A_40, %get3A_41] : memref<2x2x1264x64xf32, #tpu.memory_space<vmem>>, vector<1x1x1264x64xf32>
    %get3A_43 = vector.shape_cast %get3A_42 : vector<1x1x1264x64xf32> to vector<1264x64xf32>
    %get3A_44 = arith.constant 1 : index
    %get3A_45 = arith.constant 1 : index
    %get3A_46 = arith.constant 0 : index
    %get3A_47 = arith.constant 0 : index
    %get3A_48 = vector.load %arg3[%get3A_44, %get3A_45, %get3A_46, %get3A_47] : memref<2x2x1264x64xf32, #tpu.memory_space<vmem>>, vector<1x1x1264x64xf32>
    %get3A_49 = vector.shape_cast %get3A_48 : vector<1x1x1264x64xf32> to vector<1264x64xf32>
    %add3A_50 = arith.addf %get3A_43, %get3A_49 : vector<1264x64xf32>
    %get3A_51 = arith.constant 0 : index
    %get3A_52 = arith.constant 0 : index
    %get3A_53 = vector.load %arg2[%get3A_51, %get3A_52] : memref<1264x64xf32, #tpu.memory_space<vmem>>, vector<1264x64xf32>
    %add3A_54 = arith.addf %add3A_50, %get3A_53 : vector<1264x64xf32>
    %concatenate3A = tpu.concatenate %add3A_37, %add3A_54 in 1 : vector<1264x64xf32>, vector<1264x64xf32> -> vector<1264x128xf32>
    %mul3A = vector.broadcast %rsqrt3A_20 : vector<1264x1xf32> to vector<1264x128xf32>
    %mul3A_55 = arith.mulf %mul3A, %concatenate3A : vector<1264x128xf32>
    %get3A_56 = arith.constant 0 : index
    %get3A_57 = arith.constant 0 : index
    %get3A_58 = vector.load %arg5[%get3A_56, %get3A_57] : memref<1x128xf32, #tpu.memory_space<vmem>>, vector<1x128xf32>
    %add3A_59 = vector.broadcast %get3A_58 : vector<1x128xf32> to vector<1264x128xf32>
    %add3A_60 = arith.addf %mul3A_55, %add3A_59 : vector<1264x128xf32>
    %get3A_61 = arith.constant 0 : index
    %get3A_62 = arith.constant 0 : index
    %get3A_63 = vector.load %arg6[%get3A_61, %get3A_62] : memref<128x128xf32, #tpu.memory_space<vmem>>, vector<128x128xf32>
    %dot_general3A = arith.constant dense<0.000000e+00> : vector<1264x128xf32>
    %dot_general3A_64 = tpu.matmul %add3A_60, %get3A_63, %dot_general3A {dimension_numbers = #tpu.dot_dimension_numbers<[1], [0], [0], [1], [0, 0, 1, 1], [], []>, transpose_lhs_hint = false} : vector<1264x128xf32>, vector<128x128xf32>, vector<1264x128xf32> -> vector<1264x128xf32>
    %mul3A_65 = vector.broadcast %rsqrt3A : vector<1264x1xf32> to vector<1264x128xf32>
    %mul3A_66 = arith.mulf %dot_general3A_64, %mul3A_65 : vector<1264x128xf32>
    %slice3A_67 = vector.extract_strided_slice %mul3A_66 {offsets = [0, 0], sizes = [1264, 64], strides = [1, 1]} : vector<1264x128xf32> to vector<1264x64xf32>
    %swap3A = arith.constant 0 : index
    %swap3A_68 = arith.constant 0 : index
    %swap3A_69 = vector.load %arg7[%swap3A, %swap3A_68] : memref<1264x64xf32, #tpu.memory_space<vmem>>, vector<1264x64xf32>
    tpu.vector_store %arg7[%swap3A, %swap3A_68], %slice3A_67 {strides = array<i32>} : memref<1264x64xf32, #tpu.memory_space<vmem>>, vector<1264x64xf32>,
    %slice3A_70 = vector.extract_strided_slice %mul3A_66 {offsets = [0, 64], sizes = [1264, 64], strides = [1, 1]} : vector<1264x128xf32> to vector<1264x64xf32>
    %swap3A_71 = arith.constant 0 : index
    %swap3A_72 = arith.constant 0 : index
    %swap3A_73 = vector.load %arg8[%swap3A_71, %swap3A_72] : memref<1264x64xf32, #tpu.memory_space<vmem>>, vector<1264x64xf32>
    tpu.vector_store %arg8[%swap3A_71, %swap3A_72], %slice3A_70 {strides = array<i32>} : memref<1264x64xf32, #tpu.memory_space<vmem>>, vector<1264x64xf32>,
    return
  }
  func.func @transform_0(%arg0: i32) -> (i32, i32) {
    %c0_i32 = arith.constant 0 : i32
    %c0_i32_0 = arith.constant 0 : i32
    return %arg0, %c0_i32 : i32, i32
  }
  func.func @transform_1(%arg0: i32) -> (i32, i32) {
    %c0_i32 = arith.constant 0 : i32
    %c0_i32_0 = arith.constant 0 : i32
    return %arg0, %c0_i32 : i32, i32
  }
  func.func @transform_2(%arg0: i32) -> (i32, i32, i32, i32) {
    %c0_i32 = arith.constant 0 : i32
    %c0_i32_0 = arith.constant 0 : i32
    %c0_i32_1 = arith.constant 0 : i32
    %c0_i32_2 = arith.constant 0 : i32
    return %c0_i32, %c0_i32_0, %arg0, %c0_i32_1 : i32, i32, i32, i32
  }
  func.func @transform_3(%arg0: i32) -> (i32, i32, i32) {
    %c0_i32 = arith.constant 0 : i32
    %c0_i32_0 = arith.constant 0 : i32
    %c0_i32_1 = arith.constant 0 : i32
    return %c0_i32, %arg0, %c0_i32_0 : i32, i32, i32
  }
  func.func @transform_4(%arg0: i32) -> (i32, i32) {
    %c0_i32 = arith.constant 0 : i32
    %c0_i32_0 = arith.constant 0 : i32
    %c0_i32_1 = arith.constant 0 : i32
    return %c0_i32, %c0_i32_0 : i32, i32
  }
  func.func @transform_5(%arg0: i32) -> (i32, i32) {
    %c0_i32 = arith.constant 0 : i32
    %c0_i32_0 = arith.constant 0 : i32
    %c0_i32_1 = arith.constant 0 : i32
    return %c0_i32, %c0_i32_0 : i32, i32
  }
  func.func @transform_6(%arg0: i32) -> (i32, i32) {
    %c0_i32 = arith.constant 0 : i32
    %c0_i32_0 = arith.constant 0 : i32
    return %arg0, %c0_i32 : i32, i32
  }
  func.func @transform_7(%arg0: i32) -> (i32, i32) {
    %c0_i32 = arith.constant 0 : i32
    %c0_i32_0 = arith.constant 0 : i32
    return %arg0, %c0_i32 : i32, i32
  }
}

module attributes {stable_mosaic.version = 14 : i64} {
  func.func @_proj_body(%arg0: i32, %arg1: memref<1264x64xf32, #tpu.memory_space<vmem>>, %arg2: memref<1264x64xf32, #tpu.memory_space<vmem>>, %arg3: memref<2x2x1264x64xf32, #tpu.memory_space<vmem>>, %arg4: memref<2x1264x16xf32, #tpu.memory_space<vmem>>, %arg5: memref<1x128xf32, #tpu.memory_space<vmem>>, %arg6: memref<384x128xf32, #tpu.memory_space<vmem>>, %arg7: memref<1264x128xf32, #tpu.memory_space<vmem>>, %arg8: memref<1264x128xf32, #tpu.memory_space<vmem>>) attributes {dimension_semantics = [#tpu.dimension_semantics<arbitrary>], iteration_bounds = array<i64: 8>, scalar_prefetch = 0 : i64, scratch_operands = 0 : i64, tpu.core_type = #tpu.core_type<tc>, window_params = [{transform_indices = @transform_0, window_bounds = array<i64: 1264, 64>}, {transform_indices = @transform_1, window_bounds = array<i64: 1264, 64>}, {transform_indices = @transform_2, window_bounds = array<i64: 2, 2, 1264, 64>}, {transform_indices = @transform_3, window_bounds = array<i64: 2, 1264, 16>}, {pipeline_mode = #tpu.pipeline_mode<synchronous>, transform_indices = @transform_4, window_bounds = array<i64: 1, 128>}, {pipeline_mode = #tpu.pipeline_mode<synchronous>, transform_indices = @transform_5, window_bounds = array<i64: 384, 128>}, {transform_indices = @transform_6, window_bounds = array<i64: 1264, 128>}, {transform_indices = @transform_7, window_bounds = array<i64: 1264, 128>}]} {
    %get3A = arith.constant 0 : index
    %get3A_0 = arith.constant 0 : index
    %get3A_1 = arith.constant 0 : index
    %get3A_2 = vector.load %arg4[%get3A, %get3A_0, %get3A_1] : memref<2x1264x16xf32, #tpu.memory_space<vmem>>, vector<2x1264x16xf32>
    %slice3A = vector.extract_strided_slice %get3A_2 {offsets = [0, 0, 0], sizes = [1, 1264, 1], strides = [1, 1, 1]} : vector<2x1264x16xf32> to vector<1x1264x1xf32>
    %squeeze3A = vector.shape_cast %slice3A : vector<1x1264x1xf32> to vector<1264x1xf32>
    %slice3A_3 = vector.extract_strided_slice %get3A_2 {offsets = [1, 0, 0], sizes = [1, 1264, 1], strides = [1, 1, 1]} : vector<2x1264x16xf32> to vector<1x1264x1xf32>
    %squeeze3A_4 = vector.shape_cast %slice3A_3 : vector<1x1264x1xf32> to vector<1264x1xf32>
    %add3A = arith.addf %squeeze3A, %squeeze3A_4 : vector<1264x1xf32>
    %add3A_5 = arith.constant 1.000000e+00 : f32
    %add3A_6 = vector.broadcast %add3A_5 : f32 to vector<1264x1xf32>
    %add3A_7 = arith.addf %add3A, %add3A_6 : vector<1264x1xf32>
    %rsqrt3A = math.rsqrt %add3A_7 : vector<1264x1xf32>
    %get3A_8 = arith.constant 0 : index
    %get3A_9 = arith.constant 0 : index
    %get3A_10 = arith.constant 0 : index
    %get3A_11 = arith.constant 0 : index
    %get3A_12 = vector.load %arg3[%get3A_8, %get3A_9, %get3A_10, %get3A_11] : memref<2x2x1264x64xf32, #tpu.memory_space<vmem>>, vector<1x1x1264x64xf32>
    %get3A_13 = vector.shape_cast %get3A_12 : vector<1x1x1264x64xf32> to vector<1264x64xf32>
    %get3A_14 = arith.constant 1 : index
    %get3A_15 = arith.constant 0 : index
    %get3A_16 = arith.constant 0 : index
    %get3A_17 = arith.constant 0 : index
    %get3A_18 = vector.load %arg3[%get3A_14, %get3A_15, %get3A_16, %get3A_17] : memref<2x2x1264x64xf32, #tpu.memory_space<vmem>>, vector<1x1x1264x64xf32>
    %get3A_19 = vector.shape_cast %get3A_18 : vector<1x1x1264x64xf32> to vector<1264x64xf32>
    %add3A_20 = arith.addf %get3A_13, %get3A_19 : vector<1264x64xf32>
    %get3A_21 = arith.constant 0 : index
    %get3A_22 = arith.constant 0 : index
    %get3A_23 = vector.load %arg1[%get3A_21, %get3A_22] : memref<1264x64xf32, #tpu.memory_space<vmem>>, vector<1264x64xf32>
    %add3A_24 = arith.addf %add3A_20, %get3A_23 : vector<1264x64xf32>
    %get3A_25 = arith.constant 0 : index
    %get3A_26 = arith.constant 1 : index
    %get3A_27 = arith.constant 0 : index
    %get3A_28 = arith.constant 0 : index
    %get3A_29 = vector.load %arg3[%get3A_25, %get3A_26, %get3A_27, %get3A_28] : memref<2x2x1264x64xf32, #tpu.memory_space<vmem>>, vector<1x1x1264x64xf32>
    %get3A_30 = vector.shape_cast %get3A_29 : vector<1x1x1264x64xf32> to vector<1264x64xf32>
    %get3A_31 = arith.constant 1 : index
    %get3A_32 = arith.constant 1 : index
    %get3A_33 = arith.constant 0 : index
    %get3A_34 = arith.constant 0 : index
    %get3A_35 = vector.load %arg3[%get3A_31, %get3A_32, %get3A_33, %get3A_34] : memref<2x2x1264x64xf32, #tpu.memory_space<vmem>>, vector<1x1x1264x64xf32>
    %get3A_36 = vector.shape_cast %get3A_35 : vector<1x1x1264x64xf32> to vector<1264x64xf32>
    %add3A_37 = arith.addf %get3A_30, %get3A_36 : vector<1264x64xf32>
    %get3A_38 = arith.constant 0 : index
    %get3A_39 = arith.constant 0 : index
    %get3A_40 = vector.load %arg2[%get3A_38, %get3A_39] : memref<1264x64xf32, #tpu.memory_space<vmem>>, vector<1264x64xf32>
    %add3A_41 = arith.addf %add3A_37, %get3A_40 : vector<1264x64xf32>
    %concatenate3A = tpu.concatenate %add3A_24, %add3A_41 in 1 : vector<1264x64xf32>, vector<1264x64xf32> -> vector<1264x128xf32>
    %mul3A = vector.broadcast %rsqrt3A : vector<1264x1xf32> to vector<1264x128xf32>
    %mul3A_42 = arith.mulf %mul3A, %concatenate3A : vector<1264x128xf32>
    %get3A_43 = arith.constant 0 : index
    %get3A_44 = arith.constant 0 : index
    %get3A_45 = vector.load %arg5[%get3A_43, %get3A_44] : memref<1x128xf32, #tpu.memory_space<vmem>>, vector<1x128xf32>
    %add3A_46 = vector.broadcast %get3A_45 : vector<1x128xf32> to vector<1264x128xf32>
    %add3A_47 = arith.addf %mul3A_42, %add3A_46 : vector<1264x128xf32>
    %get3A_48 = arith.constant 0 : index
    %get3A_49 = arith.constant 0 : index
    %get3A_50 = vector.load %arg6[%get3A_48, %get3A_49] : memref<384x128xf32, #tpu.memory_space<vmem>>, vector<128x128xf32>
    %dot_general3A = arith.constant dense<0.000000e+00> : vector<1264x128xf32>
    %dot_general3A_51 = tpu.matmul %add3A_47, %get3A_50, %dot_general3A {dimension_numbers = #tpu.dot_dimension_numbers<[1], [0], [0], [1], [0, 0, 1, 1], [], []>, transpose_lhs_hint = false} : vector<1264x128xf32>, vector<128x128xf32>, vector<1264x128xf32> -> vector<1264x128xf32>
    %swap3A = arith.constant 0 : index
    %swap3A_52 = arith.constant 0 : index
    %swap3A_53 = vector.load %arg7[%swap3A, %swap3A_52] : memref<1264x128xf32, #tpu.memory_space<vmem>>, vector<1264x128xf32>
    tpu.vector_store %arg7[%swap3A, %swap3A_52], %dot_general3A_51 {strides = array<i32>} : memref<1264x128xf32, #tpu.memory_space<vmem>>, vector<1264x128xf32>,
    %get3A_54 = arith.constant 128 : index
    %get3A_55 = arith.constant 0 : index
    %get3A_56 = vector.load %arg6[%get3A_54, %get3A_55] : memref<384x128xf32, #tpu.memory_space<vmem>>, vector<128x128xf32>
    %dot_general3A_57 = arith.constant dense<0.000000e+00> : vector<1264x128xf32>
    %dot_general3A_58 = tpu.matmul %add3A_47, %get3A_56, %dot_general3A_57 {dimension_numbers = #tpu.dot_dimension_numbers<[1], [0], [0], [1], [0, 0, 1, 1], [], []>, transpose_lhs_hint = false} : vector<1264x128xf32>, vector<128x128xf32>, vector<1264x128xf32> -> vector<1264x128xf32>
    %swap3A_59 = arith.constant 0 : index
    %swap3A_60 = arith.constant 0 : index
    %swap3A_61 = vector.load %arg8[%swap3A_59, %swap3A_60] : memref<1264x128xf32, #tpu.memory_space<vmem>>, vector<1264x128xf32>
    tpu.vector_store %arg8[%swap3A_59, %swap3A_60], %dot_general3A_58 {strides = array<i32>} : memref<1264x128xf32, #tpu.memory_space<vmem>>, vector<1264x128xf32>,
    return
  }
  func.func @transform_0(%arg0: i32) -> (i32, i32) {
    %c0_i32 = arith.constant 0 : i32
    %c0_i32_0 = arith.constant 0 : i32
    return %arg0, %c0_i32 : i32, i32
  }
  func.func @transform_1(%arg0: i32) -> (i32, i32) {
    %c0_i32 = arith.constant 0 : i32
    %c0_i32_0 = arith.constant 0 : i32
    return %arg0, %c0_i32 : i32, i32
  }
  func.func @transform_2(%arg0: i32) -> (i32, i32, i32, i32) {
    %c0_i32 = arith.constant 0 : i32
    %c0_i32_0 = arith.constant 0 : i32
    %c0_i32_1 = arith.constant 0 : i32
    %c0_i32_2 = arith.constant 0 : i32
    return %c0_i32, %c0_i32_0, %arg0, %c0_i32_1 : i32, i32, i32, i32
  }
  func.func @transform_3(%arg0: i32) -> (i32, i32, i32) {
    %c0_i32 = arith.constant 0 : i32
    %c0_i32_0 = arith.constant 0 : i32
    %c0_i32_1 = arith.constant 0 : i32
    return %c0_i32, %arg0, %c0_i32_0 : i32, i32, i32
  }
  func.func @transform_4(%arg0: i32) -> (i32, i32) {
    %c0_i32 = arith.constant 0 : i32
    %c0_i32_0 = arith.constant 0 : i32
    %c0_i32_1 = arith.constant 0 : i32
    return %c0_i32, %c0_i32_0 : i32, i32
  }
  func.func @transform_5(%arg0: i32) -> (i32, i32) {
    %c0_i32 = arith.constant 0 : i32
    %c0_i32_0 = arith.constant 0 : i32
    %c0_i32_1 = arith.constant 0 : i32
    return %c0_i32, %c0_i32_0 : i32, i32
  }
  func.func @transform_6(%arg0: i32) -> (i32, i32) {
    %c0_i32 = arith.constant 0 : i32
    %c0_i32_0 = arith.constant 0 : i32
    return %arg0, %c0_i32 : i32, i32
  }
  func.func @transform_7(%arg0: i32) -> (i32, i32) {
    %c0_i32 = arith.constant 0 : i32
    %c0_i32_0 = arith.constant 0 : i32
    return %arg0, %c0_i32 : i32, i32
  }
}

module attributes {stable_mosaic.version = 14 : i64} {
  func.func @_cls_body(%arg0: i32, %arg1: memref<2048x128xf32, #tpu.memory_space<vmem>>, %arg2: memref<2048x16xf32, #tpu.memory_space<vmem>>, %arg3: memref<16x128xf32, #tpu.memory_space<vmem>>, %arg4: memref<1x128xf32, #tpu.memory_space<vmem>>, %arg5: memref<128x128xf32, #tpu.memory_space<vmem>>, %arg6: memref<384x128xf32, #tpu.memory_space<vmem>>, %arg7: memref<1x128xf32, #tpu.memory_space<vmem>>, %arg8: memref<1x128xf32, #tpu.memory_space<vmem>>, %arg9: memref<128x64xf32, #tpu.memory_space<vmem>>, %arg10: memref<1x64xf32, #tpu.memory_space<vmem>>, %arg11: memref<1x64xf32, #tpu.memory_space<vmem>>, %arg12: memref<1x1xf32, #tpu.memory_space<vmem>>, %arg13: memref<2048x1xf32, #tpu.memory_space<vmem>>) attributes {dimension_semantics = [#tpu.dimension_semantics<arbitrary>], iteration_bounds = array<i64: 160>, scalar_prefetch = 0 : i64, scratch_operands = 0 : i64, tpu.core_type = #tpu.core_type<tc>, window_params = [{transform_indices = @transform_0, window_bounds = array<i64: 2048, 128>}, {transform_indices = @transform_1, window_bounds = array<i64: 2048, 16>}, {pipeline_mode = #tpu.pipeline_mode<synchronous>, transform_indices = @transform_2, window_bounds = array<i64: 16, 128>}, {pipeline_mode = #tpu.pipeline_mode<synchronous>, transform_indices = @transform_3, window_bounds = array<i64: 1, 128>}, {pipeline_mode = #tpu.pipeline_mode<synchronous>, transform_indices = @transform_4, window_bounds = array<i64: 128, 128>}, {pipeline_mode = #tpu.pipeline_mode<synchronous>, transform_indices = @transform_5, window_bounds = array<i64: 384, 128>}, {pipeline_mode = #tpu.pipeline_mode<synchronous>, transform_indices = @transform_6, window_bounds = array<i64: 1, 128>}, {pipeline_mode = #tpu.pipeline_mode<synchronous>, transform_indices = @transform_7, window_bounds = array<i64: 1, 128>}, {pipeline_mode = #tpu.pipeline_mode<synchronous>, transform_indices = @transform_8, window_bounds = array<i64: 128, 64>}, {pipeline_mode = #tpu.pipeline_mode<synchronous>, transform_indices = @transform_9, window_bounds = array<i64: 1, 64>}, {pipeline_mode = #tpu.pipeline_mode<synchronous>, transform_indices = @transform_10, window_bounds = array<i64: 1, 64>}, {pipeline_mode = #tpu.pipeline_mode<synchronous>, transform_indices = @transform_11, window_bounds = array<i64: 1, 1>}, {transform_indices = @transform_12, window_bounds = array<i64: 2048, 1>}]} {
    %get3A = arith.constant 256 : index
    %get3A_0 = arith.constant 0 : index
    %get3A_1 = vector.load %arg6[%get3A, %get3A_0] : memref<384x128xf32, #tpu.memory_space<vmem>>, vector<128x128xf32>
    %get3A_2 = arith.constant 0 : index
    %get3A_3 = arith.constant 0 : index
    %get3A_4 = vector.load %arg5[%get3A_2, %get3A_3] : memref<128x128xf32, #tpu.memory_space<vmem>>, vector<128x128xf32>
    %dot_general3A = arith.constant dense<0.000000e+00> : vector<128x128xf32>
    %dot_general3A_5 = tpu.matmul %get3A_4, %get3A_1, %dot_general3A {dimension_numbers = #tpu.dot_dimension_numbers<[1], [0], [0], [1], [0, 0, 1, 1], [], []>, transpose_lhs_hint = false} : vector<128x128xf32>, vector<128x128xf32>, vector<128x128xf32> -> vector<128x128xf32>
    %get3A_6 = arith.constant 0 : index
    %get3A_7 = arith.constant 0 : index
    %get3A_8 = vector.load %arg7[%get3A_6, %get3A_7] : memref<1x128xf32, #tpu.memory_space<vmem>>, vector<1x128xf32>
    %get3A_9 = arith.constant 0 : index
    %get3A_10 = arith.constant 0 : index
    %get3A_11 = vector.load %arg8[%get3A_9, %get3A_10] : memref<1x128xf32, #tpu.memory_space<vmem>>, vector<1x128xf32>
    %dot_general3A_12 = arith.constant dense<0.000000e+00> : vector<1x128xf32>
    %dot_general3A_13 = tpu.matmul %get3A_11, %get3A_1, %dot_general3A_12 {dimension_numbers = #tpu.dot_dimension_numbers<[1], [0], [0], [1], [0, 0, 1, 1], [], []>, transpose_lhs_hint = false} : vector<1x128xf32>, vector<128x128xf32>, vector<1x128xf32> -> vector<1x128xf32>
    %add3A = arith.addf %get3A_8, %dot_general3A_13 : vector<1x128xf32>
    %get3A_14 = arith.constant 0 : index
    %get3A_15 = arith.constant 0 : index
    %get3A_16 = vector.load %arg2[%get3A_14, %get3A_15] : memref<2048x16xf32, #tpu.memory_space<vmem>>, vector<2048x16xf32>
    %get3A_17 = arith.constant 0 : index
    %get3A_18 = arith.constant 0 : index
    %get3A_19 = vector.load %arg3[%get3A_17, %get3A_18] : memref<16x128xf32, #tpu.memory_space<vmem>>, vector<16x128xf32>
    %dot_general3A_20 = arith.constant dense<0.000000e+00> : vector<2048x128xf32>
    %dot_general3A_21 = tpu.matmul %get3A_16, %get3A_19, %dot_general3A_20 {dimension_numbers = #tpu.dot_dimension_numbers<[1], [0], [0], [1], [0, 0, 1, 1], [], []>, transpose_lhs_hint = false} : vector<2048x16xf32>, vector<16x128xf32>, vector<2048x128xf32> -> vector<2048x128xf32>
    %get3A_22 = arith.constant 0 : index
    %get3A_23 = arith.constant 0 : index
    %get3A_24 = vector.load %arg4[%get3A_22, %get3A_23] : memref<1x128xf32, #tpu.memory_space<vmem>>, vector<1x128xf32>
    %add3A_25 = vector.broadcast %get3A_24 : vector<1x128xf32> to vector<2048x128xf32>
    %add3A_26 = arith.addf %dot_general3A_21, %add3A_25 : vector<2048x128xf32>
    %max3A = arith.constant 0.000000e+00 : f32
    %max3A_27 = vector.broadcast %max3A : f32 to vector<2048x128xf32>
    %max3A_28 = arith.maximumf %add3A_26, %max3A_27 : vector<2048x128xf32>
    %get3A_29 = arith.constant 0 : index
    %get3A_30 = arith.constant 0 : index
    %get3A_31 = vector.load %arg1[%get3A_29, %get3A_30] : memref<2048x128xf32, #tpu.memory_space<vmem>>, vector<2048x128xf32>
    %dot_general3A_32 = arith.constant dense<0.000000e+00> : vector<2048x128xf32>
    %dot_general3A_33 = tpu.matmul %max3A_28, %dot_general3A_5, %dot_general3A_32 {dimension_numbers = #tpu.dot_dimension_numbers<[1], [0], [0], [1], [0, 0, 1, 1], [], []>, transpose_lhs_hint = false} : vector<2048x128xf32>, vector<128x128xf32>, vector<2048x128xf32> -> vector<2048x128xf32>
    %add3A_34 = arith.addf %get3A_31, %dot_general3A_33 : vector<2048x128xf32>
    %add3A_35 = vector.broadcast %add3A : vector<1x128xf32> to vector<2048x128xf32>
    %add3A_36 = arith.addf %add3A_34, %add3A_35 : vector<2048x128xf32>
    %tanh3A = math.tanh %add3A_36 : vector<2048x128xf32>
    %get3A_37 = arith.constant 0 : index
    %get3A_38 = arith.constant 0 : index
    %get3A_39 = vector.load %arg9[%get3A_37, %get3A_38] : memref<128x64xf32, #tpu.memory_space<vmem>>, vector<128x64xf32>
    %dot_general3A_40 = arith.constant dense<0.000000e+00> : vector<2048x64xf32>
    %dot_general3A_41 = tpu.matmul %tanh3A, %get3A_39, %dot_general3A_40 {dimension_numbers = #tpu.dot_dimension_numbers<[1], [0], [0], [1], [0, 0, 1, 1], [], []>, transpose_lhs_hint = false} : vector<2048x128xf32>, vector<128x64xf32>, vector<2048x64xf32> -> vector<2048x64xf32>
    %get3A_42 = arith.constant 0 : index
    %get3A_43 = arith.constant 0 : index
    %get3A_44 = vector.load %arg10[%get3A_42, %get3A_43] : memref<1x64xf32, #tpu.memory_space<vmem>>, vector<1x64xf32>
    %add3A_45 = vector.broadcast %get3A_44 : vector<1x64xf32> to vector<2048x64xf32>
    %add3A_46 = arith.addf %dot_general3A_41, %add3A_45 : vector<2048x64xf32>
    %tanh3A_47 = math.tanh %add3A_46 : vector<2048x64xf32>
    %get3A_48 = arith.constant 0 : index
    %get3A_49 = arith.constant 0 : index
    %get3A_50 = vector.load %arg11[%get3A_48, %get3A_49] : memref<1x64xf32, #tpu.memory_space<vmem>>, vector<1x64xf32>
    %mul3A = vector.broadcast %get3A_50 : vector<1x64xf32> to vector<2048x64xf32>
    %mul3A_51 = arith.mulf %tanh3A_47, %mul3A : vector<2048x64xf32>
    %reduce_sum3A = arith.constant dense<0.000000e+00> : vector<2048xf32>
    %reduce_sum3A_52 = vector.multi_reduction <add>, %mul3A_51, %reduce_sum3A [1] : vector<2048x64xf32> to vector<2048xf32>
    %broadcast_in_dim3A = vector.shape_cast %reduce_sum3A_52 : vector<2048xf32> to vector<2048x1xf32>
    %get3A_53 = arith.constant 0 : index
    %get3A_54 = arith.constant 0 : index
    %get3A_55 = vector.load %arg12[%get3A_53, %get3A_54] : memref<1x1xf32, #tpu.memory_space<vmem>>, vector<1x1xf32>
    %add3A_56 = vector.broadcast %get3A_55 : vector<1x1xf32> to vector<2048x1xf32>
    %add3A_57 = arith.addf %broadcast_in_dim3A, %add3A_56 : vector<2048x1xf32>
    %swap3A = arith.constant 0 : index
    %swap3A_58 = arith.constant 0 : index
    %swap3A_59 = vector.load %arg13[%swap3A, %swap3A_58] : memref<2048x1xf32, #tpu.memory_space<vmem>>, vector<2048x1xf32>
    tpu.vector_store %arg13[%swap3A, %swap3A_58], %add3A_57 {strides = array<i32>} : memref<2048x1xf32, #tpu.memory_space<vmem>>, vector<2048x1xf32>,
    return
  }
  func.func @transform_0(%arg0: i32) -> (i32, i32) {
    %c0_i32 = arith.constant 0 : i32
    %c0_i32_0 = arith.constant 0 : i32
    return %arg0, %c0_i32 : i32, i32
  }
  func.func @transform_1(%arg0: i32) -> (i32, i32) {
    %c0_i32 = arith.constant 0 : i32
    %c0_i32_0 = arith.constant 0 : i32
    return %arg0, %c0_i32 : i32, i32
  }
  func.func @transform_2(%arg0: i32) -> (i32, i32) {
    %c0_i32 = arith.constant 0 : i32
    %c0_i32_0 = arith.constant 0 : i32
    %c0_i32_1 = arith.constant 0 : i32
    return %c0_i32, %c0_i32_0 : i32, i32
  }
  func.func @transform_3(%arg0: i32) -> (i32, i32) {
    %c0_i32 = arith.constant 0 : i32
    %c0_i32_0 = arith.constant 0 : i32
    %c0_i32_1 = arith.constant 0 : i32
    return %c0_i32, %c0_i32_0 : i32, i32
  }
  func.func @transform_4(%arg0: i32) -> (i32, i32) {
    %c0_i32 = arith.constant 0 : i32
    %c0_i32_0 = arith.constant 0 : i32
    %c0_i32_1 = arith.constant 0 : i32
    return %c0_i32, %c0_i32_0 : i32, i32
  }
  func.func @transform_5(%arg0: i32) -> (i32, i32) {
    %c0_i32 = arith.constant 0 : i32
    %c0_i32_0 = arith.constant 0 : i32
    %c0_i32_1 = arith.constant 0 : i32
    return %c0_i32, %c0_i32_0 : i32, i32
  }
  func.func @transform_6(%arg0: i32) -> (i32, i32) {
    %c0_i32 = arith.constant 0 : i32
    %c0_i32_0 = arith.constant 0 : i32
    %c0_i32_1 = arith.constant 0 : i32
    return %c0_i32, %c0_i32_0 : i32, i32
  }
  func.func @transform_7(%arg0: i32) -> (i32, i32) {
    %c0_i32 = arith.constant 0 : i32
    %c0_i32_0 = arith.constant 0 : i32
    %c0_i32_1 = arith.constant 0 : i32
    return %c0_i32, %c0_i32_0 : i32, i32
  }
  func.func @transform_8(%arg0: i32) -> (i32, i32) {
    %c0_i32 = arith.constant 0 : i32
    %c0_i32_0 = arith.constant 0 : i32
    %c0_i32_1 = arith.constant 0 : i32
    return %c0_i32, %c0_i32_0 : i32, i32
  }
  func.func @transform_9(%arg0: i32) -> (i32, i32) {
    %c0_i32 = arith.constant 0 : i32
    %c0_i32_0 = arith.constant 0 : i32
    %c0_i32_1 = arith.constant 0 : i32
    return %c0_i32, %c0_i32_0 : i32, i32
  }
  func.func @transform_10(%arg0: i32) -> (i32, i32) {
    %c0_i32 = arith.constant 0 : i32
    %c0_i32_0 = arith.constant 0 : i32
    %c0_i32_1 = arith.constant 0 : i32
    return %c0_i32, %c0_i32_0 : i32, i32
  }
  func.func @transform_11(%arg0: i32) -> (i32, i32) {
    %c0_i32 = arith.constant 0 : i32
    %c0_i32_0 = arith.constant 0 : i32
    %c0_i32_1 = arith.constant 0 : i32
    return %c0_i32, %c0_i32_0 : i32, i32
  }
  func.func @transform_12(%arg0: i32) -> (i32, i32) {
    %c0_i32 = arith.constant 0 : i32
    %c0_i32_0 = arith.constant 0 : i32
    return %arg0, %c0_i32 : i32, i32
  }
}

</mosaic_0001>

<sc_bundles>
// kernel: kernel.10.cloned.1.call-start
scs
__scs_entry_jumppad:
0x0: {  	(pc) =	sbr.rel $0x88, $3  }
0x1: {  	(tag) =	ssettag $0x0;
	lr =	simm.s32 $0x1  }
0x2: {  	[smem:$0x3F90] =	sst lr;
	_ =	strace $0xD0000000  }
0x3: {  	_ = 	snop  }
0x4: {  	_ = 	snop  }
0x5: {  	_ = 	snop  }
0x6: {  	_ = 	snop  }
0x7: {  	_ = 	snop  }
__scs_overlays_trampoline_lowered:
0x8: {  	[smem:$0x3F9F] =	sst s0  }
0x9: {  	[smem:$0x3FA0] =	sst s1  }
0xa: {  	[smem:$0x3FA1] =	sst s2  }
0xb: {  	[smem:$0x3FA2] =	sst s3  }
0xc: {  	[smem:$0x3FA3] =	sst s4  }
0xd: {  	[smem:$0x3FA4] =	sst s5  }
0xe: {  	[smem:$0x3FA5] =	sst s6  }
0xf: {  	[smem:$0x3FA6] =	sst s7  }
0x10: {  	[smem:$0x3FA7] =	sst s8  }
0x11: {  	[smem:$0x3FA8] =	sst s9;
	s0 =	simm.s32 @!p0 $0x0  }
0x12: {  	s1 =	sld [smem:$0x3F8E];
	s0 =	simm.s32 @p0 $0x1  }
0x13: {  	[smem:$0x3FA9] =	sst s0;
	s0 =	simm.s32 @!p1 $0x0  }
0x14: {  	s2 =	sld [smem:$0x3F8D];
	s0 =	simm.s32 @p1 $0x1  }
0x15: {  	[smem:$0x3FAA] =	sst s0;
	s0 =	simm.s32 @!p2 $0x0  }
0x16: {  	s3 =	sld [smem:$0x3FDB];
	s0 =	simm.s32 @p2 $0x1  }
0x17: {  	s4 =	simm.s32 $0x1BF5;
	[smem:$0x3FAC] =	sst s0  }
0x18: {  	s0 =	sld [smem:$0x3F8F];
	_ =	swait.ge [sflag:s4], $0x0  }
0x19: {  	s7 =	sld [smem:$0x3F90]  }
0x1a: {  	s8 =	sadd.s32 $0xFFFFE003, lr  }
0x1b: {  	s9 =	sadd.s32 $0xFFFFFEF7, lr;
	s5 =	simm.s32 $0xFFFFFFFF;
	p2 =	slt.u32 s8, $0xFFFFF086  }
0x1c: {  	p1 =	slt.u32 s9, $0xF7A;
	s5 =	simm.s32 @!p2 $0x0  }
0x1d: {  	s5 =	simm.s32 @p1 $0x1;
	p0 =	seq.s32 s7, s2  }
0x1e: {  	s7 =	smul.u32 @!p0 $0xF7A, s2;
	p2 =	seq.s32 @!p0 s5, $0x0  }
0x1f: {  	s9 =	smul.u32 $0xF7A, s1;
	s8 =	simm.s32 @!p0 $0x1BF5;
	p2 =	por !p2, p0  }
0x20: {  	[sflag:s8] =	ssyncset.s32 @!p0 $0xFFFFF086;
	s6 =	sadd.s32 @!p0 s3, s7;
	s7 =	simm.s32 @!p0 $0x108  }
0x21: {  	s3 =	sadd.s32 s3, s9;
	s6 =	sadd.s32 @!p0 $0x88, s6;
	s7 =	simm.s32 @p2 $0x1082  }
0x22: {  	[simem:s7], [sflag:s8] =	dma.local @!p0 [hbm:s6], $0xF7A  }
0x23: {  	s9 =	sor.u32 $0xD0000000, s2;
	s6 =	simm.s32 $0x108;
	_ =	swait.ge @!p0 [sflag:s8], $0x0  }
0x24: {  	s3 =	sadd.s32 $0x88, s3;
	s6 =	simm.s32 @!p1 $0x1082;
	[sflag:s4] =	ssyncset.s32 $0xFFFFF086  }
0x25: {  	[simem:s6], [sflag:s4] =	dma.local [hbm:s3], $0xF7A  }
0x26: {  	[smem:$0x3F90] =	sst s1;
	(tag) =	ssettag s2;
	_ =	strace s9  }
0x27: {  	s1 =	sld [smem:$0x3FA0]  }
0x28: {  	s2 =	sld [smem:$0x3FA1]  }
0x29: {  	s4 =	sld [smem:$0x3FA3]  }
0x2a: {  	p0 =	seq.s32 s5, $0x0;
	s5 =	sld [smem:$0x3FA4]  }
0x2b: {  	s6 =	sld [smem:$0x3FA5]  }
0x2c: {  	s7 =	sld [smem:$0x3FA6]  }
0x2d: {  	s3 =	simm.s32 $0x108;
	s8 =	sld [smem:$0x3FA7]  }
0x2e: {  	s3 =	simm.s32 @!p0 $0x1082;
	s9 =	sld [smem:$0x3FA8]  }
0x2f: {  	lr =	sadd.s32 s0, s3;
	s0 =	sld [smem:$0x3F9F]  }
0x30: {  	s3 =	sld [smem:$0x3FA2]  }
0x31: {  	[smem:$0x3FAB] =	sst s10  }
0x32: {  	s10 =	sld [smem:$0x3FA9];
	_ =	sdelay $0x3  }
0x33: {  	p0 =	seq.s32 s10, $0x1;
	s10 =	sld [smem:$0x3FAB];
	_ =	sdelay $0x3  }
0x34: {  	[smem:$0x3FAB] =	sst s10  }
0x35: {  	s10 =	sld [smem:$0x3FAA];
	_ =	sdelay $0x3  }
0x36: {  	p1 =	seq.s32 s10, $0x1;
	s10 =	sld [smem:$0x3FAB];
	_ =	sdelay $0x3  }
0x37: {  	[smem:$0x3FAB] =	sst s10  }
0x38: {  	s10 =	sld [smem:$0x3FAC]  }
0x39: {  	_ = 	snop;
	(pc) =	sbr.ind lr, $3  }
0x3a: {  	_ = 	snop  }
0x3b: {  	_ = 	snop  }
0x3c: {  	p2 =	seq.s32 s10, $0x1;
	s10 =	sld [smem:$0x3FAB]  }
0x3d: {  	_ =	shalt  }
0x3e: {  	_ =	shalt  }
0x3f: {  	_ =	shalt  }
0x40: {  	_ =	shalt  }
0x41: {  	_ =	shalt  }
0x42: {  	_ =	shalt  }
0x43: {  	_ =	shalt  }
0x44: {  	_ =	shalt  }
0x45: {  	_ =	shalt  }
0x46: {  	_ =	shalt  }
0x47: {  	_ =	shalt  }
0x48: {  	_ =	shalt  }
0x49: {  	_ =	shalt  }
0x4a: {  	_ =	shalt  }
0x4b: {  	_ =	shalt  }
0x4c: {  	_ =	shalt  }
0x4d: {  	_ =	shalt  }
0x4e: {  	_ =	shalt  }
0x4f: {  	_ =	shalt  }
0x50: {  	_ =	shalt  }
0x51: {  	_ =	shalt  }
0x52: {  	_ =	shalt  }
0x53: {  	_ =	shalt  }
0x54: {  	_ =	shalt  }
0x55: {  	_ =	shalt  }
0x56: {  	_ =	shalt  }
0x57: {  	_ =	shalt  }
0x58: {  	_ =	shalt  }
0x59: {  	_ =	shalt  }
0x5a: {  	_ =	shalt  }
0x5b: {  	_ =	shalt  }
0x5c: {  	_ =	shalt  }
0x5d: {  	_ =	shalt  }
0x5e: {  	_ =	shalt  }
0x5f: {  	_ =	shalt  }
0x60: {  	_ =	shalt  }
0x61: {  	_ =	shalt  }
0x62: {  	_ =	shalt  }
0x63: {  	_ =	shalt  }
0x64: {  	_ =	shalt  }
0x65: {  	_ =	shalt  }
0x66: {  	_ =	shalt  }
0x67: {  	_ =	shalt  }
0x68: {  	_ =	shalt  }
0x69: {  	_ =	shalt  }
0x6a: {  	_ =	shalt  }
0x6b: {  	_ =	shalt  }
0x6c: {  	_ =	shalt  }
0x6d: {  	_ =	shalt  }
0x6e: {  	_ =	shalt  }
0x6f: {  	_ =	shalt  }
0x70: {  	_ =	shalt  }
0x71: {  	_ =	shalt  }
0x72: {  	_ =	shalt  }
0x73: {  	_ =	shalt  }
0x74: {  	_ =	shalt  }
0x75: {  	_ =	shalt  }
0x76: {  	_ =	shalt  }
0x77: {  	_ =	shalt  }
0x78: {  	_ =	shalt  }
0x79: {  	_ =	shalt  }
0x7a: {  	_ =	shalt  }
0x7b: {  	_ =	shalt  }
0x7c: {  	_ =	shalt  }
0x7d: {  	_ =	shalt  }
0x7e: {  	_ =	shalt  }
0x7f: {  	_ =	shalt  }
0x80: {  	_ =	shalt  }
0x81: {  	_ =	shalt  }
0x82: {  	_ =	shalt  }
0x83: {  	_ =	shalt  }
0x84: {  	_ =	shalt  }
0x85: {  	_ =	shalt  }
0x86: {  	_ =	shalt  }
0x87: {  	_ =	shalt  }
.Lfunc_end0:
.L_simem_size_0:
called_computation_lowered:
.L_overlay_start_0:
0x88: {  	s2 =	sld [smem:$0x3FD9]  }
0x89: {  	s3 =	sld [smem:$0x3FFE];
	_ =	sdelay $0x1  }
0x8a: {  	s1 =	srdreg.scid  }
0x8b: {  	s0 =	sand.u32 $0x1, s1  }
0x8c: {  	s17 =	sshll.u32 s0, $0xA;
	s2 =	sadd.s32 s3, s2  }
0x8d: {  	s2 =	sadd.s32 s2, s17  }
0x8e: {  	[smem:$0x3FB7] =	sst s2  }
0x8f: {  	_ = 	snop  }
0x90: {  	s2 =	sld [smem:$0x3FD0];
	(tm) =	ssettm $0x1  }
0x91: {  	s18 =	sld [smem:$0x3FFB];
	_ =	sdelay $0x3  }
0x92: {  	_ =	strace s18  }
0x93: {  	s3 =	sld [smem:$0x3FFC];
	_ =	sdelay $0x3  }
0x94: {  	_ =	strace s3  }
0x95: {  	s3 =	sld [smem:$0x3FFD];
	_ =	sdelay $0x3  }
0x96: {  	_ =	strace s3  }
0x97: {  	_ =	strace $0x8FFFFFFF  }
0x98: {  	s19 =	sld [smem:$0x3FDB];
	_ =	sdelay $0x1  }
0x99: {  	s4 =	simm.s32 $_scs_section_size  }
0x9a: {  	s5 =	simm.s32 $_size__tile_overlayer_lowered;
	s6 =	simm.s32 $_tile_overlayer_lowered  }
0x9b: {  	s22 =	simm.s32 $0x1BFF;
	s21 =	sshll.u32 s6, $0x1;
	s3 =	sadd.s32 s4, s19  }
0x9c: {  	s7 =	simm.s32 $0x0;
	s20 =	sshll.u32 s5, $0x1;
	s5 =	sadd.s32 s21, s3  }
0x9d: {  	[timem:s7], [sflag:s22] =	dma.local [hbm:s5], s20  }
0x9e: {  	_ =	swait.ge [sflag:s22], s20  }
0x9f: {  	s4 =	ssub.s32 $0x0, s20;
	[sflag:s22] =	ssyncset.done $0x0  }
0xa0: {  	[sflag:s22] =	ssyncadd.s32 s4;
	_ =	sdelay $0x1  }
0xa1: {  	s23 =	simm.s32 $0x1B8B  }
0xa2: {  	_ =	swait.ge [sflag:s23], $0x1  }
0xa3: {  	[sflag:s23] =	ssyncset.done $0x0  }
0xa4: {  	s25 =	simm.s32 $0x1B8E;
	s24 =	sld [smem:$0x3FFE];
	[sflag:s23] =	ssyncadd.s32 $0xFFFFFFFF  }
0xa5: {  	s26 =	simm.s32 $execute0_lowered;
	[smem:$0x3FD2] =	sst s25  }
0xa6: {  	s5 =	sshll.u32 s26, $0x1;
	_ =	strace $0x80000046;
	[dreg:$0x1] =	wrdreg $0xFFFFFFFF  }
0xa7: {  	s28 =	simm.s32 $_size_execute0_lowered;
	s3 =	sadd.s32 s3, s5;
	[dreg:$0x0] =	wrdreg $0x0  }
0xa8: {  	s5 =	sshll.u32 s28, $0x1;
	[dreg:$0x2] =	wrdreg s3  }
0xa9: {  	[dreg:$0x3] =	wrdreg s5  }
0xaa: {  	[dreg:$0x4] =	wrdreg $0xC0  }
0xab: {  	_ =	task [dreg:s7], $0x5FFFF  }
0xac: {  	[dreg:$0x1] =	wrdreg $0xFFFFFFFF  }
0xad: {  	[dreg:$0x0] =	wrdreg $0x60  }
0xae: {  	[dreg:$0x2] =	wrdreg s24  }
0xaf: {  	[dreg:$0x3] =	wrdreg s2  }
0xb0: {  	[dreg:$0x4] =	wrdreg $0x30000  }
0xb1: {  	[dreg:$0x5] =	wrdreg $0x9  }
0xb2: {  	_ =	task.clear_ibuf [dreg:s7], $0x6FFFF;
	_ =	strace $0x90000046  }
0xb3: {  	s29 =	simm.s32 $0x9;
	_ =	strace $0x80000048  }
0xb4: {  	_ =	swait.ge [sflag:s29], $0x1  }
0xb5: {  	[sflag:s29] =	ssyncadd.s32 $0xFFFFFFFF  }
0xb6: {  	_ =	strace $0x90000048  }
0xb7: {  	_ =	sfence  }
0xb8: {  	s30 =	sld [smem:$0x0];
	_ =	sdelay $0x2  }
0xb9: {  	s31 =	sshll.u32 s1, $0xD;
	s1 =	sshrl.u32 s1, $0x2  }
0xba: {  	s3 =	sand.u32 $0x4000, s31;
	s1 =	sadd.s32 s1, s30  }
0xbb: {  	s0 =	sor.u32 s3, s0;
	s1 =	sshll.u32 s1, $0x11  }
0xbc: {  	s0 =	sor.u32 s1, s0  }
0xbd: {  	s0 =	sadd.s32 $0x8F2B, s0  }
0xbe: {  	[sflag:s0] =	ssyncadd.remote.s32 $0x1  }
0xbf: {  	_ =	sfence.sel $0xFFFF  }
0xc0: {  	[dreg:$0x0] =	wrdreg $0xFFFFFFFF;
	(pc) =	sbr.abs _section_cstart, $3  }
0xc1: {  	[dreg:$0x1] =	wrdreg $0xFFFFFFFF  }
0xc2: {  	_ =	task.clear_ibuf [dreg:s7], $0x2FFFF;
	_ =	strace $0x9FFFFFFF  }
0xc3: {  	(tm) =	ssettm $0x7FFFFFFF  }
tec
execute0_lowered:
.L_overlay_start_1:
0x0: {  	(tag) =	ssettag $0x1  }
0x1: {  	s5 =	rddreg [dreg:$0x0]  }
0x2: {  	s1 =	srdreg.scid;
	s6 =	rddreg [dreg:$0x1]  }
0x3: {  	s0 =	stileid.u32;
	s2 =	rddreg [dreg:$0x2];
	s3 =	simm.s32 $0x0  }
0x4: {  	s12 =	simm.s32 $0x2800;
	s13 =	simm.s32 $0x80;
	s14 =	simm.s32 $0x0  }
0x5: {  	s4 =	sand.u32 $0x1, s1;
	s28 =	sshll.u32 s0, $0x1;
	s8 =	smul.u32 $0x2780, s0  }
0x6: {  	[smem:$0x7FF] =	sst s3;
	s31 =	sshll.u32 s0, $0x6;
	s1 =	sor.u32 s4, s28  }
0x7: {  	s9 =	smul.u32 $0x27800, s4;
	s10 =	ssub.s32 $0x2, s4;
	s4 =	sadd.s32 $0xDA00, s5  }
0x8: {  	s7 =	smul.u32 $0x500, s1;
	s1 =	rddreg [dreg:$0x3];
	_ =	strace $0x80000047  }
0x9: {  	s11 =	sshrl.u32 s10, $0x1;
	s29 =	sshrl.u32 s8, $0x3;
	s9 =	sadd.s32 s8, s9  }
0xa: {  	s30 =	sadd.s32 s8, s2;
	s10 =	ssub.s32 s10, s11;
	s9 =	sshrl.u32 s9, $0x3  }
0xb: {  	s11 =	simm.s32 $0x1;
	s7 =	sadd.s32 s7, s5;
	s9 =	sadd.s32 s9, s5  }
0xc: {  	s5 =	sadd.s32 s6, s29;
	s6 =	sor.u32 $0x1C01, s31;
	s7 =	sadd.s32 $0x3A00, s7  }
0xd: {  	s8 =	sadd.s32 $0xDC00, s9;
	s9 =	smax.u32 s10, $0x1;
	s10 =	sshrl.u32 s30, $0x3  }
.LBB2_1:
0xe: {  	[spmem:s10], [sflag:s6] =	dma.local [hbm:s5], $0x4F0  }
0xf: {  	_ =	swait.ge [sflag:s11], $0x4F0  }
0x10: {  	[sflag:s11] =	ssyncset.done $0x0  }
0x11: {  	[sflag:s11] =	ssyncadd.s32 $0xFFFFFB10  }
0x12: {  	[tilespmem:s12], [sflag:$0x1] =	stream.linear.gather [hbm4b:s4+s3], $0x800, $0x38;
	[tilespmem:$0x5780] =	vst v63  }
0x13: {  	_ =	swait.ge [sflag:s11], $0x800  }
0x14: {  	[sflag:s11] =	ssyncset.done $0x0  }
0x15: {  	[sflag:s11] =	ssyncadd.s32 $0xFFFFF800  }
0x16: {  	[tilespmem:s3], [sflag:$0x1] =	stream.linear.gather [hbm4b:s7+s3], $0x2800, $0x38;
	[tilespmem:$0x5780] =	vst v63  }
0x17: {  	_ =	swait.ge [sflag:s11], $0x2800  }
0x18: {  	[sflag:s11] =	ssyncset.done $0x0  }
0x19: {  	[sflag:s11] =	ssyncadd.s32 $0xFFFFD800  }
0x1a: {  	s15 =	simm.s32 $0x0;
	[bflag:$0x0] =	sbarrier.arrive $0xFFFF  }
0x1b: {  	[spmem:s2] =	stream.indirect.scatter.add.f32 [tilespmem:s12], [sflag:$0x1], $0x10, s15, s13, $0xb8;
	[tilespmem:$0x5780] =	vst v63  }
0x1c: {  	_ =	swait.ge [sflag:s11], $0x800  }
0x1d: {  	s15 =	simm.s32 $0x200;
	[sflag:s11] =	ssyncset.done $0x0  }
.LBB2_2:
0x1e: {  	s16 =	sshra.s32 s15, $0x2;
	[sflag:s11] =	ssyncadd.s32 $0xFFFFF800;
	p0 =	sne.s32 s15, $0x9E00  }
0x1f: {  	[spmem:s2] =	stream.indirect.scatter.add.f32 [tilespmem:s12], [sflag:$0x1], $0x10, s16, s13, $0xb8;
	[tilespmem:$0x5780] =	vst v63  }
.Ltmp0:
0x20: {  	_ = 	snop;
	(pc) =	sbr.rel @p0 .LBB2_2-.Ltmp0, $4  }
0x21: {  	_ = 	snop  }
0x22: {  	s15 =	sadd.s32 $0x200, s15  }
0x23: {  	_ =	swait.ge [sflag:s11], $0x800  }
0x24: {  	[sflag:s11] =	ssyncset.done $0x0  }
0x25: {  	s14 =	sadd.s32 $0x1, s14  }
0x26: {  	[sflag:s11] =	ssyncadd.s32 $0xFFFFF800;
	p0 =	sne.s32 s14, s9  }
.Ltmp1:
0x27: {  	[bflag:$0x0] =	sbarrier.arrive $0xFFFF;
	(pc) =	sbr.rel @p0 .LBB2_1-.Ltmp1, $4  }
0x28: {  	[hbm:s8], [sflag:s6] =	dma.local [spmem:s10], $0x4F0  }
0x29: {  	_ =	swait.ge [sflag:s11], $0x4F0  }
0x2a: {  	[sflag:s11] =	ssyncset.done $0x0  }
0x2b: {  	[sflag:s11] =	ssyncadd.s32 $0xFFFFFB10  }
0x2c: {  	_ =	sfence.sel $0x180000  }
0x2d: {  	[bflag:$0x0] =	sbarrier.arrive $0xFFFF  }
0x2e: {  	p0 =	sne.s32 s0, $0x0;
	_ =	strace $0x90000047  }
0x2f: {  	s0 =	sadd.s32 @!p0 $0x100000, s1;
	[bflag:$0x2] =	sbarrier.arrive $0xFFFF  }
0x30: {  	[sflag:s0] =	ssyncadd.tile.s32 @!p0 $0x1;
	_ =	shalt  }
.Lfunc_end2:
_tile_overlayer_lowered:
.L_overlay_start_2:
0x31: {  	(tag) =	ssettag $0x2  }
0x32: {  	s0 =	rddreg [dreg:$0x0];
	s2 =	stileid.u32  }
0x33: {  	s1 =	rddreg [dreg:$0x1];
	p0 =	sne.s32 s2, $0x0  }
0x34: {  	s3 =	rddreg [dreg:$0x2];
	[bflag:$0x3] =	sbarrier.arrive $0xFFFF;
	s2 =	simm.s32 @!p0 $0x1C01  }
0x35: {  	[timem:s3], [sflag:s2] =	dma.local @!p0 [hbm:s0], s1  }
0x36: {  	s0 =	simm.s32 @!p0 $0x1  }
0x37: {  	_ =	swait.ge @!p0 [sflag:s0], s1  }
0x38: {  	s1 =	ssub.s32 @!p0 $0x0, s1;
	[sflag:s0] =	ssyncset.done @!p0 $0x0  }
0x39: {  	[sflag:s0] =	ssyncadd.s32 @!p0 s1  }
0x3a: {  	[bflag:$0x3] =	sbarrier.arrive $0xFFFF  }
0x3b: {  	_ =	shalt  }

// kernel: kernel.13.cloned.1.call-start
scs
__scs_entry_jumppad:
0x0: {  	(pc) =	sbr.rel $0x88, $3  }
0x1: {  	(tag) =	ssettag $0x0;
	lr =	simm.s32 $0x1  }
0x2: {  	[smem:$0x3F90] =	sst lr;
	_ =	strace $0xD0000000  }
0x3: {  	_ = 	snop  }
0x4: {  	_ = 	snop  }
0x5: {  	_ = 	snop  }
0x6: {  	_ = 	snop  }
0x7: {  	_ = 	snop  }
__scs_overlays_trampoline_lowered:
0x8: {  	[smem:$0x3F9F] =	sst s0  }
0x9: {  	[smem:$0x3FA0] =	sst s1  }
0xa: {  	[smem:$0x3FA1] =	sst s2  }
0xb: {  	[smem:$0x3FA2] =	sst s3  }
0xc: {  	[smem:$0x3FA3] =	sst s4  }
0xd: {  	[smem:$0x3FA4] =	sst s5  }
0xe: {  	[smem:$0x3FA5] =	sst s6  }
0xf: {  	[smem:$0x3FA6] =	sst s7  }
0x10: {  	[smem:$0x3FA7] =	sst s8  }
0x11: {  	[smem:$0x3FA8] =	sst s9;
	s0 =	simm.s32 @!p0 $0x0  }
0x12: {  	s1 =	sld [smem:$0x3F8E];
	s0 =	simm.s32 @p0 $0x1  }
0x13: {  	[smem:$0x3FA9] =	sst s0;
	s0 =	simm.s32 @!p1 $0x0  }
0x14: {  	s2 =	sld [smem:$0x3F8D];
	s0 =	simm.s32 @p1 $0x1  }
0x15: {  	[smem:$0x3FAA] =	sst s0;
	s0 =	simm.s32 @!p2 $0x0  }
0x16: {  	s3 =	sld [smem:$0x3FDB];
	s0 =	simm.s32 @p2 $0x1  }
0x17: {  	s4 =	simm.s32 $0x1BF5;
	[smem:$0x3FAC] =	sst s0  }
0x18: {  	s0 =	sld [smem:$0x3F8F];
	_ =	swait.ge [sflag:s4], $0x0  }
0x19: {  	s7 =	sld [smem:$0x3F90]  }
0x1a: {  	s8 =	sadd.s32 $0xFFFFE003, lr  }
0x1b: {  	s9 =	sadd.s32 $0xFFFFFEF7, lr;
	s5 =	simm.s32 $0xFFFFFFFF;
	p2 =	slt.u32 s8, $0xFFFFF086  }
0x1c: {  	p1 =	slt.u32 s9, $0xF7A;
	s5 =	simm.s32 @!p2 $0x0  }
0x1d: {  	s5 =	simm.s32 @p1 $0x1;
	p0 =	seq.s32 s7, s2  }
0x1e: {  	s7 =	smul.u32 @!p0 $0xF7A, s2;
	p2 =	seq.s32 @!p0 s5, $0x0  }
0x1f: {  	s9 =	smul.u32 $0xF7A, s1;
	s8 =	simm.s32 @!p0 $0x1BF5;
	p2 =	por !p2, p0  }
0x20: {  	[sflag:s8] =	ssyncset.s32 @!p0 $0xFFFFF086;
	s6 =	sadd.s32 @!p0 s3, s7;
	s7 =	simm.s32 @!p0 $0x108  }
0x21: {  	s3 =	sadd.s32 s3, s9;
	s6 =	sadd.s32 @!p0 $0x88, s6;
	s7 =	simm.s32 @p2 $0x1082  }
0x22: {  	[simem:s7], [sflag:s8] =	dma.local @!p0 [hbm:s6], $0xF7A  }
0x23: {  	s9 =	sor.u32 $0xD0000000, s2;
	s6 =	simm.s32 $0x108;
	_ =	swait.ge @!p0 [sflag:s8], $0x0  }
0x24: {  	s3 =	sadd.s32 $0x88, s3;
	s6 =	simm.s32 @!p1 $0x1082;
	[sflag:s4] =	ssyncset.s32 $0xFFFFF086  }
0x25: {  	[simem:s6], [sflag:s4] =	dma.local [hbm:s3], $0xF7A  }
0x26: {  	[smem:$0x3F90] =	sst s1;
	(tag) =	ssettag s2;
	_ =	strace s9  }
0x27: {  	s1 =	sld [smem:$0x3FA0]  }
0x28: {  	s2 =	sld [smem:$0x3FA1]  }
0x29: {  	s4 =	sld [smem:$0x3FA3]  }
0x2a: {  	p0 =	seq.s32 s5, $0x0;
	s5 =	sld [smem:$0x3FA4]  }
0x2b: {  	s6 =	sld [smem:$0x3FA5]  }
0x2c: {  	s7 =	sld [smem:$0x3FA6]  }
0x2d: {  	s3 =	simm.s32 $0x108;
	s8 =	sld [smem:$0x3FA7]  }
0x2e: {  	s3 =	simm.s32 @!p0 $0x1082;
	s9 =	sld [smem:$0x3FA8]  }
0x2f: {  	lr =	sadd.s32 s0, s3;
	s0 =	sld [smem:$0x3F9F]  }
0x30: {  	s3 =	sld [smem:$0x3FA2]  }
0x31: {  	[smem:$0x3FAB] =	sst s10  }
0x32: {  	s10 =	sld [smem:$0x3FA9];
	_ =	sdelay $0x3  }
0x33: {  	p0 =	seq.s32 s10, $0x1;
	s10 =	sld [smem:$0x3FAB];
	_ =	sdelay $0x3  }
0x34: {  	[smem:$0x3FAB] =	sst s10  }
0x35: {  	s10 =	sld [smem:$0x3FAA];
	_ =	sdelay $0x3  }
0x36: {  	p1 =	seq.s32 s10, $0x1;
	s10 =	sld [smem:$0x3FAB];
	_ =	sdelay $0x3  }
0x37: {  	[smem:$0x3FAB] =	sst s10  }
0x38: {  	s10 =	sld [smem:$0x3FAC]  }
0x39: {  	_ = 	snop;
	(pc) =	sbr.ind lr, $3  }
0x3a: {  	_ = 	snop  }
0x3b: {  	_ = 	snop  }
0x3c: {  	p2 =	seq.s32 s10, $0x1;
	s10 =	sld [smem:$0x3FAB]  }
0x3d: {  	_ =	shalt  }
0x3e: {  	_ =	shalt  }
0x3f: {  	_ =	shalt  }
0x40: {  	_ =	shalt  }
0x41: {  	_ =	shalt  }
0x42: {  	_ =	shalt  }
0x43: {  	_ =	shalt  }
0x44: {  	_ =	shalt  }
0x45: {  	_ =	shalt  }
0x46: {  	_ =	shalt  }
0x47: {  	_ =	shalt  }
0x48: {  	_ =	shalt  }
0x49: {  	_ =	shalt  }
0x4a: {  	_ =	shalt  }
0x4b: {  	_ =	shalt  }
0x4c: {  	_ =	shalt  }
0x4d: {  	_ =	shalt  }
0x4e: {  	_ =	shalt  }
0x4f: {  	_ =	shalt  }
0x50: {  	_ =	shalt  }
0x51: {  	_ =	shalt  }
0x52: {  	_ =	shalt  }
0x53: {  	_ =	shalt  }
0x54: {  	_ =	shalt  }
0x55: {  	_ =	shalt  }
0x56: {  	_ =	shalt  }
0x57: {  	_ =	shalt  }
0x58: {  	_ =	shalt  }
0x59: {  	_ =	shalt  }
0x5a: {  	_ =	shalt  }
0x5b: {  	_ =	shalt  }
0x5c: {  	_ =	shalt  }
0x5d: {  	_ =	shalt  }
0x5e: {  	_ =	shalt  }
0x5f: {  	_ =	shalt  }
0x60: {  	_ =	shalt  }
0x61: {  	_ =	shalt  }
0x62: {  	_ =	shalt  }
0x63: {  	_ =	shalt  }
0x64: {  	_ =	shalt  }
0x65: {  	_ =	shalt  }
0x66: {  	_ =	shalt  }
0x67: {  	_ =	shalt  }
0x68: {  	_ =	shalt  }
0x69: {  	_ =	shalt  }
0x6a: {  	_ =	shalt  }
0x6b: {  	_ =	shalt  }
0x6c: {  	_ =	shalt  }
0x6d: {  	_ =	shalt  }
0x6e: {  	_ =	shalt  }
0x6f: {  	_ =	shalt  }
0x70: {  	_ =	shalt  }
0x71: {  	_ =	shalt  }
0x72: {  	_ =	shalt  }
0x73: {  	_ =	shalt  }
0x74: {  	_ =	shalt  }
0x75: {  	_ =	shalt  }
0x76: {  	_ =	shalt  }
0x77: {  	_ =	shalt  }
0x78: {  	_ =	shalt  }
0x79: {  	_ =	shalt  }
0x7a: {  	_ =	shalt  }
0x7b: {  	_ =	shalt  }
0x7c: {  	_ =	shalt  }
0x7d: {  	_ =	shalt  }
0x7e: {  	_ =	shalt  }
0x7f: {  	_ =	shalt  }
0x80: {  	_ =	shalt  }
0x81: {  	_ =	shalt  }
0x82: {  	_ =	shalt  }
0x83: {  	_ =	shalt  }
0x84: {  	_ =	shalt  }
0x85: {  	_ =	shalt  }
0x86: {  	_ =	shalt  }
0x87: {  	_ =	shalt  }
.Lfunc_end0:
.L_simem_size_0:
called_computation.1_lowered:
.L_overlay_start_0:
0x88: {  	s2 =	sld [smem:$0x3FD9]  }
0x89: {  	s3 =	sld [smem:$0x3FFE];
	_ =	sdelay $0x1  }
0x8a: {  	s1 =	srdreg.scid  }
0x8b: {  	s0 =	sand.u32 $0x1, s1  }
0x8c: {  	s16 =	sshll.u32 s0, $0xA;
	s2 =	sadd.s32 s3, s2  }
0x8d: {  	s2 =	sadd.s32 s2, s16  }
0x8e: {  	[smem:$0x3FB7] =	sst s2  }
0x8f: {  	_ = 	snop  }
0x90: {  	(tm) =	ssettm $0x1  }
0x91: {  	s17 =	sld [smem:$0x3FFB];
	_ =	sdelay $0x3  }
0x92: {  	_ =	strace s17  }
0x93: {  	s2 =	sld [smem:$0x3FFC];
	_ =	sdelay $0x3  }
0x94: {  	_ =	strace s2  }
0x95: {  	s2 =	sld [smem:$0x3FFD];
	_ =	sdelay $0x3  }
0x96: {  	_ =	strace s2  }
0x97: {  	_ =	strace $0x8FFFFFFF  }
0x98: {  	s18 =	sld [smem:$0x3FDB];
	_ =	sdelay $0x1  }
0x99: {  	s19 =	simm.s32 $_scs_section_size  }
0x9a: {  	s4 =	simm.s32 $_size__tile_overlayer_lowered;
	s5 =	simm.s32 $_tile_overlayer_lowered  }
0x9b: {  	s22 =	simm.s32 $0x1BFF;
	s21 =	sshll.u32 s5, $0x1;
	s2 =	sadd.s32 s19, s18  }
0x9c: {  	s6 =	simm.s32 $0x0;
	s20 =	sshll.u32 s4, $0x1;
	s4 =	sadd.s32 s21, s2  }
0x9d: {  	[timem:s6], [sflag:s22] =	dma.local [hbm:s4], s20  }
0x9e: {  	_ =	swait.ge [sflag:s22], s20  }
0x9f: {  	s3 =	ssub.s32 $0x0, s20;
	[sflag:s22] =	ssyncset.done $0x0  }
0xa0: {  	[sflag:s22] =	ssyncadd.s32 s3;
	_ =	sdelay $0x1  }
0xa1: {  	s23 =	simm.s32 $0x1B8B  }
0xa2: {  	_ =	swait.ge [sflag:s23], $0x1  }
0xa3: {  	[sflag:s23] =	ssyncset.done $0x0  }
0xa4: {  	s25 =	simm.s32 $0x1B8E;
	s24 =	sld [smem:$0x3FFE];
	[sflag:s23] =	ssyncadd.s32 $0xFFFFFFFF  }
0xa5: {  	s26 =	simm.s32 $execute0_lowered;
	[smem:$0x3FD2] =	sst s25  }
0xa6: {  	s4 =	sshll.u32 s26, $0x1;
	_ =	strace $0x80000049;
	[dreg:$0x1] =	wrdreg $0xFFFFFFFF  }
0xa7: {  	s28 =	simm.s32 $_size_execute0_lowered;
	s2 =	sadd.s32 s2, s4;
	[dreg:$0x0] =	wrdreg $0x0  }
0xa8: {  	s4 =	sshll.u32 s28, $0x1;
	[dreg:$0x2] =	wrdreg s2  }
0xa9: {  	[dreg:$0x3] =	wrdreg s4  }
0xaa: {  	[dreg:$0x4] =	wrdreg $0xC0  }
0xab: {  	_ =	task [dreg:s6], $0x5FFFF  }
0xac: {  	[dreg:$0x1] =	wrdreg $0xFFFFFFFF  }
0xad: {  	[dreg:$0x0] =	wrdreg $0x60  }
0xae: {  	[dreg:$0x2] =	wrdreg s24  }
0xaf: {  	[dreg:$0x3] =	wrdreg $0xD0000  }
0xb0: {  	[dreg:$0x4] =	wrdreg $0x9  }
0xb1: {  	_ =	task.clear_ibuf [dreg:s6], $0x5FFFF;
	_ =	strace $0x90000049  }
0xb2: {  	s29 =	simm.s32 $0x9;
	_ =	strace $0x8000004B  }
0xb3: {  	_ =	swait.ge [sflag:s29], $0x1  }
0xb4: {  	[sflag:s29] =	ssyncadd.s32 $0xFFFFFFFF  }
0xb5: {  	_ =	strace $0x9000004B  }
0xb6: {  	_ =	sfence  }
0xb7: {  	s30 =	sld [smem:$0x0];
	_ =	sdelay $0x2  }
0xb8: {  	s31 =	sshll.u32 s1, $0xD;
	s1 =	sshrl.u32 s1, $0x2  }
0xb9: {  	s3 =	sand.u32 $0x4000, s31;
	s1 =	sadd.s32 s1, s30  }
0xba: {  	s0 =	sor.u32 s3, s0;
	s1 =	sshll.u32 s1, $0x11  }
0xbb: {  	s0 =	sor.u32 s1, s0  }
0xbc: {  	s0 =	sadd.s32 $0x8F2B, s0  }
0xbd: {  	[sflag:s0] =	ssyncadd.remote.s32 $0x1  }
0xbe: {  	_ =	sfence.sel $0xFFFF  }
0xbf: {  	[dreg:$0x0] =	wrdreg $0xFFFFFFFF;
	(pc) =	sbr.abs _section_cstart, $3  }
0xc0: {  	[dreg:$0x1] =	wrdreg $0xFFFFFFFF  }
0xc1: {  	_ =	task.clear_ibuf [dreg:s6], $0x2FFFF;
	_ =	strace $0x9FFFFFFF  }
0xc2: {  	(tm) =	ssettm $0x7FFFFFFF  }
0xc3: {  	_ =	shalt  }
tec
execute0_lowered:
.L_overlay_start_1:
0x0: {  	(tag) =	ssettag $0x1  }
0x1: {  	s0 =	srdreg.scid;
	s1 =	rddreg [dreg:$0x0]  }
0x2: {  	s14 =	stileid.u32;
	s2 =	rddreg [dreg:$0x1]  }
0x3: {  	s12 =	simm.s32 $0x5;
	s16 =	simm.s32 $0x80;
	s17 =	simm.s32 $0x5000  }
0x4: {  	s18 =	simm.s32 $0x7000;
	s19 =	simm.s32 $0x100;
	s20 =	simm.s32 $0x9000  }
0x5: {  	s21 =	simm.s32 $0x180;
	s28 =	simm.s32 $0x4E00;
	s29 =	simm.s32 $0x4E80  }
0x6: {  	s30 =	simm.s32 $0x4F00;
	s31 =	simm.s32 $0x4F80;
	s0 =	sand.u32 $0x1, s0  }
0x7: {  	s3 =	sshll.u32 s14, $0x1;
	s8 =	smul.u32 $0x9E00, s14;
	s5 =	sadd.s32 $0xABE00, s1  }
0x8: {  	s26 =	sshll.u32 s14, $0x6;
	s4 =	sor.u32 s0, s3;
	s3 =	simm.s32 $0x0  }
0x9: {  	s7 =	smul.u32 $0x13C000, s0;
	s0 =	ssub.s32 $0x2, s0;
	s14 =	sor.u32 $0x1C05, s26  }
0xa: {  	s26 =	simm.s32 $0x4;
	s6 =	smul.u32 $0x500, s4;
	[smem:$0x7FF] =	sst s3  }
0xb: {  	s4 =	sadd.s32 $0x98200, s1;
	s22 =	sshrl.u32 s8, $0x3;
	s24 =	sshrl.u32 s0, $0x1  }
0xc: {  	s13 =	sadd.s32 s8, s2;
	_ =	strace $0x8000004A;
	s7 =	sadd.s32 s8, s7  }
0xd: {  	s10 =	sadd.s32 s22, s1;
	s0 =	ssub.s32 s0, s24;
	s15 =	sshrl.u32 s13, $0x3  }
0xe: {  	s22 =	simm.s32 $0xB000;
	s24 =	simm.s32 $0x2;
	s9 =	sadd.s32 s6, s1  }
0xf: {  	s23 =	sshrl.u32 s7, $0x3;
	s8 =	sadd.s32 $0xBFA00, s10;
	s11 =	smax.u32 s0, $0x1  }
0x10: {  	s1 =	sadd.s32 s23, s1;
	s25 =	sadd.s32 $0x17A00, s9;
	s7 =	sadd.s32 $0x3A00, s9  }
0x11: {  	s23 =	simm.s32 $0x1;
	[dreg:$0x3] =	wrdreg s25;
	s9 =	sadd.s32 $0xD3600, s1  }
0x12: {  	s10 =	sadd.s32 $0xE7200, s1;
	s25 =	simm.s32 $0x3;
	s1 =	simm.s32 $0x0  }
.LBB2_1:
0x13: {  	s0 =	rddreg [dreg:$0x3]  }
0x14: {  	[tilespmem:s3], [sflag:$0x5] =	stream.linear.gather [hbm4b:s0+s3], $0x2800, $0x38;
	[tilespmem:$0x16E00] =	vst v63  }
0x15: {  	_ =	swait.ge [sflag:s12], $0x2800  }
0x16: {  	[sflag:s12] =	ssyncset.done $0x0  }
0x17: {  	s6 =	simm.s32 $0x2800;
	[sflag:s12] =	ssyncadd.s32 $0xFFFFD800  }
0x18: {  	[tilespmem:s6], [sflag:$0x5] =	stream.linear.gather [hbm4b:s7+s3], $0x2800, $0x38;
	[tilespmem:$0x16E00] =	vst v63  }
0x19: {  	_ =	swait.ge [sflag:s12], $0x2800  }
0x1a: {  	[sflag:s12] =	ssyncset.done $0x0  }
0x1b: {  	[sflag:s12] =	ssyncadd.s32 $0xFFFFD800  }
0x1c: {  	[spmem:s15], [sflag:s14] =	dma.local [hbm:s8], $0x13C0  }
0x1d: {  	_ =	swait.ge [sflag:s12], $0x13C0  }
0x1e: {  	[sflag:s12] =	ssyncset.done $0x0  }
0x1f: {  	[sflag:s12] =	ssyncadd.s32 $0xFFFFEC40  }
0x20: {  	[bflag:$0x0] =	sbarrier.arrive $0xFFFF  }
0x21: {  	[tilespmem:s17], [sflag:$0x1] =	stream.indirect.gather [hbm4b:s4+s16], $0x40, s3, s16, $0xb8;
	[tilespmem:$0x16E00] =	vst v63  }
0x22: {  	_ = 	snop  }
0x23: {  	[tilespmem:s18], [sflag:$0x2] =	stream.indirect.gather [hbm4b:s4+s16], $0x40, s16, s16, $0xb8;
	[tilespmem:$0x16E00] =	vst v63  }
0x24: {  	_ = 	snop  }
0x25: {  	[tilespmem:s20], [sflag:$0x3] =	stream.indirect.gather [hbm4b:s4+s16], $0x40, s19, s16, $0xb8;
	[tilespmem:$0x16E00] =	vst v63  }
0x26: {  	_ = 	snop  }
0x27: {  	[tilespmem:s22], [sflag:$0x4] =	stream.indirect.gather [hbm4b:s4+s16], $0x40, s21, s16, $0xb8;
	[tilespmem:$0x16E00] =	vst v63  }
0x28: {  	_ =	swait.ge [sflag:s23], $0x2000  }
0x29: {  	[sflag:s23] =	ssyncset.done $0x0  }
0x2a: {  	s13 =	simm.s32 $0x2800;
	[sflag:s23] =	ssyncadd.s32 $0xFFFFE000  }
0x2b: {  	[spmem:s2] =	stream.indirect.scatter.add.f32 [tilespmem:s17], [sflag:$0x5], $0x40, s13, s16, $0xb8;
	[tilespmem:$0x16E00] =	vst v63  }
0x2c: {  	_ =	swait.ge [sflag:s12], $0x2000  }
0x2d: {  	[sflag:s12] =	ssyncset.done $0x0  }
0x2e: {  	s6 =	simm.s32 $0x200;
	[sflag:s12] =	ssyncadd.s32 $0xFFFFE000  }
0x2f: {  	[tilespmem:s17], [sflag:$0x1] =	stream.indirect.gather [hbm4b:s4+s16], $0x40, s6, s16, $0xb8;
	[tilespmem:$0x16E00] =	vst v63  }
0x30: {  	_ =	swait.ge [sflag:s24], $0x2000  }
0x31: {  	[sflag:s24] =	ssyncset.done $0x0  }
0x32: {  	s13 =	simm.s32 $0x2880;
	[sflag:s24] =	ssyncadd.s32 $0xFFFFE000  }
0x33: {  	[spmem:s2] =	stream.indirect.scatter.add.f32 [tilespmem:s18], [sflag:$0x5], $0x40, s13, s16, $0xb8;
	[tilespmem:$0x16E00] =	vst v63  }
0x34: {  	_ =	swait.ge [sflag:s12], $0x2000  }
0x35: {  	[sflag:s12] =	ssyncset.done $0x0  }
0x36: {  	s6 =	simm.s32 $0x280;
	[sflag:s12] =	ssyncadd.s32 $0xFFFFE000  }
0x37: {  	[tilespmem:s18], [sflag:$0x2] =	stream.indirect.gather [hbm4b:s4+s16], $0x40, s6, s16, $0xb8;
	[tilespmem:$0x16E00] =	vst v63  }
0x38: {  	_ =	swait.ge [sflag:s25], $0x2000  }
0x39: {  	[sflag:s25] =	ssyncset.done $0x0  }
0x3a: {  	s13 =	simm.s32 $0x2900;
	[sflag:s25] =	ssyncadd.s32 $0xFFFFE000  }
0x3b: {  	[spmem:s2] =	stream.indirect.scatter.add.f32 [tilespmem:s20], [sflag:$0x5], $0x40, s13, s16, $0xb8;
	[tilespmem:$0x16E00] =	vst v63  }
0x3c: {  	_ =	swait.ge [sflag:s12], $0x2000  }
0x3d: {  	[sflag:s12] =	ssyncset.done $0x0  }
0x3e: {  	s6 =	simm.s32 $0x300;
	[sflag:s12] =	ssyncadd.s32 $0xFFFFE000  }
0x3f: {  	[tilespmem:s20], [sflag:$0x3] =	stream.indirect.gather [hbm4b:s4+s16], $0x40, s6, s16, $0xb8;
	[tilespmem:$0x16E00] =	vst v63  }
0x40: {  	_ =	swait.ge [sflag:s26], $0x2000  }
0x41: {  	[sflag:s26] =	ssyncset.done $0x0  }
0x42: {  	s13 =	simm.s32 $0x2980;
	[sflag:s26] =	ssyncadd.s32 $0xFFFFE000  }
0x43: {  	[spmem:s2] =	stream.indirect.scatter.add.f32 [tilespmem:s22], [sflag:$0x5], $0x40, s13, s16, $0xb8;
	[tilespmem:$0x16E00] =	vst v63  }
0x44: {  	_ =	swait.ge [sflag:s12], $0x2000  }
0x45: {  	[sflag:s12] =	ssyncset.done $0x0  }
0x46: {  	s0 =	simm.s32 $0x800;
	s13 =	simm.s32 $0x380;
	[sflag:s12] =	ssyncadd.s32 $0xFFFFE000  }
.LBB2_2:
0x47: {  	[tilespmem:s22], [sflag:$0x4] =	stream.indirect.gather [hbm4b:s4+s16], $0x40, s13, s16, $0xb8;
	[tilespmem:$0x16E00] =	vst v63  }
0x48: {  	s13 =	smov.u32 s0  }
0x49: {  	p0 =	sne.s32 s0, $0x9000;
	s0 =	sadd.s32 $0x800, s0;
	_ =	swait.ge [sflag:s23], $0x2000  }
0x4a: {  	s13 =	sshra.s32 s13, $0x2;
	[sflag:s23] =	ssyncset.done $0x0  }
0x4b: {  	s6 =	sadd.s32 $0x2800, s13;
	[sflag:s23] =	ssyncadd.s32 $0xFFFFE000  }
0x4c: {  	[spmem:s2] =	stream.indirect.scatter.add.f32 [tilespmem:s17], [sflag:$0x5], $0x40, s6, s16, $0xb8;
	[tilespmem:$0x16E00] =	vst v63  }
0x4d: {  	_ =	swait.ge [sflag:s12], $0x2000  }
0x4e: {  	[sflag:s12] =	ssyncset.done $0x0  }
0x4f: {  	s6 =	sadd.s32 $0x200, s13;
	[sflag:s12] =	ssyncadd.s32 $0xFFFFE000  }
0x50: {  	[tilespmem:s17], [sflag:$0x1] =	stream.indirect.gather [hbm4b:s4+s16], $0x40, s6, s16, $0xb8;
	[tilespmem:$0x16E00] =	vst v63  }
0x51: {  	_ =	swait.ge [sflag:s24], $0x2000  }
0x52: {  	[sflag:s24] =	ssyncset.done $0x0  }
0x53: {  	s6 =	sadd.s32 $0x2880, s13;
	[sflag:s24] =	ssyncadd.s32 $0xFFFFE000  }
0x54: {  	[spmem:s2] =	stream.indirect.scatter.add.f32 [tilespmem:s18], [sflag:$0x5], $0x40, s6, s16, $0xb8;
	[tilespmem:$0x16E00] =	vst v63  }
0x55: {  	_ =	swait.ge [sflag:s12], $0x2000  }
0x56: {  	[sflag:s12] =	ssyncset.done $0x0  }
0x57: {  	s6 =	sadd.s32 $0x280, s13;
	[sflag:s12] =	ssyncadd.s32 $0xFFFFE000  }
0x58: {  	[tilespmem:s18], [sflag:$0x2] =	stream.indirect.gather [hbm4b:s4+s16], $0x40, s6, s16, $0xb8;
	[tilespmem:$0x16E00] =	vst v63  }
0x59: {  	_ =	swait.ge [sflag:s25], $0x2000  }
0x5a: {  	[sflag:s25] =	ssyncset.done $0x0  }
0x5b: {  	s6 =	sadd.s32 $0x2900, s13;
	[sflag:s25] =	ssyncadd.s32 $0xFFFFE000  }
0x5c: {  	[spmem:s2] =	stream.indirect.scatter.add.f32 [tilespmem:s20], [sflag:$0x5], $0x40, s6, s16, $0xb8;
	[tilespmem:$0x16E00] =	vst v63  }
0x5d: {  	_ =	swait.ge [sflag:s12], $0x2000  }
0x5e: {  	[sflag:s12] =	ssyncset.done $0x0  }
0x5f: {  	s6 =	sadd.s32 $0x300, s13;
	[sflag:s12] =	ssyncadd.s32 $0xFFFFE000  }
0x60: {  	[tilespmem:s20], [sflag:$0x3] =	stream.indirect.gather [hbm4b:s4+s16], $0x40, s6, s16, $0xb8;
	[tilespmem:$0x16E00] =	vst v63  }
0x61: {  	_ =	swait.ge [sflag:s26], $0x2000  }
0x62: {  	[sflag:s26] =	ssyncset.done $0x0  }
.Ltmp0:
0x63: {  	s6 =	sadd.s32 $0x2980, s13;
	[sflag:s26] =	ssyncadd.s32 $0xFFFFE000;
	(pc) =	sbr.rel @p0 .LBB2_2-.Ltmp0, $4  }
0x64: {  	[spmem:s2] =	stream.indirect.scatter.add.f32 [tilespmem:s22], [sflag:$0x5], $0x40, s6, s16, $0xb8;
	[tilespmem:$0x16E00] =	vst v63  }
0x65: {  	_ =	swait.ge [sflag:s12], $0x2000  }
0x66: {  	[sflag:s12] =	ssyncset.done $0x0  }
0x67: {  	s13 =	sadd.s32 $0x380, s13;
	[sflag:s12] =	ssyncadd.s32 $0xFFFFE000  }
0x68: {  	[tilespmem:s22], [sflag:$0x4] =	stream.indirect.gather [hbm4b:s4+s16], $0x40, s13, s16, $0xb8;
	[tilespmem:$0x16E00] =	vst v63  }
0x69: {  	_ =	swait.ge [sflag:s23], $0x2000  }
0x6a: {  	[sflag:s23] =	ssyncset.done $0x0  }
0x6b: {  	[sflag:s23] =	ssyncadd.s32 $0xFFFFE000  }
0x6c: {  	[spmem:s2] =	stream.indirect.scatter.add.f32 [tilespmem:s17], [sflag:$0x5], $0x40, s28, s16, $0xb8;
	[tilespmem:$0x16E00] =	vst v63  }
0x6d: {  	_ =	swait.ge [sflag:s12], $0x2000  }
0x6e: {  	[sflag:s12] =	ssyncset.done $0x0  }
0x6f: {  	[sflag:s12] =	ssyncadd.s32 $0xFFFFE000  }
0x70: {  	_ =	swait.ge [sflag:s24], $0x2000  }
0x71: {  	[sflag:s24] =	ssyncset.done $0x0  }
0x72: {  	[sflag:s24] =	ssyncadd.s32 $0xFFFFE000  }
0x73: {  	[spmem:s2] =	stream.indirect.scatter.add.f32 [tilespmem:s18], [sflag:$0x5], $0x40, s29, s16, $0xb8;
	[tilespmem:$0x16E00] =	vst v63  }
0x74: {  	_ =	swait.ge [sflag:s12], $0x2000  }
0x75: {  	[sflag:s12] =	ssyncset.done $0x0  }
0x76: {  	[sflag:s12] =	ssyncadd.s32 $0xFFFFE000  }
0x77: {  	_ =	swait.ge [sflag:s25], $0x2000  }
0x78: {  	[sflag:s25] =	ssyncset.done $0x0  }
0x79: {  	[sflag:s25] =	ssyncadd.s32 $0xFFFFE000  }
0x7a: {  	[spmem:s2] =	stream.indirect.scatter.add.f32 [tilespmem:s20], [sflag:$0x5], $0x40, s30, s16, $0xb8;
	[tilespmem:$0x16E00] =	vst v63  }
0x7b: {  	_ =	swait.ge [sflag:s12], $0x2000  }
0x7c: {  	[sflag:s12] =	ssyncset.done $0x0  }
0x7d: {  	[sflag:s12] =	ssyncadd.s32 $0xFFFFE000  }
0x7e: {  	_ =	swait.ge [sflag:s26], $0x2000  }
0x7f: {  	[sflag:s26] =	ssyncset.done $0x0  }
0x80: {  	[sflag:s26] =	ssyncadd.s32 $0xFFFFE000  }
0x81: {  	[spmem:s2] =	stream.indirect.scatter.add.f32 [tilespmem:s22], [sflag:$0x5], $0x40, s31, s16, $0xb8;
	[tilespmem:$0x16E00] =	vst v63  }
0x82: {  	_ =	swait.ge [sflag:s12], $0x2000  }
0x83: {  	[sflag:s12] =	ssyncset.done $0x0  }
0x84: {  	[sflag:s12] =	ssyncadd.s32 $0xFFFFE000  }
0x85: {  	[bflag:$0x0] =	sbarrier.arrive $0xFFFF  }
0x86: {  	[hbm:s9], [sflag:s14] =	dma.local [spmem:s15], $0x13C0  }
0x87: {  	_ =	swait.ge [sflag:s12], $0x13C0  }
0x88: {  	[sflag:s12] =	ssyncset.done $0x0  }
0x89: {  	[sflag:s12] =	ssyncadd.s32 $0xFFFFEC40  }
0x8a: {  	[spmem:s15], [sflag:s14] =	dma.local [hbm:s8], $0x13C0  }
0x8b: {  	_ =	swait.ge [sflag:s12], $0x13C0  }
0x8c: {  	[sflag:s12] =	ssyncset.done $0x0  }
0x8d: {  	[sflag:s12] =	ssyncadd.s32 $0xFFFFEC40  }
0x8e: {  	s0 =	simm.s32 $0x0;
	[bflag:$0x0] =	sbarrier.arrive $0xFFFF  }
0x8f: {  	[tilespmem:s17], [sflag:$0x1] =	stream.indirect.gather [hbm4b:s5+s16], $0x40, s0, s16, $0xb8;
	[tilespmem:$0x16E00] =	vst v63  }
0x90: {  	_ = 	snop  }
0x91: {  	[tilespmem:s18], [sflag:$0x2] =	stream.indirect.gather [hbm4b:s5+s16], $0x40, s16, s16, $0xb8;
	[tilespmem:$0x16E00] =	vst v63  }
0x92: {  	_ = 	snop  }
0x93: {  	[tilespmem:s20], [sflag:$0x3] =	stream.indirect.gather [hbm4b:s5+s16], $0x40, s19, s16, $0xb8;
	[tilespmem:$0x16E00] =	vst v63  }
0x94: {  	_ = 	snop  }
0x95: {  	[tilespmem:s22], [sflag:$0x4] =	stream.indirect.gather [hbm4b:s5+s16], $0x40, s21, s16, $0xb8;
	[tilespmem:$0x16E00] =	vst v63  }
0x96: {  	_ =	swait.ge [sflag:s23], $0x2000  }
0x97: {  	[sflag:s23] =	ssyncset.done $0x0  }
0x98: {  	s13 =	simm.s32 $0x2800;
	[sflag:s23] =	ssyncadd.s32 $0xFFFFE000  }
0x99: {  	[spmem:s2] =	stream.indirect.scatter.add.f32 [tilespmem:s17], [sflag:$0x5], $0x40, s13, s16, $0xb8;
	[tilespmem:$0x16E00] =	vst v63  }
0x9a: {  	_ =	swait.ge [sflag:s12], $0x2000  }
0x9b: {  	[sflag:s12] =	ssyncset.done $0x0  }
0x9c: {  	s6 =	simm.s32 $0x200;
	[sflag:s12] =	ssyncadd.s32 $0xFFFFE000  }
0x9d: {  	[tilespmem:s17], [sflag:$0x1] =	stream.indirect.gather [hbm4b:s5+s16], $0x40, s6, s16, $0xb8;
	[tilespmem:$0x16E00] =	vst v63  }
0x9e: {  	_ =	swait.ge [sflag:s24], $0x2000  }
0x9f: {  	[sflag:s24] =	ssyncset.done $0x0  }
0xa0: {  	s13 =	simm.s32 $0x2880;
	[sflag:s24] =	ssyncadd.s32 $0xFFFFE000  }
0xa1: {  	[spmem:s2] =	stream.indirect.scatter.add.f32 [tilespmem:s18], [sflag:$0x5], $0x40, s13, s16, $0xb8;
	[tilespmem:$0x16E00] =	vst v63  }
0xa2: {  	_ =	swait.ge [sflag:s12], $0x2000  }
0xa3: {  	[sflag:s12] =	ssyncset.done $0x0  }
0xa4: {  	s6 =	simm.s32 $0x280;
	[sflag:s12] =	ssyncadd.s32 $0xFFFFE000  }
0xa5: {  	[tilespmem:s18], [sflag:$0x2] =	stream.indirect.gather [hbm4b:s5+s16], $0x40, s6, s16, $0xb8;
	[tilespmem:$0x16E00] =	vst v63  }
0xa6: {  	_ =	swait.ge [sflag:s25], $0x2000  }
0xa7: {  	[sflag:s25] =	ssyncset.done $0x0  }
0xa8: {  	s13 =	simm.s32 $0x2900;
	[sflag:s25] =	ssyncadd.s32 $0xFFFFE000  }
0xa9: {  	[spmem:s2] =	stream.indirect.scatter.add.f32 [tilespmem:s20], [sflag:$0x5], $0x40, s13, s16, $0xb8;
	[tilespmem:$0x16E00] =	vst v63  }
0xaa: {  	_ =	swait.ge [sflag:s12], $0x2000  }
0xab: {  	[sflag:s12] =	ssyncset.done $0x0  }
0xac: {  	s6 =	simm.s32 $0x300;
	[sflag:s12] =	ssyncadd.s32 $0xFFFFE000  }
0xad: {  	[tilespmem:s20], [sflag:$0x3] =	stream.indirect.gather [hbm4b:s5+s16], $0x40, s6, s16, $0xb8;
	[tilespmem:$0x16E00] =	vst v63  }
0xae: {  	_ =	swait.ge [sflag:s26], $0x2000  }
0xaf: {  	[sflag:s26] =	ssyncset.done $0x0  }
0xb0: {  	s13 =	simm.s32 $0x2980;
	[sflag:s26] =	ssyncadd.s32 $0xFFFFE000  }
0xb1: {  	[spmem:s2] =	stream.indirect.scatter.add.f32 [tilespmem:s22], [sflag:$0x5], $0x40, s13, s16, $0xb8;
	[tilespmem:$0x16E00] =	vst v63  }
0xb2: {  	_ =	swait.ge [sflag:s12], $0x2000  }
0xb3: {  	[sflag:s12] =	ssyncset.done $0x0  }
0xb4: {  	s0 =	simm.s32 $0x800;
	s13 =	simm.s32 $0x380;
	[sflag:s12] =	ssyncadd.s32 $0xFFFFE000  }
.LBB2_4:
0xb5: {  	[tilespmem:s22], [sflag:$0x4] =	stream.indirect.gather [hbm4b:s5+s16], $0x40, s13, s16, $0xb8;
	[tilespmem:$0x16E00] =	vst v63  }
0xb6: {  	s6 =	smov.u32 s0  }
0xb7: {  	p0 =	sne.s32 s0, $0x9000;
	s0 =	sadd.s32 $0x800, s0;
	_ =	swait.ge [sflag:s23], $0x2000  }
0xb8: {  	s13 =	sshra.s32 s6, $0x2;
	[sflag:s23] =	ssyncset.done $0x0  }
0xb9: {  	s6 =	sadd.s32 $0x2800, s13;
	[sflag:s23] =	ssyncadd.s32 $0xFFFFE000  }
0xba: {  	[spmem:s2] =	stream.indirect.scatter.add.f32 [tilespmem:s17], [sflag:$0x5], $0x40, s6, s16, $0xb8;
	[tilespmem:$0x16E00] =	vst v63  }
0xbb: {  	_ =	swait.ge [sflag:s12], $0x2000  }
0xbc: {  	[sflag:s12] =	ssyncset.done $0x0  }
0xbd: {  	s6 =	sadd.s32 $0x200, s13;
	[sflag:s12] =	ssyncadd.s32 $0xFFFFE000  }
0xbe: {  	[tilespmem:s17], [sflag:$0x1] =	stream.indirect.gather [hbm4b:s5+s16], $0x40, s6, s16, $0xb8;
	[tilespmem:$0x16E00] =	vst v63  }
0xbf: {  	_ =	swait.ge [sflag:s24], $0x2000  }
0xc0: {  	[sflag:s24] =	ssyncset.done $0x0  }
0xc1: {  	s6 =	sadd.s32 $0x2880, s13;
	[sflag:s24] =	ssyncadd.s32 $0xFFFFE000  }
0xc2: {  	[spmem:s2] =	stream.indirect.scatter.add.f32 [tilespmem:s18], [sflag:$0x5], $0x40, s6, s16, $0xb8;
	[tilespmem:$0x16E00] =	vst v63  }
0xc3: {  	_ =	swait.ge [sflag:s12], $0x2000  }
0xc4: {  	[sflag:s12] =	ssyncset.done $0x0  }
0xc5: {  	s6 =	sadd.s32 $0x280, s13;
	[sflag:s12] =	ssyncadd.s32 $0xFFFFE000  }
0xc6: {  	[tilespmem:s18], [sflag:$0x2] =	stream.indirect.gather [hbm4b:s5+s16], $0x40, s6, s16, $0xb8;
	[tilespmem:$0x16E00] =	vst v63  }
0xc7: {  	_ =	swait.ge [sflag:s25], $0x2000  }
0xc8: {  	[sflag:s25] =	ssyncset.done $0x0  }
0xc9: {  	s6 =	sadd.s32 $0x2900, s13;
	[sflag:s25] =	ssyncadd.s32 $0xFFFFE000  }
0xca: {  	[spmem:s2] =	stream.indirect.scatter.add.f32 [tilespmem:s20], [sflag:$0x5], $0x40, s6, s16, $0xb8;
	[tilespmem:$0x16E00] =	vst v63  }
0xcb: {  	_ =	swait.ge [sflag:s12], $0x2000  }
0xcc: {  	[sflag:s12] =	ssyncset.done $0x0  }
0xcd: {  	s6 =	sadd.s32 $0x300, s13;
	[sflag:s12] =	ssyncadd.s32 $0xFFFFE000  }
0xce: {  	[tilespmem:s20], [sflag:$0x3] =	stream.indirect.gather [hbm4b:s5+s16], $0x40, s6, s16, $0xb8;
	[tilespmem:$0x16E00] =	vst v63  }
0xcf: {  	_ =	swait.ge [sflag:s26], $0x2000  }
0xd0: {  	[sflag:s26] =	ssyncset.done $0x0  }
.Ltmp1:
0xd1: {  	s6 =	sadd.s32 $0x2980, s13;
	[sflag:s26] =	ssyncadd.s32 $0xFFFFE000;
	(pc) =	sbr.rel @p0 .LBB2_4-.Ltmp1, $4  }
0xd2: {  	[spmem:s2] =	stream.indirect.scatter.add.f32 [tilespmem:s22], [sflag:$0x5], $0x40, s6, s16, $0xb8;
	[tilespmem:$0x16E00] =	vst v63  }
0xd3: {  	_ =	swait.ge [sflag:s12], $0x2000  }
0xd4: {  	[sflag:s12] =	ssyncset.done $0x0  }
0xd5: {  	s13 =	sadd.s32 $0x380, s13;
	[sflag:s12] =	ssyncadd.s32 $0xFFFFE000  }
0xd6: {  	[tilespmem:s22], [sflag:$0x4] =	stream.indirect.gather [hbm4b:s5+s16], $0x40, s13, s16, $0xb8;
	[tilespmem:$0x16E00] =	vst v63  }
0xd7: {  	_ =	swait.ge [sflag:s23], $0x2000  }
0xd8: {  	[sflag:s23] =	ssyncset.done $0x0  }
0xd9: {  	[sflag:s23] =	ssyncadd.s32 $0xFFFFE000  }
0xda: {  	[spmem:s2] =	stream.indirect.scatter.add.f32 [tilespmem:s17], [sflag:$0x5], $0x40, s28, s16, $0xb8;
	[tilespmem:$0x16E00] =	vst v63  }
0xdb: {  	_ =	swait.ge [sflag:s12], $0x2000  }
0xdc: {  	[sflag:s12] =	ssyncset.done $0x0  }
0xdd: {  	[sflag:s12] =	ssyncadd.s32 $0xFFFFE000  }
0xde: {  	_ =	swait.ge [sflag:s24], $0x2000  }
0xdf: {  	[sflag:s24] =	ssyncset.done $0x0  }
0xe0: {  	[sflag:s24] =	ssyncadd.s32 $0xFFFFE000  }
0xe1: {  	[spmem:s2] =	stream.indirect.scatter.add.f32 [tilespmem:s18], [sflag:$0x5], $0x40, s29, s16, $0xb8;
	[tilespmem:$0x16E00] =	vst v63  }
0xe2: {  	_ =	swait.ge [sflag:s12], $0x2000  }
0xe3: {  	[sflag:s12] =	ssyncset.done $0x0  }
0xe4: {  	[sflag:s12] =	ssyncadd.s32 $0xFFFFE000  }
0xe5: {  	_ =	swait.ge [sflag:s25], $0x2000  }
0xe6: {  	[sflag:s25] =	ssyncset.done $0x0  }
0xe7: {  	[sflag:s25] =	ssyncadd.s32 $0xFFFFE000  }
0xe8: {  	[spmem:s2] =	stream.indirect.scatter.add.f32 [tilespmem:s20], [sflag:$0x5], $0x40, s30, s16, $0xb8;
	[tilespmem:$0x16E00] =	vst v63  }
0xe9: {  	_ =	swait.ge [sflag:s12], $0x2000  }
0xea: {  	[sflag:s12] =	ssyncset.done $0x0  }
0xeb: {  	[sflag:s12] =	ssyncadd.s32 $0xFFFFE000  }
0xec: {  	_ =	swait.ge [sflag:s26], $0x2000  }
0xed: {  	[sflag:s26] =	ssyncset.done $0x0  }
0xee: {  	[sflag:s26] =	ssyncadd.s32 $0xFFFFE000  }
0xef: {  	[spmem:s2] =	stream.indirect.scatter.add.f32 [tilespmem:s22], [sflag:$0x5], $0x40, s31, s16, $0xb8;
	[tilespmem:$0x16E00] =	vst v63  }
0xf0: {  	_ =	swait.ge [sflag:s12], $0x2000  }
0xf1: {  	s1 =	sadd.s32 $0x1, s1;
	[sflag:s12] =	ssyncset.done $0x0  }
0xf2: {  	p0 =	sne.s32 s1, s11;
	[sflag:s12] =	ssyncadd.s32 $0xFFFFE000  }
.Ltmp2:
0xf3: {  	[bflag:$0x0] =	sbarrier.arrive $0xFFFF;
	(pc) =	sbr.rel @p0 .LBB2_1-.Ltmp2, $4  }
0xf4: {  	[hbm:s10], [sflag:s14] =	dma.local [spmem:s15], $0x13C0  }
0xf5: {  	_ =	swait.ge [sflag:s12], $0x13C0  }
0xf6: {  	[sflag:s12] =	ssyncset.done $0x0  }
0xf7: {  	[sflag:s12] =	ssyncadd.s32 $0xFFFFEC40  }
0xf8: {  	_ =	sfence.sel $0x180000  }
0xf9: {  	[bflag:$0x0] =	sbarrier.arrive $0xFFFF  }
0xfa: {  	_ =	strace $0x9000004A  }
0xfb: {  	s0 =	stileid.u32;
	[bflag:$0x2] =	sbarrier.arrive $0xFFFF  }
0xfc: {  	p0 =	sne.s32 s0, $0x0;
	s0 =	rddreg [dreg:$0x2]  }
0xfd: {  	s0 =	sadd.s32 @!p0 $0x100000, s0  }
0xfe: {  	[sflag:s0] =	ssyncadd.tile.s32 @!p0 $0x1;
	_ =	shalt  }
.Lfunc_end2:
_tile_overlayer_lowered:
.L_overlay_start_2:
0xff: {  	(tag) =	ssettag $0x2  }
0x100: {  	s0 =	rddreg [dreg:$0x0];
	s2 =	stileid.u32  }
0x101: {  	s1 =	rddreg [dreg:$0x1];
	p0 =	sne.s32 s2, $0x0  }
0x102: {  	s3 =	rddreg [dreg:$0x2];
	[bflag:$0x3] =	sbarrier.arrive $0xFFFF;
	s2 =	simm.s32 @!p0 $0x1C05  }
0x103: {  	[timem:s3], [sflag:s2] =	dma.local @!p0 [hbm:s0], s1  }
0x104: {  	s0 =	simm.s32 @!p0 $0x5  }
0x105: {  	_ =	swait.ge @!p0 [sflag:s0], s1  }
0x106: {  	s1 =	ssub.s32 @!p0 $0x0, s1;
	[sflag:s0] =	ssyncset.done @!p0 $0x0  }
0x107: {  	[sflag:s0] =	ssyncadd.s32 @!p0 s1  }
0x108: {  	[bflag:$0x3] =	sbarrier.arrive $0xFFFF  }
0x109: {  	_ =	shalt  }

// kernel: kernel.16.cloned.1.call-start
scs
__scs_entry_jumppad:
0x0: {  	(pc) =	sbr.rel $0x88, $3  }
0x1: {  	(tag) =	ssettag $0x0;
	lr =	simm.s32 $0x1  }
0x2: {  	[smem:$0x3F90] =	sst lr;
	_ =	strace $0xD0000000  }
0x3: {  	_ = 	snop  }
0x4: {  	_ = 	snop  }
0x5: {  	_ = 	snop  }
0x6: {  	_ = 	snop  }
0x7: {  	_ = 	snop  }
__scs_overlays_trampoline_lowered:
0x8: {  	[smem:$0x3F9F] =	sst s0  }
0x9: {  	[smem:$0x3FA0] =	sst s1  }
0xa: {  	[smem:$0x3FA1] =	sst s2  }
0xb: {  	[smem:$0x3FA2] =	sst s3  }
0xc: {  	[smem:$0x3FA3] =	sst s4  }
0xd: {  	[smem:$0x3FA4] =	sst s5  }
0xe: {  	[smem:$0x3FA5] =	sst s6  }
0xf: {  	[smem:$0x3FA6] =	sst s7  }
0x10: {  	[smem:$0x3FA7] =	sst s8  }
0x11: {  	[smem:$0x3FA8] =	sst s9;
	s0 =	simm.s32 @!p0 $0x0  }
0x12: {  	s1 =	sld [smem:$0x3F8E];
	s0 =	simm.s32 @p0 $0x1  }
0x13: {  	[smem:$0x3FA9] =	sst s0;
	s0 =	simm.s32 @!p1 $0x0  }
0x14: {  	s2 =	sld [smem:$0x3F8D];
	s0 =	simm.s32 @p1 $0x1  }
0x15: {  	[smem:$0x3FAA] =	sst s0;
	s0 =	simm.s32 @!p2 $0x0  }
0x16: {  	s3 =	sld [smem:$0x3FDB];
	s0 =	simm.s32 @p2 $0x1  }
0x17: {  	s4 =	simm.s32 $0x1BF5;
	[smem:$0x3FAC] =	sst s0  }
0x18: {  	s0 =	sld [smem:$0x3F8F];
	_ =	swait.ge [sflag:s4], $0x0  }
0x19: {  	s7 =	sld [smem:$0x3F90]  }
0x1a: {  	s8 =	sadd.s32 $0xFFFFE003, lr  }
0x1b: {  	s9 =	sadd.s32 $0xFFFFFEF7, lr;
	s5 =	simm.s32 $0xFFFFFFFF;
	p2 =	slt.u32 s8, $0xFFFFF086  }
0x1c: {  	p1 =	slt.u32 s9, $0xF7A;
	s5 =	simm.s32 @!p2 $0x0  }
0x1d: {  	s5 =	simm.s32 @p1 $0x1;
	p0 =	seq.s32 s7, s2  }
0x1e: {  	s7 =	smul.u32 @!p0 $0xF7A, s2;
	p2 =	seq.s32 @!p0 s5, $0x0  }
0x1f: {  	s9 =	smul.u32 $0xF7A, s1;
	s8 =	simm.s32 @!p0 $0x1BF5;
	p2 =	por !p2, p0  }
0x20: {  	[sflag:s8] =	ssyncset.s32 @!p0 $0xFFFFF086;
	s6 =	sadd.s32 @!p0 s3, s7;
	s7 =	simm.s32 @!p0 $0x108  }
0x21: {  	s3 =	sadd.s32 s3, s9;
	s6 =	sadd.s32 @!p0 $0x88, s6;
	s7 =	simm.s32 @p2 $0x1082  }
0x22: {  	[simem:s7], [sflag:s8] =	dma.local @!p0 [hbm:s6], $0xF7A  }
0x23: {  	s9 =	sor.u32 $0xD0000000, s2;
	s6 =	simm.s32 $0x108;
	_ =	swait.ge @!p0 [sflag:s8], $0x0  }
0x24: {  	s3 =	sadd.s32 $0x88, s3;
	s6 =	simm.s32 @!p1 $0x1082;
	[sflag:s4] =	ssyncset.s32 $0xFFFFF086  }
0x25: {  	[simem:s6], [sflag:s4] =	dma.local [hbm:s3], $0xF7A  }
0x26: {  	[smem:$0x3F90] =	sst s1;
	(tag) =	ssettag s2;
	_ =	strace s9  }
0x27: {  	s1 =	sld [smem:$0x3FA0]  }
0x28: {  	s2 =	sld [smem:$0x3FA1]  }
0x29: {  	s4 =	sld [smem:$0x3FA3]  }
0x2a: {  	p0 =	seq.s32 s5, $0x0;
	s5 =	sld [smem:$0x3FA4]  }
0x2b: {  	s6 =	sld [smem:$0x3FA5]  }
0x2c: {  	s7 =	sld [smem:$0x3FA6]  }
0x2d: {  	s3 =	simm.s32 $0x108;
	s8 =	sld [smem:$0x3FA7]  }
0x2e: {  	s3 =	simm.s32 @!p0 $0x1082;
	s9 =	sld [smem:$0x3FA8]  }
0x2f: {  	lr =	sadd.s32 s0, s3;
	s0 =	sld [smem:$0x3F9F]  }
0x30: {  	s3 =	sld [smem:$0x3FA2]  }
0x31: {  	[smem:$0x3FAB] =	sst s10  }
0x32: {  	s10 =	sld [smem:$0x3FA9];
	_ =	sdelay $0x3  }
0x33: {  	p0 =	seq.s32 s10, $0x1;
	s10 =	sld [smem:$0x3FAB];
	_ =	sdelay $0x3  }
0x34: {  	[smem:$0x3FAB] =	sst s10  }
0x35: {  	s10 =	sld [smem:$0x3FAA];
	_ =	sdelay $0x3  }
0x36: {  	p1 =	seq.s32 s10, $0x1;
	s10 =	sld [smem:$0x3FAB];
	_ =	sdelay $0x3  }
0x37: {  	[smem:$0x3FAB] =	sst s10  }
0x38: {  	s10 =	sld [smem:$0x3FAC]  }
0x39: {  	_ = 	snop;
	(pc) =	sbr.ind lr, $3  }
0x3a: {  	_ = 	snop  }
0x3b: {  	_ = 	snop  }
0x3c: {  	p2 =	seq.s32 s10, $0x1;
	s10 =	sld [smem:$0x3FAB]  }
0x3d: {  	_ =	shalt  }
0x3e: {  	_ =	shalt  }
0x3f: {  	_ =	shalt  }
0x40: {  	_ =	shalt  }
0x41: {  	_ =	shalt  }
0x42: {  	_ =	shalt  }
0x43: {  	_ =	shalt  }
0x44: {  	_ =	shalt  }
0x45: {  	_ =	shalt  }
0x46: {  	_ =	shalt  }
0x47: {  	_ =	shalt  }
0x48: {  	_ =	shalt  }
0x49: {  	_ =	shalt  }
0x4a: {  	_ =	shalt  }
0x4b: {  	_ =	shalt  }
0x4c: {  	_ =	shalt  }
0x4d: {  	_ =	shalt  }
0x4e: {  	_ =	shalt  }
0x4f: {  	_ =	shalt  }
0x50: {  	_ =	shalt  }
0x51: {  	_ =	shalt  }
0x52: {  	_ =	shalt  }
0x53: {  	_ =	shalt  }
0x54: {  	_ =	shalt  }
0x55: {  	_ =	shalt  }
0x56: {  	_ =	shalt  }
0x57: {  	_ =	shalt  }
0x58: {  	_ =	shalt  }
0x59: {  	_ =	shalt  }
0x5a: {  	_ =	shalt  }
0x5b: {  	_ =	shalt  }
0x5c: {  	_ =	shalt  }
0x5d: {  	_ =	shalt  }
0x5e: {  	_ =	shalt  }
0x5f: {  	_ =	shalt  }
0x60: {  	_ =	shalt  }
0x61: {  	_ =	shalt  }
0x62: {  	_ =	shalt  }
0x63: {  	_ =	shalt  }
0x64: {  	_ =	shalt  }
0x65: {  	_ =	shalt  }
0x66: {  	_ =	shalt  }
0x67: {  	_ =	shalt  }
0x68: {  	_ =	shalt  }
0x69: {  	_ =	shalt  }
0x6a: {  	_ =	shalt  }
0x6b: {  	_ =	shalt  }
0x6c: {  	_ =	shalt  }
0x6d: {  	_ =	shalt  }
0x6e: {  	_ =	shalt  }
0x6f: {  	_ =	shalt  }
0x70: {  	_ =	shalt  }
0x71: {  	_ =	shalt  }
0x72: {  	_ =	shalt  }
0x73: {  	_ =	shalt  }
0x74: {  	_ =	shalt  }
0x75: {  	_ =	shalt  }
0x76: {  	_ =	shalt  }
0x77: {  	_ =	shalt  }
0x78: {  	_ =	shalt  }
0x79: {  	_ =	shalt  }
0x7a: {  	_ =	shalt  }
0x7b: {  	_ =	shalt  }
0x7c: {  	_ =	shalt  }
0x7d: {  	_ =	shalt  }
0x7e: {  	_ =	shalt  }
0x7f: {  	_ =	shalt  }
0x80: {  	_ =	shalt  }
0x81: {  	_ =	shalt  }
0x82: {  	_ =	shalt  }
0x83: {  	_ =	shalt  }
0x84: {  	_ =	shalt  }
0x85: {  	_ =	shalt  }
0x86: {  	_ =	shalt  }
0x87: {  	_ =	shalt  }
.Lfunc_end0:
.L_simem_size_0:
called_computation.2_lowered:
.L_overlay_start_0:
0x88: {  	s2 =	sld [smem:$0x3FD9]  }
0x89: {  	s3 =	sld [smem:$0x3FFE];
	_ =	sdelay $0x1  }
0x8a: {  	s1 =	srdreg.scid  }
0x8b: {  	s0 =	sand.u32 $0x1, s1  }
0x8c: {  	s16 =	sshll.u32 s0, $0xA;
	s2 =	sadd.s32 s3, s2  }
0x8d: {  	s2 =	sadd.s32 s2, s16  }
0x8e: {  	[smem:$0x3FB7] =	sst s2  }
0x8f: {  	_ = 	snop  }
0x90: {  	(tm) =	ssettm $0x1  }
0x91: {  	s17 =	sld [smem:$0x3FFB];
	_ =	sdelay $0x3  }
0x92: {  	_ =	strace s17  }
0x93: {  	s2 =	sld [smem:$0x3FFC];
	_ =	sdelay $0x3  }
0x94: {  	_ =	strace s2  }
0x95: {  	s2 =	sld [smem:$0x3FFD];
	_ =	sdelay $0x3  }
0x96: {  	_ =	strace s2  }
0x97: {  	_ =	strace $0x8FFFFFFF  }
0x98: {  	s18 =	sld [smem:$0x3FDB];
	_ =	sdelay $0x1  }
0x99: {  	s19 =	simm.s32 $_scs_section_size  }
0x9a: {  	s4 =	simm.s32 $_size__tile_overlayer_lowered;
	s5 =	simm.s32 $_tile_overlayer_lowered  }
0x9b: {  	s22 =	simm.s32 $0x1BFF;
	s21 =	sshll.u32 s5, $0x1;
	s2 =	sadd.s32 s19, s18  }
0x9c: {  	s6 =	simm.s32 $0x0;
	s20 =	sshll.u32 s4, $0x1;
	s4 =	sadd.s32 s21, s2  }
0x9d: {  	[timem:s6], [sflag:s22] =	dma.local [hbm:s4], s20  }
0x9e: {  	_ =	swait.ge [sflag:s22], s20  }
0x9f: {  	s3 =	ssub.s32 $0x0, s20;
	[sflag:s22] =	ssyncset.done $0x0  }
0xa0: {  	[sflag:s22] =	ssyncadd.s32 s3;
	_ =	sdelay $0x1  }
0xa1: {  	s23 =	simm.s32 $0x1B8B  }
0xa2: {  	_ =	swait.ge [sflag:s23], $0x1  }
0xa3: {  	[sflag:s23] =	ssyncset.done $0x0  }
0xa4: {  	s25 =	simm.s32 $0x1B8E;
	s24 =	sld [smem:$0x3FFE];
	[sflag:s23] =	ssyncadd.s32 $0xFFFFFFFF  }
0xa5: {  	s26 =	simm.s32 $execute0_lowered;
	[smem:$0x3FD2] =	sst s25  }
0xa6: {  	s4 =	sshll.u32 s26, $0x1;
	_ =	strace $0x8000004C;
	[dreg:$0x1] =	wrdreg $0xFFFFFFFF  }
0xa7: {  	s28 =	simm.s32 $_size_execute0_lowered;
	s2 =	sadd.s32 s2, s4;
	[dreg:$0x0] =	wrdreg $0x0  }
0xa8: {  	s4 =	sshll.u32 s28, $0x1;
	[dreg:$0x2] =	wrdreg s2  }
0xa9: {  	[dreg:$0x3] =	wrdreg s4  }
0xaa: {  	[dreg:$0x4] =	wrdreg $0xC0  }
0xab: {  	_ =	task [dreg:s6], $0x5FFFF  }
0xac: {  	[dreg:$0x1] =	wrdreg $0xFFFFFFFF  }
0xad: {  	[dreg:$0x0] =	wrdreg $0x60  }
0xae: {  	[dreg:$0x2] =	wrdreg s24  }
0xaf: {  	[dreg:$0x3] =	wrdreg $0xD0000  }
0xb0: {  	[dreg:$0x4] =	wrdreg $0x9  }
0xb1: {  	_ =	task.clear_ibuf [dreg:s6], $0x5FFFF;
	_ =	strace $0x9000004C  }
0xb2: {  	s29 =	simm.s32 $0x9;
	_ =	strace $0x8000004E  }
0xb3: {  	_ =	swait.ge [sflag:s29], $0x1  }
0xb4: {  	[sflag:s29] =	ssyncadd.s32 $0xFFFFFFFF  }
0xb5: {  	_ =	strace $0x9000004E  }
0xb6: {  	_ =	sfence  }
0xb7: {  	s30 =	sld [smem:$0x0];
	_ =	sdelay $0x2  }
0xb8: {  	s31 =	sshll.u32 s1, $0xD;
	s1 =	sshrl.u32 s1, $0x2  }
0xb9: {  	s3 =	sand.u32 $0x4000, s31;
	s1 =	sadd.s32 s1, s30  }
0xba: {  	s0 =	sor.u32 s3, s0;
	s1 =	sshll.u32 s1, $0x11  }
0xbb: {  	s0 =	sor.u32 s1, s0  }
0xbc: {  	s0 =	sadd.s32 $0x8F2B, s0  }
0xbd: {  	[sflag:s0] =	ssyncadd.remote.s32 $0x1  }
0xbe: {  	_ =	sfence.sel $0xFFFF  }
0xbf: {  	[dreg:$0x0] =	wrdreg $0xFFFFFFFF;
	(pc) =	sbr.abs _section_cstart, $3  }
0xc0: {  	[dreg:$0x1] =	wrdreg $0xFFFFFFFF  }
0xc1: {  	_ =	task.clear_ibuf [dreg:s6], $0x2FFFF;
	_ =	strace $0x9FFFFFFF  }
0xc2: {  	(tm) =	ssettm $0x7FFFFFFF  }
0xc3: {  	_ =	shalt  }
tec
execute0_lowered:
.L_overlay_start_1:
0x0: {  	(tag) =	ssettag $0x1  }
0x1: {  	s0 =	srdreg.scid;
	s1 =	rddreg [dreg:$0x0]  }
0x2: {  	s14 =	stileid.u32;
	s2 =	rddreg [dreg:$0x1]  }
0x3: {  	s12 =	simm.s32 $0x5;
	s16 =	simm.s32 $0x80;
	s17 =	simm.s32 $0x5000  }
0x4: {  	s18 =	simm.s32 $0x7000;
	s19 =	simm.s32 $0x100;
	s20 =	simm.s32 $0x9000  }
0x5: {  	s21 =	simm.s32 $0x180;
	s28 =	simm.s32 $0x4E00;
	s29 =	simm.s32 $0x4E80  }
0x6: {  	s30 =	simm.s32 $0x4F00;
	s31 =	simm.s32 $0x4F80;
	s0 =	sand.u32 $0x1, s0  }
0x7: {  	s3 =	sshll.u32 s14, $0x1;
	s8 =	smul.u32 $0x9E00, s14;
	s5 =	sadd.s32 $0x84600, s1  }
0x8: {  	s26 =	sshll.u32 s14, $0x6;
	s4 =	sor.u32 s0, s3;
	s3 =	simm.s32 $0x0  }
0x9: {  	s7 =	smul.u32 $0x13C000, s0;
	s0 =	ssub.s32 $0x2, s0;
	s14 =	sor.u32 $0x1C05, s26  }
0xa: {  	s26 =	simm.s32 $0x4;
	s6 =	smul.u32 $0x500, s4;
	[smem:$0x7FF] =	sst s3  }
0xb: {  	s4 =	sadd.s32 $0x70A00, s1;
	s22 =	sshrl.u32 s8, $0x3;
	s24 =	sshrl.u32 s0, $0x1  }
0xc: {  	s13 =	sadd.s32 s8, s2;
	_ =	strace $0x8000004D;
	s7 =	sadd.s32 s8, s7  }
0xd: {  	s10 =	sadd.s32 s22, s1;
	s0 =	ssub.s32 s0, s24;
	s15 =	sshrl.u32 s13, $0x3  }
0xe: {  	s22 =	simm.s32 $0xB000;
	s24 =	simm.s32 $0x2;
	s9 =	sadd.s32 s6, s1  }
0xf: {  	s23 =	sshrl.u32 s7, $0x3;
	s8 =	sadd.s32 $0xBFA00, s10;
	s11 =	smax.u32 s0, $0x1  }
0x10: {  	s1 =	sadd.s32 s23, s1;
	s25 =	sadd.s32 $0x17A00, s9;
	s7 =	sadd.s32 $0x3A00, s9  }
0x11: {  	s23 =	simm.s32 $0x1;
	[dreg:$0x3] =	wrdreg s25;
	s9 =	sadd.s32 $0xD3600, s1  }
0x12: {  	s10 =	sadd.s32 $0xE7200, s1;
	s25 =	simm.s32 $0x3;
	s1 =	simm.s32 $0x0  }
.LBB2_1:
0x13: {  	s0 =	rddreg [dreg:$0x3]  }
0x14: {  	[tilespmem:s3], [sflag:$0x5] =	stream.linear.gather [hbm4b:s0+s3], $0x2800, $0x38;
	[tilespmem:$0x16E00] =	vst v63  }
0x15: {  	_ =	swait.ge [sflag:s12], $0x2800  }
0x16: {  	[sflag:s12] =	ssyncset.done $0x0  }
0x17: {  	s6 =	simm.s32 $0x2800;
	[sflag:s12] =	ssyncadd.s32 $0xFFFFD800  }
0x18: {  	[tilespmem:s6], [sflag:$0x5] =	stream.linear.gather [hbm4b:s7+s3], $0x2800, $0x38;
	[tilespmem:$0x16E00] =	vst v63  }
0x19: {  	_ =	swait.ge [sflag:s12], $0x2800  }
0x1a: {  	[sflag:s12] =	ssyncset.done $0x0  }
0x1b: {  	[sflag:s12] =	ssyncadd.s32 $0xFFFFD800  }
0x1c: {  	[spmem:s15], [sflag:s14] =	dma.local [hbm:s8], $0x13C0  }
0x1d: {  	_ =	swait.ge [sflag:s12], $0x13C0  }
0x1e: {  	[sflag:s12] =	ssyncset.done $0x0  }
0x1f: {  	[sflag:s12] =	ssyncadd.s32 $0xFFFFEC40  }
0x20: {  	[bflag:$0x0] =	sbarrier.arrive $0xFFFF  }
0x21: {  	[tilespmem:s17], [sflag:$0x1] =	stream.indirect.gather [hbm4b:s4+s16], $0x40, s3, s16, $0xb8;
	[tilespmem:$0x16E00] =	vst v63  }
0x22: {  	_ = 	snop  }
0x23: {  	[tilespmem:s18], [sflag:$0x2] =	stream.indirect.gather [hbm4b:s4+s16], $0x40, s16, s16, $0xb8;
	[tilespmem:$0x16E00] =	vst v63  }
0x24: {  	_ = 	snop  }
0x25: {  	[tilespmem:s20], [sflag:$0x3] =	stream.indirect.gather [hbm4b:s4+s16], $0x40, s19, s16, $0xb8;
	[tilespmem:$0x16E00] =	vst v63  }
0x26: {  	_ = 	snop  }
0x27: {  	[tilespmem:s22], [sflag:$0x4] =	stream.indirect.gather [hbm4b:s4+s16], $0x40, s21, s16, $0xb8;
	[tilespmem:$0x16E00] =	vst v63  }
0x28: {  	_ =	swait.ge [sflag:s23], $0x2000  }
0x29: {  	[sflag:s23] =	ssyncset.done $0x0  }
0x2a: {  	s13 =	simm.s32 $0x2800;
	[sflag:s23] =	ssyncadd.s32 $0xFFFFE000  }
0x2b: {  	[spmem:s2] =	stream.indirect.scatter.add.f32 [tilespmem:s17], [sflag:$0x5], $0x40, s13, s16, $0xb8;
	[tilespmem:$0x16E00] =	vst v63  }
0x2c: {  	_ =	swait.ge [sflag:s12], $0x2000  }
0x2d: {  	[sflag:s12] =	ssyncset.done $0x0  }
0x2e: {  	s6 =	simm.s32 $0x200;
	[sflag:s12] =	ssyncadd.s32 $0xFFFFE000  }
0x2f: {  	[tilespmem:s17], [sflag:$0x1] =	stream.indirect.gather [hbm4b:s4+s16], $0x40, s6, s16, $0xb8;
	[tilespmem:$0x16E00] =	vst v63  }
0x30: {  	_ =	swait.ge [sflag:s24], $0x2000  }
0x31: {  	[sflag:s24] =	ssyncset.done $0x0  }
0x32: {  	s13 =	simm.s32 $0x2880;
	[sflag:s24] =	ssyncadd.s32 $0xFFFFE000  }
0x33: {  	[spmem:s2] =	stream.indirect.scatter.add.f32 [tilespmem:s18], [sflag:$0x5], $0x40, s13, s16, $0xb8;
	[tilespmem:$0x16E00] =	vst v63  }
0x34: {  	_ =	swait.ge [sflag:s12], $0x2000  }
0x35: {  	[sflag:s12] =	ssyncset.done $0x0  }
0x36: {  	s6 =	simm.s32 $0x280;
	[sflag:s12] =	ssyncadd.s32 $0xFFFFE000  }
0x37: {  	[tilespmem:s18], [sflag:$0x2] =	stream.indirect.gather [hbm4b:s4+s16], $0x40, s6, s16, $0xb8;
	[tilespmem:$0x16E00] =	vst v63  }
0x38: {  	_ =	swait.ge [sflag:s25], $0x2000  }
0x39: {  	[sflag:s25] =	ssyncset.done $0x0  }
0x3a: {  	s13 =	simm.s32 $0x2900;
	[sflag:s25] =	ssyncadd.s32 $0xFFFFE000  }
0x3b: {  	[spmem:s2] =	stream.indirect.scatter.add.f32 [tilespmem:s20], [sflag:$0x5], $0x40, s13, s16, $0xb8;
	[tilespmem:$0x16E00] =	vst v63  }
0x3c: {  	_ =	swait.ge [sflag:s12], $0x2000  }
0x3d: {  	[sflag:s12] =	ssyncset.done $0x0  }
0x3e: {  	s6 =	simm.s32 $0x300;
	[sflag:s12] =	ssyncadd.s32 $0xFFFFE000  }
0x3f: {  	[tilespmem:s20], [sflag:$0x3] =	stream.indirect.gather [hbm4b:s4+s16], $0x40, s6, s16, $0xb8;
	[tilespmem:$0x16E00] =	vst v63  }
0x40: {  	_ =	swait.ge [sflag:s26], $0x2000  }
0x41: {  	[sflag:s26] =	ssyncset.done $0x0  }
0x42: {  	s13 =	simm.s32 $0x2980;
	[sflag:s26] =	ssyncadd.s32 $0xFFFFE000  }
0x43: {  	[spmem:s2] =	stream.indirect.scatter.add.f32 [tilespmem:s22], [sflag:$0x5], $0x40, s13, s16, $0xb8;
	[tilespmem:$0x16E00] =	vst v63  }
0x44: {  	_ =	swait.ge [sflag:s12], $0x2000  }
0x45: {  	[sflag:s12] =	ssyncset.done $0x0  }
0x46: {  	s0 =	simm.s32 $0x800;
	s13 =	simm.s32 $0x380;
	[sflag:s12] =	ssyncadd.s32 $0xFFFFE000  }
.LBB2_2:
0x47: {  	[tilespmem:s22], [sflag:$0x4] =	stream.indirect.gather [hbm4b:s4+s16], $0x40, s13, s16, $0xb8;
	[tilespmem:$0x16E00] =	vst v63  }
0x48: {  	s13 =	smov.u32 s0  }
0x49: {  	p0 =	sne.s32 s0, $0x9000;
	s0 =	sadd.s32 $0x800, s0;
	_ =	swait.ge [sflag:s23], $0x2000  }
0x4a: {  	s13 =	sshra.s32 s13, $0x2;
	[sflag:s23] =	ssyncset.done $0x0  }
0x4b: {  	s6 =	sadd.s32 $0x2800, s13;
	[sflag:s23] =	ssyncadd.s32 $0xFFFFE000  }
0x4c: {  	[spmem:s2] =	stream.indirect.scatter.add.f32 [tilespmem:s17], [sflag:$0x5], $0x40, s6, s16, $0xb8;
	[tilespmem:$0x16E00] =	vst v63  }
0x4d: {  	_ =	swait.ge [sflag:s12], $0x2000  }
0x4e: {  	[sflag:s12] =	ssyncset.done $0x0  }
0x4f: {  	s6 =	sadd.s32 $0x200, s13;
	[sflag:s12] =	ssyncadd.s32 $0xFFFFE000  }
0x50: {  	[tilespmem:s17], [sflag:$0x1] =	stream.indirect.gather [hbm4b:s4+s16], $0x40, s6, s16, $0xb8;
	[tilespmem:$0x16E00] =	vst v63  }
0x51: {  	_ =	swait.ge [sflag:s24], $0x2000  }
0x52: {  	[sflag:s24] =	ssyncset.done $0x0  }
0x53: {  	s6 =	sadd.s32 $0x2880, s13;
	[sflag:s24] =	ssyncadd.s32 $0xFFFFE000  }
0x54: {  	[spmem:s2] =	stream.indirect.scatter.add.f32 [tilespmem:s18], [sflag:$0x5], $0x40, s6, s16, $0xb8;
	[tilespmem:$0x16E00] =	vst v63  }
0x55: {  	_ =	swait.ge [sflag:s12], $0x2000  }
0x56: {  	[sflag:s12] =	ssyncset.done $0x0  }
0x57: {  	s6 =	sadd.s32 $0x280, s13;
	[sflag:s12] =	ssyncadd.s32 $0xFFFFE000  }
0x58: {  	[tilespmem:s18], [sflag:$0x2] =	stream.indirect.gather [hbm4b:s4+s16], $0x40, s6, s16, $0xb8;
	[tilespmem:$0x16E00] =	vst v63  }
0x59: {  	_ =	swait.ge [sflag:s25], $0x2000  }
0x5a: {  	[sflag:s25] =	ssyncset.done $0x0  }
0x5b: {  	s6 =	sadd.s32 $0x2900, s13;
	[sflag:s25] =	ssyncadd.s32 $0xFFFFE000  }
0x5c: {  	[spmem:s2] =	stream.indirect.scatter.add.f32 [tilespmem:s20], [sflag:$0x5], $0x40, s6, s16, $0xb8;
	[tilespmem:$0x16E00] =	vst v63  }
0x5d: {  	_ =	swait.ge [sflag:s12], $0x2000  }
0x5e: {  	[sflag:s12] =	ssyncset.done $0x0  }
0x5f: {  	s6 =	sadd.s32 $0x300, s13;
	[sflag:s12] =	ssyncadd.s32 $0xFFFFE000  }
0x60: {  	[tilespmem:s20], [sflag:$0x3] =	stream.indirect.gather [hbm4b:s4+s16], $0x40, s6, s16, $0xb8;
	[tilespmem:$0x16E00] =	vst v63  }
0x61: {  	_ =	swait.ge [sflag:s26], $0x2000  }
0x62: {  	[sflag:s26] =	ssyncset.done $0x0  }
.Ltmp0:
0x63: {  	s6 =	sadd.s32 $0x2980, s13;
	[sflag:s26] =	ssyncadd.s32 $0xFFFFE000;
	(pc) =	sbr.rel @p0 .LBB2_2-.Ltmp0, $4  }
0x64: {  	[spmem:s2] =	stream.indirect.scatter.add.f32 [tilespmem:s22], [sflag:$0x5], $0x40, s6, s16, $0xb8;
	[tilespmem:$0x16E00] =	vst v63  }
0x65: {  	_ =	swait.ge [sflag:s12], $0x2000  }
0x66: {  	[sflag:s12] =	ssyncset.done $0x0  }
0x67: {  	s13 =	sadd.s32 $0x380, s13;
	[sflag:s12] =	ssyncadd.s32 $0xFFFFE000  }
0x68: {  	[tilespmem:s22], [sflag:$0x4] =	stream.indirect.gather [hbm4b:s4+s16], $0x40, s13, s16, $0xb8;
	[tilespmem:$0x16E00] =	vst v63  }
0x69: {  	_ =	swait.ge [sflag:s23], $0x2000  }
0x6a: {  	[sflag:s23] =	ssyncset.done $0x0  }
0x6b: {  	[sflag:s23] =	ssyncadd.s32 $0xFFFFE000  }
0x6c: {  	[spmem:s2] =	stream.indirect.scatter.add.f32 [tilespmem:s17], [sflag:$0x5], $0x40, s28, s16, $0xb8;
	[tilespmem:$0x16E00] =	vst v63  }
0x6d: {  	_ =	swait.ge [sflag:s12], $0x2000  }
0x6e: {  	[sflag:s12] =	ssyncset.done $0x0  }
0x6f: {  	[sflag:s12] =	ssyncadd.s32 $0xFFFFE000  }
0x70: {  	_ =	swait.ge [sflag:s24], $0x2000  }
0x71: {  	[sflag:s24] =	ssyncset.done $0x0  }
0x72: {  	[sflag:s24] =	ssyncadd.s32 $0xFFFFE000  }
0x73: {  	[spmem:s2] =	stream.indirect.scatter.add.f32 [tilespmem:s18], [sflag:$0x5], $0x40, s29, s16, $0xb8;
	[tilespmem:$0x16E00] =	vst v63  }
0x74: {  	_ =	swait.ge [sflag:s12], $0x2000  }
0x75: {  	[sflag:s12] =	ssyncset.done $0x0  }
0x76: {  	[sflag:s12] =	ssyncadd.s32 $0xFFFFE000  }
0x77: {  	_ =	swait.ge [sflag:s25], $0x2000  }
0x78: {  	[sflag:s25] =	ssyncset.done $0x0  }
0x79: {  	[sflag:s25] =	ssyncadd.s32 $0xFFFFE000  }
0x7a: {  	[spmem:s2] =	stream.indirect.scatter.add.f32 [tilespmem:s20], [sflag:$0x5], $0x40, s30, s16, $0xb8;
	[tilespmem:$0x16E00] =	vst v63  }
0x7b: {  	_ =	swait.ge [sflag:s12], $0x2000  }
0x7c: {  	[sflag:s12] =	ssyncset.done $0x0  }
0x7d: {  	[sflag:s12] =	ssyncadd.s32 $0xFFFFE000  }
0x7e: {  	_ =	swait.ge [sflag:s26], $0x2000  }
0x7f: {  	[sflag:s26] =	ssyncset.done $0x0  }
0x80: {  	[sflag:s26] =	ssyncadd.s32 $0xFFFFE000  }
0x81: {  	[spmem:s2] =	stream.indirect.scatter.add.f32 [tilespmem:s22], [sflag:$0x5], $0x40, s31, s16, $0xb8;
	[tilespmem:$0x16E00] =	vst v63  }
0x82: {  	_ =	swait.ge [sflag:s12], $0x2000  }
0x83: {  	[sflag:s12] =	ssyncset.done $0x0  }
0x84: {  	[sflag:s12] =	ssyncadd.s32 $0xFFFFE000  }
0x85: {  	[bflag:$0x0] =	sbarrier.arrive $0xFFFF  }
0x86: {  	[hbm:s9], [sflag:s14] =	dma.local [spmem:s15], $0x13C0  }
0x87: {  	_ =	swait.ge [sflag:s12], $0x13C0  }
0x88: {  	[sflag:s12] =	ssyncset.done $0x0  }
0x89: {  	[sflag:s12] =	ssyncadd.s32 $0xFFFFEC40  }
0x8a: {  	[spmem:s15], [sflag:s14] =	dma.local [hbm:s8], $0x13C0  }
0x8b: {  	_ =	swait.ge [sflag:s12], $0x13C0  }
0x8c: {  	[sflag:s12] =	ssyncset.done $0x0  }
0x8d: {  	[sflag:s12] =	ssyncadd.s32 $0xFFFFEC40  }
0x8e: {  	s0 =	simm.s32 $0x0;
	[bflag:$0x0] =	sbarrier.arrive $0xFFFF  }
0x8f: {  	[tilespmem:s17], [sflag:$0x1] =	stream.indirect.gather [hbm4b:s5+s16], $0x40, s0, s16, $0xb8;
	[tilespmem:$0x16E00] =	vst v63  }
0x90: {  	_ = 	snop  }
0x91: {  	[tilespmem:s18], [sflag:$0x2] =	stream.indirect.gather [hbm4b:s5+s16], $0x40, s16, s16, $0xb8;
	[tilespmem:$0x16E00] =	vst v63  }
0x92: {  	_ = 	snop  }
0x93: {  	[tilespmem:s20], [sflag:$0x3] =	stream.indirect.gather [hbm4b:s5+s16], $0x40, s19, s16, $0xb8;
	[tilespmem:$0x16E00] =	vst v63  }
0x94: {  	_ = 	snop  }
0x95: {  	[tilespmem:s22], [sflag:$0x4] =	stream.indirect.gather [hbm4b:s5+s16], $0x40, s21, s16, $0xb8;
	[tilespmem:$0x16E00] =	vst v63  }
0x96: {  	_ =	swait.ge [sflag:s23], $0x2000  }
0x97: {  	[sflag:s23] =	ssyncset.done $0x0  }
0x98: {  	s13 =	simm.s32 $0x2800;
	[sflag:s23] =	ssyncadd.s32 $0xFFFFE000  }
0x99: {  	[spmem:s2] =	stream.indirect.scatter.add.f32 [tilespmem:s17], [sflag:$0x5], $0x40, s13, s16, $0xb8;
	[tilespmem:$0x16E00] =	vst v63  }
0x9a: {  	_ =	swait.ge [sflag:s12], $0x2000  }
0x9b: {  	[sflag:s12] =	ssyncset.done $0x0  }
0x9c: {  	s6 =	simm.s32 $0x200;
	[sflag:s12] =	ssyncadd.s32 $0xFFFFE000  }
0x9d: {  	[tilespmem:s17], [sflag:$0x1] =	stream.indirect.gather [hbm4b:s5+s16], $0x40, s6, s16, $0xb8;
	[tilespmem:$0x16E00] =	vst v63  }
0x9e: {  	_ =	swait.ge [sflag:s24], $0x2000  }
0x9f: {  	[sflag:s24] =	ssyncset.done $0x0  }
0xa0: {  	s13 =	simm.s32 $0x2880;
	[sflag:s24] =	ssyncadd.s32 $0xFFFFE000  }
0xa1: {  	[spmem:s2] =	stream.indirect.scatter.add.f32 [tilespmem:s18], [sflag:$0x5], $0x40, s13, s16, $0xb8;
	[tilespmem:$0x16E00] =	vst v63  }
0xa2: {  	_ =	swait.ge [sflag:s12], $0x2000  }
0xa3: {  	[sflag:s12] =	ssyncset.done $0x0  }
0xa4: {  	s6 =	simm.s32 $0x280;
	[sflag:s12] =	ssyncadd.s32 $0xFFFFE000  }
0xa5: {  	[tilespmem:s18], [sflag:$0x2] =	stream.indirect.gather [hbm4b:s5+s16], $0x40, s6, s16, $0xb8;
	[tilespmem:$0x16E00] =	vst v63  }
0xa6: {  	_ =	swait.ge [sflag:s25], $0x2000  }
0xa7: {  	[sflag:s25] =	ssyncset.done $0x0  }
0xa8: {  	s13 =	simm.s32 $0x2900;
	[sflag:s25] =	ssyncadd.s32 $0xFFFFE000  }
0xa9: {  	[spmem:s2] =	stream.indirect.scatter.add.f32 [tilespmem:s20], [sflag:$0x5], $0x40, s13, s16, $0xb8;
	[tilespmem:$0x16E00] =	vst v63  }
0xaa: {  	_ =	swait.ge [sflag:s12], $0x2000  }
0xab: {  	[sflag:s12] =	ssyncset.done $0x0  }
0xac: {  	s6 =	simm.s32 $0x300;
	[sflag:s12] =	ssyncadd.s32 $0xFFFFE000  }
0xad: {  	[tilespmem:s20], [sflag:$0x3] =	stream.indirect.gather [hbm4b:s5+s16], $0x40, s6, s16, $0xb8;
	[tilespmem:$0x16E00] =	vst v63  }
0xae: {  	_ =	swait.ge [sflag:s26], $0x2000  }
0xaf: {  	[sflag:s26] =	ssyncset.done $0x0  }
0xb0: {  	s13 =	simm.s32 $0x2980;
	[sflag:s26] =	ssyncadd.s32 $0xFFFFE000  }
0xb1: {  	[spmem:s2] =	stream.indirect.scatter.add.f32 [tilespmem:s22], [sflag:$0x5], $0x40, s13, s16, $0xb8;
	[tilespmem:$0x16E00] =	vst v63  }
0xb2: {  	_ =	swait.ge [sflag:s12], $0x2000  }
0xb3: {  	[sflag:s12] =	ssyncset.done $0x0  }
0xb4: {  	s0 =	simm.s32 $0x800;
	s13 =	simm.s32 $0x380;
	[sflag:s12] =	ssyncadd.s32 $0xFFFFE000  }
.LBB2_4:
0xb5: {  	[tilespmem:s22], [sflag:$0x4] =	stream.indirect.gather [hbm4b:s5+s16], $0x40, s13, s16, $0xb8;
	[tilespmem:$0x16E00] =	vst v63  }
0xb6: {  	s6 =	smov.u32 s0  }
0xb7: {  	p0 =	sne.s32 s0, $0x9000;
	s0 =	sadd.s32 $0x800, s0;
	_ =	swait.ge [sflag:s23], $0x2000  }
0xb8: {  	s13 =	sshra.s32 s6, $0x2;
	[sflag:s23] =	ssyncset.done $0x0  }
0xb9: {  	s6 =	sadd.s32 $0x2800, s13;
	[sflag:s23] =	ssyncadd.s32 $0xFFFFE000  }
0xba: {  	[spmem:s2] =	stream.indirect.scatter.add.f32 [tilespmem:s17], [sflag:$0x5], $0x40, s6, s16, $0xb8;
	[tilespmem:$0x16E00] =	vst v63  }
0xbb: {  	_ =	swait.ge [sflag:s12], $0x2000  }
0xbc: {  	[sflag:s12] =	ssyncset.done $0x0  }
0xbd: {  	s6 =	sadd.s32 $0x200, s13;
	[sflag:s12] =	ssyncadd.s32 $0xFFFFE000  }
0xbe: {  	[tilespmem:s17], [sflag:$0x1] =	stream.indirect.gather [hbm4b:s5+s16], $0x40, s6, s16, $0xb8;
	[tilespmem:$0x16E00] =	vst v63  }
0xbf: {  	_ =	swait.ge [sflag:s24], $0x2000  }
0xc0: {  	[sflag:s24] =	ssyncset.done $0x0  }
0xc1: {  	s6 =	sadd.s32 $0x2880, s13;
	[sflag:s24] =	ssyncadd.s32 $0xFFFFE000  }
0xc2: {  	[spmem:s2] =	stream.indirect.scatter.add.f32 [tilespmem:s18], [sflag:$0x5], $0x40, s6, s16, $0xb8;
	[tilespmem:$0x16E00] =	vst v63  }
0xc3: {  	_ =	swait.ge [sflag:s12], $0x2000  }
0xc4: {  	[sflag:s12] =	ssyncset.done $0x0  }
0xc5: {  	s6 =	sadd.s32 $0x280, s13;
	[sflag:s12] =	ssyncadd.s32 $0xFFFFE000  }
0xc6: {  	[tilespmem:s18], [sflag:$0x2] =	stream.indirect.gather [hbm4b:s5+s16], $0x40, s6, s16, $0xb8;
	[tilespmem:$0x16E00] =	vst v63  }
0xc7: {  	_ =	swait.ge [sflag:s25], $0x2000  }
0xc8: {  	[sflag:s25] =	ssyncset.done $0x0  }
0xc9: {  	s6 =	sadd.s32 $0x2900, s13;
	[sflag:s25] =	ssyncadd.s32 $0xFFFFE000  }
0xca: {  	[spmem:s2] =	stream.indirect.scatter.add.f32 [tilespmem:s20], [sflag:$0x5], $0x40, s6, s16, $0xb8;
	[tilespmem:$0x16E00] =	vst v63  }
0xcb: {  	_ =	swait.ge [sflag:s12], $0x2000  }
0xcc: {  	[sflag:s12] =	ssyncset.done $0x0  }
0xcd: {  	s6 =	sadd.s32 $0x300, s13;
	[sflag:s12] =	ssyncadd.s32 $0xFFFFE000  }
0xce: {  	[tilespmem:s20], [sflag:$0x3] =	stream.indirect.gather [hbm4b:s5+s16], $0x40, s6, s16, $0xb8;
	[tilespmem:$0x16E00] =	vst v63  }
0xcf: {  	_ =	swait.ge [sflag:s26], $0x2000  }
0xd0: {  	[sflag:s26] =	ssyncset.done $0x0  }
.Ltmp1:
0xd1: {  	s6 =	sadd.s32 $0x2980, s13;
	[sflag:s26] =	ssyncadd.s32 $0xFFFFE000;
	(pc) =	sbr.rel @p0 .LBB2_4-.Ltmp1, $4  }
0xd2: {  	[spmem:s2] =	stream.indirect.scatter.add.f32 [tilespmem:s22], [sflag:$0x5], $0x40, s6, s16, $0xb8;
	[tilespmem:$0x16E00] =	vst v63  }
0xd3: {  	_ =	swait.ge [sflag:s12], $0x2000  }
0xd4: {  	[sflag:s12] =	ssyncset.done $0x0  }
0xd5: {  	s13 =	sadd.s32 $0x380, s13;
	[sflag:s12] =	ssyncadd.s32 $0xFFFFE000  }
0xd6: {  	[tilespmem:s22], [sflag:$0x4] =	stream.indirect.gather [hbm4b:s5+s16], $0x40, s13, s16, $0xb8;
	[tilespmem:$0x16E00] =	vst v63  }
0xd7: {  	_ =	swait.ge [sflag:s23], $0x2000  }
0xd8: {  	[sflag:s23] =	ssyncset.done $0x0  }
0xd9: {  	[sflag:s23] =	ssyncadd.s32 $0xFFFFE000  }
0xda: {  	[spmem:s2] =	stream.indirect.scatter.add.f32 [tilespmem:s17], [sflag:$0x5], $0x40, s28, s16, $0xb8;
	[tilespmem:$0x16E00] =	vst v63  }
0xdb: {  	_ =	swait.ge [sflag:s12], $0x2000  }
0xdc: {  	[sflag:s12] =	ssyncset.done $0x0  }
0xdd: {  	[sflag:s12] =	ssyncadd.s32 $0xFFFFE000  }
0xde: {  	_ =	swait.ge [sflag:s24], $0x2000  }
0xdf: {  	[sflag:s24] =	ssyncset.done $0x0  }
0xe0: {  	[sflag:s24] =	ssyncadd.s32 $0xFFFFE000  }
0xe1: {  	[spmem:s2] =	stream.indirect.scatter.add.f32 [tilespmem:s18], [sflag:$0x5], $0x40, s29, s16, $0xb8;
	[tilespmem:$0x16E00] =	vst v63  }
0xe2: {  	_ =	swait.ge [sflag:s12], $0x2000  }
0xe3: {  	[sflag:s12] =	ssyncset.done $0x0  }
0xe4: {  	[sflag:s12] =	ssyncadd.s32 $0xFFFFE000  }
0xe5: {  	_ =	swait.ge [sflag:s25], $0x2000  }
0xe6: {  	[sflag:s25] =	ssyncset.done $0x0  }
0xe7: {  	[sflag:s25] =	ssyncadd.s32 $0xFFFFE000  }
0xe8: {  	[spmem:s2] =	stream.indirect.scatter.add.f32 [tilespmem:s20], [sflag:$0x5], $0x40, s30, s16, $0xb8;
	[tilespmem:$0x16E00] =	vst v63  }
0xe9: {  	_ =	swait.ge [sflag:s12], $0x2000  }
0xea: {  	[sflag:s12] =	ssyncset.done $0x0  }
0xeb: {  	[sflag:s12] =	ssyncadd.s32 $0xFFFFE000  }
0xec: {  	_ =	swait.ge [sflag:s26], $0x2000  }
0xed: {  	[sflag:s26] =	ssyncset.done $0x0  }
0xee: {  	[sflag:s26] =	ssyncadd.s32 $0xFFFFE000  }
0xef: {  	[spmem:s2] =	stream.indirect.scatter.add.f32 [tilespmem:s22], [sflag:$0x5], $0x40, s31, s16, $0xb8;
	[tilespmem:$0x16E00] =	vst v63  }
0xf0: {  	_ =	swait.ge [sflag:s12], $0x2000  }
0xf1: {  	s1 =	sadd.s32 $0x1, s1;
	[sflag:s12] =	ssyncset.done $0x0  }
0xf2: {  	p0 =	sne.s32 s1, s11;
	[sflag:s12] =	ssyncadd.s32 $0xFFFFE000  }
.Ltmp2:
0xf3: {  	[bflag:$0x0] =	sbarrier.arrive $0xFFFF;
	(pc) =	sbr.rel @p0 .LBB2_1-.Ltmp2, $4  }
0xf4: {  	[hbm:s10], [sflag:s14] =	dma.local [spmem:s15], $0x13C0  }
0xf5: {  	_ =	swait.ge [sflag:s12], $0x13C0  }
0xf6: {  	[sflag:s12] =	ssyncset.done $0x0  }
0xf7: {  	[sflag:s12] =	ssyncadd.s32 $0xFFFFEC40  }
0xf8: {  	_ =	sfence.sel $0x180000  }
0xf9: {  	[bflag:$0x0] =	sbarrier.arrive $0xFFFF  }
0xfa: {  	_ =	strace $0x9000004D  }
0xfb: {  	s0 =	stileid.u32;
	[bflag:$0x2] =	sbarrier.arrive $0xFFFF  }
0xfc: {  	p0 =	sne.s32 s0, $0x0;
	s0 =	rddreg [dreg:$0x2]  }
0xfd: {  	s0 =	sadd.s32 @!p0 $0x100000, s0  }
0xfe: {  	[sflag:s0] =	ssyncadd.tile.s32 @!p0 $0x1;
	_ =	shalt  }
.Lfunc_end2:
_tile_overlayer_lowered:
.L_overlay_start_2:
0xff: {  	(tag) =	ssettag $0x2  }
0x100: {  	s0 =	rddreg [dreg:$0x0];
	s2 =	stileid.u32  }
0x101: {  	s1 =	rddreg [dreg:$0x1];
	p0 =	sne.s32 s2, $0x0  }
0x102: {  	s3 =	rddreg [dreg:$0x2];
	[bflag:$0x3] =	sbarrier.arrive $0xFFFF;
	s2 =	simm.s32 @!p0 $0x1C05  }
0x103: {  	[timem:s3], [sflag:s2] =	dma.local @!p0 [hbm:s0], s1  }
0x104: {  	s0 =	simm.s32 @!p0 $0x5  }
0x105: {  	_ =	swait.ge @!p0 [sflag:s0], s1  }
0x106: {  	s1 =	ssub.s32 @!p0 $0x0, s1;
	[sflag:s0] =	ssyncset.done @!p0 $0x0  }
0x107: {  	[sflag:s0] =	ssyncadd.s32 @!p0 s1  }
0x108: {  	[bflag:$0x3] =	sbarrier.arrive $0xFFFF  }
0x109: {  	_ =	shalt  }

// kernel: kernel.19.cloned.1.call-start
scs
__scs_entry_jumppad:
0x0: {  	(pc) =	sbr.rel $0x88, $3  }
0x1: {  	(tag) =	ssettag $0x0;
	lr =	simm.s32 $0x1  }
0x2: {  	[smem:$0x3F90] =	sst lr;
	_ =	strace $0xD0000000  }
0x3: {  	_ = 	snop  }
0x4: {  	_ = 	snop  }
0x5: {  	_ = 	snop  }
0x6: {  	_ = 	snop  }
0x7: {  	_ = 	snop  }
__scs_overlays_trampoline_lowered:
0x8: {  	[smem:$0x3F9F] =	sst s0  }
0x9: {  	[smem:$0x3FA0] =	sst s1  }
0xa: {  	[smem:$0x3FA1] =	sst s2  }
0xb: {  	[smem:$0x3FA2] =	sst s3  }
0xc: {  	[smem:$0x3FA3] =	sst s4  }
0xd: {  	[smem:$0x3FA4] =	sst s5  }
0xe: {  	[smem:$0x3FA5] =	sst s6  }
0xf: {  	[smem:$0x3FA6] =	sst s7  }
0x10: {  	[smem:$0x3FA7] =	sst s8  }
0x11: {  	[smem:$0x3FA8] =	sst s9;
	s0 =	simm.s32 @!p0 $0x0  }
0x12: {  	s1 =	sld [smem:$0x3F8E];
	s0 =	simm.s32 @p0 $0x1  }
0x13: {  	[smem:$0x3FA9] =	sst s0;
	s0 =	simm.s32 @!p1 $0x0  }
0x14: {  	s2 =	sld [smem:$0x3F8D];
	s0 =	simm.s32 @p1 $0x1  }
0x15: {  	[smem:$0x3FAA] =	sst s0;
	s0 =	simm.s32 @!p2 $0x0  }
0x16: {  	s3 =	sld [smem:$0x3FDB];
	s0 =	simm.s32 @p2 $0x1  }
0x17: {  	s4 =	simm.s32 $0x1BF5;
	[smem:$0x3FAC] =	sst s0  }
0x18: {  	s0 =	sld [smem:$0x3F8F];
	_ =	swait.ge [sflag:s4], $0x0  }
0x19: {  	s7 =	sld [smem:$0x3F90]  }
0x1a: {  	s8 =	sadd.s32 $0xFFFFE003, lr  }
0x1b: {  	s9 =	sadd.s32 $0xFFFFFEF7, lr;
	s5 =	simm.s32 $0xFFFFFFFF;
	p2 =	slt.u32 s8, $0xFFFFF086  }
0x1c: {  	p1 =	slt.u32 s9, $0xF7A;
	s5 =	simm.s32 @!p2 $0x0  }
0x1d: {  	s5 =	simm.s32 @p1 $0x1;
	p0 =	seq.s32 s7, s2  }
0x1e: {  	s7 =	smul.u32 @!p0 $0xF7A, s2;
	p2 =	seq.s32 @!p0 s5, $0x0  }
0x1f: {  	s9 =	smul.u32 $0xF7A, s1;
	s8 =	simm.s32 @!p0 $0x1BF5;
	p2 =	por !p2, p0  }
0x20: {  	[sflag:s8] =	ssyncset.s32 @!p0 $0xFFFFF086;
	s6 =	sadd.s32 @!p0 s3, s7;
	s7 =	simm.s32 @!p0 $0x108  }
0x21: {  	s3 =	sadd.s32 s3, s9;
	s6 =	sadd.s32 @!p0 $0x88, s6;
	s7 =	simm.s32 @p2 $0x1082  }
0x22: {  	[simem:s7], [sflag:s8] =	dma.local @!p0 [hbm:s6], $0xF7A  }
0x23: {  	s9 =	sor.u32 $0xD0000000, s2;
	s6 =	simm.s32 $0x108;
	_ =	swait.ge @!p0 [sflag:s8], $0x0  }
0x24: {  	s3 =	sadd.s32 $0x88, s3;
	s6 =	simm.s32 @!p1 $0x1082;
	[sflag:s4] =	ssyncset.s32 $0xFFFFF086  }
0x25: {  	[simem:s6], [sflag:s4] =	dma.local [hbm:s3], $0xF7A  }
0x26: {  	[smem:$0x3F90] =	sst s1;
	(tag) =	ssettag s2;
	_ =	strace s9  }
0x27: {  	s1 =	sld [smem:$0x3FA0]  }
0x28: {  	s2 =	sld [smem:$0x3FA1]  }
0x29: {  	s4 =	sld [smem:$0x3FA3]  }
0x2a: {  	p0 =	seq.s32 s5, $0x0;
	s5 =	sld [smem:$0x3FA4]  }
0x2b: {  	s6 =	sld [smem:$0x3FA5]  }
0x2c: {  	s7 =	sld [smem:$0x3FA6]  }
0x2d: {  	s3 =	simm.s32 $0x108;
	s8 =	sld [smem:$0x3FA7]  }
0x2e: {  	s3 =	simm.s32 @!p0 $0x1082;
	s9 =	sld [smem:$0x3FA8]  }
0x2f: {  	lr =	sadd.s32 s0, s3;
	s0 =	sld [smem:$0x3F9F]  }
0x30: {  	s3 =	sld [smem:$0x3FA2]  }
0x31: {  	[smem:$0x3FAB] =	sst s10  }
0x32: {  	s10 =	sld [smem:$0x3FA9];
	_ =	sdelay $0x3  }
0x33: {  	p0 =	seq.s32 s10, $0x1;
	s10 =	sld [smem:$0x3FAB];
	_ =	sdelay $0x3  }
0x34: {  	[smem:$0x3FAB] =	sst s10  }
0x35: {  	s10 =	sld [smem:$0x3FAA];
	_ =	sdelay $0x3  }
0x36: {  	p1 =	seq.s32 s10, $0x1;
	s10 =	sld [smem:$0x3FAB];
	_ =	sdelay $0x3  }
0x37: {  	[smem:$0x3FAB] =	sst s10  }
0x38: {  	s10 =	sld [smem:$0x3FAC]  }
0x39: {  	_ = 	snop;
	(pc) =	sbr.ind lr, $3  }
0x3a: {  	_ = 	snop  }
0x3b: {  	_ = 	snop  }
0x3c: {  	p2 =	seq.s32 s10, $0x1;
	s10 =	sld [smem:$0x3FAB]  }
0x3d: {  	_ =	shalt  }
0x3e: {  	_ =	shalt  }
0x3f: {  	_ =	shalt  }
0x40: {  	_ =	shalt  }
0x41: {  	_ =	shalt  }
0x42: {  	_ =	shalt  }
0x43: {  	_ =	shalt  }
0x44: {  	_ =	shalt  }
0x45: {  	_ =	shalt  }
0x46: {  	_ =	shalt  }
0x47: {  	_ =	shalt  }
0x48: {  	_ =	shalt  }
0x49: {  	_ =	shalt  }
0x4a: {  	_ =	shalt  }
0x4b: {  	_ =	shalt  }
0x4c: {  	_ =	shalt  }
0x4d: {  	_ =	shalt  }
0x4e: {  	_ =	shalt  }
0x4f: {  	_ =	shalt  }
0x50: {  	_ =	shalt  }
0x51: {  	_ =	shalt  }
0x52: {  	_ =	shalt  }
0x53: {  	_ =	shalt  }
0x54: {  	_ =	shalt  }
0x55: {  	_ =	shalt  }
0x56: {  	_ =	shalt  }
0x57: {  	_ =	shalt  }
0x58: {  	_ =	shalt  }
0x59: {  	_ =	shalt  }
0x5a: {  	_ =	shalt  }
0x5b: {  	_ =	shalt  }
0x5c: {  	_ =	shalt  }
0x5d: {  	_ =	shalt  }
0x5e: {  	_ =	shalt  }
0x5f: {  	_ =	shalt  }
0x60: {  	_ =	shalt  }
0x61: {  	_ =	shalt  }
0x62: {  	_ =	shalt  }
0x63: {  	_ =	shalt  }
0x64: {  	_ =	shalt  }
0x65: {  	_ =	shalt  }
0x66: {  	_ =	shalt  }
0x67: {  	_ =	shalt  }
0x68: {  	_ =	shalt  }
0x69: {  	_ =	shalt  }
0x6a: {  	_ =	shalt  }
0x6b: {  	_ =	shalt  }
0x6c: {  	_ =	shalt  }
0x6d: {  	_ =	shalt  }
0x6e: {  	_ =	shalt  }
0x6f: {  	_ =	shalt  }
0x70: {  	_ =	shalt  }
0x71: {  	_ =	shalt  }
0x72: {  	_ =	shalt  }
0x73: {  	_ =	shalt  }
0x74: {  	_ =	shalt  }
0x75: {  	_ =	shalt  }
0x76: {  	_ =	shalt  }
0x77: {  	_ =	shalt  }
0x78: {  	_ =	shalt  }
0x79: {  	_ =	shalt  }
0x7a: {  	_ =	shalt  }
0x7b: {  	_ =	shalt  }
0x7c: {  	_ =	shalt  }
0x7d: {  	_ =	shalt  }
0x7e: {  	_ =	shalt  }
0x7f: {  	_ =	shalt  }
0x80: {  	_ =	shalt  }
0x81: {  	_ =	shalt  }
0x82: {  	_ =	shalt  }
0x83: {  	_ =	shalt  }
0x84: {  	_ =	shalt  }
0x85: {  	_ =	shalt  }
0x86: {  	_ =	shalt  }
0x87: {  	_ =	shalt  }
.Lfunc_end0:
.L_simem_size_0:
called_computation.3_lowered:
.L_overlay_start_0:
0x88: {  	s2 =	sld [smem:$0x3FD9]  }
0x89: {  	s3 =	sld [smem:$0x3FFE];
	_ =	sdelay $0x1  }
0x8a: {  	s1 =	srdreg.scid  }
0x8b: {  	s0 =	sand.u32 $0x1, s1  }
0x8c: {  	s16 =	sshll.u32 s0, $0xA;
	s2 =	sadd.s32 s3, s2  }
0x8d: {  	s2 =	sadd.s32 s2, s16  }
0x8e: {  	[smem:$0x3FB7] =	sst s2  }
0x8f: {  	_ = 	snop  }
0x90: {  	(tm) =	ssettm $0x1  }
0x91: {  	s17 =	sld [smem:$0x3FFB];
	_ =	sdelay $0x3  }
0x92: {  	_ =	strace s17  }
0x93: {  	s2 =	sld [smem:$0x3FFC];
	_ =	sdelay $0x3  }
0x94: {  	_ =	strace s2  }
0x95: {  	s2 =	sld [smem:$0x3FFD];
	_ =	sdelay $0x3  }
0x96: {  	_ =	strace s2  }
0x97: {  	_ =	strace $0x8FFFFFFF  }
0x98: {  	s18 =	sld [smem:$0x3FDB];
	_ =	sdelay $0x1  }
0x99: {  	s19 =	simm.s32 $_scs_section_size  }
0x9a: {  	s4 =	simm.s32 $_size__tile_overlayer_lowered;
	s5 =	simm.s32 $_tile_overlayer_lowered  }
0x9b: {  	s22 =	simm.s32 $0x1BFF;
	s21 =	sshll.u32 s5, $0x1;
	s2 =	sadd.s32 s19, s18  }
0x9c: {  	s6 =	simm.s32 $0x0;
	s20 =	sshll.u32 s4, $0x1;
	s4 =	sadd.s32 s21, s2  }
0x9d: {  	[timem:s6], [sflag:s22] =	dma.local [hbm:s4], s20  }
0x9e: {  	_ =	swait.ge [sflag:s22], s20  }
0x9f: {  	s3 =	ssub.s32 $0x0, s20;
	[sflag:s22] =	ssyncset.done $0x0  }
0xa0: {  	[sflag:s22] =	ssyncadd.s32 s3;
	_ =	sdelay $0x1  }
0xa1: {  	s23 =	simm.s32 $0x1B8B  }
0xa2: {  	_ =	swait.ge [sflag:s23], $0x1  }
0xa3: {  	[sflag:s23] =	ssyncset.done $0x0  }
0xa4: {  	s25 =	simm.s32 $0x1B8E;
	s24 =	sld [smem:$0x3FFE];
	[sflag:s23] =	ssyncadd.s32 $0xFFFFFFFF  }
0xa5: {  	s26 =	simm.s32 $execute0_lowered;
	[smem:$0x3FD2] =	sst s25  }
0xa6: {  	s4 =	sshll.u32 s26, $0x1;
	_ =	strace $0x8000004F;
	[dreg:$0x1] =	wrdreg $0xFFFFFFFF  }
0xa7: {  	s28 =	simm.s32 $_size_execute0_lowered;
	s2 =	sadd.s32 s2, s4;
	[dreg:$0x0] =	wrdreg $0x0  }
0xa8: {  	s4 =	sshll.u32 s28, $0x1;
	[dreg:$0x2] =	wrdreg s2  }
0xa9: {  	[dreg:$0x3] =	wrdreg s4  }
0xaa: {  	[dreg:$0x4] =	wrdreg $0xC0  }
0xab: {  	_ =	task [dreg:s6], $0x5FFFF  }
0xac: {  	[dreg:$0x1] =	wrdreg $0xFFFFFFFF  }
0xad: {  	[dreg:$0x0] =	wrdreg $0x60  }
0xae: {  	[dreg:$0x2] =	wrdreg s24  }
0xaf: {  	[dreg:$0x3] =	wrdreg $0x9  }
0xb0: {  	_ =	task.clear_ibuf [dreg:s6], $0x4FFFF;
	_ =	strace $0x9000004F  }
0xb1: {  	s29 =	simm.s32 $0x9;
	_ =	strace $0x80000051  }
0xb2: {  	_ =	swait.ge [sflag:s29], $0x1  }
0xb3: {  	[sflag:s29] =	ssyncadd.s32 $0xFFFFFFFF  }
0xb4: {  	_ =	strace $0x90000051  }
0xb5: {  	_ =	sfence  }
0xb6: {  	s30 =	sld [smem:$0x0];
	_ =	sdelay $0x2  }
0xb7: {  	s31 =	sshll.u32 s1, $0xD;
	s1 =	sshrl.u32 s1, $0x2  }
0xb8: {  	s3 =	sand.u32 $0x4000, s31;
	s1 =	sadd.s32 s1, s30  }
0xb9: {  	s0 =	sor.u32 s3, s0;
	s1 =	sshll.u32 s1, $0x11  }
0xba: {  	s0 =	sor.u32 s1, s0  }
0xbb: {  	s0 =	sadd.s32 $0x8F2B, s0  }
0xbc: {  	[sflag:s0] =	ssyncadd.remote.s32 $0x1  }
0xbd: {  	_ =	sfence.sel $0xFFFF  }
0xbe: {  	[dreg:$0x0] =	wrdreg $0xFFFFFFFF;
	(pc) =	sbr.abs _section_cstart, $3  }
0xbf: {  	[dreg:$0x1] =	wrdreg $0xFFFFFFFF  }
0xc0: {  	_ =	task.clear_ibuf [dreg:s6], $0x2FFFF;
	_ =	strace $0x9FFFFFFF  }
0xc1: {  	(tm) =	ssettm $0x7FFFFFFF  }
tec
execute0_lowered:
.L_overlay_start_1:
0x0: {  	(tag) =	ssettag $0x1  }
0x1: {  	s0 =	srdreg.scid;
	s2 =	stileid.u32  }
0x2: {  	s1 =	rddreg [dreg:$0x0];
	s11 =	simm.s32 $0x7;
	s12 =	simm.s32 $0x2800  }
0x3: {  	s13 =	simm.s32 $0x80;
	s14 =	simm.s32 $0x5000;
	s15 =	simm.s32 $0xD000  }
0x4: {  	s16 =	simm.s32 $0x9000;
	s17 =	simm.s32 $0x2880;
	s18 =	simm.s32 $0x11000  }
0x5: {  	s19 =	simm.s32 $0x1;
	s20 =	simm.s32 $0x3;
	s21 =	simm.s32 $0x15000  }
0x6: {  	s22 =	simm.s32 $0x2;
	s23 =	simm.s32 $0x4;
	s24 =	simm.s32 $0x19000  }
0x7: {  	s25 =	simm.s32 $0x5;
	s0 =	sand.u32 $0x1, s0;
	s3 =	sshll.u32 s2, $0x1  }
0x8: {  	s26 =	simm.s32 $0x6;
	s28 =	simm.s32 $0x0;
	s8 =	sor.u32 s0, s3  }
0x9: {  	s2 =	simm.s32 $0x0;
	s4 =	sadd.s32 $0x49200, s1;
	s9 =	smul.u32 $0x2800, s8  }
.Ltmp0:
0xa: {  	[smem:$0x7FF] =	sst s2;
	s0 =	ssub.s32 $0x2, s0;
	(pc) =	sbr.rel .LBB2_1-.Ltmp0, $4  }
0xb: {  	s3 =	sadd.s32 $0x21A00, s1;
	_ =	strace $0x80000050;
	s6 =	sshrl.u32 s0, $0x1  }
0xc: {  	s8 =	smul.u32 $0x140000, s8;
	s0 =	ssub.s32 s0, s6;
	s5 =	sshrl.u32 s9, $0x3  }
0xd: {  	s9 =	sor.u32 $0x80, s9;
	s10 =	smax.u32 s0, $0x1;
	s7 =	sadd.s32 s5, s1  }
0xe: {  	s5 =	sadd.s32 $0x70A00, s1;
	s6 =	sadd.s32 $0x17A00, s7;
	s7 =	sadd.s32 $0x3A00, s7  }
.LBB2_8:
0xf: {  	s28 =	sadd.s32 $0x1, s28  }
0x10: {  	_ =	swait.ge [sflag:s25], $0x4000;
	p0 =	sne.s32 s28, s10  }
.Ltmp1:
0x11: {  	[sflag:s25] =	ssyncset.done $0x0;
	(pc) =	sbr.rel @!p0 .LBB2_9-.Ltmp1, $4  }
0x12: {  	[sflag:s25] =	ssyncadd.s32 $0xFFFFC000  }
0x13: {  	_ =	swait.ge [sflag:s26], $0x4000  }
0x14: {  	[sflag:s26] =	ssyncset.done $0x0  }
0x15: {  	[sflag:s26] =	ssyncadd.s32 $0xFFFFC000  }
.LBB2_1:
0x16: {  	[tilespmem:s2], [sflag:$0x7] =	stream.linear.gather [hbm4b:s6+s2], $0x2800, $0x38;
	[tilespmem:$0x1D000] =	vst v63  }
0x17: {  	_ =	swait.ge [sflag:s11], $0x2800  }
0x18: {  	[sflag:s11] =	ssyncset.done $0x0  }
0x19: {  	[sflag:s11] =	ssyncadd.s32 $0xFFFFD800  }
0x1a: {  	[tilespmem:s12], [sflag:$0x7] =	stream.linear.gather [hbm4b:s7+s2], $0x2800, $0x38;
	[tilespmem:$0x1D000] =	vst v63  }
0x1b: {  	_ =	swait.ge [sflag:s11], $0x2800  }
0x1c: {  	[sflag:s11] =	ssyncset.done $0x0  }
0x1d: {  	[sflag:s11] =	ssyncadd.s32 $0xFFFFD800  }
0x1e: {  	[tilespmem:s14], [sflag:$0x1] =	stream.indirect.gather [hbm4b:s3+s13], $0x80, s2, s13, $0xb8;
	[tilespmem:$0x1D000] =	vst v63  }
0x1f: {  	_ = 	snop  }
0x20: {  	[tilespmem:s15], [sflag:$0x3] =	stream.indirect.gather [hbm4b:s4+s13], $0x80, s12, s13, $0xb8;
	[tilespmem:$0x1D000] =	vst v63  }
0x21: {  	_ = 	snop  }
0x22: {  	[tilespmem:s16], [sflag:$0x2] =	stream.indirect.gather [hbm4b:s3+s13], $0x80, s13, s13, $0xb8;
	[tilespmem:$0x1D000] =	vst v63  }
0x23: {  	s29 =	simm.s32 $0x0  }
0x24: {  	[tilespmem:s18], [sflag:$0x4] =	stream.indirect.gather [hbm4b:s4+s13], $0x80, s17, s13, $0xb8;
	[tilespmem:$0x1D000] =	vst v63  }
.LBB2_2:
0x25: {  	_ =	swait.ge [sflag:s19], $0x4000  }
0x26: {  	[sflag:s19] =	ssyncset.done $0x0  }
0x27: {  	[sflag:s19] =	ssyncadd.s32 $0xFFFFC000  }
0x28: {  	_ =	swait.ge [sflag:s20], $0x4000  }
0x29: {  	p0 =	seq.s32 s29, $0x0;
	[sflag:s20] =	ssyncset.done $0x0  }
0x2a: {  	s0 =	simm.s32 @!p0 $0x5;
	[sflag:s20] =	ssyncadd.s32 $0xFFFFC000  }
0x2b: {  	_ =	swait.ge @!p0 [sflag:s0], $0x4000  }
0x2c: {  	[sflag:s0] =	ssyncset.done @!p0 $0x0  }
0x2d: {  	s31 =	simm.s32 $0x0;
	[sflag:s0] =	ssyncadd.s32 @!p0 $0xFFFFC000  }
0x2e: {  	v0 =	vld [tilespmem:s31+$0x5070]  }
0x2f: {  	v1 =	vld [tilespmem:s31+$0xD070]  }
0x30: {  	v2 =	vld [tilespmem:s31+$0x5000]  }
0x31: {  	v3 =	vld [tilespmem:s31+$0xD000]  }
0x32: {  	v4 =	vld [tilespmem:s31+$0x5010]  }
0x33: {  	v5 =	vld [tilespmem:s31+$0xD010]  }
0x34: {  	v6 =	vld [tilespmem:s31+$0x5020]  }
0x35: {  	v7 =	vld [tilespmem:s31+$0x5030]  }
0x36: {  	v0 =	vadd.f32 v1, v0;
	v1 =	vld [tilespmem:s31+$0xD020]  }
0x37: {  	v8 =	vld [tilespmem:s31+$0xD030]  }
0x38: {  	v9 =	vld [tilespmem:s31+$0xD040];
	v2 =	vadd.f32 v3, v2  }
0x39: {  	[tilespmem:s31+$0x15070] =	vst v0;
	v0 =	vadd.f32 v5, v4;
	v5 =	vld [tilespmem:s31+$0x5040]  }
0x3a: {  	v3 =	vld [tilespmem:s31+$0xD050];
	[tilespmem:s31+$0x15000] =	vst v2  }
0x3b: {  	v2 =	vld [tilespmem:s31+$0x5050];
	[tilespmem:s31+$0x15010] =	vst v0;
	v0 =	vadd.f32 v1, v6  }
0x3c: {  	v4 =	vld [tilespmem:s31+$0xD060];
	v6 =	vadd.f32 v8, v7  }
0x3d: {  	s1 =	simm.s32 $0x80;
	[tilespmem:s31+$0x15020] =	vst v0;
	v0 =	vld [tilespmem:s31+$0x5060]  }
0x3e: {  	s30 =	sshll.u32 s29, $0x8;
	s0 =	simm.s32 $0x400;
	v5 =	vadd.f32 v9, v5;
	v1 =	vld [tilespmem:s1+$0x5070];
	[tilespmem:s31+$0x15030] =	vst v6  }
.LBB2_3:
0x3f: {  	p1 =	sne.s32 s0, $0xFE00;
	v6 =	vld [tilespmem:s1+$0xD070]  }
0x40: {  	v7 =	vld [tilespmem:s1+$0x5000];
	[tilespmem:s31+$0x15040] =	vst v5;
	v2 =	vadd.f32 v3, v2  }
0x41: {  	v3 =	vld [tilespmem:s1+$0xD000]  }
0x42: {  	v5 =	vld [tilespmem:s1+$0x5010];
	[tilespmem:s31+$0x15050] =	vst v2;
	v0 =	vadd.f32 v4, v0  }
0x43: {  	v2 =	vld [tilespmem:s1+$0xD010]  }
0x44: {  	v4 =	vld [tilespmem:s1+$0x5020];
	v1 =	vadd.f32 v6, v1;
	[tilespmem:s31+$0x15060] =	vst v0;
	s31 =	smov.u32 s1  }
0x45: {  	v0 =	vld [tilespmem:s31+$0xD020]  }
0x46: {  	v3 =	vadd.f32 v3, v7;
	v6 =	vld [tilespmem:s31+$0x5030];
	[tilespmem:s31+$0x15070] =	vst v1  }
0x47: {  	v1 =	vld [tilespmem:s31+$0xD030]  }
0x48: {  	[tilespmem:s31+$0x15000] =	vst v3;
	v2 =	vadd.f32 v2, v5;
	v5 =	vld [tilespmem:s31+$0x5040]  }
0x49: {  	v7 =	vld [tilespmem:s31+$0xD040]  }
.Ltmp2:
0x4a: {  	[tilespmem:s31+$0x15010] =	vst v2;
	v0 =	vadd.f32 v0, v4;
	v2 =	vld [tilespmem:s31+$0x5050];
	(pc) =	sbr.rel @p1 .LBB2_3-.Ltmp2, $4  }
0x4b: {  	v3 =	vld [tilespmem:s31+$0xD050]  }
0x4c: {  	[tilespmem:s31+$0x15020] =	vst v0;
	v6 =	vadd.f32 v1, v6;
	v0 =	vld [tilespmem:s31+$0x5060]  }
0x4d: {  	s1 =	sshra.s32 s0, $0x2;
	v4 =	vld [tilespmem:s31+$0xD060]  }
0x4e: {  	s0 =	sadd.s32 $0x200, s0;
	v1 =	vld [tilespmem:s1+$0x5070];
	[tilespmem:s31+$0x15030] =	vst v6;
	v5 =	vadd.f32 v7, v5  }
0x4f: {  	v6 =	vld [tilespmem:s1+$0xD070]  }
0x50: {  	v7 =	vld [tilespmem:s1+$0x5000];
	[tilespmem:s31+$0x15040] =	vst v5;
	v2 =	vadd.f32 v3, v2  }
0x51: {  	v3 =	vld [tilespmem:s1+$0xD000]  }
0x52: {  	v5 =	vld [tilespmem:s1+$0x5010];
	[tilespmem:s31+$0x15050] =	vst v2;
	v0 =	vadd.f32 v4, v0  }
0x53: {  	v2 =	vld [tilespmem:s1+$0xD010]  }
0x54: {  	v4 =	vld [tilespmem:s1+$0x5020];
	[tilespmem:s31+$0x15060] =	vst v0  }
0x55: {  	v0 =	vadd.f32 v6, v1;
	v1 =	vld [tilespmem:s1+$0xD020]  }
0x56: {  	v6 =	vld [tilespmem:s1+$0x5030]  }
0x57: {  	v3 =	vadd.f32 v3, v7;
	[tilespmem:s1+$0x15070] =	vst v0;
	v0 =	vld [tilespmem:s1+$0xD030]  }
0x58: {  	v7 =	vld [tilespmem:s1+$0xD060]  }
0x59: {  	[tilespmem:s1+$0x15000] =	vst v3;
	v2 =	vadd.f32 v2, v5;
	v3 =	vld [tilespmem:s1+$0x5040]  }
0x5a: {  	v5 =	vld [tilespmem:s1+$0xD040]  }
0x5b: {  	[tilespmem:s1+$0x15010] =	vst v2;
	v1 =	vadd.f32 v1, v4;
	v2 =	vld [tilespmem:s1+$0x5050]  }
0x5c: {  	v4 =	vld [tilespmem:s1+$0xD050]  }
0x5d: {  	[tilespmem:s1+$0x15020] =	vst v1;
	v1 =	vld [tilespmem:s1+$0x5060];
	_ =	sdelay $0x1  }
0x5e: {  	v0 =	vadd.f32 v0, v6  }
0x5f: {  	v3 =	vadd.f32 v5, v3  }
0x60: {  	s0 =	sshll.u32 s29, $0xF;
	[tilespmem:s1+$0x15030] =	vst v0;
	v0 =	vadd.f32 v4, v2  }
0x61: {  	s0 =	sadd.s32 s8, s0;
	[tilespmem:s1+$0x15040] =	vst v3;
	v1 =	vadd.f32 v7, v1  }
0x62: {  	s0 =	sshrl.u32 s0, $0x3;
	[tilespmem:s1+$0x15050] =	vst v0  }
0x63: {  	p1 =	seq.s32 s29, $0x27;
	s0 =	sadd.s32 s5, s0;
	[tilespmem:s1+$0x15060] =	vst v1  }
0x64: {  	[hbm4b:s0+s2] =	stream.linear.scatter [tilespmem:s21], [sflag:$0x5], $0x4000, $0x38;
	[tilespmem:$0x1D000] =	vst v63  }
0x65: {  	s31 =	simm.s32 @!p1 $0x5000;
	s1 =	simm.s32 @!p1 $0x80;
	s0 =	sadd.s32 @!p1 $0x100, s30  }
0x66: {  	[tilespmem:s31], [sflag:$0x1] =	stream.indirect.gather @!p1 [hbm4b:s3+s1], $0x80, s0, s1, $0xb8;
	[tilespmem:$0x1D000] =	vst v63  }
0x67: {  	s0 =	sadd.s32 @!p1 $0x2900, s30;
	s31 =	simm.s32 @!p1 $0xD000  }
0x68: {  	[tilespmem:s31], [sflag:$0x3] =	stream.indirect.gather @!p1 [hbm4b:s4+s1], $0x80, s0, s1, $0xb8;
	[tilespmem:$0x1D000] =	vst v63  }
0x69: {  	_ =	swait.ge [sflag:s22], $0x4000  }
0x6a: {  	[sflag:s22] =	ssyncset.done $0x0  }
0x6b: {  	[sflag:s22] =	ssyncadd.s32 $0xFFFFC000  }
0x6c: {  	_ =	swait.ge [sflag:s23], $0x4000  }
0x6d: {  	[sflag:s23] =	ssyncset.done $0x0  }
0x6e: {  	s0 =	simm.s32 @!p0 $0x6;
	[sflag:s23] =	ssyncadd.s32 $0xFFFFC000  }
0x6f: {  	_ =	swait.ge @!p0 [sflag:s0], $0x4000  }
0x70: {  	[sflag:s0] =	ssyncset.done @!p0 $0x0  }
0x71: {  	s31 =	simm.s32 $0x0;
	[sflag:s0] =	ssyncadd.s32 @!p0 $0xFFFFC000  }
0x72: {  	v0 =	vld [tilespmem:s31+$0x9070]  }
0x73: {  	v1 =	vld [tilespmem:s31+$0x11070]  }
0x74: {  	v2 =	vld [tilespmem:s31+$0x9000]  }
0x75: {  	v3 =	vld [tilespmem:s31+$0x11000]  }
0x76: {  	v4 =	vld [tilespmem:s31+$0x9010]  }
0x77: {  	v5 =	vld [tilespmem:s31+$0x11010]  }
0x78: {  	v6 =	vld [tilespmem:s31+$0x9020]  }
0x79: {  	v7 =	vld [tilespmem:s31+$0x9030]  }
0x7a: {  	v0 =	vadd.f32 v1, v0;
	v1 =	vld [tilespmem:s31+$0x11020]  }
0x7b: {  	v8 =	vld [tilespmem:s31+$0x11030]  }
0x7c: {  	v9 =	vld [tilespmem:s31+$0x11040];
	v2 =	vadd.f32 v3, v2  }
0x7d: {  	[tilespmem:s31+$0x19070] =	vst v0;
	v0 =	vadd.f32 v5, v4;
	v5 =	vld [tilespmem:s31+$0x9040]  }
0x7e: {  	v3 =	vld [tilespmem:s31+$0x11050];
	[tilespmem:s31+$0x19000] =	vst v2  }
0x7f: {  	v2 =	vld [tilespmem:s31+$0x9050];
	[tilespmem:s31+$0x19010] =	vst v0;
	v0 =	vadd.f32 v1, v6  }
0x80: {  	v4 =	vld [tilespmem:s31+$0x11060];
	v6 =	vadd.f32 v8, v7  }
0x81: {  	s1 =	simm.s32 $0x80;
	[tilespmem:s31+$0x19020] =	vst v0;
	v0 =	vld [tilespmem:s31+$0x9060]  }
0x82: {  	s0 =	simm.s32 $0x400;
	v5 =	vadd.f32 v9, v5;
	v1 =	vld [tilespmem:s1+$0x9070];
	[tilespmem:s31+$0x19030] =	vst v6  }
.LBB2_5:
0x83: {  	p0 =	sne.s32 s0, $0xFE00;
	v6 =	vld [tilespmem:s1+$0x11070]  }
0x84: {  	v7 =	vld [tilespmem:s1+$0x9000];
	[tilespmem:s31+$0x19040] =	vst v5;
	v2 =	vadd.f32 v3, v2  }
0x85: {  	v3 =	vld [tilespmem:s1+$0x11000]  }
0x86: {  	v5 =	vld [tilespmem:s1+$0x9010];
	[tilespmem:s31+$0x19050] =	vst v2;
	v0 =	vadd.f32 v4, v0  }
0x87: {  	v2 =	vld [tilespmem:s1+$0x11010]  }
0x88: {  	v4 =	vld [tilespmem:s1+$0x9020];
	v1 =	vadd.f32 v6, v1;
	[tilespmem:s31+$0x19060] =	vst v0;
	s31 =	smov.u32 s1  }
0x89: {  	v0 =	vld [tilespmem:s31+$0x11020]  }
0x8a: {  	v3 =	vadd.f32 v3, v7;
	v6 =	vld [tilespmem:s31+$0x9030];
	[tilespmem:s31+$0x19070] =	vst v1  }
0x8b: {  	v1 =	vld [tilespmem:s31+$0x11030]  }
0x8c: {  	[tilespmem:s31+$0x19000] =	vst v3;
	v2 =	vadd.f32 v2, v5;
	v5 =	vld [tilespmem:s31+$0x9040]  }
0x8d: {  	v7 =	vld [tilespmem:s31+$0x11040]  }
.Ltmp3:
0x8e: {  	[tilespmem:s31+$0x19010] =	vst v2;
	v0 =	vadd.f32 v0, v4;
	v2 =	vld [tilespmem:s31+$0x9050];
	(pc) =	sbr.rel @p0 .LBB2_5-.Ltmp3, $4  }
0x8f: {  	v3 =	vld [tilespmem:s31+$0x11050]  }
0x90: {  	[tilespmem:s31+$0x19020] =	vst v0;
	v6 =	vadd.f32 v1, v6;
	v0 =	vld [tilespmem:s31+$0x9060]  }
0x91: {  	s1 =	sshra.s32 s0, $0x2;
	v4 =	vld [tilespmem:s31+$0x11060]  }
0x92: {  	s0 =	sadd.s32 $0x200, s0;
	v1 =	vld [tilespmem:s1+$0x9070];
	[tilespmem:s31+$0x19030] =	vst v6;
	v5 =	vadd.f32 v7, v5  }
0x93: {  	v6 =	vld [tilespmem:s1+$0x11070]  }
0x94: {  	v7 =	vld [tilespmem:s1+$0x9000];
	[tilespmem:s31+$0x19040] =	vst v5;
	v2 =	vadd.f32 v3, v2  }
0x95: {  	v51 =	vld [tilespmem:s1+$0x11000]  }
0x96: {  	v5 =	vld [tilespmem:s1+$0x9010];
	[tilespmem:s31+$0x19050] =	vst v2;
	v0 =	vadd.f32 v4, v0  }
0x97: {  	v2 =	vld [tilespmem:s1+$0x11010]  }
0x98: {  	v52 =	vld [tilespmem:s1+$0x9020];
	[tilespmem:s31+$0x19060] =	vst v0  }
0x99: {  	v54 =	vld [tilespmem:s1+$0x11020]  }
0x9a: {  	v55 =	vld [tilespmem:s1+$0x9030]  }
0x9b: {  	v56 =	vld [tilespmem:s1+$0x11030]  }
0x9c: {  	v57 =	vld [tilespmem:s1+$0x9040]  }
0x9d: {  	v58 =	vld [tilespmem:s1+$0x11040]  }
0x9e: {  	v59 =	vld [tilespmem:s1+$0x9050]  }
0x9f: {  	v53 =	vadd.f32 v6, v1;
	v60 =	vld [tilespmem:s1+$0x11050]  }
0xa0: {  	v61 =	vld [tilespmem:s1+$0x9060];
	v3 =	vadd.f32 v51, v7  }
0xa1: {  	v62 =	vld [tilespmem:s1+$0x11060];
	[tilespmem:s1+$0x19070] =	vst v53;
	v2 =	vadd.f32 v2, v5  }
0xa2: {  	[tilespmem:s1+$0x19000] =	vst v3;
	v1 =	vadd.f32 v54, v52  }
0xa3: {  	[tilespmem:s1+$0x19010] =	vst v2;
	v0 =	vadd.f32 v56, v55  }
0xa4: {  	v3 =	vadd.f32 v58, v57;
	[tilespmem:s1+$0x19020] =	vst v1  }
.Ltmp4:
0xa5: {  	s0 =	sadd.s32 s30, s9;
	v63 =	vadd.f32 v60, v59;
	[tilespmem:s1+$0x19030] =	vst v0;
	(pc) =	sbr.rel @p1 .LBB2_8-.Ltmp4, $4  }
0xa6: {  	s0 =	sshll.u32 s0, $0x4;
	[tilespmem:s1+$0x19040] =	vst v3;
	v1 =	vadd.f32 v62, v61  }
0xa7: {  	s0 =	sand.u32 $0x1FFFF800, s0;
	[tilespmem:s1+$0x19050] =	vst v63  }
0xa8: {  	s0 =	sadd.s32 s5, s0;
	[tilespmem:s1+$0x19060] =	vst v1  }
0xa9: {  	[hbm4b:s0+s2] =	stream.linear.scatter [tilespmem:s24], [sflag:$0x6], $0x4000, $0x38;
	[tilespmem:$0x1D000] =	vst v63  }
.Ltmp5:
0xaa: {  	(pc) =	sbr.rel .LBB2_2-.Ltmp5, $4  }
0xab: {  	s0 =	sadd.s32 $0x180, s30  }
0xac: {  	[tilespmem:s16], [sflag:$0x2] =	stream.indirect.gather [hbm4b:s3+s13], $0x80, s0, s13, $0xb8;
	[tilespmem:$0x1D000] =	vst v63  }
0xad: {  	s31 =	sadd.s32 $0x2980, s30;
	s29 =	sadd.s32 $0x1, s29  }
0xae: {  	[tilespmem:s18], [sflag:$0x4] =	stream.indirect.gather [hbm4b:s4+s13], $0x80, s31, s13, $0xb8;
	[tilespmem:$0x1D000] =	vst v63  }
.LBB2_9:
0xaf: {  	_ =	sfence.sel $0x180000  }
0xb0: {  	[bflag:$0x0] =	sbarrier.arrive $0xFFFF  }
0xb1: {  	_ =	strace $0x90000050  }
0xb2: {  	s0 =	stileid.u32;
	[bflag:$0x2] =	sbarrier.arrive $0xFFFF  }
0xb3: {  	p0 =	sne.s32 s0, $0x0;
	s0 =	rddreg [dreg:$0x1]  }
0xb4: {  	s0 =	sadd.s32 @!p0 $0x100000, s0  }
0xb5: {  	[sflag:s0] =	ssyncadd.tile.s32 @!p0 $0x1;
	_ =	shalt  }
.Lfunc_end2:
_tile_overlayer_lowered:
.L_overlay_start_2:
0xb6: {  	(tag) =	ssettag $0x2  }
0xb7: {  	s0 =	rddreg [dreg:$0x0];
	s2 =	stileid.u32  }
0xb8: {  	s1 =	rddreg [dreg:$0x1];
	p0 =	sne.s32 s2, $0x0  }
0xb9: {  	s3 =	rddreg [dreg:$0x2];
	[bflag:$0x3] =	sbarrier.arrive $0xFFFF;
	s2 =	simm.s32 @!p0 $0x1C07  }
0xba: {  	[timem:s3], [sflag:s2] =	dma.local @!p0 [hbm:s0], s1  }
0xbb: {  	s0 =	simm.s32 @!p0 $0x7  }
0xbc: {  	_ =	swait.ge @!p0 [sflag:s0], s1  }
0xbd: {  	s1 =	ssub.s32 @!p0 $0x0, s1;
	[sflag:s0] =	ssyncset.done @!p0 $0x0  }
0xbe: {  	[sflag:s0] =	ssyncadd.s32 @!p0 s1  }
0xbf: {  	[bflag:$0x3] =	sbarrier.arrive $0xFFFF  }
0xc0: {  	_ =	shalt  }

</sc_bundles>
